<compile_context>
chip_gen: v7x
topology: tpu7x:2x2x1
jax: 0.10.2.dev20260603
libtpu: 0.0.44.dev20260713+nightly
codegen_flags: <defaults>
</compile_context>

<pallas_src>
import functools

import jax
import jax.numpy as jnp
from jax import lax
from jax.experimental import pallas as pl
from jax.experimental.pallas import tpu as pltpu
from jax.experimental.pallas import tpu_sc as plsc

_B, _N, _E, _F, _D, _K, _V = 8, 1024, 3072, 4, 256, 16, 8192
_T = _N + _E
_BN = _B * _N
_L = 16
_C = 32
_NNODE = _N // 4
_NEDGE = _E // 4
_NCH_N = _NNODE // _C
_NCHUNK = (_NNODE + _NEDGE) // _C
_NPAIR = _NCHUNK // 2
_RB = 1024


def _tbl_body(eig_ref, w_ref, o_ref, out_ref):
    x = eig_ref[...]
    w0 = w_ref[0:_K, :]
    w1 = w_ref[_K:2 * _K, :]
    p0 = jnp.dot(x, w0, preferred_element_type=jnp.float32)
    p1 = jnp.dot(x, w1, preferred_element_type=jnp.float32)
    o0 = o_ref[0:1, :]
    o1 = o_ref[1:2, :]
    out_ref[0] = p0
    out_ref[1] = p1 + o0
    out_ref[2] = p0 + p1 + o1
    out_ref[3] = p1 + o1


def _build_table(lap_eigvec, lap_W, order_table):
    out = pl.pallas_call(
        _tbl_body,
        grid=(_BN // _RB,),
        in_specs=[
            pl.BlockSpec((_RB, _K), lambda i: (i, 0)),
            pl.BlockSpec((2 * _K, _D), lambda i: (0, 0)),
            pl.BlockSpec((2, _D), lambda i: (0, 0)),
        ],
        out_specs=pl.BlockSpec((4, _RB, _D), lambda i: (0, i, 0)),
        out_shape=jax.ShapeDtypeStruct((4, _BN, _D), jnp.float32),
    )(lap_eigvec, lap_W, order_table)
    return out.reshape(4 * _BN, _D)


def _sc_body(nd_ref, ed_ref, src_ref, dst_ref, emb_ref, tb_ref, out_ref,
             ia_n, ia_e, ibc, itmp,
             buf_a, buf_bc, outv,
             sem_i, sem_a, sem_a2, sem_b, sem_o):
    cid = lax.axis_index("c")
    sid = lax.axis_index("s")
    wid = sid * 2 + cid
    b = wid // 4
    q = wid % 4

    ntok0 = b * _N + q * _NNODE
    etok0 = b * _E + q * _NEDGE
    onode0 = b * _T + q * _NNODE
    oedge0 = b * _T + _N + q * _NEDGE

    cp1 = pltpu.async_copy(nd_ref.at[pl.ds(4 * ntok0, 4 * _NNODE)],
                           ia_n, sem_i)
    cp2 = pltpu.async_copy(ed_ref.at[pl.ds(4 * etok0, 4 * _NEDGE)],
                           ia_e, sem_i)
    cp3 = pltpu.async_copy(src_ref.at[pl.ds(etok0, _NEDGE)],
                           itmp.at[pl.ds(0, _NEDGE)], sem_i)
    cp4 = pltpu.async_copy(dst_ref.at[pl.ds(etok0, _NEDGE)],
                           itmp.at[pl.ds(_NEDGE, _NEDGE)], sem_i)
    cp1.wait()
    cp2.wait()
    cp3.wait()
    cp4.wait()

    def arith(k, carry):
        sl = pl.ds(k * _L, _L)
        sv = itmp[sl]
        dv = itmp[pl.ds(_NEDGE + k * _L, _L)]
        i = k // 2
        h = k % 2
        ibc[pl.ds(2 * _C * i + h * _L, _L)] = sv + b * _N
        ibc[pl.ds(2 * _C * i + _C + h * _L, _L)] = (
            dv + (_BN + b * _N) + jnp.where(sv == dv, 2 * _BN, 0))
        return carry

    lax.fori_loop(0, _NEDGE // _L, arith, None)

    _H = 2 * _C
    def gathers_node(i, slot):
        return [
            pltpu.make_async_copy(
                emb_ref.at[ia_n.at[pl.ds(i * 4 * _C, _H)]],
                buf_a[slot].at[pl.ds(0, _H)], sem_a[slot]),
            pltpu.make_async_copy(
                emb_ref.at[ia_n.at[pl.ds(i * 4 * _C + _H, _H)]],
                buf_a[slot].at[pl.ds(_H, _H)], sem_a2[slot]),
            pltpu.make_async_copy(
                tb_ref.at[pl.ds(2 * _BN + ntok0 + i * _C, _C)],
                buf_bc[slot].at[pl.ds(0, _C)], sem_b[slot]),
        ]

    def gathers_edge(i, slot):
        e = i - _NCH_N
        return [
            pltpu.make_async_copy(
                emb_ref.at[ia_e.at[pl.ds(e * 4 * _C, _H)]],
                buf_a[slot].at[pl.ds(0, _H)], sem_a[slot]),
            pltpu.make_async_copy(
                emb_ref.at[ia_e.at[pl.ds(e * 4 * _C + _H, _H)]],
                buf_a[slot].at[pl.ds(_H, _H)], sem_a2[slot]),
            pltpu.make_async_copy(
                tb_ref.at[ibc.at[pl.ds(e * 2 * _C, 2 * _C)]],
                buf_bc[slot], sem_b[slot]),
        ]

    def store(i, slot):
        obase = jnp.where(i < _NCH_N, onode0 + i * _C,
                          oedge0 + (i - _NCH_N) * _C)
        return pltpu.make_async_copy(
            outv[slot], out_ref.at[pl.ds(obase, _C)], sem_o[slot])

    def sum_rows(slot, with_c):
        def body(c, carry):
            for h in range(_D // _L):
                sl = pl.ds(h * _L, _L)
                acc = (buf_a[slot][4 * c, sl] + buf_a[slot][4 * c + 1, sl]
                       + buf_a[slot][4 * c + 2, sl] + buf_a[slot][4 * c + 3, sl])
                acc = acc + buf_bc[slot][c, sl]
                if with_c:
                    acc = acc + buf_bc[slot][_C + c, sl]
                outv[slot][c, sl] = acc
            return carry
        lax.fori_loop(0, _C, body, None)

    def fire(i, slot):
        @pl.when(i < _NCH_N)
        def _():
            for cp in gathers_node(i, slot):
                cp.start()

        @pl.when(i >= _NCH_N)
        def _():
            for cp in gathers_edge(i, slot):
                cp.start()

    def consume(i, slot, s):
        @pl.when(i < _NCH_N)
        def _():
            for cp in gathers_node(i, slot):
                cp.wait()

        @pl.when(i >= _NCH_N)
        def _():
            for cp in gathers_edge(i, slot):
                cp.wait()

        @pl.when(s > 0)
        def _():
            store(i, slot).wait()

        @pl.when(i < _NCH_N)
        def _():
            sum_rows(slot, with_c=False)

        @pl.when(i >= _NCH_N)
        def _():
            sum_rows(slot, with_c=True)
        store(i, slot).start()

    fire(0, 0)

    def pair(s, carry):
        fire(2 * s + 1, 1)
        consume(2 * s, 0, s)

        @pl.when(s < _NPAIR - 1)
        def _():
            fire(2 * s + 2, 0)
        consume(2 * s + 1, 1, s)
        return carry

    lax.fori_loop(0, _NPAIR, pair, None)
    store(_NCHUNK - 2, 0).wait()
    store(_NCHUNK - 1, 1).wait()


def _gather_sum(nd_flat, ed_flat, src, dst, emb_table, tbig):
    mesh = plsc.VectorSubcoreMesh(core_axis_name="c", subcore_axis_name="s")
    fn = pl.kernel(
        _sc_body,
        out_type=jax.ShapeDtypeStruct((_B * _T, _D), jnp.float32),
        mesh=mesh,
        scratch_types=[
            pltpu.VMEM((4 * _NNODE,), jnp.int32),
            pltpu.VMEM((4 * _NEDGE,), jnp.int32),
            pltpu.VMEM((2 * _NEDGE,), jnp.int32),
            pltpu.VMEM((2 * _NEDGE,), jnp.int32),
            [pltpu.VMEM((4 * _C, _D), jnp.float32)] * 2,
            [pltpu.VMEM((2 * _C, _D), jnp.float32)] * 2,
            [pltpu.VMEM((_C, _D), jnp.float32)] * 2,
            pltpu.SemaphoreType.DMA,
            [pltpu.SemaphoreType.DMA] * 2,
            [pltpu.SemaphoreType.DMA] * 2,
            [pltpu.SemaphoreType.DMA] * 2,
            [pltpu.SemaphoreType.DMA] * 2,
        ],
    )
    return fn(nd_flat, ed_flat, src, dst, emb_table, tbig)


def kernel(node_data, edge_data, edge_index, lap_eigvec, emb_table, lap_W,
           order_table):
    tbig = _build_table(lap_eigvec, lap_W, order_table)
    feat = _gather_sum(node_data.reshape(-1), edge_data.reshape(-1),
                       edge_index[0], edge_index[1], emb_table, tbig)
    padded_feature = feat.reshape(_B, _T, _D)
    node_part = jnp.broadcast_to(
        jnp.arange(_N, dtype=edge_index.dtype)[None, :, None], (_B, _N, 2))
    edge_part = jnp.transpose(edge_index).reshape(_B, _E, 2)
    padded_index = jnp.concatenate([node_part, edge_part], axis=1)
    padding_mask = jnp.zeros((_B, _T), dtype=jnp.bool_)
    return padded_feature, padding_mask, padded_index

# --- scband reference (transcript-rebuilt; emitter-appended) ---
"""Pipeline reference for scband-graph-feature-tokenizer-10239202034001 (READ-ONLY COPY).

The authoritative reference and input builder live on the scoring server;
editing this copy changes nothing except your own understanding.
"""

import jax, jax.numpy as jnp
import numpy as np

B = 8      # graphs per batch
N = 1024   # nodes per graph (node_num constant)
E = 3072   # edges per graph (edge_num constant)
F = 4      # sub-tokens per node/edge feature (summed by embedding(...).sum(-2))
D = 256    # hidden_dim
K = 16     # lap_node_id_k (lap_eigvec already has exactly K columns)
V = 8192   # embedding vocab
T = N + E  # max_len (all graphs identical size -> no actual padding)


def setup_inputs(seed: int = 0) -> dict:
    key = jax.random.key(seed)
    k1, k2, k3, k4, k5, k6, k7 = jax.random.split(key, 7)
    node_data = jax.random.randint(k1, (B * N, F), 0, V, dtype=jnp.int32)
    edge_data = jax.random.randint(k2, (B * E, F), 0, V, dtype=jnp.int32)
    edge_index = jax.random.randint(k3, (2, B * E), 0, N, dtype=jnp.int32)
    lap_eigvec = jax.random.normal(k4, (B * N, K), dtype=jnp.float32) * 0.1
    emb_table = jax.random.normal(k5, (V, D), dtype=jnp.float32) * 0.02
    lap_W = jax.random.normal(k6, (2 * K, D), dtype=jnp.float32) * (0.02 / np.sqrt(12.0))
    order_table = jax.random.normal(k7, (2, D), dtype=jnp.float32) * 0.02
    return {"node_data": node_data, "edge_data": edge_data, "edge_index": edge_index,
            "lap_eigvec": lap_eigvec, "emb_table": emb_table, "lap_W": lap_W,
            "order_table": order_table}


def reference(node_data, edge_data, edge_index, lap_eigvec, emb_table, lap_W, order_table):
    # process_batch: embedding lookup then sum over sub-token axis
    node_feature = jnp.take(emb_table, node_data, axis=0).sum(-2)   # [B*N, D]
    edge_feature = jnp.take(emb_table, edge_data, axis=0).sum(-2)   # [B*E, D]

    # get_batch (node_num = N, edge_num = E for every graph, so the boolean
    # scatter into padded buffers is exactly a per-graph concat of the node
    # block followed by the edge block)
    token_pos = jnp.broadcast_to(jnp.arange(T)[None, :], (B, T))
    node_part = jnp.broadcast_to(jnp.arange(N, dtype=edge_index.dtype)[None, :, None], (B, N, 2))
    edge_part = jnp.transpose(edge_index).reshape(B, E, 2)
    padded_index = jnp.concatenate([node_part, edge_part], axis=1)          # [B, T, 2]
    padded_feature = jnp.concatenate([node_feature.reshape(B, N, D),
                                      edge_feature.reshape(B, E, D)], axis=1)  # [B, T, D]
    padding_mask = token_pos >= (N + E)                                      # [B, T] (all False)

    # lap_node_id branch: lap_dim == K, eval mode -> no pad/dropout/sign flip
    eigvec = lap_eigvec[:, :K]
    # get_index_embed: node_mask all True -> padded_node_id = eigvec reshaped
    padded_node_id = eigvec.reshape(B, N, K)
    pni = jnp.broadcast_to(padded_node_id[:, :, None, :], (B, N, 2, K))
    pidx = jnp.broadcast_to(padded_index[..., None], (B, T, 2, K)).astype(jnp.int32)
    index_embed = jnp.take_along_axis(pni, pidx, axis=1).reshape(B, T, 2 * K)
    padded_feature = padded_feature + index_embed @ lap_W

    # type_id branch
    order = (padded_index[..., 0] == padded_index[..., 1]).astype(jnp.int32)
    padded_feature = padded_feature + jnp.take(order_table, order, axis=0)

    padded_feature = jnp.where(padding_mask[..., None], 0.0, padded_feature)
    return (padded_feature, padding_mask, padded_index)

if __name__ == "__main__":
    import jax
    _d = setup_inputs()
    print(jax.jit(kernel)(*tuple(_d.values())))

</pallas_src>

<mosaic_0001>
#map = affine_map<(d0, d1) -> (0)>
#map1 = affine_map<(d0, d1) -> (0, 0)>
module attributes {stable_mosaic.version = 14 : i64} {
  func.func @_sc_body(%arg0: i32, %arg1: i32, %arg2: memref<32768xi32, #tpu.memory_space<hbm>>, %arg3: memref<98304xi32, #tpu.memory_space<hbm>>, %arg4: memref<24576xi32, #tpu.memory_space<hbm>>, %arg5: memref<24576xi32, #tpu.memory_space<hbm>>, %arg6: memref<8192x256xf32, #tpu.memory_space<hbm>>, %arg7: memref<32768x256xf32, #tpu.memory_space<hbm>>, %arg8: memref<32768x256xf32, #tpu.memory_space<hbm>>, %arg9: memref<1024xi32, #tpu.memory_space<vmem>>, %arg10: memref<3072xi32, #tpu.memory_space<vmem>>, %arg11: memref<1536xi32, #tpu.memory_space<vmem>>, %arg12: memref<1536xi32, #tpu.memory_space<vmem>>, %arg13: memref<128x256xf32, #tpu.memory_space<vmem>>, %arg14: memref<128x256xf32, #tpu.memory_space<vmem>>, %arg15: memref<64x256xf32, #tpu.memory_space<vmem>>, %arg16: memref<64x256xf32, #tpu.memory_space<vmem>>, %arg17: memref<32x256xf32, #tpu.memory_space<vmem>>, %arg18: memref<32x256xf32, #tpu.memory_space<vmem>>, %arg19: memref<!tpu.dma_semaphore, #tpu.memory_space<semaphore_mem>>, %arg20: memref<!tpu.dma_semaphore, #tpu.memory_space<semaphore_mem>>, %arg21: memref<!tpu.dma_semaphore, #tpu.memory_space<semaphore_mem>>, %arg22: memref<!tpu.dma_semaphore, #tpu.memory_space<semaphore_mem>>, %arg23: memref<!tpu.dma_semaphore, #tpu.memory_space<semaphore_mem>>, %arg24: memref<!tpu.dma_semaphore, #tpu.memory_space<semaphore_mem>>, %arg25: memref<!tpu.dma_semaphore, #tpu.memory_space<semaphore_mem>>, %arg26: memref<!tpu.dma_semaphore, #tpu.memory_space<semaphore_mem>>, %arg27: memref<!tpu.dma_semaphore, #tpu.memory_space<semaphore_mem>>) attributes {dimension_semantics = [#tpu.dimension_semantics<core_parallel>, #tpu.dimension_semantics<subcore_parallel>], iteration_bounds = array<i64: 2, 16>, scalar_prefetch = 0 : i64, scratch_operands = 19 : i64, tpu.core_type = #tpu.core_type<sc_vector_subcore>, window_params = [{transform_indices = #map}, {transform_indices = #map}, {transform_indices = #map}, {transform_indices = #map}, {transform_indices = #map1}, {transform_indices = #map1}, {transform_indices = #map1}]} {
    %mul3A = arith.constant 2 : i32
    %mul3A_0 = arith.muli %arg1, %mul3A : i32
    %add3A = arith.addi %mul3A_0, %arg0 : i32
    %jit3A = arith.constant 4 : i32
    %div3A = arith.divsi %add3A, %jit3A : i32
    %sign3A = arith.constant 0 : i32
    %sign3A_1 = arith.cmpi sgt, %add3A, %sign3A : i32
    %sign3A_2 = arith.extui %sign3A_1 : i1 to i32
    %sign3A_3 = arith.constant 0 : i32
    %sign3A_4 = arith.cmpi slt, %add3A, %sign3A_3 : i32
    %sign3A_5 = arith.extui %sign3A_4 : i1 to i32
    %sign3A_6 = arith.subi %sign3A_2, %sign3A_5 : i32
    %sign3A_7 = arith.constant 0 : i32
    %sign3A_8 = arith.cmpi sgt, %jit3A, %sign3A_7 : i32
    %sign3A_9 = arith.extui %sign3A_8 : i1 to i32
    %sign3A_10 = arith.constant 0 : i32
    %sign3A_11 = arith.cmpi slt, %jit3A, %sign3A_10 : i32
    %sign3A_12 = arith.extui %sign3A_11 : i1 to i32
    %sign3A_13 = arith.subi %sign3A_9, %sign3A_12 : i32
    %ne3A = arith.cmpi ne, %sign3A_6, %sign3A_13 : i32
    %rem3A = arith.remsi %add3A, %jit3A : i32
    %ne3A_14 = arith.constant 0 : i32
    %ne3A_15 = arith.cmpi ne, %rem3A, %ne3A_14 : i32
    %and3A = arith.andi %ne3A, %ne3A_15 : i1
    %sub3A = arith.constant 1 : i32
    %sub3A_16 = arith.subi %div3A, %sub3A : i32
    %select_n3A = arith.select %and3A, %sub3A_16, %div3A : i32
    %jit3A_17 = arith.constant 4 : i32
    %eq3A = arith.constant 0 : i32
    %eq3A_18 = arith.cmpi eq, %jit3A_17, %eq3A : i32
    %jit3A_19 = arith.constant 1 : i32
    %select_n3A_20 = arith.select %eq3A_18, %jit3A_19, %jit3A_17 : i32
    %rem3A_21 = arith.remsi %add3A, %select_n3A_20 : i32
    %ne3A_22 = arith.constant 0 : i32
    %ne3A_23 = arith.cmpi ne, %rem3A_21, %ne3A_22 : i32
    %lt3A = arith.constant 0 : i32
    %lt3A_24 = arith.cmpi slt, %rem3A_21, %lt3A : i32
    %lt3A_25 = arith.constant 0 : i32
    %lt3A_26 = arith.cmpi slt, %select_n3A_20, %lt3A_25 : i32
    %ne3A_27 = arith.xori %lt3A_24, %lt3A_26 : i1
    %and3A_28 = arith.andi %ne3A_27, %ne3A_23 : i1
    %add3A_29 = arith.addi %rem3A_21, %select_n3A_20 : i32
    %select_n3A_30 = arith.select %and3A_28, %add3A_29, %rem3A_21 : i32
    %mul3A_31 = arith.constant 1024 : i32
    %mul3A_32 = arith.muli %select_n3A, %mul3A_31 : i32
    %mul3A_33 = arith.constant 256 : i32
    %mul3A_34 = arith.muli %select_n3A_30, %mul3A_33 : i32
    %add3A_35 = arith.addi %mul3A_32, %mul3A_34 : i32
    %mul3A_36 = arith.constant 3072 : i32
    %mul3A_37 = arith.muli %select_n3A, %mul3A_36 : i32
    %mul3A_38 = arith.constant 768 : i32
    %mul3A_39 = arith.muli %select_n3A_30, %mul3A_38 : i32
    %add3A_40 = arith.addi %mul3A_37, %mul3A_39 : i32
    %mul3A_41 = arith.constant 4096 : i32
    %mul3A_42 = arith.muli %select_n3A, %mul3A_41 : i32
    %mul3A_43 = arith.constant 256 : i32
    %mul3A_44 = arith.muli %select_n3A_30, %mul3A_43 : i32
    %add3A_45 = arith.addi %mul3A_42, %mul3A_44 : i32
    %mul3A_46 = arith.constant 4096 : i32
    %mul3A_47 = arith.muli %select_n3A, %mul3A_46 : i32
    %add3A_48 = arith.constant 1024 : i32
    %add3A_49 = arith.addi %mul3A_47, %add3A_48 : i32
    %mul3A_50 = arith.constant 768 : i32
    %mul3A_51 = arith.muli %select_n3A_30, %mul3A_50 : i32
    %add3A_52 = arith.addi %add3A_49, %mul3A_51 : i32
    %mul3A_53 = arith.constant 4 : i32
    %mul3A_54 = arith.muli %mul3A_53, %add3A_35 : i32
    %dma_start3A = tpu.memref_slice %arg2[%mul3A_54] : memref<32768xi32, #tpu.memory_space<hbm>> -> memref<1024xi32, #tpu.memory_space<hbm>>
    %dma_start3A_55 = tpu.memref_slice %arg2[%mul3A_54] : memref<32768xi32, #tpu.memory_space<hbm>> -> memref<1024xi32, #tpu.memory_space<hbm>>
    tpu.enqueue_dma source(%dma_start3A_55 : memref<1024xi32, #tpu.memory_space<hbm>>) target(%arg9 : memref<1024xi32, #tpu.memory_space<vmem>>) target_semaphore(%arg19 : memref<!tpu.dma_semaphore, #tpu.memory_space<semaphore_mem>>)
    %mul3A_56 = arith.constant 4 : i32
    %mul3A_57 = arith.muli %mul3A_56, %add3A_40 : i32
    %dma_start3A_58 = tpu.memref_slice %arg3[%mul3A_57] : memref<98304xi32, #tpu.memory_space<hbm>> -> memref<3072xi32, #tpu.memory_space<hbm>>
    %dma_start3A_59 = tpu.memref_slice %arg3[%mul3A_57] : memref<98304xi32, #tpu.memory_space<hbm>> -> memref<3072xi32, #tpu.memory_space<hbm>>
    tpu.enqueue_dma source(%dma_start3A_59 : memref<3072xi32, #tpu.memory_space<hbm>>) target(%arg10 : memref<3072xi32, #tpu.memory_space<vmem>>) target_semaphore(%arg19 : memref<!tpu.dma_semaphore, #tpu.memory_space<semaphore_mem>>)
    %dma_start3A_60 = arith.constant 0 : i32
    %dma_start3A_61 = tpu.memref_slice %arg12[%dma_start3A_60] : memref<1536xi32, #tpu.memory_space<vmem>> -> memref<768xi32, #tpu.memory_space<vmem>>
    %dma_start3A_62 = tpu.memref_slice %arg4[%add3A_40] : memref<24576xi32, #tpu.memory_space<hbm>> -> memref<768xi32, #tpu.memory_space<hbm>>
    %dma_start3A_63 = arith.constant 0 : i32
    %dma_start3A_64 = tpu.memref_slice %arg12[%dma_start3A_63] : memref<1536xi32, #tpu.memory_space<vmem>> -> memref<768xi32, #tpu.memory_space<vmem>>
    %dma_start3A_65 = tpu.memref_slice %arg4[%add3A_40] : memref<24576xi32, #tpu.memory_space<hbm>> -> memref<768xi32, #tpu.memory_space<hbm>>
    tpu.enqueue_dma source(%dma_start3A_65 : memref<768xi32, #tpu.memory_space<hbm>>) target(%dma_start3A_64 : memref<768xi32, #tpu.memory_space<vmem>>) target_semaphore(%arg19 : memref<!tpu.dma_semaphore, #tpu.memory_space<semaphore_mem>>)
    %dma_start3A_66 = arith.constant 768 : i32
    %dma_start3A_67 = tpu.memref_slice %arg12[%dma_start3A_66] : memref<1536xi32, #tpu.memory_space<vmem>> -> memref<768xi32, #tpu.memory_space<vmem>>
    %dma_start3A_68 = tpu.memref_slice %arg5[%add3A_40] : memref<24576xi32, #tpu.memory_space<hbm>> -> memref<768xi32, #tpu.memory_space<hbm>>
    %dma_start3A_69 = arith.constant 768 : i32
    %dma_start3A_70 = tpu.memref_slice %arg12[%dma_start3A_69] : memref<1536xi32, #tpu.memory_space<vmem>> -> memref<768xi32, #tpu.memory_space<vmem>>
    %dma_start3A_71 = tpu.memref_slice %arg5[%add3A_40] : memref<24576xi32, #tpu.memory_space<hbm>> -> memref<768xi32, #tpu.memory_space<hbm>>
    tpu.enqueue_dma source(%dma_start3A_71 : memref<768xi32, #tpu.memory_space<hbm>>) target(%dma_start3A_70 : memref<768xi32, #tpu.memory_space<vmem>>) target_semaphore(%arg19 : memref<!tpu.dma_semaphore, #tpu.memory_space<semaphore_mem>>)
    %dma_wait3A = tpu.memref_slice %arg2[%mul3A_54] : memref<32768xi32, #tpu.memory_space<hbm>> -> memref<1024xi32, #tpu.memory_space<hbm>>
    %dma_wait3A_72 = tpu.memref_slice %arg2[%mul3A_54] : memref<32768xi32, #tpu.memory_space<hbm>> -> memref<1024xi32, #tpu.memory_space<hbm>>
    tpu.wait_dma2 semaphore(%arg19 : memref<!tpu.dma_semaphore, #tpu.memory_space<semaphore_mem>>) src(%dma_wait3A_72 : memref<1024xi32, #tpu.memory_space<hbm>>) dst(%arg9 : memref<1024xi32, #tpu.memory_space<vmem>>)
    %dma_wait3A_73 = tpu.memref_slice %arg3[%mul3A_57] : memref<98304xi32, #tpu.memory_space<hbm>> -> memref<3072xi32, #tpu.memory_space<hbm>>
    %dma_wait3A_74 = tpu.memref_slice %arg3[%mul3A_57] : memref<98304xi32, #tpu.memory_space<hbm>> -> memref<3072xi32, #tpu.memory_space<hbm>>
    tpu.wait_dma2 semaphore(%arg19 : memref<!tpu.dma_semaphore, #tpu.memory_space<semaphore_mem>>) src(%dma_wait3A_74 : memref<3072xi32, #tpu.memory_space<hbm>>) dst(%arg10 : memref<3072xi32, #tpu.memory_space<vmem>>)
    %dma_wait3A_75 = arith.constant 0 : i32
    %dma_wait3A_76 = tpu.memref_slice %arg12[%dma_wait3A_75] : memref<1536xi32, #tpu.memory_space<vmem>> -> memref<768xi32, #tpu.memory_space<vmem>>
    %dma_wait3A_77 = tpu.memref_slice %arg4[%add3A_40] : memref<24576xi32, #tpu.memory_space<hbm>> -> memref<768xi32, #tpu.memory_space<hbm>>
    %dma_wait3A_78 = arith.constant 0 : i32
    %dma_wait3A_79 = tpu.memref_slice %arg12[%dma_wait3A_78] : memref<1536xi32, #tpu.memory_space<vmem>> -> memref<768xi32, #tpu.memory_space<vmem>>
    %dma_wait3A_80 = tpu.memref_slice %arg4[%add3A_40] : memref<24576xi32, #tpu.memory_space<hbm>> -> memref<768xi32, #tpu.memory_space<hbm>>
    tpu.wait_dma2 semaphore(%arg19 : memref<!tpu.dma_semaphore, #tpu.memory_space<semaphore_mem>>) src(%dma_wait3A_80 : memref<768xi32, #tpu.memory_space<hbm>>) dst(%dma_wait3A_79 : memref<768xi32, #tpu.memory_space<vmem>>)
    %dma_wait3A_81 = arith.constant 768 : i32
    %dma_wait3A_82 = tpu.memref_slice %arg12[%dma_wait3A_81] : memref<1536xi32, #tpu.memory_space<vmem>> -> memref<768xi32, #tpu.memory_space<vmem>>
    %dma_wait3A_83 = tpu.memref_slice %arg5[%add3A_40] : memref<24576xi32, #tpu.memory_space<hbm>> -> memref<768xi32, #tpu.memory_space<hbm>>
    %dma_wait3A_84 = arith.constant 768 : i32
    %dma_wait3A_85 = tpu.memref_slice %arg12[%dma_wait3A_84] : memref<1536xi32, #tpu.memory_space<vmem>> -> memref<768xi32, #tpu.memory_space<vmem>>
    %dma_wait3A_86 = tpu.memref_slice %arg5[%add3A_40] : memref<24576xi32, #tpu.memory_space<hbm>> -> memref<768xi32, #tpu.memory_space<hbm>>
    tpu.wait_dma2 semaphore(%arg19 : memref<!tpu.dma_semaphore, #tpu.memory_space<semaphore_mem>>) src(%dma_wait3A_86 : memref<768xi32, #tpu.memory_space<hbm>>) dst(%dma_wait3A_85 : memref<768xi32, #tpu.memory_space<vmem>>)
    %scan3A = arith.constant 0 : i32
    %scan3A_87 = arith.constant 48 : i32
    %scan3A_88 = arith.addi %scan3A, %scan3A_87 : i32
    %scan3A_89 = arith.constant 1 : i32
    scf.for %scan3A_146 = %scan3A to %scan3A_88 step %scan3A_89  : i32 {
      %mul3A_147 = arith.constant 16 : i32
      %mul3A_148 = arith.muli %scan3A_146, %mul3A_147 : i32
      %get3A = arith.index_cast %mul3A_148 : i32 to index
      %get3A_149 = tpu.vector_load %arg12[%get3A] {strides = array<i32>} : memref<1536xi32, #tpu.memory_space<vmem>>, vector<16xi32>,
      %get3A_150 = vector.shape_cast %get3A_149 : vector<16xi32> to vector<16xi32>
      %mul3A_151 = arith.constant 16 : i32
      %mul3A_152 = arith.muli %scan3A_146, %mul3A_151 : i32
      %add3A_153 = arith.constant 768 : i32
      %add3A_154 = arith.addi %add3A_153, %mul3A_152 : i32
      %get3A_155 = arith.index_cast %add3A_154 : i32 to index
      %get3A_156 = tpu.vector_load %arg12[%get3A_155] {strides = array<i32>} : memref<1536xi32, #tpu.memory_space<vmem>>, vector<16xi32>,
      %get3A_157 = vector.shape_cast %get3A_156 : vector<16xi32> to vector<16xi32>
      %jit3A_158 = arith.constant 2 : i32
      %div3A_159 = arith.divsi %scan3A_146, %jit3A_158 : i32
      %sign3A_160 = arith.constant 0 : i32
      %sign3A_161 = arith.cmpi sgt, %scan3A_146, %sign3A_160 : i32
      %sign3A_162 = arith.extui %sign3A_161 : i1 to i32
      %sign3A_163 = arith.constant 0 : i32
      %sign3A_164 = arith.cmpi slt, %scan3A_146, %sign3A_163 : i32
      %sign3A_165 = arith.extui %sign3A_164 : i1 to i32
      %sign3A_166 = arith.subi %sign3A_162, %sign3A_165 : i32
      %sign3A_167 = arith.constant 0 : i32
      %sign3A_168 = arith.cmpi sgt, %jit3A_158, %sign3A_167 : i32
      %sign3A_169 = arith.extui %sign3A_168 : i1 to i32
      %sign3A_170 = arith.constant 0 : i32
      %sign3A_171 = arith.cmpi slt, %jit3A_158, %sign3A_170 : i32
      %sign3A_172 = arith.extui %sign3A_171 : i1 to i32
      %sign3A_173 = arith.subi %sign3A_169, %sign3A_172 : i32
      %ne3A_174 = arith.cmpi ne, %sign3A_166, %sign3A_173 : i32
      %rem3A_175 = arith.remsi %scan3A_146, %jit3A_158 : i32
      %ne3A_176 = arith.constant 0 : i32
      %ne3A_177 = arith.cmpi ne, %rem3A_175, %ne3A_176 : i32
      %and3A_178 = arith.andi %ne3A_174, %ne3A_177 : i1
      %sub3A_179 = arith.constant 1 : i32
      %sub3A_180 = arith.subi %div3A_159, %sub3A_179 : i32
      %select_n3A_181 = arith.select %and3A_178, %sub3A_180, %div3A_159 : i32
      %jit3A_182 = arith.constant 2 : i32
      %eq3A_183 = arith.constant 0 : i32
      %eq3A_184 = arith.cmpi eq, %jit3A_182, %eq3A_183 : i32
      %jit3A_185 = arith.constant 1 : i32
      %select_n3A_186 = arith.select %eq3A_184, %jit3A_185, %jit3A_182 : i32
      %rem3A_187 = arith.remsi %scan3A_146, %select_n3A_186 : i32
      %ne3A_188 = arith.constant 0 : i32
      %ne3A_189 = arith.cmpi ne, %rem3A_187, %ne3A_188 : i32
      %lt3A_190 = arith.constant 0 : i32
      %lt3A_191 = arith.cmpi slt, %rem3A_187, %lt3A_190 : i32
      %lt3A_192 = arith.constant 0 : i32
      %lt3A_193 = arith.cmpi slt, %select_n3A_186, %lt3A_192 : i32
      %ne3A_194 = arith.xori %lt3A_191, %lt3A_193 : i1
      %and3A_195 = arith.andi %ne3A_194, %ne3A_189 : i1
      %add3A_196 = arith.addi %rem3A_187, %select_n3A_186 : i32
      %select_n3A_197 = arith.select %and3A_195, %add3A_196, %rem3A_187 : i32
      %mul3A_198 = arith.constant 1024 : i32
      %mul3A_199 = arith.muli %select_n3A, %mul3A_198 : i32
      %add3A_200 = vector.broadcast %mul3A_199 : i32 to vector<16xi32>
      %add3A_201 = arith.addi %get3A_150, %add3A_200 : vector<16xi32>
      %mul3A_202 = arith.constant 64 : i32
      %mul3A_203 = arith.muli %mul3A_202, %select_n3A_181 : i32
      %mul3A_204 = arith.constant 16 : i32
      %mul3A_205 = arith.muli %select_n3A_197, %mul3A_204 : i32
      %add3A_206 = arith.addi %mul3A_203, %mul3A_205 : i32
      %swap3A = arith.index_cast %add3A_206 : i32 to index
      %swap3A_207 = tpu.vector_load %arg11[%swap3A] {strides = array<i32>} : memref<1536xi32, #tpu.memory_space<vmem>>, vector<16xi32>,
      %swap3A_208 = vector.shape_cast %swap3A_207 : vector<16xi32> to vector<16xi32>
      %swap3A_209 = vector.shape_cast %add3A_201 : vector<16xi32> to vector<16xi32>
      tpu.vector_store %arg11[%swap3A], %swap3A_209 {strides = array<i32>} : memref<1536xi32, #tpu.memory_space<vmem>>, vector<16xi32>,
      %mul3A_210 = arith.constant 1024 : i32
      %mul3A_211 = arith.muli %select_n3A, %mul3A_210 : i32
      %add3A_212 = arith.constant 8192 : i32
      %add3A_213 = arith.addi %add3A_212, %mul3A_211 : i32
      %add3A_214 = vector.broadcast %add3A_213 : i32 to vector<16xi32>
      %add3A_215 = arith.addi %get3A_157, %add3A_214 : vector<16xi32>
      %eq3A_216 = arith.cmpi eq, %get3A_150, %get3A_157 : vector<16xi32>
      %jit3A_217 = arith.constant 16384 : i32
      %jit3A_218 = arith.constant 0 : i32
      %broadcast_in_dim3A = vector.broadcast %jit3A_217 : i32 to vector<16xi32>
      %broadcast_in_dim3A_219 = vector.broadcast %jit3A_218 : i32 to vector<16xi32>
      %select_n3A_220 = arith.select %eq3A_216, %broadcast_in_dim3A, %broadcast_in_dim3A_219 : vector<16xi1>, vector<16xi32>
      %add3A_221 = arith.addi %add3A_215, %select_n3A_220 : vector<16xi32>
      %mul3A_222 = arith.constant 64 : i32
      %mul3A_223 = arith.muli %mul3A_222, %select_n3A_181 : i32
      %add3A_224 = arith.constant 32 : i32
      %add3A_225 = arith.addi %mul3A_223, %add3A_224 : i32
      %mul3A_226 = arith.constant 16 : i32
      %mul3A_227 = arith.muli %select_n3A_197, %mul3A_226 : i32
      %add3A_228 = arith.addi %add3A_225, %mul3A_227 : i32
      %swap3A_229 = arith.index_cast %add3A_228 : i32 to index
      %swap3A_230 = tpu.vector_load %arg11[%swap3A_229] {strides = array<i32>} : memref<1536xi32, #tpu.memory_space<vmem>>, vector<16xi32>,
      %swap3A_231 = vector.shape_cast %swap3A_230 : vector<16xi32> to vector<16xi32>
      %swap3A_232 = vector.shape_cast %add3A_221 : vector<16xi32> to vector<16xi32>
      tpu.vector_store %arg11[%swap3A_229], %swap3A_232 {strides = array<i32>} : memref<1536xi32, #tpu.memory_space<vmem>>, vector<16xi32>,
    }
    %scan3A_90 = arith.constant 48 : i32
    %add3A_91 = arith.constant 16384 : i32
    %add3A_92 = arith.addi %add3A_91, %add3A_35 : i32
    %add3A_93 = arith.constant 0 : i32
    %add3A_94 = arith.addi %add3A_92, %add3A_93 : i32
    %dma_start3A_95 = arith.constant 0 : i32
    %dma_start3A_96 = arith.constant 0 : i32
    %dma_start3A_97 = tpu.memref_slice %arg13[%dma_start3A_95, %dma_start3A_96] : memref<128x256xf32, #tpu.memory_space<vmem>> -> memref<64x256xf32, #tpu.memory_space<vmem>>
    %dma_start3A_98 = arith.constant 0 : i32
    %dma_start3A_99 = tpu.memref_slice %arg9[%dma_start3A_98] : memref<1024xi32, #tpu.memory_space<vmem>> -> memref<64xi32, #tpu.memory_space<vmem>>
    %dma_start3A_100 = arith.constant 0 : i32
    %dma_start3A_101 = arith.constant 0 : i32
    %dma_start3A_102 = tpu.memref_slice %arg6[%dma_start3A_100, %dma_start3A_101] : memref<8192x256xf32, #tpu.memory_space<hbm>> -> memref<8192x256xf32, #tpu.memory_space<hbm>>
    tpu.enqueue_indirect_dma source(%dma_start3A_102 : memref<8192x256xf32, #tpu.memory_space<hbm>>) target(%dma_start3A_97 : memref<64x256xf32, #tpu.memory_space<vmem>>) offsets(%dma_start3A_99 : memref<64xi32, #tpu.memory_space<vmem>>) semaphore(%arg20 : memref<!tpu.dma_semaphore, #tpu.memory_space<semaphore_mem>>)
    %dma_start3A_103 = arith.constant 64 : i32
    %dma_start3A_104 = arith.constant 0 : i32
    %dma_start3A_105 = tpu.memref_slice %arg13[%dma_start3A_103, %dma_start3A_104] : memref<128x256xf32, #tpu.memory_space<vmem>> -> memref<64x256xf32, #tpu.memory_space<vmem>>
    %dma_start3A_106 = arith.constant 64 : i32
    %dma_start3A_107 = tpu.memref_slice %arg9[%dma_start3A_106] : memref<1024xi32, #tpu.memory_space<vmem>> -> memref<64xi32, #tpu.memory_space<vmem>>
    %dma_start3A_108 = arith.constant 0 : i32
    %dma_start3A_109 = arith.constant 0 : i32
    %dma_start3A_110 = tpu.memref_slice %arg6[%dma_start3A_108, %dma_start3A_109] : memref<8192x256xf32, #tpu.memory_space<hbm>> -> memref<8192x256xf32, #tpu.memory_space<hbm>>
    tpu.enqueue_indirect_dma source(%dma_start3A_110 : memref<8192x256xf32, #tpu.memory_space<hbm>>) target(%dma_start3A_105 : memref<64x256xf32, #tpu.memory_space<vmem>>) offsets(%dma_start3A_107 : memref<64xi32, #tpu.memory_space<vmem>>) semaphore(%arg22 : memref<!tpu.dma_semaphore, #tpu.memory_space<semaphore_mem>>)
    %dma_start3A_111 = arith.constant 0 : i32
    %dma_start3A_112 = arith.constant 0 : i32
    %dma_start3A_113 = tpu.memref_slice %arg15[%dma_start3A_111, %dma_start3A_112] : memref<64x256xf32, #tpu.memory_space<vmem>> -> memref<32x256xf32, #tpu.memory_space<vmem>>
    %dma_start3A_114 = arith.constant 0 : i32
    %dma_start3A_115 = tpu.memref_slice %arg7[%add3A_94, %dma_start3A_114] : memref<32768x256xf32, #tpu.memory_space<hbm>> -> memref<32x256xf32, #tpu.memory_space<hbm>>
    %dma_start3A_116 = arith.constant 0 : i32
    %dma_start3A_117 = arith.constant 0 : i32
    %dma_start3A_118 = tpu.memref_slice %arg15[%dma_start3A_116, %dma_start3A_117] : memref<64x256xf32, #tpu.memory_space<vmem>> -> memref<32x256xf32, #tpu.memory_space<vmem>>
    %dma_start3A_119 = arith.constant 0 : i32
    %dma_start3A_120 = tpu.memref_slice %arg7[%add3A_94, %dma_start3A_119] : memref<32768x256xf32, #tpu.memory_space<hbm>> -> memref<32x256xf32, #tpu.memory_space<hbm>>
    tpu.enqueue_dma source(%dma_start3A_120 : memref<32x256xf32, #tpu.memory_space<hbm>>) target(%dma_start3A_118 : memref<32x256xf32, #tpu.memory_space<vmem>>) target_semaphore(%arg24 : memref<!tpu.dma_semaphore, #tpu.memory_space<semaphore_mem>>)
    %scan3A_121 = arith.constant 0 : i32
    %scan3A_122 = arith.constant 16 : i32
    %scan3A_123 = arith.addi %scan3A_121, %scan3A_122 : i32
    %scan3A_124 = arith.constant 1 : i32
    scf.for %scan3A_146 = %scan3A_121 to %scan3A_123 step %scan3A_124  : i32 {
      %mul3A_147 = arith.constant 2 : i32
      %mul3A_148 = arith.muli %mul3A_147, %scan3A_146 : i32
      %add3A_149 = arith.constant 1 : i32
      %add3A_150 = arith.addi %mul3A_148, %add3A_149 : i32
      %lt3A_151 = arith.constant 8 : i32
      %lt3A_152 = arith.cmpi slt, %add3A_150, %lt3A_151 : i32
      %convert_element_type3A = arith.extui %lt3A_152 : i1 to i32
      %cond3A = arith.constant 0 : i32
      %cond3A_153 = arith.cmpi ne, %convert_element_type3A, %cond3A : i32
      scf.if %cond3A_153 {
        %mul3A_248 = arith.constant 4 : i32
        %mul3A_249 = arith.muli %add3A_150, %mul3A_248 : i32
        %mul3A_250 = arith.constant 32 : i32
        %mul3A_251 = arith.muli %mul3A_249, %mul3A_250 : i32
        %mul3A_252 = arith.constant 4 : i32
        %mul3A_253 = arith.muli %add3A_150, %mul3A_252 : i32
        %mul3A_254 = arith.constant 32 : i32
        %mul3A_255 = arith.muli %mul3A_253, %mul3A_254 : i32
        %add3A_256 = arith.constant 64 : i32
        %add3A_257 = arith.addi %mul3A_255, %add3A_256 : i32
        %add3A_258 = arith.constant 16384 : i32
        %add3A_259 = arith.addi %add3A_258, %add3A_35 : i32
        %mul3A_260 = arith.constant 32 : i32
        %mul3A_261 = arith.muli %add3A_150, %mul3A_260 : i32
        %add3A_262 = arith.addi %add3A_259, %mul3A_261 : i32
        %dma_start3A_263 = arith.constant 0 : i32
        %dma_start3A_264 = arith.constant 0 : i32
        %dma_start3A_265 = tpu.memref_slice %arg14[%dma_start3A_263, %dma_start3A_264] : memref<128x256xf32, #tpu.memory_space<vmem>> -> memref<64x256xf32, #tpu.memory_space<vmem>>
        %dma_start3A_266 = tpu.memref_slice %arg9[%mul3A_251] : memref<1024xi32, #tpu.memory_space<vmem>> -> memref<64xi32, #tpu.memory_space<vmem>>
        %dma_start3A_267 = arith.constant 0 : i32
        %dma_start3A_268 = arith.constant 0 : i32
        %dma_start3A_269 = tpu.memref_slice %arg6[%dma_start3A_267, %dma_start3A_268] : memref<8192x256xf32, #tpu.memory_space<hbm>> -> memref<8192x256xf32, #tpu.memory_space<hbm>>
        tpu.enqueue_indirect_dma source(%dma_start3A_269 : memref<8192x256xf32, #tpu.memory_space<hbm>>) target(%dma_start3A_265 : memref<64x256xf32, #tpu.memory_space<vmem>>) offsets(%dma_start3A_266 : memref<64xi32, #tpu.memory_space<vmem>>) semaphore(%arg21 : memref<!tpu.dma_semaphore, #tpu.memory_space<semaphore_mem>>)
        %dma_start3A_270 = arith.constant 64 : i32
        %dma_start3A_271 = arith.constant 0 : i32
        %dma_start3A_272 = tpu.memref_slice %arg14[%dma_start3A_270, %dma_start3A_271] : memref<128x256xf32, #tpu.memory_space<vmem>> -> memref<64x256xf32, #tpu.memory_space<vmem>>
        %dma_start3A_273 = tpu.memref_slice %arg9[%add3A_257] : memref<1024xi32, #tpu.memory_space<vmem>> -> memref<64xi32, #tpu.memory_space<vmem>>
        %dma_start3A_274 = arith.constant 0 : i32
        %dma_start3A_275 = arith.constant 0 : i32
        %dma_start3A_276 = tpu.memref_slice %arg6[%dma_start3A_274, %dma_start3A_275] : memref<8192x256xf32, #tpu.memory_space<hbm>> -> memref<8192x256xf32, #tpu.memory_space<hbm>>
        tpu.enqueue_indirect_dma source(%dma_start3A_276 : memref<8192x256xf32, #tpu.memory_space<hbm>>) target(%dma_start3A_272 : memref<64x256xf32, #tpu.memory_space<vmem>>) offsets(%dma_start3A_273 : memref<64xi32, #tpu.memory_space<vmem>>) semaphore(%arg23 : memref<!tpu.dma_semaphore, #tpu.memory_space<semaphore_mem>>)
        %dma_start3A_277 = arith.constant 0 : i32
        %dma_start3A_278 = arith.constant 0 : i32
        %dma_start3A_279 = tpu.memref_slice %arg16[%dma_start3A_277, %dma_start3A_278] : memref<64x256xf32, #tpu.memory_space<vmem>> -> memref<32x256xf32, #tpu.memory_space<vmem>>
        %dma_start3A_280 = arith.constant 0 : i32
        %dma_start3A_281 = tpu.memref_slice %arg7[%add3A_262, %dma_start3A_280] : memref<32768x256xf32, #tpu.memory_space<hbm>> -> memref<32x256xf32, #tpu.memory_space<hbm>>
        %dma_start3A_282 = arith.constant 0 : i32
        %dma_start3A_283 = arith.constant 0 : i32
        %dma_start3A_284 = tpu.memref_slice %arg16[%dma_start3A_282, %dma_start3A_283] : memref<64x256xf32, #tpu.memory_space<vmem>> -> memref<32x256xf32, #tpu.memory_space<vmem>>
        %dma_start3A_285 = arith.constant 0 : i32
        %dma_start3A_286 = tpu.memref_slice %arg7[%add3A_262, %dma_start3A_285] : memref<32768x256xf32, #tpu.memory_space<hbm>> -> memref<32x256xf32, #tpu.memory_space<hbm>>
        tpu.enqueue_dma source(%dma_start3A_286 : memref<32x256xf32, #tpu.memory_space<hbm>>) target(%dma_start3A_284 : memref<32x256xf32, #tpu.memory_space<vmem>>) target_semaphore(%arg25 : memref<!tpu.dma_semaphore, #tpu.memory_space<semaphore_mem>>)
      } else {
      }
      %ge3A = arith.constant 8 : i32
      %ge3A_154 = arith.cmpi sge, %add3A_150, %ge3A : i32
      %convert_element_type3A_155 = arith.extui %ge3A_154 : i1 to i32
      %cond3A_156 = arith.constant 0 : i32
      %cond3A_157 = arith.cmpi ne, %convert_element_type3A_155, %cond3A_156 : i32
      scf.if %cond3A_157 {
        %sub3A_248 = arith.constant 8 : i32
        %sub3A_249 = arith.subi %add3A_150, %sub3A_248 : i32
        %mul3A_250 = arith.constant 4 : i32
        %mul3A_251 = arith.muli %sub3A_249, %mul3A_250 : i32
        %mul3A_252 = arith.constant 32 : i32
        %mul3A_253 = arith.muli %mul3A_251, %mul3A_252 : i32
        %mul3A_254 = arith.constant 4 : i32
        %mul3A_255 = arith.muli %sub3A_249, %mul3A_254 : i32
        %mul3A_256 = arith.constant 32 : i32
        %mul3A_257 = arith.muli %mul3A_255, %mul3A_256 : i32
        %add3A_258 = arith.constant 64 : i32
        %add3A_259 = arith.addi %mul3A_257, %add3A_258 : i32
        %mul3A_260 = arith.constant 2 : i32
        %mul3A_261 = arith.muli %sub3A_249, %mul3A_260 : i32
        %mul3A_262 = arith.constant 32 : i32
        %mul3A_263 = arith.muli %mul3A_261, %mul3A_262 : i32
        %dma_start3A_264 = arith.constant 0 : i32
        %dma_start3A_265 = arith.constant 0 : i32
        %dma_start3A_266 = tpu.memref_slice %arg14[%dma_start3A_264, %dma_start3A_265] : memref<128x256xf32, #tpu.memory_space<vmem>> -> memref<64x256xf32, #tpu.memory_space<vmem>>
        %dma_start3A_267 = tpu.memref_slice %arg10[%mul3A_253] : memref<3072xi32, #tpu.memory_space<vmem>> -> memref<64xi32, #tpu.memory_space<vmem>>
        %dma_start3A_268 = arith.constant 0 : i32
        %dma_start3A_269 = arith.constant 0 : i32
        %dma_start3A_270 = tpu.memref_slice %arg6[%dma_start3A_268, %dma_start3A_269] : memref<8192x256xf32, #tpu.memory_space<hbm>> -> memref<8192x256xf32, #tpu.memory_space<hbm>>
        tpu.enqueue_indirect_dma source(%dma_start3A_270 : memref<8192x256xf32, #tpu.memory_space<hbm>>) target(%dma_start3A_266 : memref<64x256xf32, #tpu.memory_space<vmem>>) offsets(%dma_start3A_267 : memref<64xi32, #tpu.memory_space<vmem>>) semaphore(%arg21 : memref<!tpu.dma_semaphore, #tpu.memory_space<semaphore_mem>>)
        %dma_start3A_271 = arith.constant 64 : i32
        %dma_start3A_272 = arith.constant 0 : i32
        %dma_start3A_273 = tpu.memref_slice %arg14[%dma_start3A_271, %dma_start3A_272] : memref<128x256xf32, #tpu.memory_space<vmem>> -> memref<64x256xf32, #tpu.memory_space<vmem>>
        %dma_start3A_274 = tpu.memref_slice %arg10[%add3A_259] : memref<3072xi32, #tpu.memory_space<vmem>> -> memref<64xi32, #tpu.memory_space<vmem>>
        %dma_start3A_275 = arith.constant 0 : i32
        %dma_start3A_276 = arith.constant 0 : i32
        %dma_start3A_277 = tpu.memref_slice %arg6[%dma_start3A_275, %dma_start3A_276] : memref<8192x256xf32, #tpu.memory_space<hbm>> -> memref<8192x256xf32, #tpu.memory_space<hbm>>
        tpu.enqueue_indirect_dma source(%dma_start3A_277 : memref<8192x256xf32, #tpu.memory_space<hbm>>) target(%dma_start3A_273 : memref<64x256xf32, #tpu.memory_space<vmem>>) offsets(%dma_start3A_274 : memref<64xi32, #tpu.memory_space<vmem>>) semaphore(%arg23 : memref<!tpu.dma_semaphore, #tpu.memory_space<semaphore_mem>>)
        %dma_start3A_278 = tpu.memref_slice %arg11[%mul3A_263] : memref<1536xi32, #tpu.memory_space<vmem>> -> memref<64xi32, #tpu.memory_space<vmem>>
        %dma_start3A_279 = arith.constant 0 : i32
        %dma_start3A_280 = arith.constant 0 : i32
        %dma_start3A_281 = tpu.memref_slice %arg7[%dma_start3A_279, %dma_start3A_280] : memref<32768x256xf32, #tpu.memory_space<hbm>> -> memref<32768x256xf32, #tpu.memory_space<hbm>>
        tpu.enqueue_indirect_dma source(%dma_start3A_281 : memref<32768x256xf32, #tpu.memory_space<hbm>>) target(%arg16 : memref<64x256xf32, #tpu.memory_space<vmem>>) offsets(%dma_start3A_278 : memref<64xi32, #tpu.memory_space<vmem>>) semaphore(%arg25 : memref<!tpu.dma_semaphore, #tpu.memory_space<semaphore_mem>>)
      } else {
      }
      %mul3A_158 = arith.constant 2 : i32
      %mul3A_159 = arith.muli %mul3A_158, %scan3A_146 : i32
      %lt3A_160 = arith.constant 8 : i32
      %lt3A_161 = arith.cmpi slt, %mul3A_159, %lt3A_160 : i32
      %convert_element_type3A_162 = arith.extui %lt3A_161 : i1 to i32
      %cond3A_163 = arith.constant 0 : i32
      %cond3A_164 = arith.cmpi ne, %convert_element_type3A_162, %cond3A_163 : i32
      scf.if %cond3A_164 {
        %mul3A_248 = arith.constant 4 : i32
        %mul3A_249 = arith.muli %mul3A_159, %mul3A_248 : i32
        %mul3A_250 = arith.constant 32 : i32
        %mul3A_251 = arith.muli %mul3A_249, %mul3A_250 : i32
        %mul3A_252 = arith.constant 4 : i32
        %mul3A_253 = arith.muli %mul3A_159, %mul3A_252 : i32
        %mul3A_254 = arith.constant 32 : i32
        %mul3A_255 = arith.muli %mul3A_253, %mul3A_254 : i32
        %add3A_256 = arith.constant 64 : i32
        %add3A_257 = arith.addi %mul3A_255, %add3A_256 : i32
        %add3A_258 = arith.constant 16384 : i32
        %add3A_259 = arith.addi %add3A_258, %add3A_35 : i32
        %mul3A_260 = arith.constant 32 : i32
        %mul3A_261 = arith.muli %mul3A_159, %mul3A_260 : i32
        %add3A_262 = arith.addi %add3A_259, %mul3A_261 : i32
        %dma_wait3A_263 = arith.constant 0 : i32
        %dma_wait3A_264 = arith.constant 0 : i32
        %dma_wait3A_265 = tpu.memref_slice %arg13[%dma_wait3A_263, %dma_wait3A_264] : memref<128x256xf32, #tpu.memory_space<vmem>> -> memref<64x256xf32, #tpu.memory_space<vmem>>
        %dma_wait3A_266 = tpu.memref_slice %arg9[%mul3A_251] : memref<1024xi32, #tpu.memory_space<vmem>> -> memref<64xi32, #tpu.memory_space<vmem>>
        %dma_wait3A_267 = arith.constant 0 : i32
        %dma_wait3A_268 = arith.constant 0 : i32
        %dma_wait3A_269 = tpu.memref_slice %arg6[%dma_wait3A_267, %dma_wait3A_268] : memref<8192x256xf32, #tpu.memory_space<hbm>> -> memref<8192x256xf32, #tpu.memory_space<hbm>>
        tpu.wait_indirect_dma semaphore(%arg20 : memref<!tpu.dma_semaphore, #tpu.memory_space<semaphore_mem>>) src(%dma_wait3A_269 : memref<8192x256xf32, #tpu.memory_space<hbm>>) dst(%dma_wait3A_265 : memref<64x256xf32, #tpu.memory_space<vmem>>)
        %dma_wait3A_270 = arith.constant 64 : i32
        %dma_wait3A_271 = arith.constant 0 : i32
        %dma_wait3A_272 = tpu.memref_slice %arg13[%dma_wait3A_270, %dma_wait3A_271] : memref<128x256xf32, #tpu.memory_space<vmem>> -> memref<64x256xf32, #tpu.memory_space<vmem>>
        %dma_wait3A_273 = tpu.memref_slice %arg9[%add3A_257] : memref<1024xi32, #tpu.memory_space<vmem>> -> memref<64xi32, #tpu.memory_space<vmem>>
        %dma_wait3A_274 = arith.constant 0 : i32
        %dma_wait3A_275 = arith.constant 0 : i32
        %dma_wait3A_276 = tpu.memref_slice %arg6[%dma_wait3A_274, %dma_wait3A_275] : memref<8192x256xf32, #tpu.memory_space<hbm>> -> memref<8192x256xf32, #tpu.memory_space<hbm>>
        tpu.wait_indirect_dma semaphore(%arg22 : memref<!tpu.dma_semaphore, #tpu.memory_space<semaphore_mem>>) src(%dma_wait3A_276 : memref<8192x256xf32, #tpu.memory_space<hbm>>) dst(%dma_wait3A_272 : memref<64x256xf32, #tpu.memory_space<vmem>>)
        %dma_wait3A_277 = arith.constant 0 : i32
        %dma_wait3A_278 = arith.constant 0 : i32
        %dma_wait3A_279 = tpu.memref_slice %arg15[%dma_wait3A_277, %dma_wait3A_278] : memref<64x256xf32, #tpu.memory_space<vmem>> -> memref<32x256xf32, #tpu.memory_space<vmem>>
        %dma_wait3A_280 = arith.constant 0 : i32
        %dma_wait3A_281 = tpu.memref_slice %arg7[%add3A_262, %dma_wait3A_280] : memref<32768x256xf32, #tpu.memory_space<hbm>> -> memref<32x256xf32, #tpu.memory_space<hbm>>
        %dma_wait3A_282 = arith.constant 0 : i32
        %dma_wait3A_283 = arith.constant 0 : i32
        %dma_wait3A_284 = tpu.memref_slice %arg15[%dma_wait3A_282, %dma_wait3A_283] : memref<64x256xf32, #tpu.memory_space<vmem>> -> memref<32x256xf32, #tpu.memory_space<vmem>>
        %dma_wait3A_285 = arith.constant 0 : i32
        %dma_wait3A_286 = tpu.memref_slice %arg7[%add3A_262, %dma_wait3A_285] : memref<32768x256xf32, #tpu.memory_space<hbm>> -> memref<32x256xf32, #tpu.memory_space<hbm>>
        tpu.wait_dma2 semaphore(%arg24 : memref<!tpu.dma_semaphore, #tpu.memory_space<semaphore_mem>>) src(%dma_wait3A_286 : memref<32x256xf32, #tpu.memory_space<hbm>>) dst(%dma_wait3A_284 : memref<32x256xf32, #tpu.memory_space<vmem>>)
      } else {
      }
      %ge3A_165 = arith.constant 8 : i32
      %ge3A_166 = arith.cmpi sge, %mul3A_159, %ge3A_165 : i32
      %convert_element_type3A_167 = arith.extui %ge3A_166 : i1 to i32
      %cond3A_168 = arith.constant 0 : i32
      %cond3A_169 = arith.cmpi ne, %convert_element_type3A_167, %cond3A_168 : i32
      scf.if %cond3A_169 {
        %sub3A_248 = arith.constant 8 : i32
        %sub3A_249 = arith.subi %mul3A_159, %sub3A_248 : i32
        %mul3A_250 = arith.constant 4 : i32
        %mul3A_251 = arith.muli %sub3A_249, %mul3A_250 : i32
        %mul3A_252 = arith.constant 32 : i32
        %mul3A_253 = arith.muli %mul3A_251, %mul3A_252 : i32
        %mul3A_254 = arith.constant 4 : i32
        %mul3A_255 = arith.muli %sub3A_249, %mul3A_254 : i32
        %mul3A_256 = arith.constant 32 : i32
        %mul3A_257 = arith.muli %mul3A_255, %mul3A_256 : i32
        %add3A_258 = arith.constant 64 : i32
        %add3A_259 = arith.addi %mul3A_257, %add3A_258 : i32
        %mul3A_260 = arith.constant 2 : i32
        %mul3A_261 = arith.muli %sub3A_249, %mul3A_260 : i32
        %mul3A_262 = arith.constant 32 : i32
        %mul3A_263 = arith.muli %mul3A_261, %mul3A_262 : i32
        %dma_wait3A_264 = arith.constant 0 : i32
        %dma_wait3A_265 = arith.constant 0 : i32
        %dma_wait3A_266 = tpu.memref_slice %arg13[%dma_wait3A_264, %dma_wait3A_265] : memref<128x256xf32, #tpu.memory_space<vmem>> -> memref<64x256xf32, #tpu.memory_space<vmem>>
        %dma_wait3A_267 = tpu.memref_slice %arg10[%mul3A_253] : memref<3072xi32, #tpu.memory_space<vmem>> -> memref<64xi32, #tpu.memory_space<vmem>>
        %dma_wait3A_268 = arith.constant 0 : i32
        %dma_wait3A_269 = arith.constant 0 : i32
        %dma_wait3A_270 = tpu.memref_slice %arg6[%dma_wait3A_268, %dma_wait3A_269] : memref<8192x256xf32, #tpu.memory_space<hbm>> -> memref<8192x256xf32, #tpu.memory_space<hbm>>
        tpu.wait_indirect_dma semaphore(%arg20 : memref<!tpu.dma_semaphore, #tpu.memory_space<semaphore_mem>>) src(%dma_wait3A_270 : memref<8192x256xf32, #tpu.memory_space<hbm>>) dst(%dma_wait3A_266 : memref<64x256xf32, #tpu.memory_space<vmem>>)
        %dma_wait3A_271 = arith.constant 64 : i32
        %dma_wait3A_272 = arith.constant 0 : i32
        %dma_wait3A_273 = tpu.memref_slice %arg13[%dma_wait3A_271, %dma_wait3A_272] : memref<128x256xf32, #tpu.memory_space<vmem>> -> memref<64x256xf32, #tpu.memory_space<vmem>>
        %dma_wait3A_274 = tpu.memref_slice %arg10[%add3A_259] : memref<3072xi32, #tpu.memory_space<vmem>> -> memref<64xi32, #tpu.memory_space<vmem>>
        %dma_wait3A_275 = arith.constant 0 : i32
        %dma_wait3A_276 = arith.constant 0 : i32
        %dma_wait3A_277 = tpu.memref_slice %arg6[%dma_wait3A_275, %dma_wait3A_276] : memref<8192x256xf32, #tpu.memory_space<hbm>> -> memref<8192x256xf32, #tpu.memory_space<hbm>>
        tpu.wait_indirect_dma semaphore(%arg22 : memref<!tpu.dma_semaphore, #tpu.memory_space<semaphore_mem>>) src(%dma_wait3A_277 : memref<8192x256xf32, #tpu.memory_space<hbm>>) dst(%dma_wait3A_273 : memref<64x256xf32, #tpu.memory_space<vmem>>)
        %dma_wait3A_278 = tpu.memref_slice %arg11[%mul3A_263] : memref<1536xi32, #tpu.memory_space<vmem>> -> memref<64xi32, #tpu.memory_space<vmem>>
        %dma_wait3A_279 = arith.constant 0 : i32
        %dma_wait3A_280 = arith.constant 0 : i32
        %dma_wait3A_281 = tpu.memref_slice %arg7[%dma_wait3A_279, %dma_wait3A_280] : memref<32768x256xf32, #tpu.memory_space<hbm>> -> memref<32768x256xf32, #tpu.memory_space<hbm>>
        tpu.wait_indirect_dma semaphore(%arg24 : memref<!tpu.dma_semaphore, #tpu.memory_space<semaphore_mem>>) src(%dma_wait3A_281 : memref<32768x256xf32, #tpu.memory_space<hbm>>) dst(%arg15 : memref<64x256xf32, #tpu.memory_space<vmem>>)
      } else {
      }
      %gt3A = arith.constant 0 : i32
      %gt3A_170 = arith.cmpi sgt, %scan3A_146, %gt3A : i32
      %convert_element_type3A_171 = arith.extui %gt3A_170 : i1 to i32
      %cond3A_172 = arith.constant 0 : i32
      %cond3A_173 = arith.cmpi ne, %convert_element_type3A_171, %cond3A_172 : i32
      scf.if %cond3A_173 {
        %lt3A_248 = arith.constant 8 : i32
        %lt3A_249 = arith.cmpi slt, %mul3A_159, %lt3A_248 : i32
        %mul3A_250 = arith.constant 32 : i32
        %mul3A_251 = arith.muli %mul3A_159, %mul3A_250 : i32
        %add3A_252 = arith.addi %add3A_45, %mul3A_251 : i32
        %sub3A_253 = arith.constant 8 : i32
        %sub3A_254 = arith.subi %mul3A_159, %sub3A_253 : i32
        %mul3A_255 = arith.constant 32 : i32
        %mul3A_256 = arith.muli %sub3A_254, %mul3A_255 : i32
        %add3A_257 = arith.addi %add3A_52, %mul3A_256 : i32
        %select_n3A_258 = arith.select %lt3A_249, %add3A_252, %add3A_257 : i32
        %dma_wait3A_259 = arith.constant 0 : i32
        %dma_wait3A_260 = tpu.memref_slice %arg8[%select_n3A_258, %dma_wait3A_259] : memref<32768x256xf32, #tpu.memory_space<hbm>> -> memref<32x256xf32, #tpu.memory_space<hbm>>
        %dma_wait3A_261 = arith.constant 0 : i32
        %dma_wait3A_262 = tpu.memref_slice %arg8[%select_n3A_258, %dma_wait3A_261] : memref<32768x256xf32, #tpu.memory_space<hbm>> -> memref<32x256xf32, #tpu.memory_space<hbm>>
        tpu.wait_dma2 semaphore(%arg26 : memref<!tpu.dma_semaphore, #tpu.memory_space<semaphore_mem>>) src(%arg17 : memref<32x256xf32, #tpu.memory_space<vmem>>) dst(%dma_wait3A_262 : memref<32x256xf32, #tpu.memory_space<hbm>>)
      } else {
      }
      %lt3A_174 = arith.constant 8 : i32
      %lt3A_175 = arith.cmpi slt, %mul3A_159, %lt3A_174 : i32
      %convert_element_type3A_176 = arith.extui %lt3A_175 : i1 to i32
      %cond3A_177 = arith.constant 0 : i32
      %cond3A_178 = arith.cmpi ne, %convert_element_type3A_176, %cond3A_177 : i32
      scf.if %cond3A_178 {
        %scan3A_248 = arith.constant 0 : i32
        %scan3A_249 = arith.constant 32 : i32
        %scan3A_250 = arith.addi %scan3A_248, %scan3A_249 : i32
        %scan3A_251 = arith.constant 1 : i32
        scf.for %scan3A_253 = %scan3A_248 to %scan3A_250 step %scan3A_251  : i32 {
          %mul3A_254 = arith.constant 4 : i32
          %mul3A_255 = arith.muli %mul3A_254, %scan3A_253 : i32
          %get3A = arith.index_cast %mul3A_255 : i32 to index
          %get3A_256 = arith.constant 0 : index
          %get3A_257 = tpu.vector_load %arg13[%get3A, %get3A_256] {strides = array<i32>} : memref<128x256xf32, #tpu.memory_space<vmem>>, vector<1x16xf32>,
          %get3A_258 = vector.shape_cast %get3A_257 : vector<1x16xf32> to vector<16xf32>
          %mul3A_259 = arith.constant 4 : i32
          %mul3A_260 = arith.muli %mul3A_259, %scan3A_253 : i32
          %add3A_261 = arith.constant 1 : i32
          %add3A_262 = arith.addi %mul3A_260, %add3A_261 : i32
          %get3A_263 = arith.index_cast %add3A_262 : i32 to index
          %get3A_264 = arith.constant 0 : index
          %get3A_265 = tpu.vector_load %arg13[%get3A_263, %get3A_264] {strides = array<i32>} : memref<128x256xf32, #tpu.memory_space<vmem>>, vector<1x16xf32>,
          %get3A_266 = vector.shape_cast %get3A_265 : vector<1x16xf32> to vector<16xf32>
          %add3A_267 = arith.addf %get3A_258, %get3A_266 : vector<16xf32>
          %mul3A_268 = arith.constant 4 : i32
          %mul3A_269 = arith.muli %mul3A_268, %scan3A_253 : i32
          %add3A_270 = arith.constant 2 : i32
          %add3A_271 = arith.addi %mul3A_269, %add3A_270 : i32
          %get3A_272 = arith.index_cast %add3A_271 : i32 to index
          %get3A_273 = arith.constant 0 : index
          %get3A_274 = tpu.vector_load %arg13[%get3A_272, %get3A_273] {strides = array<i32>} : memref<128x256xf32, #tpu.memory_space<vmem>>, vector<1x16xf32>,
          %get3A_275 = vector.shape_cast %get3A_274 : vector<1x16xf32> to vector<16xf32>
          %add3A_276 = arith.addf %add3A_267, %get3A_275 : vector<16xf32>
          %mul3A_277 = arith.constant 4 : i32
          %mul3A_278 = arith.muli %mul3A_277, %scan3A_253 : i32
          %add3A_279 = arith.constant 3 : i32
          %add3A_280 = arith.addi %mul3A_278, %add3A_279 : i32
          %get3A_281 = arith.index_cast %add3A_280 : i32 to index
          %get3A_282 = arith.constant 0 : index
          %get3A_283 = tpu.vector_load %arg13[%get3A_281, %get3A_282] {strides = array<i32>} : memref<128x256xf32, #tpu.memory_space<vmem>>, vector<1x16xf32>,
          %get3A_284 = vector.shape_cast %get3A_283 : vector<1x16xf32> to vector<16xf32>
          %add3A_285 = arith.addf %add3A_276, %get3A_284 : vector<16xf32>
          %get3A_286 = arith.index_cast %scan3A_253 : i32 to index
          %get3A_287 = arith.constant 0 : index
          %get3A_288 = tpu.vector_load %arg15[%get3A_286, %get3A_287] {strides = array<i32>} : memref<64x256xf32, #tpu.memory_space<vmem>>, vector<1x16xf32>,
          %get3A_289 = vector.shape_cast %get3A_288 : vector<1x16xf32> to vector<16xf32>
          %add3A_290 = arith.addf %add3A_285, %get3A_289 : vector<16xf32>
          %swap3A = arith.index_cast %scan3A_253 : i32 to index
          %swap3A_291 = arith.constant 0 : index
          %swap3A_292 = tpu.vector_load %arg17[%swap3A, %swap3A_291] {strides = array<i32>} : memref<32x256xf32, #tpu.memory_space<vmem>>, vector<1x16xf32>,
          %swap3A_293 = vector.shape_cast %swap3A_292 : vector<1x16xf32> to vector<16xf32>
          %swap3A_294 = vector.shape_cast %add3A_290 : vector<16xf32> to vector<1x16xf32>
          tpu.vector_store %arg17[%swap3A, %swap3A_291], %swap3A_294 {strides = array<i32>} : memref<32x256xf32, #tpu.memory_space<vmem>>, vector<1x16xf32>,
          %mul3A_295 = arith.constant 4 : i32
          %mul3A_296 = arith.muli %mul3A_295, %scan3A_253 : i32
          %get3A_297 = arith.index_cast %mul3A_296 : i32 to index
          %get3A_298 = arith.constant 16 : index
          %get3A_299 = tpu.vector_load %arg13[%get3A_297, %get3A_298] {strides = array<i32>} : memref<128x256xf32, #tpu.memory_space<vmem>>, vector<1x16xf32>,
          %get3A_300 = vector.shape_cast %get3A_299 : vector<1x16xf32> to vector<16xf32>
          %mul3A_301 = arith.constant 4 : i32
          %mul3A_302 = arith.muli %mul3A_301, %scan3A_253 : i32
          %add3A_303 = arith.constant 1 : i32
          %add3A_304 = arith.addi %mul3A_302, %add3A_303 : i32
          %get3A_305 = arith.index_cast %add3A_304 : i32 to index
          %get3A_306 = arith.constant 16 : index
          %get3A_307 = tpu.vector_load %arg13[%get3A_305, %get3A_306] {strides = array<i32>} : memref<128x256xf32, #tpu.memory_space<vmem>>, vector<1x16xf32>,
          %get3A_308 = vector.shape_cast %get3A_307 : vector<1x16xf32> to vector<16xf32>
          %add3A_309 = arith.addf %get3A_300, %get3A_308 : vector<16xf32>
          %mul3A_310 = arith.constant 4 : i32
          %mul3A_311 = arith.muli %mul3A_310, %scan3A_253 : i32
          %add3A_312 = arith.constant 2 : i32
          %add3A_313 = arith.addi %mul3A_311, %add3A_312 : i32
          %get3A_314 = arith.index_cast %add3A_313 : i32 to index
          %get3A_315 = arith.constant 16 : index
          %get3A_316 = tpu.vector_load %arg13[%get3A_314, %get3A_315] {strides = array<i32>} : memref<128x256xf32, #tpu.memory_space<vmem>>, vector<1x16xf32>,
          %get3A_317 = vector.shape_cast %get3A_316 : vector<1x16xf32> to vector<16xf32>
          %add3A_318 = arith.addf %add3A_309, %get3A_317 : vector<16xf32>
          %mul3A_319 = arith.constant 4 : i32
          %mul3A_320 = arith.muli %mul3A_319, %scan3A_253 : i32
          %add3A_321 = arith.constant 3 : i32
          %add3A_322 = arith.addi %mul3A_320, %add3A_321 : i32
          %get3A_323 = arith.index_cast %add3A_322 : i32 to index
          %get3A_324 = arith.constant 16 : index
          %get3A_325 = tpu.vector_load %arg13[%get3A_323, %get3A_324] {strides = array<i32>} : memref<128x256xf32, #tpu.memory_space<vmem>>, vector<1x16xf32>,
          %get3A_326 = vector.shape_cast %get3A_325 : vector<1x16xf32> to vector<16xf32>
          %add3A_327 = arith.addf %add3A_318, %get3A_326 : vector<16xf32>
          %get3A_328 = arith.index_cast %scan3A_253 : i32 to index
          %get3A_329 = arith.constant 16 : index
          %get3A_330 = tpu.vector_load %arg15[%get3A_328, %get3A_329] {strides = array<i32>} : memref<64x256xf32, #tpu.memory_space<vmem>>, vector<1x16xf32>,
          %get3A_331 = vector.shape_cast %get3A_330 : vector<1x16xf32> to vector<16xf32>
          %add3A_332 = arith.addf %add3A_327, %get3A_331 : vector<16xf32>
          %swap3A_333 = arith.index_cast %scan3A_253 : i32 to index
          %swap3A_334 = arith.constant 16 : index
          %swap3A_335 = tpu.vector_load %arg17[%swap3A_333, %swap3A_334] {strides = array<i32>} : memref<32x256xf32, #tpu.memory_space<vmem>>, vector<1x16xf32>,
          %swap3A_336 = vector.shape_cast %swap3A_335 : vector<1x16xf32> to vector<16xf32>
          %swap3A_337 = vector.shape_cast %add3A_332 : vector<16xf32> to vector<1x16xf32>
          tpu.vector_store %arg17[%swap3A_333, %swap3A_334], %swap3A_337 {strides = array<i32>} : memref<32x256xf32, #tpu.memory_space<vmem>>, vector<1x16xf32>,
          %mul3A_338 = arith.constant 4 : i32
          %mul3A_339 = arith.muli %mul3A_338, %scan3A_253 : i32
          %get3A_340 = arith.index_cast %mul3A_339 : i32 to index
          %get3A_341 = arith.constant 32 : index
          %get3A_342 = tpu.vector_load %arg13[%get3A_340, %get3A_341] {strides = array<i32>} : memref<128x256xf32, #tpu.memory_space<vmem>>, vector<1x16xf32>,
          %get3A_343 = vector.shape_cast %get3A_342 : vector<1x16xf32> to vector<16xf32>
          %mul3A_344 = arith.constant 4 : i32
          %mul3A_345 = arith.muli %mul3A_344, %scan3A_253 : i32
          %add3A_346 = arith.constant 1 : i32
          %add3A_347 = arith.addi %mul3A_345, %add3A_346 : i32
          %get3A_348 = arith.index_cast %add3A_347 : i32 to index
          %get3A_349 = arith.constant 32 : index
          %get3A_350 = tpu.vector_load %arg13[%get3A_348, %get3A_349] {strides = array<i32>} : memref<128x256xf32, #tpu.memory_space<vmem>>, vector<1x16xf32>,
          %get3A_351 = vector.shape_cast %get3A_350 : vector<1x16xf32> to vector<16xf32>
          %add3A_352 = arith.addf %get3A_343, %get3A_351 : vector<16xf32>
          %mul3A_353 = arith.constant 4 : i32
          %mul3A_354 = arith.muli %mul3A_353, %scan3A_253 : i32
          %add3A_355 = arith.constant 2 : i32
          %add3A_356 = arith.addi %mul3A_354, %add3A_355 : i32
          %get3A_357 = arith.index_cast %add3A_356 : i32 to index
          %get3A_358 = arith.constant 32 : index
          %get3A_359 = tpu.vector_load %arg13[%get3A_357, %get3A_358] {strides = array<i32>} : memref<128x256xf32, #tpu.memory_space<vmem>>, vector<1x16xf32>,
          %get3A_360 = vector.shape_cast %get3A_359 : vector<1x16xf32> to vector<16xf32>
          %add3A_361 = arith.addf %add3A_352, %get3A_360 : vector<16xf32>
          %mul3A_362 = arith.constant 4 : i32
          %mul3A_363 = arith.muli %mul3A_362, %scan3A_253 : i32
          %add3A_364 = arith.constant 3 : i32
          %add3A_365 = arith.addi %mul3A_363, %add3A_364 : i32
          %get3A_366 = arith.index_cast %add3A_365 : i32 to index
          %get3A_367 = arith.constant 32 : index
          %get3A_368 = tpu.vector_load %arg13[%get3A_366, %get3A_367] {strides = array<i32>} : memref<128x256xf32, #tpu.memory_space<vmem>>, vector<1x16xf32>,
          %get3A_369 = vector.shape_cast %get3A_368 : vector<1x16xf32> to vector<16xf32>
          %add3A_370 = arith.addf %add3A_361, %get3A_369 : vector<16xf32>
          %get3A_371 = arith.index_cast %scan3A_253 : i32 to index
          %get3A_372 = arith.constant 32 : index
          %get3A_373 = tpu.vector_load %arg15[%get3A_371, %get3A_372] {strides = array<i32>} : memref<64x256xf32, #tpu.memory_space<vmem>>, vector<1x16xf32>,
          %get3A_374 = vector.shape_cast %get3A_373 : vector<1x16xf32> to vector<16xf32>
          %add3A_375 = arith.addf %add3A_370, %get3A_374 : vector<16xf32>
          %swap3A_376 = arith.index_cast %scan3A_253 : i32 to index
          %swap3A_377 = arith.constant 32 : index
          %swap3A_378 = tpu.vector_load %arg17[%swap3A_376, %swap3A_377] {strides = array<i32>} : memref<32x256xf32, #tpu.memory_space<vmem>>, vector<1x16xf32>,
          %swap3A_379 = vector.shape_cast %swap3A_378 : vector<1x16xf32> to vector<16xf32>
          %swap3A_380 = vector.shape_cast %add3A_375 : vector<16xf32> to vector<1x16xf32>
          tpu.vector_store %arg17[%swap3A_376, %swap3A_377], %swap3A_380 {strides = array<i32>} : memref<32x256xf32, #tpu.memory_space<vmem>>, vector<1x16xf32>,
          %mul3A_381 = arith.constant 4 : i32
          %mul3A_382 = arith.muli %mul3A_381, %scan3A_253 : i32
          %get3A_383 = arith.index_cast %mul3A_382 : i32 to index
          %get3A_384 = arith.constant 48 : index
          %get3A_385 = tpu.vector_load %arg13[%get3A_383, %get3A_384] {strides = array<i32>} : memref<128x256xf32, #tpu.memory_space<vmem>>, vector<1x16xf32>,
          %get3A_386 = vector.shape_cast %get3A_385 : vector<1x16xf32> to vector<16xf32>
          %mul3A_387 = arith.constant 4 : i32
          %mul3A_388 = arith.muli %mul3A_387, %scan3A_253 : i32
          %add3A_389 = arith.constant 1 : i32
          %add3A_390 = arith.addi %mul3A_388, %add3A_389 : i32
          %get3A_391 = arith.index_cast %add3A_390 : i32 to index
          %get3A_392 = arith.constant 48 : index
          %get3A_393 = tpu.vector_load %arg13[%get3A_391, %get3A_392] {strides = array<i32>} : memref<128x256xf32, #tpu.memory_space<vmem>>, vector<1x16xf32>,
          %get3A_394 = vector.shape_cast %get3A_393 : vector<1x16xf32> to vector<16xf32>
          %add3A_395 = arith.addf %get3A_386, %get3A_394 : vector<16xf32>
          %mul3A_396 = arith.constant 4 : i32
          %mul3A_397 = arith.muli %mul3A_396, %scan3A_253 : i32
          %add3A_398 = arith.constant 2 : i32
          %add3A_399 = arith.addi %mul3A_397, %add3A_398 : i32
          %get3A_400 = arith.index_cast %add3A_399 : i32 to index
          %get3A_401 = arith.constant 48 : index
          %get3A_402 = tpu.vector_load %arg13[%get3A_400, %get3A_401] {strides = array<i32>} : memref<128x256xf32, #tpu.memory_space<vmem>>, vector<1x16xf32>,
          %get3A_403 = vector.shape_cast %get3A_402 : vector<1x16xf32> to vector<16xf32>
          %add3A_404 = arith.addf %add3A_395, %get3A_403 : vector<16xf32>
          %mul3A_405 = arith.constant 4 : i32
          %mul3A_406 = arith.muli %mul3A_405, %scan3A_253 : i32
          %add3A_407 = arith.constant 3 : i32
          %add3A_408 = arith.addi %mul3A_406, %add3A_407 : i32
          %get3A_409 = arith.index_cast %add3A_408 : i32 to index
          %get3A_410 = arith.constant 48 : index
          %get3A_411 = tpu.vector_load %arg13[%get3A_409, %get3A_410] {strides = array<i32>} : memref<128x256xf32, #tpu.memory_space<vmem>>, vector<1x16xf32>,
          %get3A_412 = vector.shape_cast %get3A_411 : vector<1x16xf32> to vector<16xf32>
          %add3A_413 = arith.addf %add3A_404, %get3A_412 : vector<16xf32>
          %get3A_414 = arith.index_cast %scan3A_253 : i32 to index
          %get3A_415 = arith.constant 48 : index
          %get3A_416 = tpu.vector_load %arg15[%get3A_414, %get3A_415] {strides = array<i32>} : memref<64x256xf32, #tpu.memory_space<vmem>>, vector<1x16xf32>,
          %get3A_417 = vector.shape_cast %get3A_416 : vector<1x16xf32> to vector<16xf32>
          %add3A_418 = arith.addf %add3A_413, %get3A_417 : vector<16xf32>
          %swap3A_419 = arith.index_cast %scan3A_253 : i32 to index
          %swap3A_420 = arith.constant 48 : index
          %swap3A_421 = tpu.vector_load %arg17[%swap3A_419, %swap3A_420] {strides = array<i32>} : memref<32x256xf32, #tpu.memory_space<vmem>>, vector<1x16xf32>,
          %swap3A_422 = vector.shape_cast %swap3A_421 : vector<1x16xf32> to vector<16xf32>
          %swap3A_423 = vector.shape_cast %add3A_418 : vector<16xf32> to vector<1x16xf32>
          tpu.vector_store %arg17[%swap3A_419, %swap3A_420], %swap3A_423 {strides = array<i32>} : memref<32x256xf32, #tpu.memory_space<vmem>>, vector<1x16xf32>,
          %mul3A_424 = arith.constant 4 : i32
          %mul3A_425 = arith.muli %mul3A_424, %scan3A_253 : i32
          %get3A_426 = arith.index_cast %mul3A_425 : i32 to index
          %get3A_427 = arith.constant 64 : index
          %get3A_428 = tpu.vector_load %arg13[%get3A_426, %get3A_427] {strides = array<i32>} : memref<128x256xf32, #tpu.memory_space<vmem>>, vector<1x16xf32>,
          %get3A_429 = vector.shape_cast %get3A_428 : vector<1x16xf32> to vector<16xf32>
          %mul3A_430 = arith.constant 4 : i32
          %mul3A_431 = arith.muli %mul3A_430, %scan3A_253 : i32
          %add3A_432 = arith.constant 1 : i32
          %add3A_433 = arith.addi %mul3A_431, %add3A_432 : i32
          %get3A_434 = arith.index_cast %add3A_433 : i32 to index
          %get3A_435 = arith.constant 64 : index
          %get3A_436 = tpu.vector_load %arg13[%get3A_434, %get3A_435] {strides = array<i32>} : memref<128x256xf32, #tpu.memory_space<vmem>>, vector<1x16xf32>,
          %get3A_437 = vector.shape_cast %get3A_436 : vector<1x16xf32> to vector<16xf32>
          %add3A_438 = arith.addf %get3A_429, %get3A_437 : vector<16xf32>
          %mul3A_439 = arith.constant 4 : i32
          %mul3A_440 = arith.muli %mul3A_439, %scan3A_253 : i32
          %add3A_441 = arith.constant 2 : i32
          %add3A_442 = arith.addi %mul3A_440, %add3A_441 : i32
          %get3A_443 = arith.index_cast %add3A_442 : i32 to index
          %get3A_444 = arith.constant 64 : index
          %get3A_445 = tpu.vector_load %arg13[%get3A_443, %get3A_444] {strides = array<i32>} : memref<128x256xf32, #tpu.memory_space<vmem>>, vector<1x16xf32>,
          %get3A_446 = vector.shape_cast %get3A_445 : vector<1x16xf32> to vector<16xf32>
          %add3A_447 = arith.addf %add3A_438, %get3A_446 : vector<16xf32>
          %mul3A_448 = arith.constant 4 : i32
          %mul3A_449 = arith.muli %mul3A_448, %scan3A_253 : i32
          %add3A_450 = arith.constant 3 : i32
          %add3A_451 = arith.addi %mul3A_449, %add3A_450 : i32
          %get3A_452 = arith.index_cast %add3A_451 : i32 to index
          %get3A_453 = arith.constant 64 : index
          %get3A_454 = tpu.vector_load %arg13[%get3A_452, %get3A_453] {strides = array<i32>} : memref<128x256xf32, #tpu.memory_space<vmem>>, vector<1x16xf32>,
          %get3A_455 = vector.shape_cast %get3A_454 : vector<1x16xf32> to vector<16xf32>
          %add3A_456 = arith.addf %add3A_447, %get3A_455 : vector<16xf32>
          %get3A_457 = arith.index_cast %scan3A_253 : i32 to index
          %get3A_458 = arith.constant 64 : index
          %get3A_459 = tpu.vector_load %arg15[%get3A_457, %get3A_458] {strides = array<i32>} : memref<64x256xf32, #tpu.memory_space<vmem>>, vector<1x16xf32>,
          %get3A_460 = vector.shape_cast %get3A_459 : vector<1x16xf32> to vector<16xf32>
          %add3A_461 = arith.addf %add3A_456, %get3A_460 : vector<16xf32>
          %swap3A_462 = arith.index_cast %scan3A_253 : i32 to index
          %swap3A_463 = arith.constant 64 : index
          %swap3A_464 = tpu.vector_load %arg17[%swap3A_462, %swap3A_463] {strides = array<i32>} : memref<32x256xf32, #tpu.memory_space<vmem>>, vector<1x16xf32>,
          %swap3A_465 = vector.shape_cast %swap3A_464 : vector<1x16xf32> to vector<16xf32>
          %swap3A_466 = vector.shape_cast %add3A_461 : vector<16xf32> to vector<1x16xf32>
          tpu.vector_store %arg17[%swap3A_462, %swap3A_463], %swap3A_466 {strides = array<i32>} : memref<32x256xf32, #tpu.memory_space<vmem>>, vector<1x16xf32>,
          %mul3A_467 = arith.constant 4 : i32
          %mul3A_468 = arith.muli %mul3A_467, %scan3A_253 : i32
          %get3A_469 = arith.index_cast %mul3A_468 : i32 to index
          %get3A_470 = arith.constant 80 : index
          %get3A_471 = tpu.vector_load %arg13[%get3A_469, %get3A_470] {strides = array<i32>} : memref<128x256xf32, #tpu.memory_space<vmem>>, vector<1x16xf32>,
          %get3A_472 = vector.shape_cast %get3A_471 : vector<1x16xf32> to vector<16xf32>
          %mul3A_473 = arith.constant 4 : i32
          %mul3A_474 = arith.muli %mul3A_473, %scan3A_253 : i32
          %add3A_475 = arith.constant 1 : i32
          %add3A_476 = arith.addi %mul3A_474, %add3A_475 : i32
          %get3A_477 = arith.index_cast %add3A_476 : i32 to index
          %get3A_478 = arith.constant 80 : index
          %get3A_479 = tpu.vector_load %arg13[%get3A_477, %get3A_478] {strides = array<i32>} : memref<128x256xf32, #tpu.memory_space<vmem>>, vector<1x16xf32>,
          %get3A_480 = vector.shape_cast %get3A_479 : vector<1x16xf32> to vector<16xf32>
          %add3A_481 = arith.addf %get3A_472, %get3A_480 : vector<16xf32>
          %mul3A_482 = arith.constant 4 : i32
          %mul3A_483 = arith.muli %mul3A_482, %scan3A_253 : i32
          %add3A_484 = arith.constant 2 : i32
          %add3A_485 = arith.addi %mul3A_483, %add3A_484 : i32
          %get3A_486 = arith.index_cast %add3A_485 : i32 to index
          %get3A_487 = arith.constant 80 : index
          %get3A_488 = tpu.vector_load %arg13[%get3A_486, %get3A_487] {strides = array<i32>} : memref<128x256xf32, #tpu.memory_space<vmem>>, vector<1x16xf32>,
          %get3A_489 = vector.shape_cast %get3A_488 : vector<1x16xf32> to vector<16xf32>
          %add3A_490 = arith.addf %add3A_481, %get3A_489 : vector<16xf32>
          %mul3A_491 = arith.constant 4 : i32
          %mul3A_492 = arith.muli %mul3A_491, %scan3A_253 : i32
          %add3A_493 = arith.constant 3 : i32
          %add3A_494 = arith.addi %mul3A_492, %add3A_493 : i32
          %get3A_495 = arith.index_cast %add3A_494 : i32 to index
          %get3A_496 = arith.constant 80 : index
          %get3A_497 = tpu.vector_load %arg13[%get3A_495, %get3A_496] {strides = array<i32>} : memref<128x256xf32, #tpu.memory_space<vmem>>, vector<1x16xf32>,
          %get3A_498 = vector.shape_cast %get3A_497 : vector<1x16xf32> to vector<16xf32>
          %add3A_499 = arith.addf %add3A_490, %get3A_498 : vector<16xf32>
          %get3A_500 = arith.index_cast %scan3A_253 : i32 to index
          %get3A_501 = arith.constant 80 : index
          %get3A_502 = tpu.vector_load %arg15[%get3A_500, %get3A_501] {strides = array<i32>} : memref<64x256xf32, #tpu.memory_space<vmem>>, vector<1x16xf32>,
          %get3A_503 = vector.shape_cast %get3A_502 : vector<1x16xf32> to vector<16xf32>
          %add3A_504 = arith.addf %add3A_499, %get3A_503 : vector<16xf32>
          %swap3A_505 = arith.index_cast %scan3A_253 : i32 to index
          %swap3A_506 = arith.constant 80 : index
          %swap3A_507 = tpu.vector_load %arg17[%swap3A_505, %swap3A_506] {strides = array<i32>} : memref<32x256xf32, #tpu.memory_space<vmem>>, vector<1x16xf32>,
          %swap3A_508 = vector.shape_cast %swap3A_507 : vector<1x16xf32> to vector<16xf32>
          %swap3A_509 = vector.shape_cast %add3A_504 : vector<16xf32> to vector<1x16xf32>
          tpu.vector_store %arg17[%swap3A_505, %swap3A_506], %swap3A_509 {strides = array<i32>} : memref<32x256xf32, #tpu.memory_space<vmem>>, vector<1x16xf32>,
          %mul3A_510 = arith.constant 4 : i32
          %mul3A_511 = arith.muli %mul3A_510, %scan3A_253 : i32
          %get3A_512 = arith.index_cast %mul3A_511 : i32 to index
          %get3A_513 = arith.constant 96 : index
          %get3A_514 = tpu.vector_load %arg13[%get3A_512, %get3A_513] {strides = array<i32>} : memref<128x256xf32, #tpu.memory_space<vmem>>, vector<1x16xf32>,
          %get3A_515 = vector.shape_cast %get3A_514 : vector<1x16xf32> to vector<16xf32>
          %mul3A_516 = arith.constant 4 : i32
          %mul3A_517 = arith.muli %mul3A_516, %scan3A_253 : i32
          %add3A_518 = arith.constant 1 : i32
          %add3A_519 = arith.addi %mul3A_517, %add3A_518 : i32
          %get3A_520 = arith.index_cast %add3A_519 : i32 to index
          %get3A_521 = arith.constant 96 : index
          %get3A_522 = tpu.vector_load %arg13[%get3A_520, %get3A_521] {strides = array<i32>} : memref<128x256xf32, #tpu.memory_space<vmem>>, vector<1x16xf32>,
          %get3A_523 = vector.shape_cast %get3A_522 : vector<1x16xf32> to vector<16xf32>
          %add3A_524 = arith.addf %get3A_515, %get3A_523 : vector<16xf32>
          %mul3A_525 = arith.constant 4 : i32
          %mul3A_526 = arith.muli %mul3A_525, %scan3A_253 : i32
          %add3A_527 = arith.constant 2 : i32
          %add3A_528 = arith.addi %mul3A_526, %add3A_527 : i32
          %get3A_529 = arith.index_cast %add3A_528 : i32 to index
          %get3A_530 = arith.constant 96 : index
          %get3A_531 = tpu.vector_load %arg13[%get3A_529, %get3A_530] {strides = array<i32>} : memref<128x256xf32, #tpu.memory_space<vmem>>, vector<1x16xf32>,
          %get3A_532 = vector.shape_cast %get3A_531 : vector<1x16xf32> to vector<16xf32>
          %add3A_533 = arith.addf %add3A_524, %get3A_532 : vector<16xf32>
          %mul3A_534 = arith.constant 4 : i32
          %mul3A_535 = arith.muli %mul3A_534, %scan3A_253 : i32
          %add3A_536 = arith.constant 3 : i32
          %add3A_537 = arith.addi %mul3A_535, %add3A_536 : i32
          %get3A_538 = arith.index_cast %add3A_537 : i32 to index
          %get3A_539 = arith.constant 96 : index
          %get3A_540 = tpu.vector_load %arg13[%get3A_538, %get3A_539] {strides = array<i32>} : memref<128x256xf32, #tpu.memory_space<vmem>>, vector<1x16xf32>,
          %get3A_541 = vector.shape_cast %get3A_540 : vector<1x16xf32> to vector<16xf32>
          %add3A_542 = arith.addf %add3A_533, %get3A_541 : vector<16xf32>
          %get3A_543 = arith.index_cast %scan3A_253 : i32 to index
          %get3A_544 = arith.constant 96 : index
          %get3A_545 = tpu.vector_load %arg15[%get3A_543, %get3A_544] {strides = array<i32>} : memref<64x256xf32, #tpu.memory_space<vmem>>, vector<1x16xf32>,
          %get3A_546 = vector.shape_cast %get3A_545 : vector<1x16xf32> to vector<16xf32>
          %add3A_547 = arith.addf %add3A_542, %get3A_546 : vector<16xf32>
          %swap3A_548 = arith.index_cast %scan3A_253 : i32 to index
          %swap3A_549 = arith.constant 96 : index
          %swap3A_550 = tpu.vector_load %arg17[%swap3A_548, %swap3A_549] {strides = array<i32>} : memref<32x256xf32, #tpu.memory_space<vmem>>, vector<1x16xf32>,
          %swap3A_551 = vector.shape_cast %swap3A_550 : vector<1x16xf32> to vector<16xf32>
          %swap3A_552 = vector.shape_cast %add3A_547 : vector<16xf32> to vector<1x16xf32>
          tpu.vector_store %arg17[%swap3A_548, %swap3A_549], %swap3A_552 {strides = array<i32>} : memref<32x256xf32, #tpu.memory_space<vmem>>, vector<1x16xf32>,
          %mul3A_553 = arith.constant 4 : i32
          %mul3A_554 = arith.muli %mul3A_553, %scan3A_253 : i32
          %get3A_555 = arith.index_cast %mul3A_554 : i32 to index
          %get3A_556 = arith.constant 112 : index
          %get3A_557 = tpu.vector_load %arg13[%get3A_555, %get3A_556] {strides = array<i32>} : memref<128x256xf32, #tpu.memory_space<vmem>>, vector<1x16xf32>,
          %get3A_558 = vector.shape_cast %get3A_557 : vector<1x16xf32> to vector<16xf32>
          %mul3A_559 = arith.constant 4 : i32
          %mul3A_560 = arith.muli %mul3A_559, %scan3A_253 : i32
          %add3A_561 = arith.constant 1 : i32
          %add3A_562 = arith.addi %mul3A_560, %add3A_561 : i32
          %get3A_563 = arith.index_cast %add3A_562 : i32 to index
          %get3A_564 = arith.constant 112 : index
          %get3A_565 = tpu.vector_load %arg13[%get3A_563, %get3A_564] {strides = array<i32>} : memref<128x256xf32, #tpu.memory_space<vmem>>, vector<1x16xf32>,
          %get3A_566 = vector.shape_cast %get3A_565 : vector<1x16xf32> to vector<16xf32>
          %add3A_567 = arith.addf %get3A_558, %get3A_566 : vector<16xf32>
          %mul3A_568 = arith.constant 4 : i32
          %mul3A_569 = arith.muli %mul3A_568, %scan3A_253 : i32
          %add3A_570 = arith.constant 2 : i32
          %add3A_571 = arith.addi %mul3A_569, %add3A_570 : i32
          %get3A_572 = arith.index_cast %add3A_571 : i32 to index
          %get3A_573 = arith.constant 112 : index
          %get3A_574 = tpu.vector_load %arg13[%get3A_572, %get3A_573] {strides = array<i32>} : memref<128x256xf32, #tpu.memory_space<vmem>>, vector<1x16xf32>,
          %get3A_575 = vector.shape_cast %get3A_574 : vector<1x16xf32> to vector<16xf32>
          %add3A_576 = arith.addf %add3A_567, %get3A_575 : vector<16xf32>
          %mul3A_577 = arith.constant 4 : i32
          %mul3A_578 = arith.muli %mul3A_577, %scan3A_253 : i32
          %add3A_579 = arith.constant 3 : i32
          %add3A_580 = arith.addi %mul3A_578, %add3A_579 : i32
          %get3A_581 = arith.index_cast %add3A_580 : i32 to index
          %get3A_582 = arith.constant 112 : index
          %get3A_583 = tpu.vector_load %arg13[%get3A_581, %get3A_582] {strides = array<i32>} : memref<128x256xf32, #tpu.memory_space<vmem>>, vector<1x16xf32>,
          %get3A_584 = vector.shape_cast %get3A_583 : vector<1x16xf32> to vector<16xf32>
          %add3A_585 = arith.addf %add3A_576, %get3A_584 : vector<16xf32>
          %get3A_586 = arith.index_cast %scan3A_253 : i32 to index
          %get3A_587 = arith.constant 112 : index
          %get3A_588 = tpu.vector_load %arg15[%get3A_586, %get3A_587] {strides = array<i32>} : memref<64x256xf32, #tpu.memory_space<vmem>>, vector<1x16xf32>,
          %get3A_589 = vector.shape_cast %get3A_588 : vector<1x16xf32> to vector<16xf32>
          %add3A_590 = arith.addf %add3A_585, %get3A_589 : vector<16xf32>
          %swap3A_591 = arith.index_cast %scan3A_253 : i32 to index
          %swap3A_592 = arith.constant 112 : index
          %swap3A_593 = tpu.vector_load %arg17[%swap3A_591, %swap3A_592] {strides = array<i32>} : memref<32x256xf32, #tpu.memory_space<vmem>>, vector<1x16xf32>,
          %swap3A_594 = vector.shape_cast %swap3A_593 : vector<1x16xf32> to vector<16xf32>
          %swap3A_595 = vector.shape_cast %add3A_590 : vector<16xf32> to vector<1x16xf32>
          tpu.vector_store %arg17[%swap3A_591, %swap3A_592], %swap3A_595 {strides = array<i32>} : memref<32x256xf32, #tpu.memory_space<vmem>>, vector<1x16xf32>,
          %mul3A_596 = arith.constant 4 : i32
          %mul3A_597 = arith.muli %mul3A_596, %scan3A_253 : i32
          %get3A_598 = arith.index_cast %mul3A_597 : i32 to index
          %get3A_599 = arith.constant 128 : index
          %get3A_600 = tpu.vector_load %arg13[%get3A_598, %get3A_599] {strides = array<i32>} : memref<128x256xf32, #tpu.memory_space<vmem>>, vector<1x16xf32>,
          %get3A_601 = vector.shape_cast %get3A_600 : vector<1x16xf32> to vector<16xf32>
          %mul3A_602 = arith.constant 4 : i32
          %mul3A_603 = arith.muli %mul3A_602, %scan3A_253 : i32
          %add3A_604 = arith.constant 1 : i32
          %add3A_605 = arith.addi %mul3A_603, %add3A_604 : i32
          %get3A_606 = arith.index_cast %add3A_605 : i32 to index
          %get3A_607 = arith.constant 128 : index
          %get3A_608 = tpu.vector_load %arg13[%get3A_606, %get3A_607] {strides = array<i32>} : memref<128x256xf32, #tpu.memory_space<vmem>>, vector<1x16xf32>,
          %get3A_609 = vector.shape_cast %get3A_608 : vector<1x16xf32> to vector<16xf32>
          %add3A_610 = arith.addf %get3A_601, %get3A_609 : vector<16xf32>
          %mul3A_611 = arith.constant 4 : i32
          %mul3A_612 = arith.muli %mul3A_611, %scan3A_253 : i32
          %add3A_613 = arith.constant 2 : i32
          %add3A_614 = arith.addi %mul3A_612, %add3A_613 : i32
          %get3A_615 = arith.index_cast %add3A_614 : i32 to index
          %get3A_616 = arith.constant 128 : index
          %get3A_617 = tpu.vector_load %arg13[%get3A_615, %get3A_616] {strides = array<i32>} : memref<128x256xf32, #tpu.memory_space<vmem>>, vector<1x16xf32>,
          %get3A_618 = vector.shape_cast %get3A_617 : vector<1x16xf32> to vector<16xf32>
          %add3A_619 = arith.addf %add3A_610, %get3A_618 : vector<16xf32>
          %mul3A_620 = arith.constant 4 : i32
          %mul3A_621 = arith.muli %mul3A_620, %scan3A_253 : i32
          %add3A_622 = arith.constant 3 : i32
          %add3A_623 = arith.addi %mul3A_621, %add3A_622 : i32
          %get3A_624 = arith.index_cast %add3A_623 : i32 to index
          %get3A_625 = arith.constant 128 : index
          %get3A_626 = tpu.vector_load %arg13[%get3A_624, %get3A_625] {strides = array<i32>} : memref<128x256xf32, #tpu.memory_space<vmem>>, vector<1x16xf32>,
          %get3A_627 = vector.shape_cast %get3A_626 : vector<1x16xf32> to vector<16xf32>
          %add3A_628 = arith.addf %add3A_619, %get3A_627 : vector<16xf32>
          %get3A_629 = arith.index_cast %scan3A_253 : i32 to index
          %get3A_630 = arith.constant 128 : index
          %get3A_631 = tpu.vector_load %arg15[%get3A_629, %get3A_630] {strides = array<i32>} : memref<64x256xf32, #tpu.memory_space<vmem>>, vector<1x16xf32>,
          %get3A_632 = vector.shape_cast %get3A_631 : vector<1x16xf32> to vector<16xf32>
          %add3A_633 = arith.addf %add3A_628, %get3A_632 : vector<16xf32>
          %swap3A_634 = arith.index_cast %scan3A_253 : i32 to index
          %swap3A_635 = arith.constant 128 : index
          %swap3A_636 = tpu.vector_load %arg17[%swap3A_634, %swap3A_635] {strides = array<i32>} : memref<32x256xf32, #tpu.memory_space<vmem>>, vector<1x16xf32>,
          %swap3A_637 = vector.shape_cast %swap3A_636 : vector<1x16xf32> to vector<16xf32>
          %swap3A_638 = vector.shape_cast %add3A_633 : vector<16xf32> to vector<1x16xf32>
          tpu.vector_store %arg17[%swap3A_634, %swap3A_635], %swap3A_638 {strides = array<i32>} : memref<32x256xf32, #tpu.memory_space<vmem>>, vector<1x16xf32>,
          %mul3A_639 = arith.constant 4 : i32
          %mul3A_640 = arith.muli %mul3A_639, %scan3A_253 : i32
          %get3A_641 = arith.index_cast %mul3A_640 : i32 to index
          %get3A_642 = arith.constant 144 : index
          %get3A_643 = tpu.vector_load %arg13[%get3A_641, %get3A_642] {strides = array<i32>} : memref<128x256xf32, #tpu.memory_space<vmem>>, vector<1x16xf32>,
          %get3A_644 = vector.shape_cast %get3A_643 : vector<1x16xf32> to vector<16xf32>
          %mul3A_645 = arith.constant 4 : i32
          %mul3A_646 = arith.muli %mul3A_645, %scan3A_253 : i32
          %add3A_647 = arith.constant 1 : i32
          %add3A_648 = arith.addi %mul3A_646, %add3A_647 : i32
          %get3A_649 = arith.index_cast %add3A_648 : i32 to index
          %get3A_650 = arith.constant 144 : index
          %get3A_651 = tpu.vector_load %arg13[%get3A_649, %get3A_650] {strides = array<i32>} : memref<128x256xf32, #tpu.memory_space<vmem>>, vector<1x16xf32>,
          %get3A_652 = vector.shape_cast %get3A_651 : vector<1x16xf32> to vector<16xf32>
          %add3A_653 = arith.addf %get3A_644, %get3A_652 : vector<16xf32>
          %mul3A_654 = arith.constant 4 : i32
          %mul3A_655 = arith.muli %mul3A_654, %scan3A_253 : i32
          %add3A_656 = arith.constant 2 : i32
          %add3A_657 = arith.addi %mul3A_655, %add3A_656 : i32
          %get3A_658 = arith.index_cast %add3A_657 : i32 to index
          %get3A_659 = arith.constant 144 : index
          %get3A_660 = tpu.vector_load %arg13[%get3A_658, %get3A_659] {strides = array<i32>} : memref<128x256xf32, #tpu.memory_space<vmem>>, vector<1x16xf32>,
          %get3A_661 = vector.shape_cast %get3A_660 : vector<1x16xf32> to vector<16xf32>
          %add3A_662 = arith.addf %add3A_653, %get3A_661 : vector<16xf32>
          %mul3A_663 = arith.constant 4 : i32
          %mul3A_664 = arith.muli %mul3A_663, %scan3A_253 : i32
          %add3A_665 = arith.constant 3 : i32
          %add3A_666 = arith.addi %mul3A_664, %add3A_665 : i32
          %get3A_667 = arith.index_cast %add3A_666 : i32 to index
          %get3A_668 = arith.constant 144 : index
          %get3A_669 = tpu.vector_load %arg13[%get3A_667, %get3A_668] {strides = array<i32>} : memref<128x256xf32, #tpu.memory_space<vmem>>, vector<1x16xf32>,
          %get3A_670 = vector.shape_cast %get3A_669 : vector<1x16xf32> to vector<16xf32>
          %add3A_671 = arith.addf %add3A_662, %get3A_670 : vector<16xf32>
          %get3A_672 = arith.index_cast %scan3A_253 : i32 to index
          %get3A_673 = arith.constant 144 : index
          %get3A_674 = tpu.vector_load %arg15[%get3A_672, %get3A_673] {strides = array<i32>} : memref<64x256xf32, #tpu.memory_space<vmem>>, vector<1x16xf32>,
          %get3A_675 = vector.shape_cast %get3A_674 : vector<1x16xf32> to vector<16xf32>
          %add3A_676 = arith.addf %add3A_671, %get3A_675 : vector<16xf32>
          %swap3A_677 = arith.index_cast %scan3A_253 : i32 to index
          %swap3A_678 = arith.constant 144 : index
          %swap3A_679 = tpu.vector_load %arg17[%swap3A_677, %swap3A_678] {strides = array<i32>} : memref<32x256xf32, #tpu.memory_space<vmem>>, vector<1x16xf32>,
          %swap3A_680 = vector.shape_cast %swap3A_679 : vector<1x16xf32> to vector<16xf32>
          %swap3A_681 = vector.shape_cast %add3A_676 : vector<16xf32> to vector<1x16xf32>
          tpu.vector_store %arg17[%swap3A_677, %swap3A_678], %swap3A_681 {strides = array<i32>} : memref<32x256xf32, #tpu.memory_space<vmem>>, vector<1x16xf32>,
          %mul3A_682 = arith.constant 4 : i32
          %mul3A_683 = arith.muli %mul3A_682, %scan3A_253 : i32
          %get3A_684 = arith.index_cast %mul3A_683 : i32 to index
          %get3A_685 = arith.constant 160 : index
          %get3A_686 = tpu.vector_load %arg13[%get3A_684, %get3A_685] {strides = array<i32>} : memref<128x256xf32, #tpu.memory_space<vmem>>, vector<1x16xf32>,
          %get3A_687 = vector.shape_cast %get3A_686 : vector<1x16xf32> to vector<16xf32>
          %mul3A_688 = arith.constant 4 : i32
          %mul3A_689 = arith.muli %mul3A_688, %scan3A_253 : i32
          %add3A_690 = arith.constant 1 : i32
          %add3A_691 = arith.addi %mul3A_689, %add3A_690 : i32
          %get3A_692 = arith.index_cast %add3A_691 : i32 to index
          %get3A_693 = arith.constant 160 : index
          %get3A_694 = tpu.vector_load %arg13[%get3A_692, %get3A_693] {strides = array<i32>} : memref<128x256xf32, #tpu.memory_space<vmem>>, vector<1x16xf32>,
          %get3A_695 = vector.shape_cast %get3A_694 : vector<1x16xf32> to vector<16xf32>
          %add3A_696 = arith.addf %get3A_687, %get3A_695 : vector<16xf32>
          %mul3A_697 = arith.constant 4 : i32
          %mul3A_698 = arith.muli %mul3A_697, %scan3A_253 : i32
          %add3A_699 = arith.constant 2 : i32
          %add3A_700 = arith.addi %mul3A_698, %add3A_699 : i32
          %get3A_701 = arith.index_cast %add3A_700 : i32 to index
          %get3A_702 = arith.constant 160 : index
          %get3A_703 = tpu.vector_load %arg13[%get3A_701, %get3A_702] {strides = array<i32>} : memref<128x256xf32, #tpu.memory_space<vmem>>, vector<1x16xf32>,
          %get3A_704 = vector.shape_cast %get3A_703 : vector<1x16xf32> to vector<16xf32>
          %add3A_705 = arith.addf %add3A_696, %get3A_704 : vector<16xf32>
          %mul3A_706 = arith.constant 4 : i32
          %mul3A_707 = arith.muli %mul3A_706, %scan3A_253 : i32
          %add3A_708 = arith.constant 3 : i32
          %add3A_709 = arith.addi %mul3A_707, %add3A_708 : i32
          %get3A_710 = arith.index_cast %add3A_709 : i32 to index
          %get3A_711 = arith.constant 160 : index
          %get3A_712 = tpu.vector_load %arg13[%get3A_710, %get3A_711] {strides = array<i32>} : memref<128x256xf32, #tpu.memory_space<vmem>>, vector<1x16xf32>,
          %get3A_713 = vector.shape_cast %get3A_712 : vector<1x16xf32> to vector<16xf32>
          %add3A_714 = arith.addf %add3A_705, %get3A_713 : vector<16xf32>
          %get3A_715 = arith.index_cast %scan3A_253 : i32 to index
          %get3A_716 = arith.constant 160 : index
          %get3A_717 = tpu.vector_load %arg15[%get3A_715, %get3A_716] {strides = array<i32>} : memref<64x256xf32, #tpu.memory_space<vmem>>, vector<1x16xf32>,
          %get3A_718 = vector.shape_cast %get3A_717 : vector<1x16xf32> to vector<16xf32>
          %add3A_719 = arith.addf %add3A_714, %get3A_718 : vector<16xf32>
          %swap3A_720 = arith.index_cast %scan3A_253 : i32 to index
          %swap3A_721 = arith.constant 160 : index
          %swap3A_722 = tpu.vector_load %arg17[%swap3A_720, %swap3A_721] {strides = array<i32>} : memref<32x256xf32, #tpu.memory_space<vmem>>, vector<1x16xf32>,
          %swap3A_723 = vector.shape_cast %swap3A_722 : vector<1x16xf32> to vector<16xf32>
          %swap3A_724 = vector.shape_cast %add3A_719 : vector<16xf32> to vector<1x16xf32>
          tpu.vector_store %arg17[%swap3A_720, %swap3A_721], %swap3A_724 {strides = array<i32>} : memref<32x256xf32, #tpu.memory_space<vmem>>, vector<1x16xf32>,
          %mul3A_725 = arith.constant 4 : i32
          %mul3A_726 = arith.muli %mul3A_725, %scan3A_253 : i32
          %get3A_727 = arith.index_cast %mul3A_726 : i32 to index
          %get3A_728 = arith.constant 176 : index
          %get3A_729 = tpu.vector_load %arg13[%get3A_727, %get3A_728] {strides = array<i32>} : memref<128x256xf32, #tpu.memory_space<vmem>>, vector<1x16xf32>,
          %get3A_730 = vector.shape_cast %get3A_729 : vector<1x16xf32> to vector<16xf32>
          %mul3A_731 = arith.constant 4 : i32
          %mul3A_732 = arith.muli %mul3A_731, %scan3A_253 : i32
          %add3A_733 = arith.constant 1 : i32
          %add3A_734 = arith.addi %mul3A_732, %add3A_733 : i32
          %get3A_735 = arith.index_cast %add3A_734 : i32 to index
          %get3A_736 = arith.constant 176 : index
          %get3A_737 = tpu.vector_load %arg13[%get3A_735, %get3A_736] {strides = array<i32>} : memref<128x256xf32, #tpu.memory_space<vmem>>, vector<1x16xf32>,
          %get3A_738 = vector.shape_cast %get3A_737 : vector<1x16xf32> to vector<16xf32>
          %add3A_739 = arith.addf %get3A_730, %get3A_738 : vector<16xf32>
          %mul3A_740 = arith.constant 4 : i32
          %mul3A_741 = arith.muli %mul3A_740, %scan3A_253 : i32
          %add3A_742 = arith.constant 2 : i32
          %add3A_743 = arith.addi %mul3A_741, %add3A_742 : i32
          %get3A_744 = arith.index_cast %add3A_743 : i32 to index
          %get3A_745 = arith.constant 176 : index
          %get3A_746 = tpu.vector_load %arg13[%get3A_744, %get3A_745] {strides = array<i32>} : memref<128x256xf32, #tpu.memory_space<vmem>>, vector<1x16xf32>,
          %get3A_747 = vector.shape_cast %get3A_746 : vector<1x16xf32> to vector<16xf32>
          %add3A_748 = arith.addf %add3A_739, %get3A_747 : vector<16xf32>
          %mul3A_749 = arith.constant 4 : i32
          %mul3A_750 = arith.muli %mul3A_749, %scan3A_253 : i32
          %add3A_751 = arith.constant 3 : i32
          %add3A_752 = arith.addi %mul3A_750, %add3A_751 : i32
          %get3A_753 = arith.index_cast %add3A_752 : i32 to index
          %get3A_754 = arith.constant 176 : index
          %get3A_755 = tpu.vector_load %arg13[%get3A_753, %get3A_754] {strides = array<i32>} : memref<128x256xf32, #tpu.memory_space<vmem>>, vector<1x16xf32>,
          %get3A_756 = vector.shape_cast %get3A_755 : vector<1x16xf32> to vector<16xf32>
          %add3A_757 = arith.addf %add3A_748, %get3A_756 : vector<16xf32>
          %get3A_758 = arith.index_cast %scan3A_253 : i32 to index
          %get3A_759 = arith.constant 176 : index
          %get3A_760 = tpu.vector_load %arg15[%get3A_758, %get3A_759] {strides = array<i32>} : memref<64x256xf32, #tpu.memory_space<vmem>>, vector<1x16xf32>,
          %get3A_761 = vector.shape_cast %get3A_760 : vector<1x16xf32> to vector<16xf32>
          %add3A_762 = arith.addf %add3A_757, %get3A_761 : vector<16xf32>
          %swap3A_763 = arith.index_cast %scan3A_253 : i32 to index
          %swap3A_764 = arith.constant 176 : index
          %swap3A_765 = tpu.vector_load %arg17[%swap3A_763, %swap3A_764] {strides = array<i32>} : memref<32x256xf32, #tpu.memory_space<vmem>>, vector<1x16xf32>,
          %swap3A_766 = vector.shape_cast %swap3A_765 : vector<1x16xf32> to vector<16xf32>
          %swap3A_767 = vector.shape_cast %add3A_762 : vector<16xf32> to vector<1x16xf32>
          tpu.vector_store %arg17[%swap3A_763, %swap3A_764], %swap3A_767 {strides = array<i32>} : memref<32x256xf32, #tpu.memory_space<vmem>>, vector<1x16xf32>,
          %mul3A_768 = arith.constant 4 : i32
          %mul3A_769 = arith.muli %mul3A_768, %scan3A_253 : i32
          %get3A_770 = arith.index_cast %mul3A_769 : i32 to index
          %get3A_771 = arith.constant 192 : index
          %get3A_772 = tpu.vector_load %arg13[%get3A_770, %get3A_771] {strides = array<i32>} : memref<128x256xf32, #tpu.memory_space<vmem>>, vector<1x16xf32>,
          %get3A_773 = vector.shape_cast %get3A_772 : vector<1x16xf32> to vector<16xf32>
          %mul3A_774 = arith.constant 4 : i32
          %mul3A_775 = arith.muli %mul3A_774, %scan3A_253 : i32
          %add3A_776 = arith.constant 1 : i32
          %add3A_777 = arith.addi %mul3A_775, %add3A_776 : i32
          %get3A_778 = arith.index_cast %add3A_777 : i32 to index
          %get3A_779 = arith.constant 192 : index
          %get3A_780 = tpu.vector_load %arg13[%get3A_778, %get3A_779] {strides = array<i32>} : memref<128x256xf32, #tpu.memory_space<vmem>>, vector<1x16xf32>,
          %get3A_781 = vector.shape_cast %get3A_780 : vector<1x16xf32> to vector<16xf32>
          %add3A_782 = arith.addf %get3A_773, %get3A_781 : vector<16xf32>
          %mul3A_783 = arith.constant 4 : i32
          %mul3A_784 = arith.muli %mul3A_783, %scan3A_253 : i32
          %add3A_785 = arith.constant 2 : i32
          %add3A_786 = arith.addi %mul3A_784, %add3A_785 : i32
          %get3A_787 = arith.index_cast %add3A_786 : i32 to index
          %get3A_788 = arith.constant 192 : index
          %get3A_789 = tpu.vector_load %arg13[%get3A_787, %get3A_788] {strides = array<i32>} : memref<128x256xf32, #tpu.memory_space<vmem>>, vector<1x16xf32>,
          %get3A_790 = vector.shape_cast %get3A_789 : vector<1x16xf32> to vector<16xf32>
          %add3A_791 = arith.addf %add3A_782, %get3A_790 : vector<16xf32>
          %mul3A_792 = arith.constant 4 : i32
          %mul3A_793 = arith.muli %mul3A_792, %scan3A_253 : i32
          %add3A_794 = arith.constant 3 : i32
          %add3A_795 = arith.addi %mul3A_793, %add3A_794 : i32
          %get3A_796 = arith.index_cast %add3A_795 : i32 to index
          %get3A_797 = arith.constant 192 : index
          %get3A_798 = tpu.vector_load %arg13[%get3A_796, %get3A_797] {strides = array<i32>} : memref<128x256xf32, #tpu.memory_space<vmem>>, vector<1x16xf32>,
          %get3A_799 = vector.shape_cast %get3A_798 : vector<1x16xf32> to vector<16xf32>
          %add3A_800 = arith.addf %add3A_791, %get3A_799 : vector<16xf32>
          %get3A_801 = arith.index_cast %scan3A_253 : i32 to index
          %get3A_802 = arith.constant 192 : index
          %get3A_803 = tpu.vector_load %arg15[%get3A_801, %get3A_802] {strides = array<i32>} : memref<64x256xf32, #tpu.memory_space<vmem>>, vector<1x16xf32>,
          %get3A_804 = vector.shape_cast %get3A_803 : vector<1x16xf32> to vector<16xf32>
          %add3A_805 = arith.addf %add3A_800, %get3A_804 : vector<16xf32>
          %swap3A_806 = arith.index_cast %scan3A_253 : i32 to index
          %swap3A_807 = arith.constant 192 : index
          %swap3A_808 = tpu.vector_load %arg17[%swap3A_806, %swap3A_807] {strides = array<i32>} : memref<32x256xf32, #tpu.memory_space<vmem>>, vector<1x16xf32>,
          %swap3A_809 = vector.shape_cast %swap3A_808 : vector<1x16xf32> to vector<16xf32>
          %swap3A_810 = vector.shape_cast %add3A_805 : vector<16xf32> to vector<1x16xf32>
          tpu.vector_store %arg17[%swap3A_806, %swap3A_807], %swap3A_810 {strides = array<i32>} : memref<32x256xf32, #tpu.memory_space<vmem>>, vector<1x16xf32>,
          %mul3A_811 = arith.constant 4 : i32
          %mul3A_812 = arith.muli %mul3A_811, %scan3A_253 : i32
          %get3A_813 = arith.index_cast %mul3A_812 : i32 to index
          %get3A_814 = arith.constant 208 : index
          %get3A_815 = tpu.vector_load %arg13[%get3A_813, %get3A_814] {strides = array<i32>} : memref<128x256xf32, #tpu.memory_space<vmem>>, vector<1x16xf32>,
          %get3A_816 = vector.shape_cast %get3A_815 : vector<1x16xf32> to vector<16xf32>
          %mul3A_817 = arith.constant 4 : i32
          %mul3A_818 = arith.muli %mul3A_817, %scan3A_253 : i32
          %add3A_819 = arith.constant 1 : i32
          %add3A_820 = arith.addi %mul3A_818, %add3A_819 : i32
          %get3A_821 = arith.index_cast %add3A_820 : i32 to index
          %get3A_822 = arith.constant 208 : index
          %get3A_823 = tpu.vector_load %arg13[%get3A_821, %get3A_822] {strides = array<i32>} : memref<128x256xf32, #tpu.memory_space<vmem>>, vector<1x16xf32>,
          %get3A_824 = vector.shape_cast %get3A_823 : vector<1x16xf32> to vector<16xf32>
          %add3A_825 = arith.addf %get3A_816, %get3A_824 : vector<16xf32>
          %mul3A_826 = arith.constant 4 : i32
          %mul3A_827 = arith.muli %mul3A_826, %scan3A_253 : i32
          %add3A_828 = arith.constant 2 : i32
          %add3A_829 = arith.addi %mul3A_827, %add3A_828 : i32
          %get3A_830 = arith.index_cast %add3A_829 : i32 to index
          %get3A_831 = arith.constant 208 : index
          %get3A_832 = tpu.vector_load %arg13[%get3A_830, %get3A_831] {strides = array<i32>} : memref<128x256xf32, #tpu.memory_space<vmem>>, vector<1x16xf32>,
          %get3A_833 = vector.shape_cast %get3A_832 : vector<1x16xf32> to vector<16xf32>
          %add3A_834 = arith.addf %add3A_825, %get3A_833 : vector<16xf32>
          %mul3A_835 = arith.constant 4 : i32
          %mul3A_836 = arith.muli %mul3A_835, %scan3A_253 : i32
          %add3A_837 = arith.constant 3 : i32
          %add3A_838 = arith.addi %mul3A_836, %add3A_837 : i32
          %get3A_839 = arith.index_cast %add3A_838 : i32 to index
          %get3A_840 = arith.constant 208 : index
          %get3A_841 = tpu.vector_load %arg13[%get3A_839, %get3A_840] {strides = array<i32>} : memref<128x256xf32, #tpu.memory_space<vmem>>, vector<1x16xf32>,
          %get3A_842 = vector.shape_cast %get3A_841 : vector<1x16xf32> to vector<16xf32>
          %add3A_843 = arith.addf %add3A_834, %get3A_842 : vector<16xf32>
          %get3A_844 = arith.index_cast %scan3A_253 : i32 to index
          %get3A_845 = arith.constant 208 : index
          %get3A_846 = tpu.vector_load %arg15[%get3A_844, %get3A_845] {strides = array<i32>} : memref<64x256xf32, #tpu.memory_space<vmem>>, vector<1x16xf32>,
          %get3A_847 = vector.shape_cast %get3A_846 : vector<1x16xf32> to vector<16xf32>
          %add3A_848 = arith.addf %add3A_843, %get3A_847 : vector<16xf32>
          %swap3A_849 = arith.index_cast %scan3A_253 : i32 to index
          %swap3A_850 = arith.constant 208 : index
          %swap3A_851 = tpu.vector_load %arg17[%swap3A_849, %swap3A_850] {strides = array<i32>} : memref<32x256xf32, #tpu.memory_space<vmem>>, vector<1x16xf32>,
          %swap3A_852 = vector.shape_cast %swap3A_851 : vector<1x16xf32> to vector<16xf32>
          %swap3A_853 = vector.shape_cast %add3A_848 : vector<16xf32> to vector<1x16xf32>
          tpu.vector_store %arg17[%swap3A_849, %swap3A_850], %swap3A_853 {strides = array<i32>} : memref<32x256xf32, #tpu.memory_space<vmem>>, vector<1x16xf32>,
          %mul3A_854 = arith.constant 4 : i32
          %mul3A_855 = arith.muli %mul3A_854, %scan3A_253 : i32
          %get3A_856 = arith.index_cast %mul3A_855 : i32 to index
          %get3A_857 = arith.constant 224 : index
          %get3A_858 = tpu.vector_load %arg13[%get3A_856, %get3A_857] {strides = array<i32>} : memref<128x256xf32, #tpu.memory_space<vmem>>, vector<1x16xf32>,
          %get3A_859 = vector.shape_cast %get3A_858 : vector<1x16xf32> to vector<16xf32>
          %mul3A_860 = arith.constant 4 : i32
          %mul3A_861 = arith.muli %mul3A_860, %scan3A_253 : i32
          %add3A_862 = arith.constant 1 : i32
          %add3A_863 = arith.addi %mul3A_861, %add3A_862 : i32
          %get3A_864 = arith.index_cast %add3A_863 : i32 to index
          %get3A_865 = arith.constant 224 : index
          %get3A_866 = tpu.vector_load %arg13[%get3A_864, %get3A_865] {strides = array<i32>} : memref<128x256xf32, #tpu.memory_space<vmem>>, vector<1x16xf32>,
          %get3A_867 = vector.shape_cast %get3A_866 : vector<1x16xf32> to vector<16xf32>
          %add3A_868 = arith.addf %get3A_859, %get3A_867 : vector<16xf32>
          %mul3A_869 = arith.constant 4 : i32
          %mul3A_870 = arith.muli %mul3A_869, %scan3A_253 : i32
          %add3A_871 = arith.constant 2 : i32
          %add3A_872 = arith.addi %mul3A_870, %add3A_871 : i32
          %get3A_873 = arith.index_cast %add3A_872 : i32 to index
          %get3A_874 = arith.constant 224 : index
          %get3A_875 = tpu.vector_load %arg13[%get3A_873, %get3A_874] {strides = array<i32>} : memref<128x256xf32, #tpu.memory_space<vmem>>, vector<1x16xf32>,
          %get3A_876 = vector.shape_cast %get3A_875 : vector<1x16xf32> to vector<16xf32>
          %add3A_877 = arith.addf %add3A_868, %get3A_876 : vector<16xf32>
          %mul3A_878 = arith.constant 4 : i32
          %mul3A_879 = arith.muli %mul3A_878, %scan3A_253 : i32
          %add3A_880 = arith.constant 3 : i32
          %add3A_881 = arith.addi %mul3A_879, %add3A_880 : i32
          %get3A_882 = arith.index_cast %add3A_881 : i32 to index
          %get3A_883 = arith.constant 224 : index
          %get3A_884 = tpu.vector_load %arg13[%get3A_882, %get3A_883] {strides = array<i32>} : memref<128x256xf32, #tpu.memory_space<vmem>>, vector<1x16xf32>,
          %get3A_885 = vector.shape_cast %get3A_884 : vector<1x16xf32> to vector<16xf32>
          %add3A_886 = arith.addf %add3A_877, %get3A_885 : vector<16xf32>
          %get3A_887 = arith.index_cast %scan3A_253 : i32 to index
          %get3A_888 = arith.constant 224 : index
          %get3A_889 = tpu.vector_load %arg15[%get3A_887, %get3A_888] {strides = array<i32>} : memref<64x256xf32, #tpu.memory_space<vmem>>, vector<1x16xf32>,
          %get3A_890 = vector.shape_cast %get3A_889 : vector<1x16xf32> to vector<16xf32>
          %add3A_891 = arith.addf %add3A_886, %get3A_890 : vector<16xf32>
          %swap3A_892 = arith.index_cast %scan3A_253 : i32 to index
          %swap3A_893 = arith.constant 224 : index
          %swap3A_894 = tpu.vector_load %arg17[%swap3A_892, %swap3A_893] {strides = array<i32>} : memref<32x256xf32, #tpu.memory_space<vmem>>, vector<1x16xf32>,
          %swap3A_895 = vector.shape_cast %swap3A_894 : vector<1x16xf32> to vector<16xf32>
          %swap3A_896 = vector.shape_cast %add3A_891 : vector<16xf32> to vector<1x16xf32>
          tpu.vector_store %arg17[%swap3A_892, %swap3A_893], %swap3A_896 {strides = array<i32>} : memref<32x256xf32, #tpu.memory_space<vmem>>, vector<1x16xf32>,
          %mul3A_897 = arith.constant 4 : i32
          %mul3A_898 = arith.muli %mul3A_897, %scan3A_253 : i32
          %get3A_899 = arith.index_cast %mul3A_898 : i32 to index
          %get3A_900 = arith.constant 240 : index
          %get3A_901 = tpu.vector_load %arg13[%get3A_899, %get3A_900] {strides = array<i32>} : memref<128x256xf32, #tpu.memory_space<vmem>>, vector<1x16xf32>,
          %get3A_902 = vector.shape_cast %get3A_901 : vector<1x16xf32> to vector<16xf32>
          %mul3A_903 = arith.constant 4 : i32
          %mul3A_904 = arith.muli %mul3A_903, %scan3A_253 : i32
          %add3A_905 = arith.constant 1 : i32
          %add3A_906 = arith.addi %mul3A_904, %add3A_905 : i32
          %get3A_907 = arith.index_cast %add3A_906 : i32 to index
          %get3A_908 = arith.constant 240 : index
          %get3A_909 = tpu.vector_load %arg13[%get3A_907, %get3A_908] {strides = array<i32>} : memref<128x256xf32, #tpu.memory_space<vmem>>, vector<1x16xf32>,
          %get3A_910 = vector.shape_cast %get3A_909 : vector<1x16xf32> to vector<16xf32>
          %add3A_911 = arith.addf %get3A_902, %get3A_910 : vector<16xf32>
          %mul3A_912 = arith.constant 4 : i32
          %mul3A_913 = arith.muli %mul3A_912, %scan3A_253 : i32
          %add3A_914 = arith.constant 2 : i32
          %add3A_915 = arith.addi %mul3A_913, %add3A_914 : i32
          %get3A_916 = arith.index_cast %add3A_915 : i32 to index
          %get3A_917 = arith.constant 240 : index
          %get3A_918 = tpu.vector_load %arg13[%get3A_916, %get3A_917] {strides = array<i32>} : memref<128x256xf32, #tpu.memory_space<vmem>>, vector<1x16xf32>,
          %get3A_919 = vector.shape_cast %get3A_918 : vector<1x16xf32> to vector<16xf32>
          %add3A_920 = arith.addf %add3A_911, %get3A_919 : vector<16xf32>
          %mul3A_921 = arith.constant 4 : i32
          %mul3A_922 = arith.muli %mul3A_921, %scan3A_253 : i32
          %add3A_923 = arith.constant 3 : i32
          %add3A_924 = arith.addi %mul3A_922, %add3A_923 : i32
          %get3A_925 = arith.index_cast %add3A_924 : i32 to index
          %get3A_926 = arith.constant 240 : index
          %get3A_927 = tpu.vector_load %arg13[%get3A_925, %get3A_926] {strides = array<i32>} : memref<128x256xf32, #tpu.memory_space<vmem>>, vector<1x16xf32>,
          %get3A_928 = vector.shape_cast %get3A_927 : vector<1x16xf32> to vector<16xf32>
          %add3A_929 = arith.addf %add3A_920, %get3A_928 : vector<16xf32>
          %get3A_930 = arith.index_cast %scan3A_253 : i32 to index
          %get3A_931 = arith.constant 240 : index
          %get3A_932 = tpu.vector_load %arg15[%get3A_930, %get3A_931] {strides = array<i32>} : memref<64x256xf32, #tpu.memory_space<vmem>>, vector<1x16xf32>,
          %get3A_933 = vector.shape_cast %get3A_932 : vector<1x16xf32> to vector<16xf32>
          %add3A_934 = arith.addf %add3A_929, %get3A_933 : vector<16xf32>
          %swap3A_935 = arith.index_cast %scan3A_253 : i32 to index
          %swap3A_936 = arith.constant 240 : index
          %swap3A_937 = tpu.vector_load %arg17[%swap3A_935, %swap3A_936] {strides = array<i32>} : memref<32x256xf32, #tpu.memory_space<vmem>>, vector<1x16xf32>,
          %swap3A_938 = vector.shape_cast %swap3A_937 : vector<1x16xf32> to vector<16xf32>
          %swap3A_939 = vector.shape_cast %add3A_934 : vector<16xf32> to vector<1x16xf32>
          tpu.vector_store %arg17[%swap3A_935, %swap3A_936], %swap3A_939 {strides = array<i32>} : memref<32x256xf32, #tpu.memory_space<vmem>>, vector<1x16xf32>,
        }
        %scan3A_252 = arith.constant 32 : i32
      } else {
      }
      %ge3A_179 = arith.constant 8 : i32
      %ge3A_180 = arith.cmpi sge, %mul3A_159, %ge3A_179 : i32
      %convert_element_type3A_181 = arith.extui %ge3A_180 : i1 to i32
      %cond3A_182 = arith.constant 0 : i32
      %cond3A_183 = arith.cmpi ne, %convert_element_type3A_181, %cond3A_182 : i32
      scf.if %cond3A_183 {
        %scan3A_248 = arith.constant 0 : i32
        %scan3A_249 = arith.constant 32 : i32
        %scan3A_250 = arith.addi %scan3A_248, %scan3A_249 : i32
        %scan3A_251 = arith.constant 1 : i32
        scf.for %scan3A_253 = %scan3A_248 to %scan3A_250 step %scan3A_251  : i32 {
          %mul3A_254 = arith.constant 4 : i32
          %mul3A_255 = arith.muli %mul3A_254, %scan3A_253 : i32
          %get3A = arith.index_cast %mul3A_255 : i32 to index
          %get3A_256 = arith.constant 0 : index
          %get3A_257 = tpu.vector_load %arg13[%get3A, %get3A_256] {strides = array<i32>} : memref<128x256xf32, #tpu.memory_space<vmem>>, vector<1x16xf32>,
          %get3A_258 = vector.shape_cast %get3A_257 : vector<1x16xf32> to vector<16xf32>
          %mul3A_259 = arith.constant 4 : i32
          %mul3A_260 = arith.muli %mul3A_259, %scan3A_253 : i32
          %add3A_261 = arith.constant 1 : i32
          %add3A_262 = arith.addi %mul3A_260, %add3A_261 : i32
          %get3A_263 = arith.index_cast %add3A_262 : i32 to index
          %get3A_264 = arith.constant 0 : index
          %get3A_265 = tpu.vector_load %arg13[%get3A_263, %get3A_264] {strides = array<i32>} : memref<128x256xf32, #tpu.memory_space<vmem>>, vector<1x16xf32>,
          %get3A_266 = vector.shape_cast %get3A_265 : vector<1x16xf32> to vector<16xf32>
          %add3A_267 = arith.addf %get3A_258, %get3A_266 : vector<16xf32>
          %mul3A_268 = arith.constant 4 : i32
          %mul3A_269 = arith.muli %mul3A_268, %scan3A_253 : i32
          %add3A_270 = arith.constant 2 : i32
          %add3A_271 = arith.addi %mul3A_269, %add3A_270 : i32
          %get3A_272 = arith.index_cast %add3A_271 : i32 to index
          %get3A_273 = arith.constant 0 : index
          %get3A_274 = tpu.vector_load %arg13[%get3A_272, %get3A_273] {strides = array<i32>} : memref<128x256xf32, #tpu.memory_space<vmem>>, vector<1x16xf32>,
          %get3A_275 = vector.shape_cast %get3A_274 : vector<1x16xf32> to vector<16xf32>
          %add3A_276 = arith.addf %add3A_267, %get3A_275 : vector<16xf32>
          %mul3A_277 = arith.constant 4 : i32
          %mul3A_278 = arith.muli %mul3A_277, %scan3A_253 : i32
          %add3A_279 = arith.constant 3 : i32
          %add3A_280 = arith.addi %mul3A_278, %add3A_279 : i32
          %get3A_281 = arith.index_cast %add3A_280 : i32 to index
          %get3A_282 = arith.constant 0 : index
          %get3A_283 = tpu.vector_load %arg13[%get3A_281, %get3A_282] {strides = array<i32>} : memref<128x256xf32, #tpu.memory_space<vmem>>, vector<1x16xf32>,
          %get3A_284 = vector.shape_cast %get3A_283 : vector<1x16xf32> to vector<16xf32>
          %add3A_285 = arith.addf %add3A_276, %get3A_284 : vector<16xf32>
          %get3A_286 = arith.index_cast %scan3A_253 : i32 to index
          %get3A_287 = arith.constant 0 : index
          %get3A_288 = tpu.vector_load %arg15[%get3A_286, %get3A_287] {strides = array<i32>} : memref<64x256xf32, #tpu.memory_space<vmem>>, vector<1x16xf32>,
          %get3A_289 = vector.shape_cast %get3A_288 : vector<1x16xf32> to vector<16xf32>
          %add3A_290 = arith.addf %add3A_285, %get3A_289 : vector<16xf32>
          %add3A_291 = arith.constant 32 : i32
          %add3A_292 = arith.addi %add3A_291, %scan3A_253 : i32
          %get3A_293 = arith.index_cast %add3A_292 : i32 to index
          %get3A_294 = arith.constant 0 : index
          %get3A_295 = tpu.vector_load %arg15[%get3A_293, %get3A_294] {strides = array<i32>} : memref<64x256xf32, #tpu.memory_space<vmem>>, vector<1x16xf32>,
          %get3A_296 = vector.shape_cast %get3A_295 : vector<1x16xf32> to vector<16xf32>
          %add3A_297 = arith.addf %add3A_290, %get3A_296 : vector<16xf32>
          %swap3A = arith.index_cast %scan3A_253 : i32 to index
          %swap3A_298 = arith.constant 0 : index
          %swap3A_299 = tpu.vector_load %arg17[%swap3A, %swap3A_298] {strides = array<i32>} : memref<32x256xf32, #tpu.memory_space<vmem>>, vector<1x16xf32>,
          %swap3A_300 = vector.shape_cast %swap3A_299 : vector<1x16xf32> to vector<16xf32>
          %swap3A_301 = vector.shape_cast %add3A_297 : vector<16xf32> to vector<1x16xf32>
          tpu.vector_store %arg17[%swap3A, %swap3A_298], %swap3A_301 {strides = array<i32>} : memref<32x256xf32, #tpu.memory_space<vmem>>, vector<1x16xf32>,
          %mul3A_302 = arith.constant 4 : i32
          %mul3A_303 = arith.muli %mul3A_302, %scan3A_253 : i32
          %get3A_304 = arith.index_cast %mul3A_303 : i32 to index
          %get3A_305 = arith.constant 16 : index
          %get3A_306 = tpu.vector_load %arg13[%get3A_304, %get3A_305] {strides = array<i32>} : memref<128x256xf32, #tpu.memory_space<vmem>>, vector<1x16xf32>,
          %get3A_307 = vector.shape_cast %get3A_306 : vector<1x16xf32> to vector<16xf32>
          %mul3A_308 = arith.constant 4 : i32
          %mul3A_309 = arith.muli %mul3A_308, %scan3A_253 : i32
          %add3A_310 = arith.constant 1 : i32
          %add3A_311 = arith.addi %mul3A_309, %add3A_310 : i32
          %get3A_312 = arith.index_cast %add3A_311 : i32 to index
          %get3A_313 = arith.constant 16 : index
          %get3A_314 = tpu.vector_load %arg13[%get3A_312, %get3A_313] {strides = array<i32>} : memref<128x256xf32, #tpu.memory_space<vmem>>, vector<1x16xf32>,
          %get3A_315 = vector.shape_cast %get3A_314 : vector<1x16xf32> to vector<16xf32>
          %add3A_316 = arith.addf %get3A_307, %get3A_315 : vector<16xf32>
          %mul3A_317 = arith.constant 4 : i32
          %mul3A_318 = arith.muli %mul3A_317, %scan3A_253 : i32
          %add3A_319 = arith.constant 2 : i32
          %add3A_320 = arith.addi %mul3A_318, %add3A_319 : i32
          %get3A_321 = arith.index_cast %add3A_320 : i32 to index
          %get3A_322 = arith.constant 16 : index
          %get3A_323 = tpu.vector_load %arg13[%get3A_321, %get3A_322] {strides = array<i32>} : memref<128x256xf32, #tpu.memory_space<vmem>>, vector<1x16xf32>,
          %get3A_324 = vector.shape_cast %get3A_323 : vector<1x16xf32> to vector<16xf32>
          %add3A_325 = arith.addf %add3A_316, %get3A_324 : vector<16xf32>
          %mul3A_326 = arith.constant 4 : i32
          %mul3A_327 = arith.muli %mul3A_326, %scan3A_253 : i32
          %add3A_328 = arith.constant 3 : i32
          %add3A_329 = arith.addi %mul3A_327, %add3A_328 : i32
          %get3A_330 = arith.index_cast %add3A_329 : i32 to index
          %get3A_331 = arith.constant 16 : index
          %get3A_332 = tpu.vector_load %arg13[%get3A_330, %get3A_331] {strides = array<i32>} : memref<128x256xf32, #tpu.memory_space<vmem>>, vector<1x16xf32>,
          %get3A_333 = vector.shape_cast %get3A_332 : vector<1x16xf32> to vector<16xf32>
          %add3A_334 = arith.addf %add3A_325, %get3A_333 : vector<16xf32>
          %get3A_335 = arith.index_cast %scan3A_253 : i32 to index
          %get3A_336 = arith.constant 16 : index
          %get3A_337 = tpu.vector_load %arg15[%get3A_335, %get3A_336] {strides = array<i32>} : memref<64x256xf32, #tpu.memory_space<vmem>>, vector<1x16xf32>,
          %get3A_338 = vector.shape_cast %get3A_337 : vector<1x16xf32> to vector<16xf32>
          %add3A_339 = arith.addf %add3A_334, %get3A_338 : vector<16xf32>
          %add3A_340 = arith.constant 32 : i32
          %add3A_341 = arith.addi %add3A_340, %scan3A_253 : i32
          %get3A_342 = arith.index_cast %add3A_341 : i32 to index
          %get3A_343 = arith.constant 16 : index
          %get3A_344 = tpu.vector_load %arg15[%get3A_342, %get3A_343] {strides = array<i32>} : memref<64x256xf32, #tpu.memory_space<vmem>>, vector<1x16xf32>,
          %get3A_345 = vector.shape_cast %get3A_344 : vector<1x16xf32> to vector<16xf32>
          %add3A_346 = arith.addf %add3A_339, %get3A_345 : vector<16xf32>
          %swap3A_347 = arith.index_cast %scan3A_253 : i32 to index
          %swap3A_348 = arith.constant 16 : index
          %swap3A_349 = tpu.vector_load %arg17[%swap3A_347, %swap3A_348] {strides = array<i32>} : memref<32x256xf32, #tpu.memory_space<vmem>>, vector<1x16xf32>,
          %swap3A_350 = vector.shape_cast %swap3A_349 : vector<1x16xf32> to vector<16xf32>
          %swap3A_351 = vector.shape_cast %add3A_346 : vector<16xf32> to vector<1x16xf32>
          tpu.vector_store %arg17[%swap3A_347, %swap3A_348], %swap3A_351 {strides = array<i32>} : memref<32x256xf32, #tpu.memory_space<vmem>>, vector<1x16xf32>,
          %mul3A_352 = arith.constant 4 : i32
          %mul3A_353 = arith.muli %mul3A_352, %scan3A_253 : i32
          %get3A_354 = arith.index_cast %mul3A_353 : i32 to index
          %get3A_355 = arith.constant 32 : index
          %get3A_356 = tpu.vector_load %arg13[%get3A_354, %get3A_355] {strides = array<i32>} : memref<128x256xf32, #tpu.memory_space<vmem>>, vector<1x16xf32>,
          %get3A_357 = vector.shape_cast %get3A_356 : vector<1x16xf32> to vector<16xf32>
          %mul3A_358 = arith.constant 4 : i32
          %mul3A_359 = arith.muli %mul3A_358, %scan3A_253 : i32
          %add3A_360 = arith.constant 1 : i32
          %add3A_361 = arith.addi %mul3A_359, %add3A_360 : i32
          %get3A_362 = arith.index_cast %add3A_361 : i32 to index
          %get3A_363 = arith.constant 32 : index
          %get3A_364 = tpu.vector_load %arg13[%get3A_362, %get3A_363] {strides = array<i32>} : memref<128x256xf32, #tpu.memory_space<vmem>>, vector<1x16xf32>,
          %get3A_365 = vector.shape_cast %get3A_364 : vector<1x16xf32> to vector<16xf32>
          %add3A_366 = arith.addf %get3A_357, %get3A_365 : vector<16xf32>
          %mul3A_367 = arith.constant 4 : i32
          %mul3A_368 = arith.muli %mul3A_367, %scan3A_253 : i32
          %add3A_369 = arith.constant 2 : i32
          %add3A_370 = arith.addi %mul3A_368, %add3A_369 : i32
          %get3A_371 = arith.index_cast %add3A_370 : i32 to index
          %get3A_372 = arith.constant 32 : index
          %get3A_373 = tpu.vector_load %arg13[%get3A_371, %get3A_372] {strides = array<i32>} : memref<128x256xf32, #tpu.memory_space<vmem>>, vector<1x16xf32>,
          %get3A_374 = vector.shape_cast %get3A_373 : vector<1x16xf32> to vector<16xf32>
          %add3A_375 = arith.addf %add3A_366, %get3A_374 : vector<16xf32>
          %mul3A_376 = arith.constant 4 : i32
          %mul3A_377 = arith.muli %mul3A_376, %scan3A_253 : i32
          %add3A_378 = arith.constant 3 : i32
          %add3A_379 = arith.addi %mul3A_377, %add3A_378 : i32
          %get3A_380 = arith.index_cast %add3A_379 : i32 to index
          %get3A_381 = arith.constant 32 : index
          %get3A_382 = tpu.vector_load %arg13[%get3A_380, %get3A_381] {strides = array<i32>} : memref<128x256xf32, #tpu.memory_space<vmem>>, vector<1x16xf32>,
          %get3A_383 = vector.shape_cast %get3A_382 : vector<1x16xf32> to vector<16xf32>
          %add3A_384 = arith.addf %add3A_375, %get3A_383 : vector<16xf32>
          %get3A_385 = arith.index_cast %scan3A_253 : i32 to index
          %get3A_386 = arith.constant 32 : index
          %get3A_387 = tpu.vector_load %arg15[%get3A_385, %get3A_386] {strides = array<i32>} : memref<64x256xf32, #tpu.memory_space<vmem>>, vector<1x16xf32>,
          %get3A_388 = vector.shape_cast %get3A_387 : vector<1x16xf32> to vector<16xf32>
          %add3A_389 = arith.addf %add3A_384, %get3A_388 : vector<16xf32>
          %add3A_390 = arith.constant 32 : i32
          %add3A_391 = arith.addi %add3A_390, %scan3A_253 : i32
          %get3A_392 = arith.index_cast %add3A_391 : i32 to index
          %get3A_393 = arith.constant 32 : index
          %get3A_394 = tpu.vector_load %arg15[%get3A_392, %get3A_393] {strides = array<i32>} : memref<64x256xf32, #tpu.memory_space<vmem>>, vector<1x16xf32>,
          %get3A_395 = vector.shape_cast %get3A_394 : vector<1x16xf32> to vector<16xf32>
          %add3A_396 = arith.addf %add3A_389, %get3A_395 : vector<16xf32>
          %swap3A_397 = arith.index_cast %scan3A_253 : i32 to index
          %swap3A_398 = arith.constant 32 : index
          %swap3A_399 = tpu.vector_load %arg17[%swap3A_397, %swap3A_398] {strides = array<i32>} : memref<32x256xf32, #tpu.memory_space<vmem>>, vector<1x16xf32>,
          %swap3A_400 = vector.shape_cast %swap3A_399 : vector<1x16xf32> to vector<16xf32>
          %swap3A_401 = vector.shape_cast %add3A_396 : vector<16xf32> to vector<1x16xf32>
          tpu.vector_store %arg17[%swap3A_397, %swap3A_398], %swap3A_401 {strides = array<i32>} : memref<32x256xf32, #tpu.memory_space<vmem>>, vector<1x16xf32>,
          %mul3A_402 = arith.constant 4 : i32
          %mul3A_403 = arith.muli %mul3A_402, %scan3A_253 : i32
          %get3A_404 = arith.index_cast %mul3A_403 : i32 to index
          %get3A_405 = arith.constant 48 : index
          %get3A_406 = tpu.vector_load %arg13[%get3A_404, %get3A_405] {strides = array<i32>} : memref<128x256xf32, #tpu.memory_space<vmem>>, vector<1x16xf32>,
          %get3A_407 = vector.shape_cast %get3A_406 : vector<1x16xf32> to vector<16xf32>
          %mul3A_408 = arith.constant 4 : i32
          %mul3A_409 = arith.muli %mul3A_408, %scan3A_253 : i32
          %add3A_410 = arith.constant 1 : i32
          %add3A_411 = arith.addi %mul3A_409, %add3A_410 : i32
          %get3A_412 = arith.index_cast %add3A_411 : i32 to index
          %get3A_413 = arith.constant 48 : index
          %get3A_414 = tpu.vector_load %arg13[%get3A_412, %get3A_413] {strides = array<i32>} : memref<128x256xf32, #tpu.memory_space<vmem>>, vector<1x16xf32>,
          %get3A_415 = vector.shape_cast %get3A_414 : vector<1x16xf32> to vector<16xf32>
          %add3A_416 = arith.addf %get3A_407, %get3A_415 : vector<16xf32>
          %mul3A_417 = arith.constant 4 : i32
          %mul3A_418 = arith.muli %mul3A_417, %scan3A_253 : i32
          %add3A_419 = arith.constant 2 : i32
          %add3A_420 = arith.addi %mul3A_418, %add3A_419 : i32
          %get3A_421 = arith.index_cast %add3A_420 : i32 to index
          %get3A_422 = arith.constant 48 : index
          %get3A_423 = tpu.vector_load %arg13[%get3A_421, %get3A_422] {strides = array<i32>} : memref<128x256xf32, #tpu.memory_space<vmem>>, vector<1x16xf32>,
          %get3A_424 = vector.shape_cast %get3A_423 : vector<1x16xf32> to vector<16xf32>
          %add3A_425 = arith.addf %add3A_416, %get3A_424 : vector<16xf32>
          %mul3A_426 = arith.constant 4 : i32
          %mul3A_427 = arith.muli %mul3A_426, %scan3A_253 : i32
          %add3A_428 = arith.constant 3 : i32
          %add3A_429 = arith.addi %mul3A_427, %add3A_428 : i32
          %get3A_430 = arith.index_cast %add3A_429 : i32 to index
          %get3A_431 = arith.constant 48 : index
          %get3A_432 = tpu.vector_load %arg13[%get3A_430, %get3A_431] {strides = array<i32>} : memref<128x256xf32, #tpu.memory_space<vmem>>, vector<1x16xf32>,
          %get3A_433 = vector.shape_cast %get3A_432 : vector<1x16xf32> to vector<16xf32>
          %add3A_434 = arith.addf %add3A_425, %get3A_433 : vector<16xf32>
          %get3A_435 = arith.index_cast %scan3A_253 : i32 to index
          %get3A_436 = arith.constant 48 : index
          %get3A_437 = tpu.vector_load %arg15[%get3A_435, %get3A_436] {strides = array<i32>} : memref<64x256xf32, #tpu.memory_space<vmem>>, vector<1x16xf32>,
          %get3A_438 = vector.shape_cast %get3A_437 : vector<1x16xf32> to vector<16xf32>
          %add3A_439 = arith.addf %add3A_434, %get3A_438 : vector<16xf32>
          %add3A_440 = arith.constant 32 : i32
          %add3A_441 = arith.addi %add3A_440, %scan3A_253 : i32
          %get3A_442 = arith.index_cast %add3A_441 : i32 to index
          %get3A_443 = arith.constant 48 : index
          %get3A_444 = tpu.vector_load %arg15[%get3A_442, %get3A_443] {strides = array<i32>} : memref<64x256xf32, #tpu.memory_space<vmem>>, vector<1x16xf32>,
          %get3A_445 = vector.shape_cast %get3A_444 : vector<1x16xf32> to vector<16xf32>
          %add3A_446 = arith.addf %add3A_439, %get3A_445 : vector<16xf32>
          %swap3A_447 = arith.index_cast %scan3A_253 : i32 to index
          %swap3A_448 = arith.constant 48 : index
          %swap3A_449 = tpu.vector_load %arg17[%swap3A_447, %swap3A_448] {strides = array<i32>} : memref<32x256xf32, #tpu.memory_space<vmem>>, vector<1x16xf32>,
          %swap3A_450 = vector.shape_cast %swap3A_449 : vector<1x16xf32> to vector<16xf32>
          %swap3A_451 = vector.shape_cast %add3A_446 : vector<16xf32> to vector<1x16xf32>
          tpu.vector_store %arg17[%swap3A_447, %swap3A_448], %swap3A_451 {strides = array<i32>} : memref<32x256xf32, #tpu.memory_space<vmem>>, vector<1x16xf32>,
          %mul3A_452 = arith.constant 4 : i32
          %mul3A_453 = arith.muli %mul3A_452, %scan3A_253 : i32
          %get3A_454 = arith.index_cast %mul3A_453 : i32 to index
          %get3A_455 = arith.constant 64 : index
          %get3A_456 = tpu.vector_load %arg13[%get3A_454, %get3A_455] {strides = array<i32>} : memref<128x256xf32, #tpu.memory_space<vmem>>, vector<1x16xf32>,
          %get3A_457 = vector.shape_cast %get3A_456 : vector<1x16xf32> to vector<16xf32>
          %mul3A_458 = arith.constant 4 : i32
          %mul3A_459 = arith.muli %mul3A_458, %scan3A_253 : i32
          %add3A_460 = arith.constant 1 : i32
          %add3A_461 = arith.addi %mul3A_459, %add3A_460 : i32
          %get3A_462 = arith.index_cast %add3A_461 : i32 to index
          %get3A_463 = arith.constant 64 : index
          %get3A_464 = tpu.vector_load %arg13[%get3A_462, %get3A_463] {strides = array<i32>} : memref<128x256xf32, #tpu.memory_space<vmem>>, vector<1x16xf32>,
          %get3A_465 = vector.shape_cast %get3A_464 : vector<1x16xf32> to vector<16xf32>
          %add3A_466 = arith.addf %get3A_457, %get3A_465 : vector<16xf32>
          %mul3A_467 = arith.constant 4 : i32
          %mul3A_468 = arith.muli %mul3A_467, %scan3A_253 : i32
          %add3A_469 = arith.constant 2 : i32
          %add3A_470 = arith.addi %mul3A_468, %add3A_469 : i32
          %get3A_471 = arith.index_cast %add3A_470 : i32 to index
          %get3A_472 = arith.constant 64 : index
          %get3A_473 = tpu.vector_load %arg13[%get3A_471, %get3A_472] {strides = array<i32>} : memref<128x256xf32, #tpu.memory_space<vmem>>, vector<1x16xf32>,
          %get3A_474 = vector.shape_cast %get3A_473 : vector<1x16xf32> to vector<16xf32>
          %add3A_475 = arith.addf %add3A_466, %get3A_474 : vector<16xf32>
          %mul3A_476 = arith.constant 4 : i32
          %mul3A_477 = arith.muli %mul3A_476, %scan3A_253 : i32
          %add3A_478 = arith.constant 3 : i32
          %add3A_479 = arith.addi %mul3A_477, %add3A_478 : i32
          %get3A_480 = arith.index_cast %add3A_479 : i32 to index
          %get3A_481 = arith.constant 64 : index
          %get3A_482 = tpu.vector_load %arg13[%get3A_480, %get3A_481] {strides = array<i32>} : memref<128x256xf32, #tpu.memory_space<vmem>>, vector<1x16xf32>,
          %get3A_483 = vector.shape_cast %get3A_482 : vector<1x16xf32> to vector<16xf32>
          %add3A_484 = arith.addf %add3A_475, %get3A_483 : vector<16xf32>
          %get3A_485 = arith.index_cast %scan3A_253 : i32 to index
          %get3A_486 = arith.constant 64 : index
          %get3A_487 = tpu.vector_load %arg15[%get3A_485, %get3A_486] {strides = array<i32>} : memref<64x256xf32, #tpu.memory_space<vmem>>, vector<1x16xf32>,
          %get3A_488 = vector.shape_cast %get3A_487 : vector<1x16xf32> to vector<16xf32>
          %add3A_489 = arith.addf %add3A_484, %get3A_488 : vector<16xf32>
          %add3A_490 = arith.constant 32 : i32
          %add3A_491 = arith.addi %add3A_490, %scan3A_253 : i32
          %get3A_492 = arith.index_cast %add3A_491 : i32 to index
          %get3A_493 = arith.constant 64 : index
          %get3A_494 = tpu.vector_load %arg15[%get3A_492, %get3A_493] {strides = array<i32>} : memref<64x256xf32, #tpu.memory_space<vmem>>, vector<1x16xf32>,
          %get3A_495 = vector.shape_cast %get3A_494 : vector<1x16xf32> to vector<16xf32>
          %add3A_496 = arith.addf %add3A_489, %get3A_495 : vector<16xf32>
          %swap3A_497 = arith.index_cast %scan3A_253 : i32 to index
          %swap3A_498 = arith.constant 64 : index
          %swap3A_499 = tpu.vector_load %arg17[%swap3A_497, %swap3A_498] {strides = array<i32>} : memref<32x256xf32, #tpu.memory_space<vmem>>, vector<1x16xf32>,
          %swap3A_500 = vector.shape_cast %swap3A_499 : vector<1x16xf32> to vector<16xf32>
          %swap3A_501 = vector.shape_cast %add3A_496 : vector<16xf32> to vector<1x16xf32>
          tpu.vector_store %arg17[%swap3A_497, %swap3A_498], %swap3A_501 {strides = array<i32>} : memref<32x256xf32, #tpu.memory_space<vmem>>, vector<1x16xf32>,
          %mul3A_502 = arith.constant 4 : i32
          %mul3A_503 = arith.muli %mul3A_502, %scan3A_253 : i32
          %get3A_504 = arith.index_cast %mul3A_503 : i32 to index
          %get3A_505 = arith.constant 80 : index
          %get3A_506 = tpu.vector_load %arg13[%get3A_504, %get3A_505] {strides = array<i32>} : memref<128x256xf32, #tpu.memory_space<vmem>>, vector<1x16xf32>,
          %get3A_507 = vector.shape_cast %get3A_506 : vector<1x16xf32> to vector<16xf32>
          %mul3A_508 = arith.constant 4 : i32
          %mul3A_509 = arith.muli %mul3A_508, %scan3A_253 : i32
          %add3A_510 = arith.constant 1 : i32
          %add3A_511 = arith.addi %mul3A_509, %add3A_510 : i32
          %get3A_512 = arith.index_cast %add3A_511 : i32 to index
          %get3A_513 = arith.constant 80 : index
          %get3A_514 = tpu.vector_load %arg13[%get3A_512, %get3A_513] {strides = array<i32>} : memref<128x256xf32, #tpu.memory_space<vmem>>, vector<1x16xf32>,
          %get3A_515 = vector.shape_cast %get3A_514 : vector<1x16xf32> to vector<16xf32>
          %add3A_516 = arith.addf %get3A_507, %get3A_515 : vector<16xf32>
          %mul3A_517 = arith.constant 4 : i32
          %mul3A_518 = arith.muli %mul3A_517, %scan3A_253 : i32
          %add3A_519 = arith.constant 2 : i32
          %add3A_520 = arith.addi %mul3A_518, %add3A_519 : i32
          %get3A_521 = arith.index_cast %add3A_520 : i32 to index
          %get3A_522 = arith.constant 80 : index
          %get3A_523 = tpu.vector_load %arg13[%get3A_521, %get3A_522] {strides = array<i32>} : memref<128x256xf32, #tpu.memory_space<vmem>>, vector<1x16xf32>,
          %get3A_524 = vector.shape_cast %get3A_523 : vector<1x16xf32> to vector<16xf32>
          %add3A_525 = arith.addf %add3A_516, %get3A_524 : vector<16xf32>
          %mul3A_526 = arith.constant 4 : i32
          %mul3A_527 = arith.muli %mul3A_526, %scan3A_253 : i32
          %add3A_528 = arith.constant 3 : i32
          %add3A_529 = arith.addi %mul3A_527, %add3A_528 : i32
          %get3A_530 = arith.index_cast %add3A_529 : i32 to index
          %get3A_531 = arith.constant 80 : index
          %get3A_532 = tpu.vector_load %arg13[%get3A_530, %get3A_531] {strides = array<i32>} : memref<128x256xf32, #tpu.memory_space<vmem>>, vector<1x16xf32>,
          %get3A_533 = vector.shape_cast %get3A_532 : vector<1x16xf32> to vector<16xf32>
          %add3A_534 = arith.addf %add3A_525, %get3A_533 : vector<16xf32>
          %get3A_535 = arith.index_cast %scan3A_253 : i32 to index
          %get3A_536 = arith.constant 80 : index
          %get3A_537 = tpu.vector_load %arg15[%get3A_535, %get3A_536] {strides = array<i32>} : memref<64x256xf32, #tpu.memory_space<vmem>>, vector<1x16xf32>,
          %get3A_538 = vector.shape_cast %get3A_537 : vector<1x16xf32> to vector<16xf32>
          %add3A_539 = arith.addf %add3A_534, %get3A_538 : vector<16xf32>
          %add3A_540 = arith.constant 32 : i32
          %add3A_541 = arith.addi %add3A_540, %scan3A_253 : i32
          %get3A_542 = arith.index_cast %add3A_541 : i32 to index
          %get3A_543 = arith.constant 80 : index
          %get3A_544 = tpu.vector_load %arg15[%get3A_542, %get3A_543] {strides = array<i32>} : memref<64x256xf32, #tpu.memory_space<vmem>>, vector<1x16xf32>,
          %get3A_545 = vector.shape_cast %get3A_544 : vector<1x16xf32> to vector<16xf32>
          %add3A_546 = arith.addf %add3A_539, %get3A_545 : vector<16xf32>
          %swap3A_547 = arith.index_cast %scan3A_253 : i32 to index
          %swap3A_548 = arith.constant 80 : index
          %swap3A_549 = tpu.vector_load %arg17[%swap3A_547, %swap3A_548] {strides = array<i32>} : memref<32x256xf32, #tpu.memory_space<vmem>>, vector<1x16xf32>,
          %swap3A_550 = vector.shape_cast %swap3A_549 : vector<1x16xf32> to vector<16xf32>
          %swap3A_551 = vector.shape_cast %add3A_546 : vector<16xf32> to vector<1x16xf32>
          tpu.vector_store %arg17[%swap3A_547, %swap3A_548], %swap3A_551 {strides = array<i32>} : memref<32x256xf32, #tpu.memory_space<vmem>>, vector<1x16xf32>,
          %mul3A_552 = arith.constant 4 : i32
          %mul3A_553 = arith.muli %mul3A_552, %scan3A_253 : i32
          %get3A_554 = arith.index_cast %mul3A_553 : i32 to index
          %get3A_555 = arith.constant 96 : index
          %get3A_556 = tpu.vector_load %arg13[%get3A_554, %get3A_555] {strides = array<i32>} : memref<128x256xf32, #tpu.memory_space<vmem>>, vector<1x16xf32>,
          %get3A_557 = vector.shape_cast %get3A_556 : vector<1x16xf32> to vector<16xf32>
          %mul3A_558 = arith.constant 4 : i32
          %mul3A_559 = arith.muli %mul3A_558, %scan3A_253 : i32
          %add3A_560 = arith.constant 1 : i32
          %add3A_561 = arith.addi %mul3A_559, %add3A_560 : i32
          %get3A_562 = arith.index_cast %add3A_561 : i32 to index
          %get3A_563 = arith.constant 96 : index
          %get3A_564 = tpu.vector_load %arg13[%get3A_562, %get3A_563] {strides = array<i32>} : memref<128x256xf32, #tpu.memory_space<vmem>>, vector<1x16xf32>,
          %get3A_565 = vector.shape_cast %get3A_564 : vector<1x16xf32> to vector<16xf32>
          %add3A_566 = arith.addf %get3A_557, %get3A_565 : vector<16xf32>
          %mul3A_567 = arith.constant 4 : i32
          %mul3A_568 = arith.muli %mul3A_567, %scan3A_253 : i32
          %add3A_569 = arith.constant 2 : i32
          %add3A_570 = arith.addi %mul3A_568, %add3A_569 : i32
          %get3A_571 = arith.index_cast %add3A_570 : i32 to index
          %get3A_572 = arith.constant 96 : index
          %get3A_573 = tpu.vector_load %arg13[%get3A_571, %get3A_572] {strides = array<i32>} : memref<128x256xf32, #tpu.memory_space<vmem>>, vector<1x16xf32>,
          %get3A_574 = vector.shape_cast %get3A_573 : vector<1x16xf32> to vector<16xf32>
          %add3A_575 = arith.addf %add3A_566, %get3A_574 : vector<16xf32>
          %mul3A_576 = arith.constant 4 : i32
          %mul3A_577 = arith.muli %mul3A_576, %scan3A_253 : i32
          %add3A_578 = arith.constant 3 : i32
          %add3A_579 = arith.addi %mul3A_577, %add3A_578 : i32
          %get3A_580 = arith.index_cast %add3A_579 : i32 to index
          %get3A_581 = arith.constant 96 : index
          %get3A_582 = tpu.vector_load %arg13[%get3A_580, %get3A_581] {strides = array<i32>} : memref<128x256xf32, #tpu.memory_space<vmem>>, vector<1x16xf32>,
          %get3A_583 = vector.shape_cast %get3A_582 : vector<1x16xf32> to vector<16xf32>
          %add3A_584 = arith.addf %add3A_575, %get3A_583 : vector<16xf32>
          %get3A_585 = arith.index_cast %scan3A_253 : i32 to index
          %get3A_586 = arith.constant 96 : index
          %get3A_587 = tpu.vector_load %arg15[%get3A_585, %get3A_586] {strides = array<i32>} : memref<64x256xf32, #tpu.memory_space<vmem>>, vector<1x16xf32>,
          %get3A_588 = vector.shape_cast %get3A_587 : vector<1x16xf32> to vector<16xf32>
          %add3A_589 = arith.addf %add3A_584, %get3A_588 : vector<16xf32>
          %add3A_590 = arith.constant 32 : i32
          %add3A_591 = arith.addi %add3A_590, %scan3A_253 : i32
          %get3A_592 = arith.index_cast %add3A_591 : i32 to index
          %get3A_593 = arith.constant 96 : index
          %get3A_594 = tpu.vector_load %arg15[%get3A_592, %get3A_593] {strides = array<i32>} : memref<64x256xf32, #tpu.memory_space<vmem>>, vector<1x16xf32>,
          %get3A_595 = vector.shape_cast %get3A_594 : vector<1x16xf32> to vector<16xf32>
          %add3A_596 = arith.addf %add3A_589, %get3A_595 : vector<16xf32>
          %swap3A_597 = arith.index_cast %scan3A_253 : i32 to index
          %swap3A_598 = arith.constant 96 : index
          %swap3A_599 = tpu.vector_load %arg17[%swap3A_597, %swap3A_598] {strides = array<i32>} : memref<32x256xf32, #tpu.memory_space<vmem>>, vector<1x16xf32>,
          %swap3A_600 = vector.shape_cast %swap3A_599 : vector<1x16xf32> to vector<16xf32>
          %swap3A_601 = vector.shape_cast %add3A_596 : vector<16xf32> to vector<1x16xf32>
          tpu.vector_store %arg17[%swap3A_597, %swap3A_598], %swap3A_601 {strides = array<i32>} : memref<32x256xf32, #tpu.memory_space<vmem>>, vector<1x16xf32>,
          %mul3A_602 = arith.constant 4 : i32
          %mul3A_603 = arith.muli %mul3A_602, %scan3A_253 : i32
          %get3A_604 = arith.index_cast %mul3A_603 : i32 to index
          %get3A_605 = arith.constant 112 : index
          %get3A_606 = tpu.vector_load %arg13[%get3A_604, %get3A_605] {strides = array<i32>} : memref<128x256xf32, #tpu.memory_space<vmem>>, vector<1x16xf32>,
          %get3A_607 = vector.shape_cast %get3A_606 : vector<1x16xf32> to vector<16xf32>
          %mul3A_608 = arith.constant 4 : i32
          %mul3A_609 = arith.muli %mul3A_608, %scan3A_253 : i32
          %add3A_610 = arith.constant 1 : i32
          %add3A_611 = arith.addi %mul3A_609, %add3A_610 : i32
          %get3A_612 = arith.index_cast %add3A_611 : i32 to index
          %get3A_613 = arith.constant 112 : index
          %get3A_614 = tpu.vector_load %arg13[%get3A_612, %get3A_613] {strides = array<i32>} : memref<128x256xf32, #tpu.memory_space<vmem>>, vector<1x16xf32>,
          %get3A_615 = vector.shape_cast %get3A_614 : vector<1x16xf32> to vector<16xf32>
          %add3A_616 = arith.addf %get3A_607, %get3A_615 : vector<16xf32>
          %mul3A_617 = arith.constant 4 : i32
          %mul3A_618 = arith.muli %mul3A_617, %scan3A_253 : i32
          %add3A_619 = arith.constant 2 : i32
          %add3A_620 = arith.addi %mul3A_618, %add3A_619 : i32
          %get3A_621 = arith.index_cast %add3A_620 : i32 to index
          %get3A_622 = arith.constant 112 : index
          %get3A_623 = tpu.vector_load %arg13[%get3A_621, %get3A_622] {strides = array<i32>} : memref<128x256xf32, #tpu.memory_space<vmem>>, vector<1x16xf32>,
          %get3A_624 = vector.shape_cast %get3A_623 : vector<1x16xf32> to vector<16xf32>
          %add3A_625 = arith.addf %add3A_616, %get3A_624 : vector<16xf32>
          %mul3A_626 = arith.constant 4 : i32
          %mul3A_627 = arith.muli %mul3A_626, %scan3A_253 : i32
          %add3A_628 = arith.constant 3 : i32
          %add3A_629 = arith.addi %mul3A_627, %add3A_628 : i32
          %get3A_630 = arith.index_cast %add3A_629 : i32 to index
          %get3A_631 = arith.constant 112 : index
          %get3A_632 = tpu.vector_load %arg13[%get3A_630, %get3A_631] {strides = array<i32>} : memref<128x256xf32, #tpu.memory_space<vmem>>, vector<1x16xf32>,
          %get3A_633 = vector.shape_cast %get3A_632 : vector<1x16xf32> to vector<16xf32>
          %add3A_634 = arith.addf %add3A_625, %get3A_633 : vector<16xf32>
          %get3A_635 = arith.index_cast %scan3A_253 : i32 to index
          %get3A_636 = arith.constant 112 : index
          %get3A_637 = tpu.vector_load %arg15[%get3A_635, %get3A_636] {strides = array<i32>} : memref<64x256xf32, #tpu.memory_space<vmem>>, vector<1x16xf32>,
          %get3A_638 = vector.shape_cast %get3A_637 : vector<1x16xf32> to vector<16xf32>
          %add3A_639 = arith.addf %add3A_634, %get3A_638 : vector<16xf32>
          %add3A_640 = arith.constant 32 : i32
          %add3A_641 = arith.addi %add3A_640, %scan3A_253 : i32
          %get3A_642 = arith.index_cast %add3A_641 : i32 to index
          %get3A_643 = arith.constant 112 : index
          %get3A_644 = tpu.vector_load %arg15[%get3A_642, %get3A_643] {strides = array<i32>} : memref<64x256xf32, #tpu.memory_space<vmem>>, vector<1x16xf32>,
          %get3A_645 = vector.shape_cast %get3A_644 : vector<1x16xf32> to vector<16xf32>
          %add3A_646 = arith.addf %add3A_639, %get3A_645 : vector<16xf32>
          %swap3A_647 = arith.index_cast %scan3A_253 : i32 to index
          %swap3A_648 = arith.constant 112 : index
          %swap3A_649 = tpu.vector_load %arg17[%swap3A_647, %swap3A_648] {strides = array<i32>} : memref<32x256xf32, #tpu.memory_space<vmem>>, vector<1x16xf32>,
          %swap3A_650 = vector.shape_cast %swap3A_649 : vector<1x16xf32> to vector<16xf32>
          %swap3A_651 = vector.shape_cast %add3A_646 : vector<16xf32> to vector<1x16xf32>
          tpu.vector_store %arg17[%swap3A_647, %swap3A_648], %swap3A_651 {strides = array<i32>} : memref<32x256xf32, #tpu.memory_space<vmem>>, vector<1x16xf32>,
          %mul3A_652 = arith.constant 4 : i32
          %mul3A_653 = arith.muli %mul3A_652, %scan3A_253 : i32
          %get3A_654 = arith.index_cast %mul3A_653 : i32 to index
          %get3A_655 = arith.constant 128 : index
          %get3A_656 = tpu.vector_load %arg13[%get3A_654, %get3A_655] {strides = array<i32>} : memref<128x256xf32, #tpu.memory_space<vmem>>, vector<1x16xf32>,
          %get3A_657 = vector.shape_cast %get3A_656 : vector<1x16xf32> to vector<16xf32>
          %mul3A_658 = arith.constant 4 : i32
          %mul3A_659 = arith.muli %mul3A_658, %scan3A_253 : i32
          %add3A_660 = arith.constant 1 : i32
          %add3A_661 = arith.addi %mul3A_659, %add3A_660 : i32
          %get3A_662 = arith.index_cast %add3A_661 : i32 to index
          %get3A_663 = arith.constant 128 : index
          %get3A_664 = tpu.vector_load %arg13[%get3A_662, %get3A_663] {strides = array<i32>} : memref<128x256xf32, #tpu.memory_space<vmem>>, vector<1x16xf32>,
          %get3A_665 = vector.shape_cast %get3A_664 : vector<1x16xf32> to vector<16xf32>
          %add3A_666 = arith.addf %get3A_657, %get3A_665 : vector<16xf32>
          %mul3A_667 = arith.constant 4 : i32
          %mul3A_668 = arith.muli %mul3A_667, %scan3A_253 : i32
          %add3A_669 = arith.constant 2 : i32
          %add3A_670 = arith.addi %mul3A_668, %add3A_669 : i32
          %get3A_671 = arith.index_cast %add3A_670 : i32 to index
          %get3A_672 = arith.constant 128 : index
          %get3A_673 = tpu.vector_load %arg13[%get3A_671, %get3A_672] {strides = array<i32>} : memref<128x256xf32, #tpu.memory_space<vmem>>, vector<1x16xf32>,
          %get3A_674 = vector.shape_cast %get3A_673 : vector<1x16xf32> to vector<16xf32>
          %add3A_675 = arith.addf %add3A_666, %get3A_674 : vector<16xf32>
          %mul3A_676 = arith.constant 4 : i32
          %mul3A_677 = arith.muli %mul3A_676, %scan3A_253 : i32
          %add3A_678 = arith.constant 3 : i32
          %add3A_679 = arith.addi %mul3A_677, %add3A_678 : i32
          %get3A_680 = arith.index_cast %add3A_679 : i32 to index
          %get3A_681 = arith.constant 128 : index
          %get3A_682 = tpu.vector_load %arg13[%get3A_680, %get3A_681] {strides = array<i32>} : memref<128x256xf32, #tpu.memory_space<vmem>>, vector<1x16xf32>,
          %get3A_683 = vector.shape_cast %get3A_682 : vector<1x16xf32> to vector<16xf32>
          %add3A_684 = arith.addf %add3A_675, %get3A_683 : vector<16xf32>
          %get3A_685 = arith.index_cast %scan3A_253 : i32 to index
          %get3A_686 = arith.constant 128 : index
          %get3A_687 = tpu.vector_load %arg15[%get3A_685, %get3A_686] {strides = array<i32>} : memref<64x256xf32, #tpu.memory_space<vmem>>, vector<1x16xf32>,
          %get3A_688 = vector.shape_cast %get3A_687 : vector<1x16xf32> to vector<16xf32>
          %add3A_689 = arith.addf %add3A_684, %get3A_688 : vector<16xf32>
          %add3A_690 = arith.constant 32 : i32
          %add3A_691 = arith.addi %add3A_690, %scan3A_253 : i32
          %get3A_692 = arith.index_cast %add3A_691 : i32 to index
          %get3A_693 = arith.constant 128 : index
          %get3A_694 = tpu.vector_load %arg15[%get3A_692, %get3A_693] {strides = array<i32>} : memref<64x256xf32, #tpu.memory_space<vmem>>, vector<1x16xf32>,
          %get3A_695 = vector.shape_cast %get3A_694 : vector<1x16xf32> to vector<16xf32>
          %add3A_696 = arith.addf %add3A_689, %get3A_695 : vector<16xf32>
          %swap3A_697 = arith.index_cast %scan3A_253 : i32 to index
          %swap3A_698 = arith.constant 128 : index
          %swap3A_699 = tpu.vector_load %arg17[%swap3A_697, %swap3A_698] {strides = array<i32>} : memref<32x256xf32, #tpu.memory_space<vmem>>, vector<1x16xf32>,
          %swap3A_700 = vector.shape_cast %swap3A_699 : vector<1x16xf32> to vector<16xf32>
          %swap3A_701 = vector.shape_cast %add3A_696 : vector<16xf32> to vector<1x16xf32>
          tpu.vector_store %arg17[%swap3A_697, %swap3A_698], %swap3A_701 {strides = array<i32>} : memref<32x256xf32, #tpu.memory_space<vmem>>, vector<1x16xf32>,
          %mul3A_702 = arith.constant 4 : i32
          %mul3A_703 = arith.muli %mul3A_702, %scan3A_253 : i32
          %get3A_704 = arith.index_cast %mul3A_703 : i32 to index
          %get3A_705 = arith.constant 144 : index
          %get3A_706 = tpu.vector_load %arg13[%get3A_704, %get3A_705] {strides = array<i32>} : memref<128x256xf32, #tpu.memory_space<vmem>>, vector<1x16xf32>,
          %get3A_707 = vector.shape_cast %get3A_706 : vector<1x16xf32> to vector<16xf32>
          %mul3A_708 = arith.constant 4 : i32
          %mul3A_709 = arith.muli %mul3A_708, %scan3A_253 : i32
          %add3A_710 = arith.constant 1 : i32
          %add3A_711 = arith.addi %mul3A_709, %add3A_710 : i32
          %get3A_712 = arith.index_cast %add3A_711 : i32 to index
          %get3A_713 = arith.constant 144 : index
          %get3A_714 = tpu.vector_load %arg13[%get3A_712, %get3A_713] {strides = array<i32>} : memref<128x256xf32, #tpu.memory_space<vmem>>, vector<1x16xf32>,
          %get3A_715 = vector.shape_cast %get3A_714 : vector<1x16xf32> to vector<16xf32>
          %add3A_716 = arith.addf %get3A_707, %get3A_715 : vector<16xf32>
          %mul3A_717 = arith.constant 4 : i32
          %mul3A_718 = arith.muli %mul3A_717, %scan3A_253 : i32
          %add3A_719 = arith.constant 2 : i32
          %add3A_720 = arith.addi %mul3A_718, %add3A_719 : i32
          %get3A_721 = arith.index_cast %add3A_720 : i32 to index
          %get3A_722 = arith.constant 144 : index
          %get3A_723 = tpu.vector_load %arg13[%get3A_721, %get3A_722] {strides = array<i32>} : memref<128x256xf32, #tpu.memory_space<vmem>>, vector<1x16xf32>,
          %get3A_724 = vector.shape_cast %get3A_723 : vector<1x16xf32> to vector<16xf32>
          %add3A_725 = arith.addf %add3A_716, %get3A_724 : vector<16xf32>
          %mul3A_726 = arith.constant 4 : i32
          %mul3A_727 = arith.muli %mul3A_726, %scan3A_253 : i32
          %add3A_728 = arith.constant 3 : i32
          %add3A_729 = arith.addi %mul3A_727, %add3A_728 : i32
          %get3A_730 = arith.index_cast %add3A_729 : i32 to index
          %get3A_731 = arith.constant 144 : index
          %get3A_732 = tpu.vector_load %arg13[%get3A_730, %get3A_731] {strides = array<i32>} : memref<128x256xf32, #tpu.memory_space<vmem>>, vector<1x16xf32>,
          %get3A_733 = vector.shape_cast %get3A_732 : vector<1x16xf32> to vector<16xf32>
          %add3A_734 = arith.addf %add3A_725, %get3A_733 : vector<16xf32>
          %get3A_735 = arith.index_cast %scan3A_253 : i32 to index
          %get3A_736 = arith.constant 144 : index
          %get3A_737 = tpu.vector_load %arg15[%get3A_735, %get3A_736] {strides = array<i32>} : memref<64x256xf32, #tpu.memory_space<vmem>>, vector<1x16xf32>,
          %get3A_738 = vector.shape_cast %get3A_737 : vector<1x16xf32> to vector<16xf32>
          %add3A_739 = arith.addf %add3A_734, %get3A_738 : vector<16xf32>
          %add3A_740 = arith.constant 32 : i32
          %add3A_741 = arith.addi %add3A_740, %scan3A_253 : i32
          %get3A_742 = arith.index_cast %add3A_741 : i32 to index
          %get3A_743 = arith.constant 144 : index
          %get3A_744 = tpu.vector_load %arg15[%get3A_742, %get3A_743] {strides = array<i32>} : memref<64x256xf32, #tpu.memory_space<vmem>>, vector<1x16xf32>,
          %get3A_745 = vector.shape_cast %get3A_744 : vector<1x16xf32> to vector<16xf32>
          %add3A_746 = arith.addf %add3A_739, %get3A_745 : vector<16xf32>
          %swap3A_747 = arith.index_cast %scan3A_253 : i32 to index
          %swap3A_748 = arith.constant 144 : index
          %swap3A_749 = tpu.vector_load %arg17[%swap3A_747, %swap3A_748] {strides = array<i32>} : memref<32x256xf32, #tpu.memory_space<vmem>>, vector<1x16xf32>,
          %swap3A_750 = vector.shape_cast %swap3A_749 : vector<1x16xf32> to vector<16xf32>
          %swap3A_751 = vector.shape_cast %add3A_746 : vector<16xf32> to vector<1x16xf32>
          tpu.vector_store %arg17[%swap3A_747, %swap3A_748], %swap3A_751 {strides = array<i32>} : memref<32x256xf32, #tpu.memory_space<vmem>>, vector<1x16xf32>,
          %mul3A_752 = arith.constant 4 : i32
          %mul3A_753 = arith.muli %mul3A_752, %scan3A_253 : i32
          %get3A_754 = arith.index_cast %mul3A_753 : i32 to index
          %get3A_755 = arith.constant 160 : index
          %get3A_756 = tpu.vector_load %arg13[%get3A_754, %get3A_755] {strides = array<i32>} : memref<128x256xf32, #tpu.memory_space<vmem>>, vector<1x16xf32>,
          %get3A_757 = vector.shape_cast %get3A_756 : vector<1x16xf32> to vector<16xf32>
          %mul3A_758 = arith.constant 4 : i32
          %mul3A_759 = arith.muli %mul3A_758, %scan3A_253 : i32
          %add3A_760 = arith.constant 1 : i32
          %add3A_761 = arith.addi %mul3A_759, %add3A_760 : i32
          %get3A_762 = arith.index_cast %add3A_761 : i32 to index
          %get3A_763 = arith.constant 160 : index
          %get3A_764 = tpu.vector_load %arg13[%get3A_762, %get3A_763] {strides = array<i32>} : memref<128x256xf32, #tpu.memory_space<vmem>>, vector<1x16xf32>,
          %get3A_765 = vector.shape_cast %get3A_764 : vector<1x16xf32> to vector<16xf32>
          %add3A_766 = arith.addf %get3A_757, %get3A_765 : vector<16xf32>
          %mul3A_767 = arith.constant 4 : i32
          %mul3A_768 = arith.muli %mul3A_767, %scan3A_253 : i32
          %add3A_769 = arith.constant 2 : i32
          %add3A_770 = arith.addi %mul3A_768, %add3A_769 : i32
          %get3A_771 = arith.index_cast %add3A_770 : i32 to index
          %get3A_772 = arith.constant 160 : index
          %get3A_773 = tpu.vector_load %arg13[%get3A_771, %get3A_772] {strides = array<i32>} : memref<128x256xf32, #tpu.memory_space<vmem>>, vector<1x16xf32>,
          %get3A_774 = vector.shape_cast %get3A_773 : vector<1x16xf32> to vector<16xf32>
          %add3A_775 = arith.addf %add3A_766, %get3A_774 : vector<16xf32>
          %mul3A_776 = arith.constant 4 : i32
          %mul3A_777 = arith.muli %mul3A_776, %scan3A_253 : i32
          %add3A_778 = arith.constant 3 : i32
          %add3A_779 = arith.addi %mul3A_777, %add3A_778 : i32
          %get3A_780 = arith.index_cast %add3A_779 : i32 to index
          %get3A_781 = arith.constant 160 : index
          %get3A_782 = tpu.vector_load %arg13[%get3A_780, %get3A_781] {strides = array<i32>} : memref<128x256xf32, #tpu.memory_space<vmem>>, vector<1x16xf32>,
          %get3A_783 = vector.shape_cast %get3A_782 : vector<1x16xf32> to vector<16xf32>
          %add3A_784 = arith.addf %add3A_775, %get3A_783 : vector<16xf32>
          %get3A_785 = arith.index_cast %scan3A_253 : i32 to index
          %get3A_786 = arith.constant 160 : index
          %get3A_787 = tpu.vector_load %arg15[%get3A_785, %get3A_786] {strides = array<i32>} : memref<64x256xf32, #tpu.memory_space<vmem>>, vector<1x16xf32>,
          %get3A_788 = vector.shape_cast %get3A_787 : vector<1x16xf32> to vector<16xf32>
          %add3A_789 = arith.addf %add3A_784, %get3A_788 : vector<16xf32>
          %add3A_790 = arith.constant 32 : i32
          %add3A_791 = arith.addi %add3A_790, %scan3A_253 : i32
          %get3A_792 = arith.index_cast %add3A_791 : i32 to index
          %get3A_793 = arith.constant 160 : index
          %get3A_794 = tpu.vector_load %arg15[%get3A_792, %get3A_793] {strides = array<i32>} : memref<64x256xf32, #tpu.memory_space<vmem>>, vector<1x16xf32>,
          %get3A_795 = vector.shape_cast %get3A_794 : vector<1x16xf32> to vector<16xf32>
          %add3A_796 = arith.addf %add3A_789, %get3A_795 : vector<16xf32>
          %swap3A_797 = arith.index_cast %scan3A_253 : i32 to index
          %swap3A_798 = arith.constant 160 : index
          %swap3A_799 = tpu.vector_load %arg17[%swap3A_797, %swap3A_798] {strides = array<i32>} : memref<32x256xf32, #tpu.memory_space<vmem>>, vector<1x16xf32>,
          %swap3A_800 = vector.shape_cast %swap3A_799 : vector<1x16xf32> to vector<16xf32>
          %swap3A_801 = vector.shape_cast %add3A_796 : vector<16xf32> to vector<1x16xf32>
          tpu.vector_store %arg17[%swap3A_797, %swap3A_798], %swap3A_801 {strides = array<i32>} : memref<32x256xf32, #tpu.memory_space<vmem>>, vector<1x16xf32>,
          %mul3A_802 = arith.constant 4 : i32
          %mul3A_803 = arith.muli %mul3A_802, %scan3A_253 : i32
          %get3A_804 = arith.index_cast %mul3A_803 : i32 to index
          %get3A_805 = arith.constant 176 : index
          %get3A_806 = tpu.vector_load %arg13[%get3A_804, %get3A_805] {strides = array<i32>} : memref<128x256xf32, #tpu.memory_space<vmem>>, vector<1x16xf32>,
          %get3A_807 = vector.shape_cast %get3A_806 : vector<1x16xf32> to vector<16xf32>
          %mul3A_808 = arith.constant 4 : i32
          %mul3A_809 = arith.muli %mul3A_808, %scan3A_253 : i32
          %add3A_810 = arith.constant 1 : i32
          %add3A_811 = arith.addi %mul3A_809, %add3A_810 : i32
          %get3A_812 = arith.index_cast %add3A_811 : i32 to index
          %get3A_813 = arith.constant 176 : index
          %get3A_814 = tpu.vector_load %arg13[%get3A_812, %get3A_813] {strides = array<i32>} : memref<128x256xf32, #tpu.memory_space<vmem>>, vector<1x16xf32>,
          %get3A_815 = vector.shape_cast %get3A_814 : vector<1x16xf32> to vector<16xf32>
          %add3A_816 = arith.addf %get3A_807, %get3A_815 : vector<16xf32>
          %mul3A_817 = arith.constant 4 : i32
          %mul3A_818 = arith.muli %mul3A_817, %scan3A_253 : i32
          %add3A_819 = arith.constant 2 : i32
          %add3A_820 = arith.addi %mul3A_818, %add3A_819 : i32
          %get3A_821 = arith.index_cast %add3A_820 : i32 to index
          %get3A_822 = arith.constant 176 : index
          %get3A_823 = tpu.vector_load %arg13[%get3A_821, %get3A_822] {strides = array<i32>} : memref<128x256xf32, #tpu.memory_space<vmem>>, vector<1x16xf32>,
          %get3A_824 = vector.shape_cast %get3A_823 : vector<1x16xf32> to vector<16xf32>
          %add3A_825 = arith.addf %add3A_816, %get3A_824 : vector<16xf32>
          %mul3A_826 = arith.constant 4 : i32
          %mul3A_827 = arith.muli %mul3A_826, %scan3A_253 : i32
          %add3A_828 = arith.constant 3 : i32
          %add3A_829 = arith.addi %mul3A_827, %add3A_828 : i32
          %get3A_830 = arith.index_cast %add3A_829 : i32 to index
          %get3A_831 = arith.constant 176 : index
          %get3A_832 = tpu.vector_load %arg13[%get3A_830, %get3A_831] {strides = array<i32>} : memref<128x256xf32, #tpu.memory_space<vmem>>, vector<1x16xf32>,
          %get3A_833 = vector.shape_cast %get3A_832 : vector<1x16xf32> to vector<16xf32>
          %add3A_834 = arith.addf %add3A_825, %get3A_833 : vector<16xf32>
          %get3A_835 = arith.index_cast %scan3A_253 : i32 to index
          %get3A_836 = arith.constant 176 : index
          %get3A_837 = tpu.vector_load %arg15[%get3A_835, %get3A_836] {strides = array<i32>} : memref<64x256xf32, #tpu.memory_space<vmem>>, vector<1x16xf32>,
          %get3A_838 = vector.shape_cast %get3A_837 : vector<1x16xf32> to vector<16xf32>
          %add3A_839 = arith.addf %add3A_834, %get3A_838 : vector<16xf32>
          %add3A_840 = arith.constant 32 : i32
          %add3A_841 = arith.addi %add3A_840, %scan3A_253 : i32
          %get3A_842 = arith.index_cast %add3A_841 : i32 to index
          %get3A_843 = arith.constant 176 : index
          %get3A_844 = tpu.vector_load %arg15[%get3A_842, %get3A_843] {strides = array<i32>} : memref<64x256xf32, #tpu.memory_space<vmem>>, vector<1x16xf32>,
          %get3A_845 = vector.shape_cast %get3A_844 : vector<1x16xf32> to vector<16xf32>
          %add3A_846 = arith.addf %add3A_839, %get3A_845 : vector<16xf32>
          %swap3A_847 = arith.index_cast %scan3A_253 : i32 to index
          %swap3A_848 = arith.constant 176 : index
          %swap3A_849 = tpu.vector_load %arg17[%swap3A_847, %swap3A_848] {strides = array<i32>} : memref<32x256xf32, #tpu.memory_space<vmem>>, vector<1x16xf32>,
          %swap3A_850 = vector.shape_cast %swap3A_849 : vector<1x16xf32> to vector<16xf32>
          %swap3A_851 = vector.shape_cast %add3A_846 : vector<16xf32> to vector<1x16xf32>
          tpu.vector_store %arg17[%swap3A_847, %swap3A_848], %swap3A_851 {strides = array<i32>} : memref<32x256xf32, #tpu.memory_space<vmem>>, vector<1x16xf32>,
          %mul3A_852 = arith.constant 4 : i32
          %mul3A_853 = arith.muli %mul3A_852, %scan3A_253 : i32
          %get3A_854 = arith.index_cast %mul3A_853 : i32 to index
          %get3A_855 = arith.constant 192 : index
          %get3A_856 = tpu.vector_load %arg13[%get3A_854, %get3A_855] {strides = array<i32>} : memref<128x256xf32, #tpu.memory_space<vmem>>, vector<1x16xf32>,
          %get3A_857 = vector.shape_cast %get3A_856 : vector<1x16xf32> to vector<16xf32>
          %mul3A_858 = arith.constant 4 : i32
          %mul3A_859 = arith.muli %mul3A_858, %scan3A_253 : i32
          %add3A_860 = arith.constant 1 : i32
          %add3A_861 = arith.addi %mul3A_859, %add3A_860 : i32
          %get3A_862 = arith.index_cast %add3A_861 : i32 to index
          %get3A_863 = arith.constant 192 : index
          %get3A_864 = tpu.vector_load %arg13[%get3A_862, %get3A_863] {strides = array<i32>} : memref<128x256xf32, #tpu.memory_space<vmem>>, vector<1x16xf32>,
          %get3A_865 = vector.shape_cast %get3A_864 : vector<1x16xf32> to vector<16xf32>
          %add3A_866 = arith.addf %get3A_857, %get3A_865 : vector<16xf32>
          %mul3A_867 = arith.constant 4 : i32
          %mul3A_868 = arith.muli %mul3A_867, %scan3A_253 : i32
          %add3A_869 = arith.constant 2 : i32
          %add3A_870 = arith.addi %mul3A_868, %add3A_869 : i32
          %get3A_871 = arith.index_cast %add3A_870 : i32 to index
          %get3A_872 = arith.constant 192 : index
          %get3A_873 = tpu.vector_load %arg13[%get3A_871, %get3A_872] {strides = array<i32>} : memref<128x256xf32, #tpu.memory_space<vmem>>, vector<1x16xf32>,
          %get3A_874 = vector.shape_cast %get3A_873 : vector<1x16xf32> to vector<16xf32>
          %add3A_875 = arith.addf %add3A_866, %get3A_874 : vector<16xf32>
          %mul3A_876 = arith.constant 4 : i32
          %mul3A_877 = arith.muli %mul3A_876, %scan3A_253 : i32
          %add3A_878 = arith.constant 3 : i32
          %add3A_879 = arith.addi %mul3A_877, %add3A_878 : i32
          %get3A_880 = arith.index_cast %add3A_879 : i32 to index
          %get3A_881 = arith.constant 192 : index
          %get3A_882 = tpu.vector_load %arg13[%get3A_880, %get3A_881] {strides = array<i32>} : memref<128x256xf32, #tpu.memory_space<vmem>>, vector<1x16xf32>,
          %get3A_883 = vector.shape_cast %get3A_882 : vector<1x16xf32> to vector<16xf32>
          %add3A_884 = arith.addf %add3A_875, %get3A_883 : vector<16xf32>
          %get3A_885 = arith.index_cast %scan3A_253 : i32 to index
          %get3A_886 = arith.constant 192 : index
          %get3A_887 = tpu.vector_load %arg15[%get3A_885, %get3A_886] {strides = array<i32>} : memref<64x256xf32, #tpu.memory_space<vmem>>, vector<1x16xf32>,
          %get3A_888 = vector.shape_cast %get3A_887 : vector<1x16xf32> to vector<16xf32>
          %add3A_889 = arith.addf %add3A_884, %get3A_888 : vector<16xf32>
          %add3A_890 = arith.constant 32 : i32
          %add3A_891 = arith.addi %add3A_890, %scan3A_253 : i32
          %get3A_892 = arith.index_cast %add3A_891 : i32 to index
          %get3A_893 = arith.constant 192 : index
          %get3A_894 = tpu.vector_load %arg15[%get3A_892, %get3A_893] {strides = array<i32>} : memref<64x256xf32, #tpu.memory_space<vmem>>, vector<1x16xf32>,
          %get3A_895 = vector.shape_cast %get3A_894 : vector<1x16xf32> to vector<16xf32>
          %add3A_896 = arith.addf %add3A_889, %get3A_895 : vector<16xf32>
          %swap3A_897 = arith.index_cast %scan3A_253 : i32 to index
          %swap3A_898 = arith.constant 192 : index
          %swap3A_899 = tpu.vector_load %arg17[%swap3A_897, %swap3A_898] {strides = array<i32>} : memref<32x256xf32, #tpu.memory_space<vmem>>, vector<1x16xf32>,
          %swap3A_900 = vector.shape_cast %swap3A_899 : vector<1x16xf32> to vector<16xf32>
          %swap3A_901 = vector.shape_cast %add3A_896 : vector<16xf32> to vector<1x16xf32>
          tpu.vector_store %arg17[%swap3A_897, %swap3A_898], %swap3A_901 {strides = array<i32>} : memref<32x256xf32, #tpu.memory_space<vmem>>, vector<1x16xf32>,
          %mul3A_902 = arith.constant 4 : i32
          %mul3A_903 = arith.muli %mul3A_902, %scan3A_253 : i32
          %get3A_904 = arith.index_cast %mul3A_903 : i32 to index
          %get3A_905 = arith.constant 208 : index
          %get3A_906 = tpu.vector_load %arg13[%get3A_904, %get3A_905] {strides = array<i32>} : memref<128x256xf32, #tpu.memory_space<vmem>>, vector<1x16xf32>,
          %get3A_907 = vector.shape_cast %get3A_906 : vector<1x16xf32> to vector<16xf32>
          %mul3A_908 = arith.constant 4 : i32
          %mul3A_909 = arith.muli %mul3A_908, %scan3A_253 : i32
          %add3A_910 = arith.constant 1 : i32
          %add3A_911 = arith.addi %mul3A_909, %add3A_910 : i32
          %get3A_912 = arith.index_cast %add3A_911 : i32 to index
          %get3A_913 = arith.constant 208 : index
          %get3A_914 = tpu.vector_load %arg13[%get3A_912, %get3A_913] {strides = array<i32>} : memref<128x256xf32, #tpu.memory_space<vmem>>, vector<1x16xf32>,
          %get3A_915 = vector.shape_cast %get3A_914 : vector<1x16xf32> to vector<16xf32>
          %add3A_916 = arith.addf %get3A_907, %get3A_915 : vector<16xf32>
          %mul3A_917 = arith.constant 4 : i32
          %mul3A_918 = arith.muli %mul3A_917, %scan3A_253 : i32
          %add3A_919 = arith.constant 2 : i32
          %add3A_920 = arith.addi %mul3A_918, %add3A_919 : i32
          %get3A_921 = arith.index_cast %add3A_920 : i32 to index
          %get3A_922 = arith.constant 208 : index
          %get3A_923 = tpu.vector_load %arg13[%get3A_921, %get3A_922] {strides = array<i32>} : memref<128x256xf32, #tpu.memory_space<vmem>>, vector<1x16xf32>,
          %get3A_924 = vector.shape_cast %get3A_923 : vector<1x16xf32> to vector<16xf32>
          %add3A_925 = arith.addf %add3A_916, %get3A_924 : vector<16xf32>
          %mul3A_926 = arith.constant 4 : i32
          %mul3A_927 = arith.muli %mul3A_926, %scan3A_253 : i32
          %add3A_928 = arith.constant 3 : i32
          %add3A_929 = arith.addi %mul3A_927, %add3A_928 : i32
          %get3A_930 = arith.index_cast %add3A_929 : i32 to index
          %get3A_931 = arith.constant 208 : index
          %get3A_932 = tpu.vector_load %arg13[%get3A_930, %get3A_931] {strides = array<i32>} : memref<128x256xf32, #tpu.memory_space<vmem>>, vector<1x16xf32>,
          %get3A_933 = vector.shape_cast %get3A_932 : vector<1x16xf32> to vector<16xf32>
          %add3A_934 = arith.addf %add3A_925, %get3A_933 : vector<16xf32>
          %get3A_935 = arith.index_cast %scan3A_253 : i32 to index
          %get3A_936 = arith.constant 208 : index
          %get3A_937 = tpu.vector_load %arg15[%get3A_935, %get3A_936] {strides = array<i32>} : memref<64x256xf32, #tpu.memory_space<vmem>>, vector<1x16xf32>,
          %get3A_938 = vector.shape_cast %get3A_937 : vector<1x16xf32> to vector<16xf32>
          %add3A_939 = arith.addf %add3A_934, %get3A_938 : vector<16xf32>
          %add3A_940 = arith.constant 32 : i32
          %add3A_941 = arith.addi %add3A_940, %scan3A_253 : i32
          %get3A_942 = arith.index_cast %add3A_941 : i32 to index
          %get3A_943 = arith.constant 208 : index
          %get3A_944 = tpu.vector_load %arg15[%get3A_942, %get3A_943] {strides = array<i32>} : memref<64x256xf32, #tpu.memory_space<vmem>>, vector<1x16xf32>,
          %get3A_945 = vector.shape_cast %get3A_944 : vector<1x16xf32> to vector<16xf32>
          %add3A_946 = arith.addf %add3A_939, %get3A_945 : vector<16xf32>
          %swap3A_947 = arith.index_cast %scan3A_253 : i32 to index
          %swap3A_948 = arith.constant 208 : index
          %swap3A_949 = tpu.vector_load %arg17[%swap3A_947, %swap3A_948] {strides = array<i32>} : memref<32x256xf32, #tpu.memory_space<vmem>>, vector<1x16xf32>,
          %swap3A_950 = vector.shape_cast %swap3A_949 : vector<1x16xf32> to vector<16xf32>
          %swap3A_951 = vector.shape_cast %add3A_946 : vector<16xf32> to vector<1x16xf32>
          tpu.vector_store %arg17[%swap3A_947, %swap3A_948], %swap3A_951 {strides = array<i32>} : memref<32x256xf32, #tpu.memory_space<vmem>>, vector<1x16xf32>,
          %mul3A_952 = arith.constant 4 : i32
          %mul3A_953 = arith.muli %mul3A_952, %scan3A_253 : i32
          %get3A_954 = arith.index_cast %mul3A_953 : i32 to index
          %get3A_955 = arith.constant 224 : index
          %get3A_956 = tpu.vector_load %arg13[%get3A_954, %get3A_955] {strides = array<i32>} : memref<128x256xf32, #tpu.memory_space<vmem>>, vector<1x16xf32>,
          %get3A_957 = vector.shape_cast %get3A_956 : vector<1x16xf32> to vector<16xf32>
          %mul3A_958 = arith.constant 4 : i32
          %mul3A_959 = arith.muli %mul3A_958, %scan3A_253 : i32
          %add3A_960 = arith.constant 1 : i32
          %add3A_961 = arith.addi %mul3A_959, %add3A_960 : i32
          %get3A_962 = arith.index_cast %add3A_961 : i32 to index
          %get3A_963 = arith.constant 224 : index
          %get3A_964 = tpu.vector_load %arg13[%get3A_962, %get3A_963] {strides = array<i32>} : memref<128x256xf32, #tpu.memory_space<vmem>>, vector<1x16xf32>,
          %get3A_965 = vector.shape_cast %get3A_964 : vector<1x16xf32> to vector<16xf32>
          %add3A_966 = arith.addf %get3A_957, %get3A_965 : vector<16xf32>
          %mul3A_967 = arith.constant 4 : i32
          %mul3A_968 = arith.muli %mul3A_967, %scan3A_253 : i32
          %add3A_969 = arith.constant 2 : i32
          %add3A_970 = arith.addi %mul3A_968, %add3A_969 : i32
          %get3A_971 = arith.index_cast %add3A_970 : i32 to index
          %get3A_972 = arith.constant 224 : index
          %get3A_973 = tpu.vector_load %arg13[%get3A_971, %get3A_972] {strides = array<i32>} : memref<128x256xf32, #tpu.memory_space<vmem>>, vector<1x16xf32>,
          %get3A_974 = vector.shape_cast %get3A_973 : vector<1x16xf32> to vector<16xf32>
          %add3A_975 = arith.addf %add3A_966, %get3A_974 : vector<16xf32>
          %mul3A_976 = arith.constant 4 : i32
          %mul3A_977 = arith.muli %mul3A_976, %scan3A_253 : i32
          %add3A_978 = arith.constant 3 : i32
          %add3A_979 = arith.addi %mul3A_977, %add3A_978 : i32
          %get3A_980 = arith.index_cast %add3A_979 : i32 to index
          %get3A_981 = arith.constant 224 : index
          %get3A_982 = tpu.vector_load %arg13[%get3A_980, %get3A_981] {strides = array<i32>} : memref<128x256xf32, #tpu.memory_space<vmem>>, vector<1x16xf32>,
          %get3A_983 = vector.shape_cast %get3A_982 : vector<1x16xf32> to vector<16xf32>
          %add3A_984 = arith.addf %add3A_975, %get3A_983 : vector<16xf32>
          %get3A_985 = arith.index_cast %scan3A_253 : i32 to index
          %get3A_986 = arith.constant 224 : index
          %get3A_987 = tpu.vector_load %arg15[%get3A_985, %get3A_986] {strides = array<i32>} : memref<64x256xf32, #tpu.memory_space<vmem>>, vector<1x16xf32>,
          %get3A_988 = vector.shape_cast %get3A_987 : vector<1x16xf32> to vector<16xf32>
          %add3A_989 = arith.addf %add3A_984, %get3A_988 : vector<16xf32>
          %add3A_990 = arith.constant 32 : i32
          %add3A_991 = arith.addi %add3A_990, %scan3A_253 : i32
          %get3A_992 = arith.index_cast %add3A_991 : i32 to index
          %get3A_993 = arith.constant 224 : index
          %get3A_994 = tpu.vector_load %arg15[%get3A_992, %get3A_993] {strides = array<i32>} : memref<64x256xf32, #tpu.memory_space<vmem>>, vector<1x16xf32>,
          %get3A_995 = vector.shape_cast %get3A_994 : vector<1x16xf32> to vector<16xf32>
          %add3A_996 = arith.addf %add3A_989, %get3A_995 : vector<16xf32>
          %swap3A_997 = arith.index_cast %scan3A_253 : i32 to index
          %swap3A_998 = arith.constant 224 : index
          %swap3A_999 = tpu.vector_load %arg17[%swap3A_997, %swap3A_998] {strides = array<i32>} : memref<32x256xf32, #tpu.memory_space<vmem>>, vector<1x16xf32>,
          %swap3A_1000 = vector.shape_cast %swap3A_999 : vector<1x16xf32> to vector<16xf32>
          %swap3A_1001 = vector.shape_cast %add3A_996 : vector<16xf32> to vector<1x16xf32>
          tpu.vector_store %arg17[%swap3A_997, %swap3A_998], %swap3A_1001 {strides = array<i32>} : memref<32x256xf32, #tpu.memory_space<vmem>>, vector<1x16xf32>,
          %mul3A_1002 = arith.constant 4 : i32
          %mul3A_1003 = arith.muli %mul3A_1002, %scan3A_253 : i32
          %get3A_1004 = arith.index_cast %mul3A_1003 : i32 to index
          %get3A_1005 = arith.constant 240 : index
          %get3A_1006 = tpu.vector_load %arg13[%get3A_1004, %get3A_1005] {strides = array<i32>} : memref<128x256xf32, #tpu.memory_space<vmem>>, vector<1x16xf32>,
          %get3A_1007 = vector.shape_cast %get3A_1006 : vector<1x16xf32> to vector<16xf32>
          %mul3A_1008 = arith.constant 4 : i32
          %mul3A_1009 = arith.muli %mul3A_1008, %scan3A_253 : i32
          %add3A_1010 = arith.constant 1 : i32
          %add3A_1011 = arith.addi %mul3A_1009, %add3A_1010 : i32
          %get3A_1012 = arith.index_cast %add3A_1011 : i32 to index
          %get3A_1013 = arith.constant 240 : index
          %get3A_1014 = tpu.vector_load %arg13[%get3A_1012, %get3A_1013] {strides = array<i32>} : memref<128x256xf32, #tpu.memory_space<vmem>>, vector<1x16xf32>,
          %get3A_1015 = vector.shape_cast %get3A_1014 : vector<1x16xf32> to vector<16xf32>
          %add3A_1016 = arith.addf %get3A_1007, %get3A_1015 : vector<16xf32>
          %mul3A_1017 = arith.constant 4 : i32
          %mul3A_1018 = arith.muli %mul3A_1017, %scan3A_253 : i32
          %add3A_1019 = arith.constant 2 : i32
          %add3A_1020 = arith.addi %mul3A_1018, %add3A_1019 : i32
          %get3A_1021 = arith.index_cast %add3A_1020 : i32 to index
          %get3A_1022 = arith.constant 240 : index
          %get3A_1023 = tpu.vector_load %arg13[%get3A_1021, %get3A_1022] {strides = array<i32>} : memref<128x256xf32, #tpu.memory_space<vmem>>, vector<1x16xf32>,
          %get3A_1024 = vector.shape_cast %get3A_1023 : vector<1x16xf32> to vector<16xf32>
          %add3A_1025 = arith.addf %add3A_1016, %get3A_1024 : vector<16xf32>
          %mul3A_1026 = arith.constant 4 : i32
          %mul3A_1027 = arith.muli %mul3A_1026, %scan3A_253 : i32
          %add3A_1028 = arith.constant 3 : i32
          %add3A_1029 = arith.addi %mul3A_1027, %add3A_1028 : i32
          %get3A_1030 = arith.index_cast %add3A_1029 : i32 to index
          %get3A_1031 = arith.constant 240 : index
          %get3A_1032 = tpu.vector_load %arg13[%get3A_1030, %get3A_1031] {strides = array<i32>} : memref<128x256xf32, #tpu.memory_space<vmem>>, vector<1x16xf32>,
          %get3A_1033 = vector.shape_cast %get3A_1032 : vector<1x16xf32> to vector<16xf32>
          %add3A_1034 = arith.addf %add3A_1025, %get3A_1033 : vector<16xf32>
          %get3A_1035 = arith.index_cast %scan3A_253 : i32 to index
          %get3A_1036 = arith.constant 240 : index
          %get3A_1037 = tpu.vector_load %arg15[%get3A_1035, %get3A_1036] {strides = array<i32>} : memref<64x256xf32, #tpu.memory_space<vmem>>, vector<1x16xf32>,
          %get3A_1038 = vector.shape_cast %get3A_1037 : vector<1x16xf32> to vector<16xf32>
          %add3A_1039 = arith.addf %add3A_1034, %get3A_1038 : vector<16xf32>
          %add3A_1040 = arith.constant 32 : i32
          %add3A_1041 = arith.addi %add3A_1040, %scan3A_253 : i32
          %get3A_1042 = arith.index_cast %add3A_1041 : i32 to index
          %get3A_1043 = arith.constant 240 : index
          %get3A_1044 = tpu.vector_load %arg15[%get3A_1042, %get3A_1043] {strides = array<i32>} : memref<64x256xf32, #tpu.memory_space<vmem>>, vector<1x16xf32>,
          %get3A_1045 = vector.shape_cast %get3A_1044 : vector<1x16xf32> to vector<16xf32>
          %add3A_1046 = arith.addf %add3A_1039, %get3A_1045 : vector<16xf32>
          %swap3A_1047 = arith.index_cast %scan3A_253 : i32 to index
          %swap3A_1048 = arith.constant 240 : index
          %swap3A_1049 = tpu.vector_load %arg17[%swap3A_1047, %swap3A_1048] {strides = array<i32>} : memref<32x256xf32, #tpu.memory_space<vmem>>, vector<1x16xf32>,
          %swap3A_1050 = vector.shape_cast %swap3A_1049 : vector<1x16xf32> to vector<16xf32>
          %swap3A_1051 = vector.shape_cast %add3A_1046 : vector<16xf32> to vector<1x16xf32>
          tpu.vector_store %arg17[%swap3A_1047, %swap3A_1048], %swap3A_1051 {strides = array<i32>} : memref<32x256xf32, #tpu.memory_space<vmem>>, vector<1x16xf32>,
        }
        %scan3A_252 = arith.constant 32 : i32
      } else {
      }
      %lt3A_184 = arith.constant 8 : i32
      %lt3A_185 = arith.cmpi slt, %mul3A_159, %lt3A_184 : i32
      %mul3A_186 = arith.constant 32 : i32
      %mul3A_187 = arith.muli %mul3A_159, %mul3A_186 : i32
      %add3A_188 = arith.addi %add3A_45, %mul3A_187 : i32
      %sub3A_189 = arith.constant 8 : i32
      %sub3A_190 = arith.subi %mul3A_159, %sub3A_189 : i32
      %mul3A_191 = arith.constant 32 : i32
      %mul3A_192 = arith.muli %sub3A_190, %mul3A_191 : i32
      %add3A_193 = arith.addi %add3A_52, %mul3A_192 : i32
      %select_n3A_194 = arith.select %lt3A_185, %add3A_188, %add3A_193 : i32
      %dma_start3A_195 = arith.constant 0 : i32
      %dma_start3A_196 = tpu.memref_slice %arg8[%select_n3A_194, %dma_start3A_195] : memref<32768x256xf32, #tpu.memory_space<hbm>> -> memref<32x256xf32, #tpu.memory_space<hbm>>
      %dma_start3A_197 = arith.constant 0 : i32
      %dma_start3A_198 = tpu.memref_slice %arg8[%select_n3A_194, %dma_start3A_197] : memref<32768x256xf32, #tpu.memory_space<hbm>> -> memref<32x256xf32, #tpu.memory_space<hbm>>
      tpu.enqueue_dma source(%arg17 : memref<32x256xf32, #tpu.memory_space<vmem>>) target(%dma_start3A_198 : memref<32x256xf32, #tpu.memory_space<hbm>>) target_semaphore(%arg26 : memref<!tpu.dma_semaphore, #tpu.memory_space<semaphore_mem>>)
      %lt3A_199 = arith.constant 15 : i32
      %lt3A_200 = arith.cmpi slt, %scan3A_146, %lt3A_199 : i32
      %convert_element_type3A_201 = arith.extui %lt3A_200 : i1 to i32
      %cond3A_202 = arith.constant 0 : i32
      %cond3A_203 = arith.cmpi ne, %convert_element_type3A_201, %cond3A_202 : i32
      scf.if %cond3A_203 {
        %mul3A_248 = arith.constant 2 : i32
        %mul3A_249 = arith.muli %mul3A_248, %scan3A_146 : i32
        %add3A_250 = arith.constant 2 : i32
        %add3A_251 = arith.addi %mul3A_249, %add3A_250 : i32
        %lt3A_252 = arith.constant 8 : i32
        %lt3A_253 = arith.cmpi slt, %add3A_251, %lt3A_252 : i32
        %convert_element_type3A_254 = arith.extui %lt3A_253 : i1 to i32
        %cond3A_255 = arith.constant 0 : i32
        %cond3A_256 = arith.cmpi ne, %convert_element_type3A_254, %cond3A_255 : i32
        scf.if %cond3A_256 {
          %mul3A_262 = arith.constant 4 : i32
          %mul3A_263 = arith.muli %add3A_251, %mul3A_262 : i32
          %mul3A_264 = arith.constant 32 : i32
          %mul3A_265 = arith.muli %mul3A_263, %mul3A_264 : i32
          %mul3A_266 = arith.constant 4 : i32
          %mul3A_267 = arith.muli %add3A_251, %mul3A_266 : i32
          %mul3A_268 = arith.constant 32 : i32
          %mul3A_269 = arith.muli %mul3A_267, %mul3A_268 : i32
          %add3A_270 = arith.constant 64 : i32
          %add3A_271 = arith.addi %mul3A_269, %add3A_270 : i32
          %add3A_272 = arith.constant 16384 : i32
          %add3A_273 = arith.addi %add3A_272, %add3A_35 : i32
          %mul3A_274 = arith.constant 32 : i32
          %mul3A_275 = arith.muli %add3A_251, %mul3A_274 : i32
          %add3A_276 = arith.addi %add3A_273, %mul3A_275 : i32
          %dma_start3A_277 = arith.constant 0 : i32
          %dma_start3A_278 = arith.constant 0 : i32
          %dma_start3A_279 = tpu.memref_slice %arg13[%dma_start3A_277, %dma_start3A_278] : memref<128x256xf32, #tpu.memory_space<vmem>> -> memref<64x256xf32, #tpu.memory_space<vmem>>
          %dma_start3A_280 = tpu.memref_slice %arg9[%mul3A_265] : memref<1024xi32, #tpu.memory_space<vmem>> -> memref<64xi32, #tpu.memory_space<vmem>>
          %dma_start3A_281 = arith.constant 0 : i32
          %dma_start3A_282 = arith.constant 0 : i32
          %dma_start3A_283 = tpu.memref_slice %arg6[%dma_start3A_281, %dma_start3A_282] : memref<8192x256xf32, #tpu.memory_space<hbm>> -> memref<8192x256xf32, #tpu.memory_space<hbm>>
          tpu.enqueue_indirect_dma source(%dma_start3A_283 : memref<8192x256xf32, #tpu.memory_space<hbm>>) target(%dma_start3A_279 : memref<64x256xf32, #tpu.memory_space<vmem>>) offsets(%dma_start3A_280 : memref<64xi32, #tpu.memory_space<vmem>>) semaphore(%arg20 : memref<!tpu.dma_semaphore, #tpu.memory_space<semaphore_mem>>)
          %dma_start3A_284 = arith.constant 64 : i32
          %dma_start3A_285 = arith.constant 0 : i32
          %dma_start3A_286 = tpu.memref_slice %arg13[%dma_start3A_284, %dma_start3A_285] : memref<128x256xf32, #tpu.memory_space<vmem>> -> memref<64x256xf32, #tpu.memory_space<vmem>>
          %dma_start3A_287 = tpu.memref_slice %arg9[%add3A_271] : memref<1024xi32, #tpu.memory_space<vmem>> -> memref<64xi32, #tpu.memory_space<vmem>>
          %dma_start3A_288 = arith.constant 0 : i32
          %dma_start3A_289 = arith.constant 0 : i32
          %dma_start3A_290 = tpu.memref_slice %arg6[%dma_start3A_288, %dma_start3A_289] : memref<8192x256xf32, #tpu.memory_space<hbm>> -> memref<8192x256xf32, #tpu.memory_space<hbm>>
          tpu.enqueue_indirect_dma source(%dma_start3A_290 : memref<8192x256xf32, #tpu.memory_space<hbm>>) target(%dma_start3A_286 : memref<64x256xf32, #tpu.memory_space<vmem>>) offsets(%dma_start3A_287 : memref<64xi32, #tpu.memory_space<vmem>>) semaphore(%arg22 : memref<!tpu.dma_semaphore, #tpu.memory_space<semaphore_mem>>)
          %dma_start3A_291 = arith.constant 0 : i32
          %dma_start3A_292 = arith.constant 0 : i32
          %dma_start3A_293 = tpu.memref_slice %arg15[%dma_start3A_291, %dma_start3A_292] : memref<64x256xf32, #tpu.memory_space<vmem>> -> memref<32x256xf32, #tpu.memory_space<vmem>>
          %dma_start3A_294 = arith.constant 0 : i32
          %dma_start3A_295 = tpu.memref_slice %arg7[%add3A_276, %dma_start3A_294] : memref<32768x256xf32, #tpu.memory_space<hbm>> -> memref<32x256xf32, #tpu.memory_space<hbm>>
          %dma_start3A_296 = arith.constant 0 : i32
          %dma_start3A_297 = arith.constant 0 : i32
          %dma_start3A_298 = tpu.memref_slice %arg15[%dma_start3A_296, %dma_start3A_297] : memref<64x256xf32, #tpu.memory_space<vmem>> -> memref<32x256xf32, #tpu.memory_space<vmem>>
          %dma_start3A_299 = arith.constant 0 : i32
          %dma_start3A_300 = tpu.memref_slice %arg7[%add3A_276, %dma_start3A_299] : memref<32768x256xf32, #tpu.memory_space<hbm>> -> memref<32x256xf32, #tpu.memory_space<hbm>>
          tpu.enqueue_dma source(%dma_start3A_300 : memref<32x256xf32, #tpu.memory_space<hbm>>) target(%dma_start3A_298 : memref<32x256xf32, #tpu.memory_space<vmem>>) target_semaphore(%arg24 : memref<!tpu.dma_semaphore, #tpu.memory_space<semaphore_mem>>)
        } else {
        }
        %ge3A_257 = arith.constant 8 : i32
        %ge3A_258 = arith.cmpi sge, %add3A_251, %ge3A_257 : i32
        %convert_element_type3A_259 = arith.extui %ge3A_258 : i1 to i32
        %cond3A_260 = arith.constant 0 : i32
        %cond3A_261 = arith.cmpi ne, %convert_element_type3A_259, %cond3A_260 : i32
        scf.if %cond3A_261 {
          %sub3A_262 = arith.constant 8 : i32
          %sub3A_263 = arith.subi %add3A_251, %sub3A_262 : i32
          %mul3A_264 = arith.constant 4 : i32
          %mul3A_265 = arith.muli %sub3A_263, %mul3A_264 : i32
          %mul3A_266 = arith.constant 32 : i32
          %mul3A_267 = arith.muli %mul3A_265, %mul3A_266 : i32
          %mul3A_268 = arith.constant 4 : i32
          %mul3A_269 = arith.muli %sub3A_263, %mul3A_268 : i32
          %mul3A_270 = arith.constant 32 : i32
          %mul3A_271 = arith.muli %mul3A_269, %mul3A_270 : i32
          %add3A_272 = arith.constant 64 : i32
          %add3A_273 = arith.addi %mul3A_271, %add3A_272 : i32
          %mul3A_274 = arith.constant 2 : i32
          %mul3A_275 = arith.muli %sub3A_263, %mul3A_274 : i32
          %mul3A_276 = arith.constant 32 : i32
          %mul3A_277 = arith.muli %mul3A_275, %mul3A_276 : i32
          %dma_start3A_278 = arith.constant 0 : i32
          %dma_start3A_279 = arith.constant 0 : i32
          %dma_start3A_280 = tpu.memref_slice %arg13[%dma_start3A_278, %dma_start3A_279] : memref<128x256xf32, #tpu.memory_space<vmem>> -> memref<64x256xf32, #tpu.memory_space<vmem>>
          %dma_start3A_281 = tpu.memref_slice %arg10[%mul3A_267] : memref<3072xi32, #tpu.memory_space<vmem>> -> memref<64xi32, #tpu.memory_space<vmem>>
          %dma_start3A_282 = arith.constant 0 : i32
          %dma_start3A_283 = arith.constant 0 : i32
          %dma_start3A_284 = tpu.memref_slice %arg6[%dma_start3A_282, %dma_start3A_283] : memref<8192x256xf32, #tpu.memory_space<hbm>> -> memref<8192x256xf32, #tpu.memory_space<hbm>>
          tpu.enqueue_indirect_dma source(%dma_start3A_284 : memref<8192x256xf32, #tpu.memory_space<hbm>>) target(%dma_start3A_280 : memref<64x256xf32, #tpu.memory_space<vmem>>) offsets(%dma_start3A_281 : memref<64xi32, #tpu.memory_space<vmem>>) semaphore(%arg20 : memref<!tpu.dma_semaphore, #tpu.memory_space<semaphore_mem>>)
          %dma_start3A_285 = arith.constant 64 : i32
          %dma_start3A_286 = arith.constant 0 : i32
          %dma_start3A_287 = tpu.memref_slice %arg13[%dma_start3A_285, %dma_start3A_286] : memref<128x256xf32, #tpu.memory_space<vmem>> -> memref<64x256xf32, #tpu.memory_space<vmem>>
          %dma_start3A_288 = tpu.memref_slice %arg10[%add3A_273] : memref<3072xi32, #tpu.memory_space<vmem>> -> memref<64xi32, #tpu.memory_space<vmem>>
          %dma_start3A_289 = arith.constant 0 : i32
          %dma_start3A_290 = arith.constant 0 : i32
          %dma_start3A_291 = tpu.memref_slice %arg6[%dma_start3A_289, %dma_start3A_290] : memref<8192x256xf32, #tpu.memory_space<hbm>> -> memref<8192x256xf32, #tpu.memory_space<hbm>>
          tpu.enqueue_indirect_dma source(%dma_start3A_291 : memref<8192x256xf32, #tpu.memory_space<hbm>>) target(%dma_start3A_287 : memref<64x256xf32, #tpu.memory_space<vmem>>) offsets(%dma_start3A_288 : memref<64xi32, #tpu.memory_space<vmem>>) semaphore(%arg22 : memref<!tpu.dma_semaphore, #tpu.memory_space<semaphore_mem>>)
          %dma_start3A_292 = tpu.memref_slice %arg11[%mul3A_277] : memref<1536xi32, #tpu.memory_space<vmem>> -> memref<64xi32, #tpu.memory_space<vmem>>
          %dma_start3A_293 = arith.constant 0 : i32
          %dma_start3A_294 = arith.constant 0 : i32
          %dma_start3A_295 = tpu.memref_slice %arg7[%dma_start3A_293, %dma_start3A_294] : memref<32768x256xf32, #tpu.memory_space<hbm>> -> memref<32768x256xf32, #tpu.memory_space<hbm>>
          tpu.enqueue_indirect_dma source(%dma_start3A_295 : memref<32768x256xf32, #tpu.memory_space<hbm>>) target(%arg15 : memref<64x256xf32, #tpu.memory_space<vmem>>) offsets(%dma_start3A_292 : memref<64xi32, #tpu.memory_space<vmem>>) semaphore(%arg24 : memref<!tpu.dma_semaphore, #tpu.memory_space<semaphore_mem>>)
        } else {
        }
      } else {
      }
      %mul3A_204 = arith.constant 2 : i32
      %mul3A_205 = arith.muli %mul3A_204, %scan3A_146 : i32
      %add3A_206 = arith.constant 1 : i32
      %add3A_207 = arith.addi %mul3A_205, %add3A_206 : i32
      %lt3A_208 = arith.constant 8 : i32
      %lt3A_209 = arith.cmpi slt, %add3A_207, %lt3A_208 : i32
      %convert_element_type3A_210 = arith.extui %lt3A_209 : i1 to i32
      %cond3A_211 = arith.constant 0 : i32
      %cond3A_212 = arith.cmpi ne, %convert_element_type3A_210, %cond3A_211 : i32
      scf.if %cond3A_212 {
        %mul3A_248 = arith.constant 4 : i32
        %mul3A_249 = arith.muli %add3A_207, %mul3A_248 : i32
        %mul3A_250 = arith.constant 32 : i32
        %mul3A_251 = arith.muli %mul3A_249, %mul3A_250 : i32
        %mul3A_252 = arith.constant 4 : i32
        %mul3A_253 = arith.muli %add3A_207, %mul3A_252 : i32
        %mul3A_254 = arith.constant 32 : i32
        %mul3A_255 = arith.muli %mul3A_253, %mul3A_254 : i32
        %add3A_256 = arith.constant 64 : i32
        %add3A_257 = arith.addi %mul3A_255, %add3A_256 : i32
        %add3A_258 = arith.constant 16384 : i32
        %add3A_259 = arith.addi %add3A_258, %add3A_35 : i32
        %mul3A_260 = arith.constant 32 : i32
        %mul3A_261 = arith.muli %add3A_207, %mul3A_260 : i32
        %add3A_262 = arith.addi %add3A_259, %mul3A_261 : i32
        %dma_wait3A_263 = arith.constant 0 : i32
        %dma_wait3A_264 = arith.constant 0 : i32
        %dma_wait3A_265 = tpu.memref_slice %arg14[%dma_wait3A_263, %dma_wait3A_264] : memref<128x256xf32, #tpu.memory_space<vmem>> -> memref<64x256xf32, #tpu.memory_space<vmem>>
        %dma_wait3A_266 = tpu.memref_slice %arg9[%mul3A_251] : memref<1024xi32, #tpu.memory_space<vmem>> -> memref<64xi32, #tpu.memory_space<vmem>>
        %dma_wait3A_267 = arith.constant 0 : i32
        %dma_wait3A_268 = arith.constant 0 : i32
        %dma_wait3A_269 = tpu.memref_slice %arg6[%dma_wait3A_267, %dma_wait3A_268] : memref<8192x256xf32, #tpu.memory_space<hbm>> -> memref<8192x256xf32, #tpu.memory_space<hbm>>
        tpu.wait_indirect_dma semaphore(%arg21 : memref<!tpu.dma_semaphore, #tpu.memory_space<semaphore_mem>>) src(%dma_wait3A_269 : memref<8192x256xf32, #tpu.memory_space<hbm>>) dst(%dma_wait3A_265 : memref<64x256xf32, #tpu.memory_space<vmem>>)
        %dma_wait3A_270 = arith.constant 64 : i32
        %dma_wait3A_271 = arith.constant 0 : i32
        %dma_wait3A_272 = tpu.memref_slice %arg14[%dma_wait3A_270, %dma_wait3A_271] : memref<128x256xf32, #tpu.memory_space<vmem>> -> memref<64x256xf32, #tpu.memory_space<vmem>>
        %dma_wait3A_273 = tpu.memref_slice %arg9[%add3A_257] : memref<1024xi32, #tpu.memory_space<vmem>> -> memref<64xi32, #tpu.memory_space<vmem>>
        %dma_wait3A_274 = arith.constant 0 : i32
        %dma_wait3A_275 = arith.constant 0 : i32
        %dma_wait3A_276 = tpu.memref_slice %arg6[%dma_wait3A_274, %dma_wait3A_275] : memref<8192x256xf32, #tpu.memory_space<hbm>> -> memref<8192x256xf32, #tpu.memory_space<hbm>>
        tpu.wait_indirect_dma semaphore(%arg23 : memref<!tpu.dma_semaphore, #tpu.memory_space<semaphore_mem>>) src(%dma_wait3A_276 : memref<8192x256xf32, #tpu.memory_space<hbm>>) dst(%dma_wait3A_272 : memref<64x256xf32, #tpu.memory_space<vmem>>)
        %dma_wait3A_277 = arith.constant 0 : i32
        %dma_wait3A_278 = arith.constant 0 : i32
        %dma_wait3A_279 = tpu.memref_slice %arg16[%dma_wait3A_277, %dma_wait3A_278] : memref<64x256xf32, #tpu.memory_space<vmem>> -> memref<32x256xf32, #tpu.memory_space<vmem>>
        %dma_wait3A_280 = arith.constant 0 : i32
        %dma_wait3A_281 = tpu.memref_slice %arg7[%add3A_262, %dma_wait3A_280] : memref<32768x256xf32, #tpu.memory_space<hbm>> -> memref<32x256xf32, #tpu.memory_space<hbm>>
        %dma_wait3A_282 = arith.constant 0 : i32
        %dma_wait3A_283 = arith.constant 0 : i32
        %dma_wait3A_284 = tpu.memref_slice %arg16[%dma_wait3A_282, %dma_wait3A_283] : memref<64x256xf32, #tpu.memory_space<vmem>> -> memref<32x256xf32, #tpu.memory_space<vmem>>
        %dma_wait3A_285 = arith.constant 0 : i32
        %dma_wait3A_286 = tpu.memref_slice %arg7[%add3A_262, %dma_wait3A_285] : memref<32768x256xf32, #tpu.memory_space<hbm>> -> memref<32x256xf32, #tpu.memory_space<hbm>>
        tpu.wait_dma2 semaphore(%arg25 : memref<!tpu.dma_semaphore, #tpu.memory_space<semaphore_mem>>) src(%dma_wait3A_286 : memref<32x256xf32, #tpu.memory_space<hbm>>) dst(%dma_wait3A_284 : memref<32x256xf32, #tpu.memory_space<vmem>>)
      } else {
      }
      %ge3A_213 = arith.constant 8 : i32
      %ge3A_214 = arith.cmpi sge, %add3A_207, %ge3A_213 : i32
      %convert_element_type3A_215 = arith.extui %ge3A_214 : i1 to i32
      %cond3A_216 = arith.constant 0 : i32
      %cond3A_217 = arith.cmpi ne, %convert_element_type3A_215, %cond3A_216 : i32
      scf.if %cond3A_217 {
        %sub3A_248 = arith.constant 8 : i32
        %sub3A_249 = arith.subi %add3A_207, %sub3A_248 : i32
        %mul3A_250 = arith.constant 4 : i32
        %mul3A_251 = arith.muli %sub3A_249, %mul3A_250 : i32
        %mul3A_252 = arith.constant 32 : i32
        %mul3A_253 = arith.muli %mul3A_251, %mul3A_252 : i32
        %mul3A_254 = arith.constant 4 : i32
        %mul3A_255 = arith.muli %sub3A_249, %mul3A_254 : i32
        %mul3A_256 = arith.constant 32 : i32
        %mul3A_257 = arith.muli %mul3A_255, %mul3A_256 : i32
        %add3A_258 = arith.constant 64 : i32
        %add3A_259 = arith.addi %mul3A_257, %add3A_258 : i32
        %mul3A_260 = arith.constant 2 : i32
        %mul3A_261 = arith.muli %sub3A_249, %mul3A_260 : i32
        %mul3A_262 = arith.constant 32 : i32
        %mul3A_263 = arith.muli %mul3A_261, %mul3A_262 : i32
        %dma_wait3A_264 = arith.constant 0 : i32
        %dma_wait3A_265 = arith.constant 0 : i32
        %dma_wait3A_266 = tpu.memref_slice %arg14[%dma_wait3A_264, %dma_wait3A_265] : memref<128x256xf32, #tpu.memory_space<vmem>> -> memref<64x256xf32, #tpu.memory_space<vmem>>
        %dma_wait3A_267 = tpu.memref_slice %arg10[%mul3A_253] : memref<3072xi32, #tpu.memory_space<vmem>> -> memref<64xi32, #tpu.memory_space<vmem>>
        %dma_wait3A_268 = arith.constant 0 : i32
        %dma_wait3A_269 = arith.constant 0 : i32
        %dma_wait3A_270 = tpu.memref_slice %arg6[%dma_wait3A_268, %dma_wait3A_269] : memref<8192x256xf32, #tpu.memory_space<hbm>> -> memref<8192x256xf32, #tpu.memory_space<hbm>>
        tpu.wait_indirect_dma semaphore(%arg21 : memref<!tpu.dma_semaphore, #tpu.memory_space<semaphore_mem>>) src(%dma_wait3A_270 : memref<8192x256xf32, #tpu.memory_space<hbm>>) dst(%dma_wait3A_266 : memref<64x256xf32, #tpu.memory_space<vmem>>)
        %dma_wait3A_271 = arith.constant 64 : i32
        %dma_wait3A_272 = arith.constant 0 : i32
        %dma_wait3A_273 = tpu.memref_slice %arg14[%dma_wait3A_271, %dma_wait3A_272] : memref<128x256xf32, #tpu.memory_space<vmem>> -> memref<64x256xf32, #tpu.memory_space<vmem>>
        %dma_wait3A_274 = tpu.memref_slice %arg10[%add3A_259] : memref<3072xi32, #tpu.memory_space<vmem>> -> memref<64xi32, #tpu.memory_space<vmem>>
        %dma_wait3A_275 = arith.constant 0 : i32
        %dma_wait3A_276 = arith.constant 0 : i32
        %dma_wait3A_277 = tpu.memref_slice %arg6[%dma_wait3A_275, %dma_wait3A_276] : memref<8192x256xf32, #tpu.memory_space<hbm>> -> memref<8192x256xf32, #tpu.memory_space<hbm>>
        tpu.wait_indirect_dma semaphore(%arg23 : memref<!tpu.dma_semaphore, #tpu.memory_space<semaphore_mem>>) src(%dma_wait3A_277 : memref<8192x256xf32, #tpu.memory_space<hbm>>) dst(%dma_wait3A_273 : memref<64x256xf32, #tpu.memory_space<vmem>>)
        %dma_wait3A_278 = tpu.memref_slice %arg11[%mul3A_263] : memref<1536xi32, #tpu.memory_space<vmem>> -> memref<64xi32, #tpu.memory_space<vmem>>
        %dma_wait3A_279 = arith.constant 0 : i32
        %dma_wait3A_280 = arith.constant 0 : i32
        %dma_wait3A_281 = tpu.memref_slice %arg7[%dma_wait3A_279, %dma_wait3A_280] : memref<32768x256xf32, #tpu.memory_space<hbm>> -> memref<32768x256xf32, #tpu.memory_space<hbm>>
        tpu.wait_indirect_dma semaphore(%arg25 : memref<!tpu.dma_semaphore, #tpu.memory_space<semaphore_mem>>) src(%dma_wait3A_281 : memref<32768x256xf32, #tpu.memory_space<hbm>>) dst(%arg16 : memref<64x256xf32, #tpu.memory_space<vmem>>)
      } else {
      }
      %gt3A_218 = arith.constant 0 : i32
      %gt3A_219 = arith.cmpi sgt, %scan3A_146, %gt3A_218 : i32
      %convert_element_type3A_220 = arith.extui %gt3A_219 : i1 to i32
      %cond3A_221 = arith.constant 0 : i32
      %cond3A_222 = arith.cmpi ne, %convert_element_type3A_220, %cond3A_221 : i32
      scf.if %cond3A_222 {
        %lt3A_248 = arith.constant 8 : i32
        %lt3A_249 = arith.cmpi slt, %add3A_207, %lt3A_248 : i32
        %mul3A_250 = arith.constant 32 : i32
        %mul3A_251 = arith.muli %add3A_207, %mul3A_250 : i32
        %add3A_252 = arith.addi %add3A_45, %mul3A_251 : i32
        %sub3A_253 = arith.constant 8 : i32
        %sub3A_254 = arith.subi %add3A_207, %sub3A_253 : i32
        %mul3A_255 = arith.constant 32 : i32
        %mul3A_256 = arith.muli %sub3A_254, %mul3A_255 : i32
        %add3A_257 = arith.addi %add3A_52, %mul3A_256 : i32
        %select_n3A_258 = arith.select %lt3A_249, %add3A_252, %add3A_257 : i32
        %dma_wait3A_259 = arith.constant 0 : i32
        %dma_wait3A_260 = tpu.memref_slice %arg8[%select_n3A_258, %dma_wait3A_259] : memref<32768x256xf32, #tpu.memory_space<hbm>> -> memref<32x256xf32, #tpu.memory_space<hbm>>
        %dma_wait3A_261 = arith.constant 0 : i32
        %dma_wait3A_262 = tpu.memref_slice %arg8[%select_n3A_258, %dma_wait3A_261] : memref<32768x256xf32, #tpu.memory_space<hbm>> -> memref<32x256xf32, #tpu.memory_space<hbm>>
        tpu.wait_dma2 semaphore(%arg27 : memref<!tpu.dma_semaphore, #tpu.memory_space<semaphore_mem>>) src(%arg18 : memref<32x256xf32, #tpu.memory_space<vmem>>) dst(%dma_wait3A_262 : memref<32x256xf32, #tpu.memory_space<hbm>>)
      } else {
      }
      %lt3A_223 = arith.constant 8 : i32
      %lt3A_224 = arith.cmpi slt, %add3A_207, %lt3A_223 : i32
      %convert_element_type3A_225 = arith.extui %lt3A_224 : i1 to i32
      %cond3A_226 = arith.constant 0 : i32
      %cond3A_227 = arith.cmpi ne, %convert_element_type3A_225, %cond3A_226 : i32
      scf.if %cond3A_227 {
        %scan3A_248 = arith.constant 0 : i32
        %scan3A_249 = arith.constant 32 : i32
        %scan3A_250 = arith.addi %scan3A_248, %scan3A_249 : i32
        %scan3A_251 = arith.constant 1 : i32
        scf.for %scan3A_253 = %scan3A_248 to %scan3A_250 step %scan3A_251  : i32 {
          %mul3A_254 = arith.constant 4 : i32
          %mul3A_255 = arith.muli %mul3A_254, %scan3A_253 : i32
          %get3A = arith.index_cast %mul3A_255 : i32 to index
          %get3A_256 = arith.constant 0 : index
          %get3A_257 = tpu.vector_load %arg14[%get3A, %get3A_256] {strides = array<i32>} : memref<128x256xf32, #tpu.memory_space<vmem>>, vector<1x16xf32>,
          %get3A_258 = vector.shape_cast %get3A_257 : vector<1x16xf32> to vector<16xf32>
          %mul3A_259 = arith.constant 4 : i32
          %mul3A_260 = arith.muli %mul3A_259, %scan3A_253 : i32
          %add3A_261 = arith.constant 1 : i32
          %add3A_262 = arith.addi %mul3A_260, %add3A_261 : i32
          %get3A_263 = arith.index_cast %add3A_262 : i32 to index
          %get3A_264 = arith.constant 0 : index
          %get3A_265 = tpu.vector_load %arg14[%get3A_263, %get3A_264] {strides = array<i32>} : memref<128x256xf32, #tpu.memory_space<vmem>>, vector<1x16xf32>,
          %get3A_266 = vector.shape_cast %get3A_265 : vector<1x16xf32> to vector<16xf32>
          %add3A_267 = arith.addf %get3A_258, %get3A_266 : vector<16xf32>
          %mul3A_268 = arith.constant 4 : i32
          %mul3A_269 = arith.muli %mul3A_268, %scan3A_253 : i32
          %add3A_270 = arith.constant 2 : i32
          %add3A_271 = arith.addi %mul3A_269, %add3A_270 : i32
          %get3A_272 = arith.index_cast %add3A_271 : i32 to index
          %get3A_273 = arith.constant 0 : index
          %get3A_274 = tpu.vector_load %arg14[%get3A_272, %get3A_273] {strides = array<i32>} : memref<128x256xf32, #tpu.memory_space<vmem>>, vector<1x16xf32>,
          %get3A_275 = vector.shape_cast %get3A_274 : vector<1x16xf32> to vector<16xf32>
          %add3A_276 = arith.addf %add3A_267, %get3A_275 : vector<16xf32>
          %mul3A_277 = arith.constant 4 : i32
          %mul3A_278 = arith.muli %mul3A_277, %scan3A_253 : i32
          %add3A_279 = arith.constant 3 : i32
          %add3A_280 = arith.addi %mul3A_278, %add3A_279 : i32
          %get3A_281 = arith.index_cast %add3A_280 : i32 to index
          %get3A_282 = arith.constant 0 : index
          %get3A_283 = tpu.vector_load %arg14[%get3A_281, %get3A_282] {strides = array<i32>} : memref<128x256xf32, #tpu.memory_space<vmem>>, vector<1x16xf32>,
          %get3A_284 = vector.shape_cast %get3A_283 : vector<1x16xf32> to vector<16xf32>
          %add3A_285 = arith.addf %add3A_276, %get3A_284 : vector<16xf32>
          %get3A_286 = arith.index_cast %scan3A_253 : i32 to index
          %get3A_287 = arith.constant 0 : index
          %get3A_288 = tpu.vector_load %arg16[%get3A_286, %get3A_287] {strides = array<i32>} : memref<64x256xf32, #tpu.memory_space<vmem>>, vector<1x16xf32>,
          %get3A_289 = vector.shape_cast %get3A_288 : vector<1x16xf32> to vector<16xf32>
          %add3A_290 = arith.addf %add3A_285, %get3A_289 : vector<16xf32>
          %swap3A = arith.index_cast %scan3A_253 : i32 to index
          %swap3A_291 = arith.constant 0 : index
          %swap3A_292 = tpu.vector_load %arg18[%swap3A, %swap3A_291] {strides = array<i32>} : memref<32x256xf32, #tpu.memory_space<vmem>>, vector<1x16xf32>,
          %swap3A_293 = vector.shape_cast %swap3A_292 : vector<1x16xf32> to vector<16xf32>
          %swap3A_294 = vector.shape_cast %add3A_290 : vector<16xf32> to vector<1x16xf32>
          tpu.vector_store %arg18[%swap3A, %swap3A_291], %swap3A_294 {strides = array<i32>} : memref<32x256xf32, #tpu.memory_space<vmem>>, vector<1x16xf32>,
          %mul3A_295 = arith.constant 4 : i32
          %mul3A_296 = arith.muli %mul3A_295, %scan3A_253 : i32
          %get3A_297 = arith.index_cast %mul3A_296 : i32 to index
          %get3A_298 = arith.constant 16 : index
          %get3A_299 = tpu.vector_load %arg14[%get3A_297, %get3A_298] {strides = array<i32>} : memref<128x256xf32, #tpu.memory_space<vmem>>, vector<1x16xf32>,
          %get3A_300 = vector.shape_cast %get3A_299 : vector<1x16xf32> to vector<16xf32>
          %mul3A_301 = arith.constant 4 : i32
          %mul3A_302 = arith.muli %mul3A_301, %scan3A_253 : i32
          %add3A_303 = arith.constant 1 : i32
          %add3A_304 = arith.addi %mul3A_302, %add3A_303 : i32
          %get3A_305 = arith.index_cast %add3A_304 : i32 to index
          %get3A_306 = arith.constant 16 : index
          %get3A_307 = tpu.vector_load %arg14[%get3A_305, %get3A_306] {strides = array<i32>} : memref<128x256xf32, #tpu.memory_space<vmem>>, vector<1x16xf32>,
          %get3A_308 = vector.shape_cast %get3A_307 : vector<1x16xf32> to vector<16xf32>
          %add3A_309 = arith.addf %get3A_300, %get3A_308 : vector<16xf32>
          %mul3A_310 = arith.constant 4 : i32
          %mul3A_311 = arith.muli %mul3A_310, %scan3A_253 : i32
          %add3A_312 = arith.constant 2 : i32
          %add3A_313 = arith.addi %mul3A_311, %add3A_312 : i32
          %get3A_314 = arith.index_cast %add3A_313 : i32 to index
          %get3A_315 = arith.constant 16 : index
          %get3A_316 = tpu.vector_load %arg14[%get3A_314, %get3A_315] {strides = array<i32>} : memref<128x256xf32, #tpu.memory_space<vmem>>, vector<1x16xf32>,
          %get3A_317 = vector.shape_cast %get3A_316 : vector<1x16xf32> to vector<16xf32>
          %add3A_318 = arith.addf %add3A_309, %get3A_317 : vector<16xf32>
          %mul3A_319 = arith.constant 4 : i32
          %mul3A_320 = arith.muli %mul3A_319, %scan3A_253 : i32
          %add3A_321 = arith.constant 3 : i32
          %add3A_322 = arith.addi %mul3A_320, %add3A_321 : i32
          %get3A_323 = arith.index_cast %add3A_322 : i32 to index
          %get3A_324 = arith.constant 16 : index
          %get3A_325 = tpu.vector_load %arg14[%get3A_323, %get3A_324] {strides = array<i32>} : memref<128x256xf32, #tpu.memory_space<vmem>>, vector<1x16xf32>,
          %get3A_326 = vector.shape_cast %get3A_325 : vector<1x16xf32> to vector<16xf32>
          %add3A_327 = arith.addf %add3A_318, %get3A_326 : vector<16xf32>
          %get3A_328 = arith.index_cast %scan3A_253 : i32 to index
          %get3A_329 = arith.constant 16 : index
          %get3A_330 = tpu.vector_load %arg16[%get3A_328, %get3A_329] {strides = array<i32>} : memref<64x256xf32, #tpu.memory_space<vmem>>, vector<1x16xf32>,
          %get3A_331 = vector.shape_cast %get3A_330 : vector<1x16xf32> to vector<16xf32>
          %add3A_332 = arith.addf %add3A_327, %get3A_331 : vector<16xf32>
          %swap3A_333 = arith.index_cast %scan3A_253 : i32 to index
          %swap3A_334 = arith.constant 16 : index
          %swap3A_335 = tpu.vector_load %arg18[%swap3A_333, %swap3A_334] {strides = array<i32>} : memref<32x256xf32, #tpu.memory_space<vmem>>, vector<1x16xf32>,
          %swap3A_336 = vector.shape_cast %swap3A_335 : vector<1x16xf32> to vector<16xf32>
          %swap3A_337 = vector.shape_cast %add3A_332 : vector<16xf32> to vector<1x16xf32>
          tpu.vector_store %arg18[%swap3A_333, %swap3A_334], %swap3A_337 {strides = array<i32>} : memref<32x256xf32, #tpu.memory_space<vmem>>, vector<1x16xf32>,
          %mul3A_338 = arith.constant 4 : i32
          %mul3A_339 = arith.muli %mul3A_338, %scan3A_253 : i32
          %get3A_340 = arith.index_cast %mul3A_339 : i32 to index
          %get3A_341 = arith.constant 32 : index
          %get3A_342 = tpu.vector_load %arg14[%get3A_340, %get3A_341] {strides = array<i32>} : memref<128x256xf32, #tpu.memory_space<vmem>>, vector<1x16xf32>,
          %get3A_343 = vector.shape_cast %get3A_342 : vector<1x16xf32> to vector<16xf32>
          %mul3A_344 = arith.constant 4 : i32
          %mul3A_345 = arith.muli %mul3A_344, %scan3A_253 : i32
          %add3A_346 = arith.constant 1 : i32
          %add3A_347 = arith.addi %mul3A_345, %add3A_346 : i32
          %get3A_348 = arith.index_cast %add3A_347 : i32 to index
          %get3A_349 = arith.constant 32 : index
          %get3A_350 = tpu.vector_load %arg14[%get3A_348, %get3A_349] {strides = array<i32>} : memref<128x256xf32, #tpu.memory_space<vmem>>, vector<1x16xf32>,
          %get3A_351 = vector.shape_cast %get3A_350 : vector<1x16xf32> to vector<16xf32>
          %add3A_352 = arith.addf %get3A_343, %get3A_351 : vector<16xf32>
          %mul3A_353 = arith.constant 4 : i32
          %mul3A_354 = arith.muli %mul3A_353, %scan3A_253 : i32
          %add3A_355 = arith.constant 2 : i32
          %add3A_356 = arith.addi %mul3A_354, %add3A_355 : i32
          %get3A_357 = arith.index_cast %add3A_356 : i32 to index
          %get3A_358 = arith.constant 32 : index
          %get3A_359 = tpu.vector_load %arg14[%get3A_357, %get3A_358] {strides = array<i32>} : memref<128x256xf32, #tpu.memory_space<vmem>>, vector<1x16xf32>,
          %get3A_360 = vector.shape_cast %get3A_359 : vector<1x16xf32> to vector<16xf32>
          %add3A_361 = arith.addf %add3A_352, %get3A_360 : vector<16xf32>
          %mul3A_362 = arith.constant 4 : i32
          %mul3A_363 = arith.muli %mul3A_362, %scan3A_253 : i32
          %add3A_364 = arith.constant 3 : i32
          %add3A_365 = arith.addi %mul3A_363, %add3A_364 : i32
          %get3A_366 = arith.index_cast %add3A_365 : i32 to index
          %get3A_367 = arith.constant 32 : index
          %get3A_368 = tpu.vector_load %arg14[%get3A_366, %get3A_367] {strides = array<i32>} : memref<128x256xf32, #tpu.memory_space<vmem>>, vector<1x16xf32>,
          %get3A_369 = vector.shape_cast %get3A_368 : vector<1x16xf32> to vector<16xf32>
          %add3A_370 = arith.addf %add3A_361, %get3A_369 : vector<16xf32>
          %get3A_371 = arith.index_cast %scan3A_253 : i32 to index
          %get3A_372 = arith.constant 32 : index
          %get3A_373 = tpu.vector_load %arg16[%get3A_371, %get3A_372] {strides = array<i32>} : memref<64x256xf32, #tpu.memory_space<vmem>>, vector<1x16xf32>,
          %get3A_374 = vector.shape_cast %get3A_373 : vector<1x16xf32> to vector<16xf32>
          %add3A_375 = arith.addf %add3A_370, %get3A_374 : vector<16xf32>
          %swap3A_376 = arith.index_cast %scan3A_253 : i32 to index
          %swap3A_377 = arith.constant 32 : index
          %swap3A_378 = tpu.vector_load %arg18[%swap3A_376, %swap3A_377] {strides = array<i32>} : memref<32x256xf32, #tpu.memory_space<vmem>>, vector<1x16xf32>,
          %swap3A_379 = vector.shape_cast %swap3A_378 : vector<1x16xf32> to vector<16xf32>
          %swap3A_380 = vector.shape_cast %add3A_375 : vector<16xf32> to vector<1x16xf32>
          tpu.vector_store %arg18[%swap3A_376, %swap3A_377], %swap3A_380 {strides = array<i32>} : memref<32x256xf32, #tpu.memory_space<vmem>>, vector<1x16xf32>,
          %mul3A_381 = arith.constant 4 : i32
          %mul3A_382 = arith.muli %mul3A_381, %scan3A_253 : i32
          %get3A_383 = arith.index_cast %mul3A_382 : i32 to index
          %get3A_384 = arith.constant 48 : index
          %get3A_385 = tpu.vector_load %arg14[%get3A_383, %get3A_384] {strides = array<i32>} : memref<128x256xf32, #tpu.memory_space<vmem>>, vector<1x16xf32>,
          %get3A_386 = vector.shape_cast %get3A_385 : vector<1x16xf32> to vector<16xf32>
          %mul3A_387 = arith.constant 4 : i32
          %mul3A_388 = arith.muli %mul3A_387, %scan3A_253 : i32
          %add3A_389 = arith.constant 1 : i32
          %add3A_390 = arith.addi %mul3A_388, %add3A_389 : i32
          %get3A_391 = arith.index_cast %add3A_390 : i32 to index
          %get3A_392 = arith.constant 48 : index
          %get3A_393 = tpu.vector_load %arg14[%get3A_391, %get3A_392] {strides = array<i32>} : memref<128x256xf32, #tpu.memory_space<vmem>>, vector<1x16xf32>,
          %get3A_394 = vector.shape_cast %get3A_393 : vector<1x16xf32> to vector<16xf32>
          %add3A_395 = arith.addf %get3A_386, %get3A_394 : vector<16xf32>
          %mul3A_396 = arith.constant 4 : i32
          %mul3A_397 = arith.muli %mul3A_396, %scan3A_253 : i32
          %add3A_398 = arith.constant 2 : i32
          %add3A_399 = arith.addi %mul3A_397, %add3A_398 : i32
          %get3A_400 = arith.index_cast %add3A_399 : i32 to index
          %get3A_401 = arith.constant 48 : index
          %get3A_402 = tpu.vector_load %arg14[%get3A_400, %get3A_401] {strides = array<i32>} : memref<128x256xf32, #tpu.memory_space<vmem>>, vector<1x16xf32>,
          %get3A_403 = vector.shape_cast %get3A_402 : vector<1x16xf32> to vector<16xf32>
          %add3A_404 = arith.addf %add3A_395, %get3A_403 : vector<16xf32>
          %mul3A_405 = arith.constant 4 : i32
          %mul3A_406 = arith.muli %mul3A_405, %scan3A_253 : i32
          %add3A_407 = arith.constant 3 : i32
          %add3A_408 = arith.addi %mul3A_406, %add3A_407 : i32
          %get3A_409 = arith.index_cast %add3A_408 : i32 to index
          %get3A_410 = arith.constant 48 : index
          %get3A_411 = tpu.vector_load %arg14[%get3A_409, %get3A_410] {strides = array<i32>} : memref<128x256xf32, #tpu.memory_space<vmem>>, vector<1x16xf32>,
          %get3A_412 = vector.shape_cast %get3A_411 : vector<1x16xf32> to vector<16xf32>
          %add3A_413 = arith.addf %add3A_404, %get3A_412 : vector<16xf32>
          %get3A_414 = arith.index_cast %scan3A_253 : i32 to index
          %get3A_415 = arith.constant 48 : index
          %get3A_416 = tpu.vector_load %arg16[%get3A_414, %get3A_415] {strides = array<i32>} : memref<64x256xf32, #tpu.memory_space<vmem>>, vector<1x16xf32>,
          %get3A_417 = vector.shape_cast %get3A_416 : vector<1x16xf32> to vector<16xf32>
          %add3A_418 = arith.addf %add3A_413, %get3A_417 : vector<16xf32>
          %swap3A_419 = arith.index_cast %scan3A_253 : i32 to index
          %swap3A_420 = arith.constant 48 : index
          %swap3A_421 = tpu.vector_load %arg18[%swap3A_419, %swap3A_420] {strides = array<i32>} : memref<32x256xf32, #tpu.memory_space<vmem>>, vector<1x16xf32>,
          %swap3A_422 = vector.shape_cast %swap3A_421 : vector<1x16xf32> to vector<16xf32>
          %swap3A_423 = vector.shape_cast %add3A_418 : vector<16xf32> to vector<1x16xf32>
          tpu.vector_store %arg18[%swap3A_419, %swap3A_420], %swap3A_423 {strides = array<i32>} : memref<32x256xf32, #tpu.memory_space<vmem>>, vector<1x16xf32>,
          %mul3A_424 = arith.constant 4 : i32
          %mul3A_425 = arith.muli %mul3A_424, %scan3A_253 : i32
          %get3A_426 = arith.index_cast %mul3A_425 : i32 to index
          %get3A_427 = arith.constant 64 : index
          %get3A_428 = tpu.vector_load %arg14[%get3A_426, %get3A_427] {strides = array<i32>} : memref<128x256xf32, #tpu.memory_space<vmem>>, vector<1x16xf32>,
          %get3A_429 = vector.shape_cast %get3A_428 : vector<1x16xf32> to vector<16xf32>
          %mul3A_430 = arith.constant 4 : i32
          %mul3A_431 = arith.muli %mul3A_430, %scan3A_253 : i32
          %add3A_432 = arith.constant 1 : i32
          %add3A_433 = arith.addi %mul3A_431, %add3A_432 : i32
          %get3A_434 = arith.index_cast %add3A_433 : i32 to index
          %get3A_435 = arith.constant 64 : index
          %get3A_436 = tpu.vector_load %arg14[%get3A_434, %get3A_435] {strides = array<i32>} : memref<128x256xf32, #tpu.memory_space<vmem>>, vector<1x16xf32>,
          %get3A_437 = vector.shape_cast %get3A_436 : vector<1x16xf32> to vector<16xf32>
          %add3A_438 = arith.addf %get3A_429, %get3A_437 : vector<16xf32>
          %mul3A_439 = arith.constant 4 : i32
          %mul3A_440 = arith.muli %mul3A_439, %scan3A_253 : i32
          %add3A_441 = arith.constant 2 : i32
          %add3A_442 = arith.addi %mul3A_440, %add3A_441 : i32
          %get3A_443 = arith.index_cast %add3A_442 : i32 to index
          %get3A_444 = arith.constant 64 : index
          %get3A_445 = tpu.vector_load %arg14[%get3A_443, %get3A_444] {strides = array<i32>} : memref<128x256xf32, #tpu.memory_space<vmem>>, vector<1x16xf32>,
          %get3A_446 = vector.shape_cast %get3A_445 : vector<1x16xf32> to vector<16xf32>
          %add3A_447 = arith.addf %add3A_438, %get3A_446 : vector<16xf32>
          %mul3A_448 = arith.constant 4 : i32
          %mul3A_449 = arith.muli %mul3A_448, %scan3A_253 : i32
          %add3A_450 = arith.constant 3 : i32
          %add3A_451 = arith.addi %mul3A_449, %add3A_450 : i32
          %get3A_452 = arith.index_cast %add3A_451 : i32 to index
          %get3A_453 = arith.constant 64 : index
          %get3A_454 = tpu.vector_load %arg14[%get3A_452, %get3A_453] {strides = array<i32>} : memref<128x256xf32, #tpu.memory_space<vmem>>, vector<1x16xf32>,
          %get3A_455 = vector.shape_cast %get3A_454 : vector<1x16xf32> to vector<16xf32>
          %add3A_456 = arith.addf %add3A_447, %get3A_455 : vector<16xf32>
          %get3A_457 = arith.index_cast %scan3A_253 : i32 to index
          %get3A_458 = arith.constant 64 : index
          %get3A_459 = tpu.vector_load %arg16[%get3A_457, %get3A_458] {strides = array<i32>} : memref<64x256xf32, #tpu.memory_space<vmem>>, vector<1x16xf32>,
          %get3A_460 = vector.shape_cast %get3A_459 : vector<1x16xf32> to vector<16xf32>
          %add3A_461 = arith.addf %add3A_456, %get3A_460 : vector<16xf32>
          %swap3A_462 = arith.index_cast %scan3A_253 : i32 to index
          %swap3A_463 = arith.constant 64 : index
          %swap3A_464 = tpu.vector_load %arg18[%swap3A_462, %swap3A_463] {strides = array<i32>} : memref<32x256xf32, #tpu.memory_space<vmem>>, vector<1x16xf32>,
          %swap3A_465 = vector.shape_cast %swap3A_464 : vector<1x16xf32> to vector<16xf32>
          %swap3A_466 = vector.shape_cast %add3A_461 : vector<16xf32> to vector<1x16xf32>
          tpu.vector_store %arg18[%swap3A_462, %swap3A_463], %swap3A_466 {strides = array<i32>} : memref<32x256xf32, #tpu.memory_space<vmem>>, vector<1x16xf32>,
          %mul3A_467 = arith.constant 4 : i32
          %mul3A_468 = arith.muli %mul3A_467, %scan3A_253 : i32
          %get3A_469 = arith.index_cast %mul3A_468 : i32 to index
          %get3A_470 = arith.constant 80 : index
          %get3A_471 = tpu.vector_load %arg14[%get3A_469, %get3A_470] {strides = array<i32>} : memref<128x256xf32, #tpu.memory_space<vmem>>, vector<1x16xf32>,
          %get3A_472 = vector.shape_cast %get3A_471 : vector<1x16xf32> to vector<16xf32>
          %mul3A_473 = arith.constant 4 : i32
          %mul3A_474 = arith.muli %mul3A_473, %scan3A_253 : i32
          %add3A_475 = arith.constant 1 : i32
          %add3A_476 = arith.addi %mul3A_474, %add3A_475 : i32
          %get3A_477 = arith.index_cast %add3A_476 : i32 to index
          %get3A_478 = arith.constant 80 : index
          %get3A_479 = tpu.vector_load %arg14[%get3A_477, %get3A_478] {strides = array<i32>} : memref<128x256xf32, #tpu.memory_space<vmem>>, vector<1x16xf32>,
          %get3A_480 = vector.shape_cast %get3A_479 : vector<1x16xf32> to vector<16xf32>
          %add3A_481 = arith.addf %get3A_472, %get3A_480 : vector<16xf32>
          %mul3A_482 = arith.constant 4 : i32
          %mul3A_483 = arith.muli %mul3A_482, %scan3A_253 : i32
          %add3A_484 = arith.constant 2 : i32
          %add3A_485 = arith.addi %mul3A_483, %add3A_484 : i32
          %get3A_486 = arith.index_cast %add3A_485 : i32 to index
          %get3A_487 = arith.constant 80 : index
          %get3A_488 = tpu.vector_load %arg14[%get3A_486, %get3A_487] {strides = array<i32>} : memref<128x256xf32, #tpu.memory_space<vmem>>, vector<1x16xf32>,
          %get3A_489 = vector.shape_cast %get3A_488 : vector<1x16xf32> to vector<16xf32>
          %add3A_490 = arith.addf %add3A_481, %get3A_489 : vector<16xf32>
          %mul3A_491 = arith.constant 4 : i32
          %mul3A_492 = arith.muli %mul3A_491, %scan3A_253 : i32
          %add3A_493 = arith.constant 3 : i32
          %add3A_494 = arith.addi %mul3A_492, %add3A_493 : i32
          %get3A_495 = arith.index_cast %add3A_494 : i32 to index
          %get3A_496 = arith.constant 80 : index
          %get3A_497 = tpu.vector_load %arg14[%get3A_495, %get3A_496] {strides = array<i32>} : memref<128x256xf32, #tpu.memory_space<vmem>>, vector<1x16xf32>,
          %get3A_498 = vector.shape_cast %get3A_497 : vector<1x16xf32> to vector<16xf32>
          %add3A_499 = arith.addf %add3A_490, %get3A_498 : vector<16xf32>
          %get3A_500 = arith.index_cast %scan3A_253 : i32 to index
          %get3A_501 = arith.constant 80 : index
          %get3A_502 = tpu.vector_load %arg16[%get3A_500, %get3A_501] {strides = array<i32>} : memref<64x256xf32, #tpu.memory_space<vmem>>, vector<1x16xf32>,
          %get3A_503 = vector.shape_cast %get3A_502 : vector<1x16xf32> to vector<16xf32>
          %add3A_504 = arith.addf %add3A_499, %get3A_503 : vector<16xf32>
          %swap3A_505 = arith.index_cast %scan3A_253 : i32 to index
          %swap3A_506 = arith.constant 80 : index
          %swap3A_507 = tpu.vector_load %arg18[%swap3A_505, %swap3A_506] {strides = array<i32>} : memref<32x256xf32, #tpu.memory_space<vmem>>, vector<1x16xf32>,
          %swap3A_508 = vector.shape_cast %swap3A_507 : vector<1x16xf32> to vector<16xf32>
          %swap3A_509 = vector.shape_cast %add3A_504 : vector<16xf32> to vector<1x16xf32>
          tpu.vector_store %arg18[%swap3A_505, %swap3A_506], %swap3A_509 {strides = array<i32>} : memref<32x256xf32, #tpu.memory_space<vmem>>, vector<1x16xf32>,
          %mul3A_510 = arith.constant 4 : i32
          %mul3A_511 = arith.muli %mul3A_510, %scan3A_253 : i32
          %get3A_512 = arith.index_cast %mul3A_511 : i32 to index
          %get3A_513 = arith.constant 96 : index
          %get3A_514 = tpu.vector_load %arg14[%get3A_512, %get3A_513] {strides = array<i32>} : memref<128x256xf32, #tpu.memory_space<vmem>>, vector<1x16xf32>,
          %get3A_515 = vector.shape_cast %get3A_514 : vector<1x16xf32> to vector<16xf32>
          %mul3A_516 = arith.constant 4 : i32
          %mul3A_517 = arith.muli %mul3A_516, %scan3A_253 : i32
          %add3A_518 = arith.constant 1 : i32
          %add3A_519 = arith.addi %mul3A_517, %add3A_518 : i32
          %get3A_520 = arith.index_cast %add3A_519 : i32 to index
          %get3A_521 = arith.constant 96 : index
          %get3A_522 = tpu.vector_load %arg14[%get3A_520, %get3A_521] {strides = array<i32>} : memref<128x256xf32, #tpu.memory_space<vmem>>, vector<1x16xf32>,
          %get3A_523 = vector.shape_cast %get3A_522 : vector<1x16xf32> to vector<16xf32>
          %add3A_524 = arith.addf %get3A_515, %get3A_523 : vector<16xf32>
          %mul3A_525 = arith.constant 4 : i32
          %mul3A_526 = arith.muli %mul3A_525, %scan3A_253 : i32
          %add3A_527 = arith.constant 2 : i32
          %add3A_528 = arith.addi %mul3A_526, %add3A_527 : i32
          %get3A_529 = arith.index_cast %add3A_528 : i32 to index
          %get3A_530 = arith.constant 96 : index
          %get3A_531 = tpu.vector_load %arg14[%get3A_529, %get3A_530] {strides = array<i32>} : memref<128x256xf32, #tpu.memory_space<vmem>>, vector<1x16xf32>,
          %get3A_532 = vector.shape_cast %get3A_531 : vector<1x16xf32> to vector<16xf32>
          %add3A_533 = arith.addf %add3A_524, %get3A_532 : vector<16xf32>
          %mul3A_534 = arith.constant 4 : i32
          %mul3A_535 = arith.muli %mul3A_534, %scan3A_253 : i32
          %add3A_536 = arith.constant 3 : i32
          %add3A_537 = arith.addi %mul3A_535, %add3A_536 : i32
          %get3A_538 = arith.index_cast %add3A_537 : i32 to index
          %get3A_539 = arith.constant 96 : index
          %get3A_540 = tpu.vector_load %arg14[%get3A_538, %get3A_539] {strides = array<i32>} : memref<128x256xf32, #tpu.memory_space<vmem>>, vector<1x16xf32>,
          %get3A_541 = vector.shape_cast %get3A_540 : vector<1x16xf32> to vector<16xf32>
          %add3A_542 = arith.addf %add3A_533, %get3A_541 : vector<16xf32>
          %get3A_543 = arith.index_cast %scan3A_253 : i32 to index
          %get3A_544 = arith.constant 96 : index
          %get3A_545 = tpu.vector_load %arg16[%get3A_543, %get3A_544] {strides = array<i32>} : memref<64x256xf32, #tpu.memory_space<vmem>>, vector<1x16xf32>,
          %get3A_546 = vector.shape_cast %get3A_545 : vector<1x16xf32> to vector<16xf32>
          %add3A_547 = arith.addf %add3A_542, %get3A_546 : vector<16xf32>
          %swap3A_548 = arith.index_cast %scan3A_253 : i32 to index
          %swap3A_549 = arith.constant 96 : index
          %swap3A_550 = tpu.vector_load %arg18[%swap3A_548, %swap3A_549] {strides = array<i32>} : memref<32x256xf32, #tpu.memory_space<vmem>>, vector<1x16xf32>,
          %swap3A_551 = vector.shape_cast %swap3A_550 : vector<1x16xf32> to vector<16xf32>
          %swap3A_552 = vector.shape_cast %add3A_547 : vector<16xf32> to vector<1x16xf32>
          tpu.vector_store %arg18[%swap3A_548, %swap3A_549], %swap3A_552 {strides = array<i32>} : memref<32x256xf32, #tpu.memory_space<vmem>>, vector<1x16xf32>,
          %mul3A_553 = arith.constant 4 : i32
          %mul3A_554 = arith.muli %mul3A_553, %scan3A_253 : i32
          %get3A_555 = arith.index_cast %mul3A_554 : i32 to index
          %get3A_556 = arith.constant 112 : index
          %get3A_557 = tpu.vector_load %arg14[%get3A_555, %get3A_556] {strides = array<i32>} : memref<128x256xf32, #tpu.memory_space<vmem>>, vector<1x16xf32>,
          %get3A_558 = vector.shape_cast %get3A_557 : vector<1x16xf32> to vector<16xf32>
          %mul3A_559 = arith.constant 4 : i32
          %mul3A_560 = arith.muli %mul3A_559, %scan3A_253 : i32
          %add3A_561 = arith.constant 1 : i32
          %add3A_562 = arith.addi %mul3A_560, %add3A_561 : i32
          %get3A_563 = arith.index_cast %add3A_562 : i32 to index
          %get3A_564 = arith.constant 112 : index
          %get3A_565 = tpu.vector_load %arg14[%get3A_563, %get3A_564] {strides = array<i32>} : memref<128x256xf32, #tpu.memory_space<vmem>>, vector<1x16xf32>,
          %get3A_566 = vector.shape_cast %get3A_565 : vector<1x16xf32> to vector<16xf32>
          %add3A_567 = arith.addf %get3A_558, %get3A_566 : vector<16xf32>
          %mul3A_568 = arith.constant 4 : i32
          %mul3A_569 = arith.muli %mul3A_568, %scan3A_253 : i32
          %add3A_570 = arith.constant 2 : i32
          %add3A_571 = arith.addi %mul3A_569, %add3A_570 : i32
          %get3A_572 = arith.index_cast %add3A_571 : i32 to index
          %get3A_573 = arith.constant 112 : index
          %get3A_574 = tpu.vector_load %arg14[%get3A_572, %get3A_573] {strides = array<i32>} : memref<128x256xf32, #tpu.memory_space<vmem>>, vector<1x16xf32>,
          %get3A_575 = vector.shape_cast %get3A_574 : vector<1x16xf32> to vector<16xf32>
          %add3A_576 = arith.addf %add3A_567, %get3A_575 : vector<16xf32>
          %mul3A_577 = arith.constant 4 : i32
          %mul3A_578 = arith.muli %mul3A_577, %scan3A_253 : i32
          %add3A_579 = arith.constant 3 : i32
          %add3A_580 = arith.addi %mul3A_578, %add3A_579 : i32
          %get3A_581 = arith.index_cast %add3A_580 : i32 to index
          %get3A_582 = arith.constant 112 : index
          %get3A_583 = tpu.vector_load %arg14[%get3A_581, %get3A_582] {strides = array<i32>} : memref<128x256xf32, #tpu.memory_space<vmem>>, vector<1x16xf32>,
          %get3A_584 = vector.shape_cast %get3A_583 : vector<1x16xf32> to vector<16xf32>
          %add3A_585 = arith.addf %add3A_576, %get3A_584 : vector<16xf32>
          %get3A_586 = arith.index_cast %scan3A_253 : i32 to index
          %get3A_587 = arith.constant 112 : index
          %get3A_588 = tpu.vector_load %arg16[%get3A_586, %get3A_587] {strides = array<i32>} : memref<64x256xf32, #tpu.memory_space<vmem>>, vector<1x16xf32>,
          %get3A_589 = vector.shape_cast %get3A_588 : vector<1x16xf32> to vector<16xf32>
          %add3A_590 = arith.addf %add3A_585, %get3A_589 : vector<16xf32>
          %swap3A_591 = arith.index_cast %scan3A_253 : i32 to index
          %swap3A_592 = arith.constant 112 : index
          %swap3A_593 = tpu.vector_load %arg18[%swap3A_591, %swap3A_592] {strides = array<i32>} : memref<32x256xf32, #tpu.memory_space<vmem>>, vector<1x16xf32>,
          %swap3A_594 = vector.shape_cast %swap3A_593 : vector<1x16xf32> to vector<16xf32>
          %swap3A_595 = vector.shape_cast %add3A_590 : vector<16xf32> to vector<1x16xf32>
          tpu.vector_store %arg18[%swap3A_591, %swap3A_592], %swap3A_595 {strides = array<i32>} : memref<32x256xf32, #tpu.memory_space<vmem>>, vector<1x16xf32>,
          %mul3A_596 = arith.constant 4 : i32
          %mul3A_597 = arith.muli %mul3A_596, %scan3A_253 : i32
          %get3A_598 = arith.index_cast %mul3A_597 : i32 to index
          %get3A_599 = arith.constant 128 : index
          %get3A_600 = tpu.vector_load %arg14[%get3A_598, %get3A_599] {strides = array<i32>} : memref<128x256xf32, #tpu.memory_space<vmem>>, vector<1x16xf32>,
          %get3A_601 = vector.shape_cast %get3A_600 : vector<1x16xf32> to vector<16xf32>
          %mul3A_602 = arith.constant 4 : i32
          %mul3A_603 = arith.muli %mul3A_602, %scan3A_253 : i32
          %add3A_604 = arith.constant 1 : i32
          %add3A_605 = arith.addi %mul3A_603, %add3A_604 : i32
          %get3A_606 = arith.index_cast %add3A_605 : i32 to index
          %get3A_607 = arith.constant 128 : index
          %get3A_608 = tpu.vector_load %arg14[%get3A_606, %get3A_607] {strides = array<i32>} : memref<128x256xf32, #tpu.memory_space<vmem>>, vector<1x16xf32>,
          %get3A_609 = vector.shape_cast %get3A_608 : vector<1x16xf32> to vector<16xf32>
          %add3A_610 = arith.addf %get3A_601, %get3A_609 : vector<16xf32>
          %mul3A_611 = arith.constant 4 : i32
          %mul3A_612 = arith.muli %mul3A_611, %scan3A_253 : i32
          %add3A_613 = arith.constant 2 : i32
          %add3A_614 = arith.addi %mul3A_612, %add3A_613 : i32
          %get3A_615 = arith.index_cast %add3A_614 : i32 to index
          %get3A_616 = arith.constant 128 : index
          %get3A_617 = tpu.vector_load %arg14[%get3A_615, %get3A_616] {strides = array<i32>} : memref<128x256xf32, #tpu.memory_space<vmem>>, vector<1x16xf32>,
          %get3A_618 = vector.shape_cast %get3A_617 : vector<1x16xf32> to vector<16xf32>
          %add3A_619 = arith.addf %add3A_610, %get3A_618 : vector<16xf32>
          %mul3A_620 = arith.constant 4 : i32
          %mul3A_621 = arith.muli %mul3A_620, %scan3A_253 : i32
          %add3A_622 = arith.constant 3 : i32
          %add3A_623 = arith.addi %mul3A_621, %add3A_622 : i32
          %get3A_624 = arith.index_cast %add3A_623 : i32 to index
          %get3A_625 = arith.constant 128 : index
          %get3A_626 = tpu.vector_load %arg14[%get3A_624, %get3A_625] {strides = array<i32>} : memref<128x256xf32, #tpu.memory_space<vmem>>, vector<1x16xf32>,
          %get3A_627 = vector.shape_cast %get3A_626 : vector<1x16xf32> to vector<16xf32>
          %add3A_628 = arith.addf %add3A_619, %get3A_627 : vector<16xf32>
          %get3A_629 = arith.index_cast %scan3A_253 : i32 to index
          %get3A_630 = arith.constant 128 : index
          %get3A_631 = tpu.vector_load %arg16[%get3A_629, %get3A_630] {strides = array<i32>} : memref<64x256xf32, #tpu.memory_space<vmem>>, vector<1x16xf32>,
          %get3A_632 = vector.shape_cast %get3A_631 : vector<1x16xf32> to vector<16xf32>
          %add3A_633 = arith.addf %add3A_628, %get3A_632 : vector<16xf32>
          %swap3A_634 = arith.index_cast %scan3A_253 : i32 to index
          %swap3A_635 = arith.constant 128 : index
          %swap3A_636 = tpu.vector_load %arg18[%swap3A_634, %swap3A_635] {strides = array<i32>} : memref<32x256xf32, #tpu.memory_space<vmem>>, vector<1x16xf32>,
          %swap3A_637 = vector.shape_cast %swap3A_636 : vector<1x16xf32> to vector<16xf32>
          %swap3A_638 = vector.shape_cast %add3A_633 : vector<16xf32> to vector<1x16xf32>
          tpu.vector_store %arg18[%swap3A_634, %swap3A_635], %swap3A_638 {strides = array<i32>} : memref<32x256xf32, #tpu.memory_space<vmem>>, vector<1x16xf32>,
          %mul3A_639 = arith.constant 4 : i32
          %mul3A_640 = arith.muli %mul3A_639, %scan3A_253 : i32
          %get3A_641 = arith.index_cast %mul3A_640 : i32 to index
          %get3A_642 = arith.constant 144 : index
          %get3A_643 = tpu.vector_load %arg14[%get3A_641, %get3A_642] {strides = array<i32>} : memref<128x256xf32, #tpu.memory_space<vmem>>, vector<1x16xf32>,
          %get3A_644 = vector.shape_cast %get3A_643 : vector<1x16xf32> to vector<16xf32>
          %mul3A_645 = arith.constant 4 : i32
          %mul3A_646 = arith.muli %mul3A_645, %scan3A_253 : i32
          %add3A_647 = arith.constant 1 : i32
          %add3A_648 = arith.addi %mul3A_646, %add3A_647 : i32
          %get3A_649 = arith.index_cast %add3A_648 : i32 to index
          %get3A_650 = arith.constant 144 : index
          %get3A_651 = tpu.vector_load %arg14[%get3A_649, %get3A_650] {strides = array<i32>} : memref<128x256xf32, #tpu.memory_space<vmem>>, vector<1x16xf32>,
          %get3A_652 = vector.shape_cast %get3A_651 : vector<1x16xf32> to vector<16xf32>
          %add3A_653 = arith.addf %get3A_644, %get3A_652 : vector<16xf32>
          %mul3A_654 = arith.constant 4 : i32
          %mul3A_655 = arith.muli %mul3A_654, %scan3A_253 : i32
          %add3A_656 = arith.constant 2 : i32
          %add3A_657 = arith.addi %mul3A_655, %add3A_656 : i32
          %get3A_658 = arith.index_cast %add3A_657 : i32 to index
          %get3A_659 = arith.constant 144 : index
          %get3A_660 = tpu.vector_load %arg14[%get3A_658, %get3A_659] {strides = array<i32>} : memref<128x256xf32, #tpu.memory_space<vmem>>, vector<1x16xf32>,
          %get3A_661 = vector.shape_cast %get3A_660 : vector<1x16xf32> to vector<16xf32>
          %add3A_662 = arith.addf %add3A_653, %get3A_661 : vector<16xf32>
          %mul3A_663 = arith.constant 4 : i32
          %mul3A_664 = arith.muli %mul3A_663, %scan3A_253 : i32
          %add3A_665 = arith.constant 3 : i32
          %add3A_666 = arith.addi %mul3A_664, %add3A_665 : i32
          %get3A_667 = arith.index_cast %add3A_666 : i32 to index
          %get3A_668 = arith.constant 144 : index
          %get3A_669 = tpu.vector_load %arg14[%get3A_667, %get3A_668] {strides = array<i32>} : memref<128x256xf32, #tpu.memory_space<vmem>>, vector<1x16xf32>,
          %get3A_670 = vector.shape_cast %get3A_669 : vector<1x16xf32> to vector<16xf32>
          %add3A_671 = arith.addf %add3A_662, %get3A_670 : vector<16xf32>
          %get3A_672 = arith.index_cast %scan3A_253 : i32 to index
          %get3A_673 = arith.constant 144 : index
          %get3A_674 = tpu.vector_load %arg16[%get3A_672, %get3A_673] {strides = array<i32>} : memref<64x256xf32, #tpu.memory_space<vmem>>, vector<1x16xf32>,
          %get3A_675 = vector.shape_cast %get3A_674 : vector<1x16xf32> to vector<16xf32>
          %add3A_676 = arith.addf %add3A_671, %get3A_675 : vector<16xf32>
          %swap3A_677 = arith.index_cast %scan3A_253 : i32 to index
          %swap3A_678 = arith.constant 144 : index
          %swap3A_679 = tpu.vector_load %arg18[%swap3A_677, %swap3A_678] {strides = array<i32>} : memref<32x256xf32, #tpu.memory_space<vmem>>, vector<1x16xf32>,
          %swap3A_680 = vector.shape_cast %swap3A_679 : vector<1x16xf32> to vector<16xf32>
          %swap3A_681 = vector.shape_cast %add3A_676 : vector<16xf32> to vector<1x16xf32>
          tpu.vector_store %arg18[%swap3A_677, %swap3A_678], %swap3A_681 {strides = array<i32>} : memref<32x256xf32, #tpu.memory_space<vmem>>, vector<1x16xf32>,
          %mul3A_682 = arith.constant 4 : i32
          %mul3A_683 = arith.muli %mul3A_682, %scan3A_253 : i32
          %get3A_684 = arith.index_cast %mul3A_683 : i32 to index
          %get3A_685 = arith.constant 160 : index
          %get3A_686 = tpu.vector_load %arg14[%get3A_684, %get3A_685] {strides = array<i32>} : memref<128x256xf32, #tpu.memory_space<vmem>>, vector<1x16xf32>,
          %get3A_687 = vector.shape_cast %get3A_686 : vector<1x16xf32> to vector<16xf32>
          %mul3A_688 = arith.constant 4 : i32
          %mul3A_689 = arith.muli %mul3A_688, %scan3A_253 : i32
          %add3A_690 = arith.constant 1 : i32
          %add3A_691 = arith.addi %mul3A_689, %add3A_690 : i32
          %get3A_692 = arith.index_cast %add3A_691 : i32 to index
          %get3A_693 = arith.constant 160 : index
          %get3A_694 = tpu.vector_load %arg14[%get3A_692, %get3A_693] {strides = array<i32>} : memref<128x256xf32, #tpu.memory_space<vmem>>, vector<1x16xf32>,
          %get3A_695 = vector.shape_cast %get3A_694 : vector<1x16xf32> to vector<16xf32>
          %add3A_696 = arith.addf %get3A_687, %get3A_695 : vector<16xf32>
          %mul3A_697 = arith.constant 4 : i32
          %mul3A_698 = arith.muli %mul3A_697, %scan3A_253 : i32
          %add3A_699 = arith.constant 2 : i32
          %add3A_700 = arith.addi %mul3A_698, %add3A_699 : i32
          %get3A_701 = arith.index_cast %add3A_700 : i32 to index
          %get3A_702 = arith.constant 160 : index
          %get3A_703 = tpu.vector_load %arg14[%get3A_701, %get3A_702] {strides = array<i32>} : memref<128x256xf32, #tpu.memory_space<vmem>>, vector<1x16xf32>,
          %get3A_704 = vector.shape_cast %get3A_703 : vector<1x16xf32> to vector<16xf32>
          %add3A_705 = arith.addf %add3A_696, %get3A_704 : vector<16xf32>
          %mul3A_706 = arith.constant 4 : i32
          %mul3A_707 = arith.muli %mul3A_706, %scan3A_253 : i32
          %add3A_708 = arith.constant 3 : i32
          %add3A_709 = arith.addi %mul3A_707, %add3A_708 : i32
          %get3A_710 = arith.index_cast %add3A_709 : i32 to index
          %get3A_711 = arith.constant 160 : index
          %get3A_712 = tpu.vector_load %arg14[%get3A_710, %get3A_711] {strides = array<i32>} : memref<128x256xf32, #tpu.memory_space<vmem>>, vector<1x16xf32>,
          %get3A_713 = vector.shape_cast %get3A_712 : vector<1x16xf32> to vector<16xf32>
          %add3A_714 = arith.addf %add3A_705, %get3A_713 : vector<16xf32>
          %get3A_715 = arith.index_cast %scan3A_253 : i32 to index
          %get3A_716 = arith.constant 160 : index
          %get3A_717 = tpu.vector_load %arg16[%get3A_715, %get3A_716] {strides = array<i32>} : memref<64x256xf32, #tpu.memory_space<vmem>>, vector<1x16xf32>,
          %get3A_718 = vector.shape_cast %get3A_717 : vector<1x16xf32> to vector<16xf32>
          %add3A_719 = arith.addf %add3A_714, %get3A_718 : vector<16xf32>
          %swap3A_720 = arith.index_cast %scan3A_253 : i32 to index
          %swap3A_721 = arith.constant 160 : index
          %swap3A_722 = tpu.vector_load %arg18[%swap3A_720, %swap3A_721] {strides = array<i32>} : memref<32x256xf32, #tpu.memory_space<vmem>>, vector<1x16xf32>,
          %swap3A_723 = vector.shape_cast %swap3A_722 : vector<1x16xf32> to vector<16xf32>
          %swap3A_724 = vector.shape_cast %add3A_719 : vector<16xf32> to vector<1x16xf32>
          tpu.vector_store %arg18[%swap3A_720, %swap3A_721], %swap3A_724 {strides = array<i32>} : memref<32x256xf32, #tpu.memory_space<vmem>>, vector<1x16xf32>,
          %mul3A_725 = arith.constant 4 : i32
          %mul3A_726 = arith.muli %mul3A_725, %scan3A_253 : i32
          %get3A_727 = arith.index_cast %mul3A_726 : i32 to index
          %get3A_728 = arith.constant 176 : index
          %get3A_729 = tpu.vector_load %arg14[%get3A_727, %get3A_728] {strides = array<i32>} : memref<128x256xf32, #tpu.memory_space<vmem>>, vector<1x16xf32>,
          %get3A_730 = vector.shape_cast %get3A_729 : vector<1x16xf32> to vector<16xf32>
          %mul3A_731 = arith.constant 4 : i32
          %mul3A_732 = arith.muli %mul3A_731, %scan3A_253 : i32
          %add3A_733 = arith.constant 1 : i32
          %add3A_734 = arith.addi %mul3A_732, %add3A_733 : i32
          %get3A_735 = arith.index_cast %add3A_734 : i32 to index
          %get3A_736 = arith.constant 176 : index
          %get3A_737 = tpu.vector_load %arg14[%get3A_735, %get3A_736] {strides = array<i32>} : memref<128x256xf32, #tpu.memory_space<vmem>>, vector<1x16xf32>,
          %get3A_738 = vector.shape_cast %get3A_737 : vector<1x16xf32> to vector<16xf32>
          %add3A_739 = arith.addf %get3A_730, %get3A_738 : vector<16xf32>
          %mul3A_740 = arith.constant 4 : i32
          %mul3A_741 = arith.muli %mul3A_740, %scan3A_253 : i32
          %add3A_742 = arith.constant 2 : i32
          %add3A_743 = arith.addi %mul3A_741, %add3A_742 : i32
          %get3A_744 = arith.index_cast %add3A_743 : i32 to index
          %get3A_745 = arith.constant 176 : index
          %get3A_746 = tpu.vector_load %arg14[%get3A_744, %get3A_745] {strides = array<i32>} : memref<128x256xf32, #tpu.memory_space<vmem>>, vector<1x16xf32>,
          %get3A_747 = vector.shape_cast %get3A_746 : vector<1x16xf32> to vector<16xf32>
          %add3A_748 = arith.addf %add3A_739, %get3A_747 : vector<16xf32>
          %mul3A_749 = arith.constant 4 : i32
          %mul3A_750 = arith.muli %mul3A_749, %scan3A_253 : i32
          %add3A_751 = arith.constant 3 : i32
          %add3A_752 = arith.addi %mul3A_750, %add3A_751 : i32
          %get3A_753 = arith.index_cast %add3A_752 : i32 to index
          %get3A_754 = arith.constant 176 : index
          %get3A_755 = tpu.vector_load %arg14[%get3A_753, %get3A_754] {strides = array<i32>} : memref<128x256xf32, #tpu.memory_space<vmem>>, vector<1x16xf32>,
          %get3A_756 = vector.shape_cast %get3A_755 : vector<1x16xf32> to vector<16xf32>
          %add3A_757 = arith.addf %add3A_748, %get3A_756 : vector<16xf32>
          %get3A_758 = arith.index_cast %scan3A_253 : i32 to index
          %get3A_759 = arith.constant 176 : index
          %get3A_760 = tpu.vector_load %arg16[%get3A_758, %get3A_759] {strides = array<i32>} : memref<64x256xf32, #tpu.memory_space<vmem>>, vector<1x16xf32>,
          %get3A_761 = vector.shape_cast %get3A_760 : vector<1x16xf32> to vector<16xf32>
          %add3A_762 = arith.addf %add3A_757, %get3A_761 : vector<16xf32>
          %swap3A_763 = arith.index_cast %scan3A_253 : i32 to index
          %swap3A_764 = arith.constant 176 : index
          %swap3A_765 = tpu.vector_load %arg18[%swap3A_763, %swap3A_764] {strides = array<i32>} : memref<32x256xf32, #tpu.memory_space<vmem>>, vector<1x16xf32>,
          %swap3A_766 = vector.shape_cast %swap3A_765 : vector<1x16xf32> to vector<16xf32>
          %swap3A_767 = vector.shape_cast %add3A_762 : vector<16xf32> to vector<1x16xf32>
          tpu.vector_store %arg18[%swap3A_763, %swap3A_764], %swap3A_767 {strides = array<i32>} : memref<32x256xf32, #tpu.memory_space<vmem>>, vector<1x16xf32>,
          %mul3A_768 = arith.constant 4 : i32
          %mul3A_769 = arith.muli %mul3A_768, %scan3A_253 : i32
          %get3A_770 = arith.index_cast %mul3A_769 : i32 to index
          %get3A_771 = arith.constant 192 : index
          %get3A_772 = tpu.vector_load %arg14[%get3A_770, %get3A_771] {strides = array<i32>} : memref<128x256xf32, #tpu.memory_space<vmem>>, vector<1x16xf32>,
          %get3A_773 = vector.shape_cast %get3A_772 : vector<1x16xf32> to vector<16xf32>
          %mul3A_774 = arith.constant 4 : i32
          %mul3A_775 = arith.muli %mul3A_774, %scan3A_253 : i32
          %add3A_776 = arith.constant 1 : i32
          %add3A_777 = arith.addi %mul3A_775, %add3A_776 : i32
          %get3A_778 = arith.index_cast %add3A_777 : i32 to index
          %get3A_779 = arith.constant 192 : index
          %get3A_780 = tpu.vector_load %arg14[%get3A_778, %get3A_779] {strides = array<i32>} : memref<128x256xf32, #tpu.memory_space<vmem>>, vector<1x16xf32>,
          %get3A_781 = vector.shape_cast %get3A_780 : vector<1x16xf32> to vector<16xf32>
          %add3A_782 = arith.addf %get3A_773, %get3A_781 : vector<16xf32>
          %mul3A_783 = arith.constant 4 : i32
          %mul3A_784 = arith.muli %mul3A_783, %scan3A_253 : i32
          %add3A_785 = arith.constant 2 : i32
          %add3A_786 = arith.addi %mul3A_784, %add3A_785 : i32
          %get3A_787 = arith.index_cast %add3A_786 : i32 to index
          %get3A_788 = arith.constant 192 : index
          %get3A_789 = tpu.vector_load %arg14[%get3A_787, %get3A_788] {strides = array<i32>} : memref<128x256xf32, #tpu.memory_space<vmem>>, vector<1x16xf32>,
          %get3A_790 = vector.shape_cast %get3A_789 : vector<1x16xf32> to vector<16xf32>
          %add3A_791 = arith.addf %add3A_782, %get3A_790 : vector<16xf32>
          %mul3A_792 = arith.constant 4 : i32
          %mul3A_793 = arith.muli %mul3A_792, %scan3A_253 : i32
          %add3A_794 = arith.constant 3 : i32
          %add3A_795 = arith.addi %mul3A_793, %add3A_794 : i32
          %get3A_796 = arith.index_cast %add3A_795 : i32 to index
          %get3A_797 = arith.constant 192 : index
          %get3A_798 = tpu.vector_load %arg14[%get3A_796, %get3A_797] {strides = array<i32>} : memref<128x256xf32, #tpu.memory_space<vmem>>, vector<1x16xf32>,
          %get3A_799 = vector.shape_cast %get3A_798 : vector<1x16xf32> to vector<16xf32>
          %add3A_800 = arith.addf %add3A_791, %get3A_799 : vector<16xf32>
          %get3A_801 = arith.index_cast %scan3A_253 : i32 to index
          %get3A_802 = arith.constant 192 : index
          %get3A_803 = tpu.vector_load %arg16[%get3A_801, %get3A_802] {strides = array<i32>} : memref<64x256xf32, #tpu.memory_space<vmem>>, vector<1x16xf32>,
          %get3A_804 = vector.shape_cast %get3A_803 : vector<1x16xf32> to vector<16xf32>
          %add3A_805 = arith.addf %add3A_800, %get3A_804 : vector<16xf32>
          %swap3A_806 = arith.index_cast %scan3A_253 : i32 to index
          %swap3A_807 = arith.constant 192 : index
          %swap3A_808 = tpu.vector_load %arg18[%swap3A_806, %swap3A_807] {strides = array<i32>} : memref<32x256xf32, #tpu.memory_space<vmem>>, vector<1x16xf32>,
          %swap3A_809 = vector.shape_cast %swap3A_808 : vector<1x16xf32> to vector<16xf32>
          %swap3A_810 = vector.shape_cast %add3A_805 : vector<16xf32> to vector<1x16xf32>
          tpu.vector_store %arg18[%swap3A_806, %swap3A_807], %swap3A_810 {strides = array<i32>} : memref<32x256xf32, #tpu.memory_space<vmem>>, vector<1x16xf32>,
          %mul3A_811 = arith.constant 4 : i32
          %mul3A_812 = arith.muli %mul3A_811, %scan3A_253 : i32
          %get3A_813 = arith.index_cast %mul3A_812 : i32 to index
          %get3A_814 = arith.constant 208 : index
          %get3A_815 = tpu.vector_load %arg14[%get3A_813, %get3A_814] {strides = array<i32>} : memref<128x256xf32, #tpu.memory_space<vmem>>, vector<1x16xf32>,
          %get3A_816 = vector.shape_cast %get3A_815 : vector<1x16xf32> to vector<16xf32>
          %mul3A_817 = arith.constant 4 : i32
          %mul3A_818 = arith.muli %mul3A_817, %scan3A_253 : i32
          %add3A_819 = arith.constant 1 : i32
          %add3A_820 = arith.addi %mul3A_818, %add3A_819 : i32
          %get3A_821 = arith.index_cast %add3A_820 : i32 to index
          %get3A_822 = arith.constant 208 : index
          %get3A_823 = tpu.vector_load %arg14[%get3A_821, %get3A_822] {strides = array<i32>} : memref<128x256xf32, #tpu.memory_space<vmem>>, vector<1x16xf32>,
          %get3A_824 = vector.shape_cast %get3A_823 : vector<1x16xf32> to vector<16xf32>
          %add3A_825 = arith.addf %get3A_816, %get3A_824 : vector<16xf32>
          %mul3A_826 = arith.constant 4 : i32
          %mul3A_827 = arith.muli %mul3A_826, %scan3A_253 : i32
          %add3A_828 = arith.constant 2 : i32
          %add3A_829 = arith.addi %mul3A_827, %add3A_828 : i32
          %get3A_830 = arith.index_cast %add3A_829 : i32 to index
          %get3A_831 = arith.constant 208 : index
          %get3A_832 = tpu.vector_load %arg14[%get3A_830, %get3A_831] {strides = array<i32>} : memref<128x256xf32, #tpu.memory_space<vmem>>, vector<1x16xf32>,
          %get3A_833 = vector.shape_cast %get3A_832 : vector<1x16xf32> to vector<16xf32>
          %add3A_834 = arith.addf %add3A_825, %get3A_833 : vector<16xf32>
          %mul3A_835 = arith.constant 4 : i32
          %mul3A_836 = arith.muli %mul3A_835, %scan3A_253 : i32
          %add3A_837 = arith.constant 3 : i32
          %add3A_838 = arith.addi %mul3A_836, %add3A_837 : i32
          %get3A_839 = arith.index_cast %add3A_838 : i32 to index
          %get3A_840 = arith.constant 208 : index
          %get3A_841 = tpu.vector_load %arg14[%get3A_839, %get3A_840] {strides = array<i32>} : memref<128x256xf32, #tpu.memory_space<vmem>>, vector<1x16xf32>,
          %get3A_842 = vector.shape_cast %get3A_841 : vector<1x16xf32> to vector<16xf32>
          %add3A_843 = arith.addf %add3A_834, %get3A_842 : vector<16xf32>
          %get3A_844 = arith.index_cast %scan3A_253 : i32 to index
          %get3A_845 = arith.constant 208 : index
          %get3A_846 = tpu.vector_load %arg16[%get3A_844, %get3A_845] {strides = array<i32>} : memref<64x256xf32, #tpu.memory_space<vmem>>, vector<1x16xf32>,
          %get3A_847 = vector.shape_cast %get3A_846 : vector<1x16xf32> to vector<16xf32>
          %add3A_848 = arith.addf %add3A_843, %get3A_847 : vector<16xf32>
          %swap3A_849 = arith.index_cast %scan3A_253 : i32 to index
          %swap3A_850 = arith.constant 208 : index
          %swap3A_851 = tpu.vector_load %arg18[%swap3A_849, %swap3A_850] {strides = array<i32>} : memref<32x256xf32, #tpu.memory_space<vmem>>, vector<1x16xf32>,
          %swap3A_852 = vector.shape_cast %swap3A_851 : vector<1x16xf32> to vector<16xf32>
          %swap3A_853 = vector.shape_cast %add3A_848 : vector<16xf32> to vector<1x16xf32>
          tpu.vector_store %arg18[%swap3A_849, %swap3A_850], %swap3A_853 {strides = array<i32>} : memref<32x256xf32, #tpu.memory_space<vmem>>, vector<1x16xf32>,
          %mul3A_854 = arith.constant 4 : i32
          %mul3A_855 = arith.muli %mul3A_854, %scan3A_253 : i32
          %get3A_856 = arith.index_cast %mul3A_855 : i32 to index
          %get3A_857 = arith.constant 224 : index
          %get3A_858 = tpu.vector_load %arg14[%get3A_856, %get3A_857] {strides = array<i32>} : memref<128x256xf32, #tpu.memory_space<vmem>>, vector<1x16xf32>,
          %get3A_859 = vector.shape_cast %get3A_858 : vector<1x16xf32> to vector<16xf32>
          %mul3A_860 = arith.constant 4 : i32
          %mul3A_861 = arith.muli %mul3A_860, %scan3A_253 : i32
          %add3A_862 = arith.constant 1 : i32
          %add3A_863 = arith.addi %mul3A_861, %add3A_862 : i32
          %get3A_864 = arith.index_cast %add3A_863 : i32 to index
          %get3A_865 = arith.constant 224 : index
          %get3A_866 = tpu.vector_load %arg14[%get3A_864, %get3A_865] {strides = array<i32>} : memref<128x256xf32, #tpu.memory_space<vmem>>, vector<1x16xf32>,
          %get3A_867 = vector.shape_cast %get3A_866 : vector<1x16xf32> to vector<16xf32>
          %add3A_868 = arith.addf %get3A_859, %get3A_867 : vector<16xf32>
          %mul3A_869 = arith.constant 4 : i32
          %mul3A_870 = arith.muli %mul3A_869, %scan3A_253 : i32
          %add3A_871 = arith.constant 2 : i32
          %add3A_872 = arith.addi %mul3A_870, %add3A_871 : i32
          %get3A_873 = arith.index_cast %add3A_872 : i32 to index
          %get3A_874 = arith.constant 224 : index
          %get3A_875 = tpu.vector_load %arg14[%get3A_873, %get3A_874] {strides = array<i32>} : memref<128x256xf32, #tpu.memory_space<vmem>>, vector<1x16xf32>,
          %get3A_876 = vector.shape_cast %get3A_875 : vector<1x16xf32> to vector<16xf32>
          %add3A_877 = arith.addf %add3A_868, %get3A_876 : vector<16xf32>
          %mul3A_878 = arith.constant 4 : i32
          %mul3A_879 = arith.muli %mul3A_878, %scan3A_253 : i32
          %add3A_880 = arith.constant 3 : i32
          %add3A_881 = arith.addi %mul3A_879, %add3A_880 : i32
          %get3A_882 = arith.index_cast %add3A_881 : i32 to index
          %get3A_883 = arith.constant 224 : index
          %get3A_884 = tpu.vector_load %arg14[%get3A_882, %get3A_883] {strides = array<i32>} : memref<128x256xf32, #tpu.memory_space<vmem>>, vector<1x16xf32>,
          %get3A_885 = vector.shape_cast %get3A_884 : vector<1x16xf32> to vector<16xf32>
          %add3A_886 = arith.addf %add3A_877, %get3A_885 : vector<16xf32>
          %get3A_887 = arith.index_cast %scan3A_253 : i32 to index
          %get3A_888 = arith.constant 224 : index
          %get3A_889 = tpu.vector_load %arg16[%get3A_887, %get3A_888] {strides = array<i32>} : memref<64x256xf32, #tpu.memory_space<vmem>>, vector<1x16xf32>,
          %get3A_890 = vector.shape_cast %get3A_889 : vector<1x16xf32> to vector<16xf32>
          %add3A_891 = arith.addf %add3A_886, %get3A_890 : vector<16xf32>
          %swap3A_892 = arith.index_cast %scan3A_253 : i32 to index
          %swap3A_893 = arith.constant 224 : index
          %swap3A_894 = tpu.vector_load %arg18[%swap3A_892, %swap3A_893] {strides = array<i32>} : memref<32x256xf32, #tpu.memory_space<vmem>>, vector<1x16xf32>,
          %swap3A_895 = vector.shape_cast %swap3A_894 : vector<1x16xf32> to vector<16xf32>
          %swap3A_896 = vector.shape_cast %add3A_891 : vector<16xf32> to vector<1x16xf32>
          tpu.vector_store %arg18[%swap3A_892, %swap3A_893], %swap3A_896 {strides = array<i32>} : memref<32x256xf32, #tpu.memory_space<vmem>>, vector<1x16xf32>,
          %mul3A_897 = arith.constant 4 : i32
          %mul3A_898 = arith.muli %mul3A_897, %scan3A_253 : i32
          %get3A_899 = arith.index_cast %mul3A_898 : i32 to index
          %get3A_900 = arith.constant 240 : index
          %get3A_901 = tpu.vector_load %arg14[%get3A_899, %get3A_900] {strides = array<i32>} : memref<128x256xf32, #tpu.memory_space<vmem>>, vector<1x16xf32>,
          %get3A_902 = vector.shape_cast %get3A_901 : vector<1x16xf32> to vector<16xf32>
          %mul3A_903 = arith.constant 4 : i32
          %mul3A_904 = arith.muli %mul3A_903, %scan3A_253 : i32
          %add3A_905 = arith.constant 1 : i32
          %add3A_906 = arith.addi %mul3A_904, %add3A_905 : i32
          %get3A_907 = arith.index_cast %add3A_906 : i32 to index
          %get3A_908 = arith.constant 240 : index
          %get3A_909 = tpu.vector_load %arg14[%get3A_907, %get3A_908] {strides = array<i32>} : memref<128x256xf32, #tpu.memory_space<vmem>>, vector<1x16xf32>,
          %get3A_910 = vector.shape_cast %get3A_909 : vector<1x16xf32> to vector<16xf32>
          %add3A_911 = arith.addf %get3A_902, %get3A_910 : vector<16xf32>
          %mul3A_912 = arith.constant 4 : i32
          %mul3A_913 = arith.muli %mul3A_912, %scan3A_253 : i32
          %add3A_914 = arith.constant 2 : i32
          %add3A_915 = arith.addi %mul3A_913, %add3A_914 : i32
          %get3A_916 = arith.index_cast %add3A_915 : i32 to index
          %get3A_917 = arith.constant 240 : index
          %get3A_918 = tpu.vector_load %arg14[%get3A_916, %get3A_917] {strides = array<i32>} : memref<128x256xf32, #tpu.memory_space<vmem>>, vector<1x16xf32>,
          %get3A_919 = vector.shape_cast %get3A_918 : vector<1x16xf32> to vector<16xf32>
          %add3A_920 = arith.addf %add3A_911, %get3A_919 : vector<16xf32>
          %mul3A_921 = arith.constant 4 : i32
          %mul3A_922 = arith.muli %mul3A_921, %scan3A_253 : i32
          %add3A_923 = arith.constant 3 : i32
          %add3A_924 = arith.addi %mul3A_922, %add3A_923 : i32
          %get3A_925 = arith.index_cast %add3A_924 : i32 to index
          %get3A_926 = arith.constant 240 : index
          %get3A_927 = tpu.vector_load %arg14[%get3A_925, %get3A_926] {strides = array<i32>} : memref<128x256xf32, #tpu.memory_space<vmem>>, vector<1x16xf32>,
          %get3A_928 = vector.shape_cast %get3A_927 : vector<1x16xf32> to vector<16xf32>
          %add3A_929 = arith.addf %add3A_920, %get3A_928 : vector<16xf32>
          %get3A_930 = arith.index_cast %scan3A_253 : i32 to index
          %get3A_931 = arith.constant 240 : index
          %get3A_932 = tpu.vector_load %arg16[%get3A_930, %get3A_931] {strides = array<i32>} : memref<64x256xf32, #tpu.memory_space<vmem>>, vector<1x16xf32>,
          %get3A_933 = vector.shape_cast %get3A_932 : vector<1x16xf32> to vector<16xf32>
          %add3A_934 = arith.addf %add3A_929, %get3A_933 : vector<16xf32>
          %swap3A_935 = arith.index_cast %scan3A_253 : i32 to index
          %swap3A_936 = arith.constant 240 : index
          %swap3A_937 = tpu.vector_load %arg18[%swap3A_935, %swap3A_936] {strides = array<i32>} : memref<32x256xf32, #tpu.memory_space<vmem>>, vector<1x16xf32>,
          %swap3A_938 = vector.shape_cast %swap3A_937 : vector<1x16xf32> to vector<16xf32>
          %swap3A_939 = vector.shape_cast %add3A_934 : vector<16xf32> to vector<1x16xf32>
          tpu.vector_store %arg18[%swap3A_935, %swap3A_936], %swap3A_939 {strides = array<i32>} : memref<32x256xf32, #tpu.memory_space<vmem>>, vector<1x16xf32>,
        }
        %scan3A_252 = arith.constant 32 : i32
      } else {
      }
      %ge3A_228 = arith.constant 8 : i32
      %ge3A_229 = arith.cmpi sge, %add3A_207, %ge3A_228 : i32
      %convert_element_type3A_230 = arith.extui %ge3A_229 : i1 to i32
      %cond3A_231 = arith.constant 0 : i32
      %cond3A_232 = arith.cmpi ne, %convert_element_type3A_230, %cond3A_231 : i32
      scf.if %cond3A_232 {
        %scan3A_248 = arith.constant 0 : i32
        %scan3A_249 = arith.constant 32 : i32
        %scan3A_250 = arith.addi %scan3A_248, %scan3A_249 : i32
        %scan3A_251 = arith.constant 1 : i32
        scf.for %scan3A_253 = %scan3A_248 to %scan3A_250 step %scan3A_251  : i32 {
          %mul3A_254 = arith.constant 4 : i32
          %mul3A_255 = arith.muli %mul3A_254, %scan3A_253 : i32
          %get3A = arith.index_cast %mul3A_255 : i32 to index
          %get3A_256 = arith.constant 0 : index
          %get3A_257 = tpu.vector_load %arg14[%get3A, %get3A_256] {strides = array<i32>} : memref<128x256xf32, #tpu.memory_space<vmem>>, vector<1x16xf32>,
          %get3A_258 = vector.shape_cast %get3A_257 : vector<1x16xf32> to vector<16xf32>
          %mul3A_259 = arith.constant 4 : i32
          %mul3A_260 = arith.muli %mul3A_259, %scan3A_253 : i32
          %add3A_261 = arith.constant 1 : i32
          %add3A_262 = arith.addi %mul3A_260, %add3A_261 : i32
          %get3A_263 = arith.index_cast %add3A_262 : i32 to index
          %get3A_264 = arith.constant 0 : index
          %get3A_265 = tpu.vector_load %arg14[%get3A_263, %get3A_264] {strides = array<i32>} : memref<128x256xf32, #tpu.memory_space<vmem>>, vector<1x16xf32>,
          %get3A_266 = vector.shape_cast %get3A_265 : vector<1x16xf32> to vector<16xf32>
          %add3A_267 = arith.addf %get3A_258, %get3A_266 : vector<16xf32>
          %mul3A_268 = arith.constant 4 : i32
          %mul3A_269 = arith.muli %mul3A_268, %scan3A_253 : i32
          %add3A_270 = arith.constant 2 : i32
          %add3A_271 = arith.addi %mul3A_269, %add3A_270 : i32
          %get3A_272 = arith.index_cast %add3A_271 : i32 to index
          %get3A_273 = arith.constant 0 : index
          %get3A_274 = tpu.vector_load %arg14[%get3A_272, %get3A_273] {strides = array<i32>} : memref<128x256xf32, #tpu.memory_space<vmem>>, vector<1x16xf32>,
          %get3A_275 = vector.shape_cast %get3A_274 : vector<1x16xf32> to vector<16xf32>
          %add3A_276 = arith.addf %add3A_267, %get3A_275 : vector<16xf32>
          %mul3A_277 = arith.constant 4 : i32
          %mul3A_278 = arith.muli %mul3A_277, %scan3A_253 : i32
          %add3A_279 = arith.constant 3 : i32
          %add3A_280 = arith.addi %mul3A_278, %add3A_279 : i32
          %get3A_281 = arith.index_cast %add3A_280 : i32 to index
          %get3A_282 = arith.constant 0 : index
          %get3A_283 = tpu.vector_load %arg14[%get3A_281, %get3A_282] {strides = array<i32>} : memref<128x256xf32, #tpu.memory_space<vmem>>, vector<1x16xf32>,
          %get3A_284 = vector.shape_cast %get3A_283 : vector<1x16xf32> to vector<16xf32>
          %add3A_285 = arith.addf %add3A_276, %get3A_284 : vector<16xf32>
          %get3A_286 = arith.index_cast %scan3A_253 : i32 to index
          %get3A_287 = arith.constant 0 : index
          %get3A_288 = tpu.vector_load %arg16[%get3A_286, %get3A_287] {strides = array<i32>} : memref<64x256xf32, #tpu.memory_space<vmem>>, vector<1x16xf32>,
          %get3A_289 = vector.shape_cast %get3A_288 : vector<1x16xf32> to vector<16xf32>
          %add3A_290 = arith.addf %add3A_285, %get3A_289 : vector<16xf32>
          %add3A_291 = arith.constant 32 : i32
          %add3A_292 = arith.addi %add3A_291, %scan3A_253 : i32
          %get3A_293 = arith.index_cast %add3A_292 : i32 to index
          %get3A_294 = arith.constant 0 : index
          %get3A_295 = tpu.vector_load %arg16[%get3A_293, %get3A_294] {strides = array<i32>} : memref<64x256xf32, #tpu.memory_space<vmem>>, vector<1x16xf32>,
          %get3A_296 = vector.shape_cast %get3A_295 : vector<1x16xf32> to vector<16xf32>
          %add3A_297 = arith.addf %add3A_290, %get3A_296 : vector<16xf32>
          %swap3A = arith.index_cast %scan3A_253 : i32 to index
          %swap3A_298 = arith.constant 0 : index
          %swap3A_299 = tpu.vector_load %arg18[%swap3A, %swap3A_298] {strides = array<i32>} : memref<32x256xf32, #tpu.memory_space<vmem>>, vector<1x16xf32>,
          %swap3A_300 = vector.shape_cast %swap3A_299 : vector<1x16xf32> to vector<16xf32>
          %swap3A_301 = vector.shape_cast %add3A_297 : vector<16xf32> to vector<1x16xf32>
          tpu.vector_store %arg18[%swap3A, %swap3A_298], %swap3A_301 {strides = array<i32>} : memref<32x256xf32, #tpu.memory_space<vmem>>, vector<1x16xf32>,
          %mul3A_302 = arith.constant 4 : i32
          %mul3A_303 = arith.muli %mul3A_302, %scan3A_253 : i32
          %get3A_304 = arith.index_cast %mul3A_303 : i32 to index
          %get3A_305 = arith.constant 16 : index
          %get3A_306 = tpu.vector_load %arg14[%get3A_304, %get3A_305] {strides = array<i32>} : memref<128x256xf32, #tpu.memory_space<vmem>>, vector<1x16xf32>,
          %get3A_307 = vector.shape_cast %get3A_306 : vector<1x16xf32> to vector<16xf32>
          %mul3A_308 = arith.constant 4 : i32
          %mul3A_309 = arith.muli %mul3A_308, %scan3A_253 : i32
          %add3A_310 = arith.constant 1 : i32
          %add3A_311 = arith.addi %mul3A_309, %add3A_310 : i32
          %get3A_312 = arith.index_cast %add3A_311 : i32 to index
          %get3A_313 = arith.constant 16 : index
          %get3A_314 = tpu.vector_load %arg14[%get3A_312, %get3A_313] {strides = array<i32>} : memref<128x256xf32, #tpu.memory_space<vmem>>, vector<1x16xf32>,
          %get3A_315 = vector.shape_cast %get3A_314 : vector<1x16xf32> to vector<16xf32>
          %add3A_316 = arith.addf %get3A_307, %get3A_315 : vector<16xf32>
          %mul3A_317 = arith.constant 4 : i32
          %mul3A_318 = arith.muli %mul3A_317, %scan3A_253 : i32
          %add3A_319 = arith.constant 2 : i32
          %add3A_320 = arith.addi %mul3A_318, %add3A_319 : i32
          %get3A_321 = arith.index_cast %add3A_320 : i32 to index
          %get3A_322 = arith.constant 16 : index
          %get3A_323 = tpu.vector_load %arg14[%get3A_321, %get3A_322] {strides = array<i32>} : memref<128x256xf32, #tpu.memory_space<vmem>>, vector<1x16xf32>,
          %get3A_324 = vector.shape_cast %get3A_323 : vector<1x16xf32> to vector<16xf32>
          %add3A_325 = arith.addf %add3A_316, %get3A_324 : vector<16xf32>
          %mul3A_326 = arith.constant 4 : i32
          %mul3A_327 = arith.muli %mul3A_326, %scan3A_253 : i32
          %add3A_328 = arith.constant 3 : i32
          %add3A_329 = arith.addi %mul3A_327, %add3A_328 : i32
          %get3A_330 = arith.index_cast %add3A_329 : i32 to index
          %get3A_331 = arith.constant 16 : index
          %get3A_332 = tpu.vector_load %arg14[%get3A_330, %get3A_331] {strides = array<i32>} : memref<128x256xf32, #tpu.memory_space<vmem>>, vector<1x16xf32>,
          %get3A_333 = vector.shape_cast %get3A_332 : vector<1x16xf32> to vector<16xf32>
          %add3A_334 = arith.addf %add3A_325, %get3A_333 : vector<16xf32>
          %get3A_335 = arith.index_cast %scan3A_253 : i32 to index
          %get3A_336 = arith.constant 16 : index
          %get3A_337 = tpu.vector_load %arg16[%get3A_335, %get3A_336] {strides = array<i32>} : memref<64x256xf32, #tpu.memory_space<vmem>>, vector<1x16xf32>,
          %get3A_338 = vector.shape_cast %get3A_337 : vector<1x16xf32> to vector<16xf32>
          %add3A_339 = arith.addf %add3A_334, %get3A_338 : vector<16xf32>
          %add3A_340 = arith.constant 32 : i32
          %add3A_341 = arith.addi %add3A_340, %scan3A_253 : i32
          %get3A_342 = arith.index_cast %add3A_341 : i32 to index
          %get3A_343 = arith.constant 16 : index
          %get3A_344 = tpu.vector_load %arg16[%get3A_342, %get3A_343] {strides = array<i32>} : memref<64x256xf32, #tpu.memory_space<vmem>>, vector<1x16xf32>,
          %get3A_345 = vector.shape_cast %get3A_344 : vector<1x16xf32> to vector<16xf32>
          %add3A_346 = arith.addf %add3A_339, %get3A_345 : vector<16xf32>
          %swap3A_347 = arith.index_cast %scan3A_253 : i32 to index
          %swap3A_348 = arith.constant 16 : index
          %swap3A_349 = tpu.vector_load %arg18[%swap3A_347, %swap3A_348] {strides = array<i32>} : memref<32x256xf32, #tpu.memory_space<vmem>>, vector<1x16xf32>,
          %swap3A_350 = vector.shape_cast %swap3A_349 : vector<1x16xf32> to vector<16xf32>
          %swap3A_351 = vector.shape_cast %add3A_346 : vector<16xf32> to vector<1x16xf32>
          tpu.vector_store %arg18[%swap3A_347, %swap3A_348], %swap3A_351 {strides = array<i32>} : memref<32x256xf32, #tpu.memory_space<vmem>>, vector<1x16xf32>,
          %mul3A_352 = arith.constant 4 : i32
          %mul3A_353 = arith.muli %mul3A_352, %scan3A_253 : i32
          %get3A_354 = arith.index_cast %mul3A_353 : i32 to index
          %get3A_355 = arith.constant 32 : index
          %get3A_356 = tpu.vector_load %arg14[%get3A_354, %get3A_355] {strides = array<i32>} : memref<128x256xf32, #tpu.memory_space<vmem>>, vector<1x16xf32>,
          %get3A_357 = vector.shape_cast %get3A_356 : vector<1x16xf32> to vector<16xf32>
          %mul3A_358 = arith.constant 4 : i32
          %mul3A_359 = arith.muli %mul3A_358, %scan3A_253 : i32
          %add3A_360 = arith.constant 1 : i32
          %add3A_361 = arith.addi %mul3A_359, %add3A_360 : i32
          %get3A_362 = arith.index_cast %add3A_361 : i32 to index
          %get3A_363 = arith.constant 32 : index
          %get3A_364 = tpu.vector_load %arg14[%get3A_362, %get3A_363] {strides = array<i32>} : memref<128x256xf32, #tpu.memory_space<vmem>>, vector<1x16xf32>,
          %get3A_365 = vector.shape_cast %get3A_364 : vector<1x16xf32> to vector<16xf32>
          %add3A_366 = arith.addf %get3A_357, %get3A_365 : vector<16xf32>
          %mul3A_367 = arith.constant 4 : i32
          %mul3A_368 = arith.muli %mul3A_367, %scan3A_253 : i32
          %add3A_369 = arith.constant 2 : i32
          %add3A_370 = arith.addi %mul3A_368, %add3A_369 : i32
          %get3A_371 = arith.index_cast %add3A_370 : i32 to index
          %get3A_372 = arith.constant 32 : index
          %get3A_373 = tpu.vector_load %arg14[%get3A_371, %get3A_372] {strides = array<i32>} : memref<128x256xf32, #tpu.memory_space<vmem>>, vector<1x16xf32>,
          %get3A_374 = vector.shape_cast %get3A_373 : vector<1x16xf32> to vector<16xf32>
          %add3A_375 = arith.addf %add3A_366, %get3A_374 : vector<16xf32>
          %mul3A_376 = arith.constant 4 : i32
          %mul3A_377 = arith.muli %mul3A_376, %scan3A_253 : i32
          %add3A_378 = arith.constant 3 : i32
          %add3A_379 = arith.addi %mul3A_377, %add3A_378 : i32
          %get3A_380 = arith.index_cast %add3A_379 : i32 to index
          %get3A_381 = arith.constant 32 : index
          %get3A_382 = tpu.vector_load %arg14[%get3A_380, %get3A_381] {strides = array<i32>} : memref<128x256xf32, #tpu.memory_space<vmem>>, vector<1x16xf32>,
          %get3A_383 = vector.shape_cast %get3A_382 : vector<1x16xf32> to vector<16xf32>
          %add3A_384 = arith.addf %add3A_375, %get3A_383 : vector<16xf32>
          %get3A_385 = arith.index_cast %scan3A_253 : i32 to index
          %get3A_386 = arith.constant 32 : index
          %get3A_387 = tpu.vector_load %arg16[%get3A_385, %get3A_386] {strides = array<i32>} : memref<64x256xf32, #tpu.memory_space<vmem>>, vector<1x16xf32>,
          %get3A_388 = vector.shape_cast %get3A_387 : vector<1x16xf32> to vector<16xf32>
          %add3A_389 = arith.addf %add3A_384, %get3A_388 : vector<16xf32>
          %add3A_390 = arith.constant 32 : i32
          %add3A_391 = arith.addi %add3A_390, %scan3A_253 : i32
          %get3A_392 = arith.index_cast %add3A_391 : i32 to index
          %get3A_393 = arith.constant 32 : index
          %get3A_394 = tpu.vector_load %arg16[%get3A_392, %get3A_393] {strides = array<i32>} : memref<64x256xf32, #tpu.memory_space<vmem>>, vector<1x16xf32>,
          %get3A_395 = vector.shape_cast %get3A_394 : vector<1x16xf32> to vector<16xf32>
          %add3A_396 = arith.addf %add3A_389, %get3A_395 : vector<16xf32>
          %swap3A_397 = arith.index_cast %scan3A_253 : i32 to index
          %swap3A_398 = arith.constant 32 : index
          %swap3A_399 = tpu.vector_load %arg18[%swap3A_397, %swap3A_398] {strides = array<i32>} : memref<32x256xf32, #tpu.memory_space<vmem>>, vector<1x16xf32>,
          %swap3A_400 = vector.shape_cast %swap3A_399 : vector<1x16xf32> to vector<16xf32>
          %swap3A_401 = vector.shape_cast %add3A_396 : vector<16xf32> to vector<1x16xf32>
          tpu.vector_store %arg18[%swap3A_397, %swap3A_398], %swap3A_401 {strides = array<i32>} : memref<32x256xf32, #tpu.memory_space<vmem>>, vector<1x16xf32>,
          %mul3A_402 = arith.constant 4 : i32
          %mul3A_403 = arith.muli %mul3A_402, %scan3A_253 : i32
          %get3A_404 = arith.index_cast %mul3A_403 : i32 to index
          %get3A_405 = arith.constant 48 : index
          %get3A_406 = tpu.vector_load %arg14[%get3A_404, %get3A_405] {strides = array<i32>} : memref<128x256xf32, #tpu.memory_space<vmem>>, vector<1x16xf32>,
          %get3A_407 = vector.shape_cast %get3A_406 : vector<1x16xf32> to vector<16xf32>
          %mul3A_408 = arith.constant 4 : i32
          %mul3A_409 = arith.muli %mul3A_408, %scan3A_253 : i32
          %add3A_410 = arith.constant 1 : i32
          %add3A_411 = arith.addi %mul3A_409, %add3A_410 : i32
          %get3A_412 = arith.index_cast %add3A_411 : i32 to index
          %get3A_413 = arith.constant 48 : index
          %get3A_414 = tpu.vector_load %arg14[%get3A_412, %get3A_413] {strides = array<i32>} : memref<128x256xf32, #tpu.memory_space<vmem>>, vector<1x16xf32>,
          %get3A_415 = vector.shape_cast %get3A_414 : vector<1x16xf32> to vector<16xf32>
          %add3A_416 = arith.addf %get3A_407, %get3A_415 : vector<16xf32>
          %mul3A_417 = arith.constant 4 : i32
          %mul3A_418 = arith.muli %mul3A_417, %scan3A_253 : i32
          %add3A_419 = arith.constant 2 : i32
          %add3A_420 = arith.addi %mul3A_418, %add3A_419 : i32
          %get3A_421 = arith.index_cast %add3A_420 : i32 to index
          %get3A_422 = arith.constant 48 : index
          %get3A_423 = tpu.vector_load %arg14[%get3A_421, %get3A_422] {strides = array<i32>} : memref<128x256xf32, #tpu.memory_space<vmem>>, vector<1x16xf32>,
          %get3A_424 = vector.shape_cast %get3A_423 : vector<1x16xf32> to vector<16xf32>
          %add3A_425 = arith.addf %add3A_416, %get3A_424 : vector<16xf32>
          %mul3A_426 = arith.constant 4 : i32
          %mul3A_427 = arith.muli %mul3A_426, %scan3A_253 : i32
          %add3A_428 = arith.constant 3 : i32
          %add3A_429 = arith.addi %mul3A_427, %add3A_428 : i32
          %get3A_430 = arith.index_cast %add3A_429 : i32 to index
          %get3A_431 = arith.constant 48 : index
          %get3A_432 = tpu.vector_load %arg14[%get3A_430, %get3A_431] {strides = array<i32>} : memref<128x256xf32, #tpu.memory_space<vmem>>, vector<1x16xf32>,
          %get3A_433 = vector.shape_cast %get3A_432 : vector<1x16xf32> to vector<16xf32>
          %add3A_434 = arith.addf %add3A_425, %get3A_433 : vector<16xf32>
          %get3A_435 = arith.index_cast %scan3A_253 : i32 to index
          %get3A_436 = arith.constant 48 : index
          %get3A_437 = tpu.vector_load %arg16[%get3A_435, %get3A_436] {strides = array<i32>} : memref<64x256xf32, #tpu.memory_space<vmem>>, vector<1x16xf32>,
          %get3A_438 = vector.shape_cast %get3A_437 : vector<1x16xf32> to vector<16xf32>
          %add3A_439 = arith.addf %add3A_434, %get3A_438 : vector<16xf32>
          %add3A_440 = arith.constant 32 : i32
          %add3A_441 = arith.addi %add3A_440, %scan3A_253 : i32
          %get3A_442 = arith.index_cast %add3A_441 : i32 to index
          %get3A_443 = arith.constant 48 : index
          %get3A_444 = tpu.vector_load %arg16[%get3A_442, %get3A_443] {strides = array<i32>} : memref<64x256xf32, #tpu.memory_space<vmem>>, vector<1x16xf32>,
          %get3A_445 = vector.shape_cast %get3A_444 : vector<1x16xf32> to vector<16xf32>
          %add3A_446 = arith.addf %add3A_439, %get3A_445 : vector<16xf32>
          %swap3A_447 = arith.index_cast %scan3A_253 : i32 to index
          %swap3A_448 = arith.constant 48 : index
          %swap3A_449 = tpu.vector_load %arg18[%swap3A_447, %swap3A_448] {strides = array<i32>} : memref<32x256xf32, #tpu.memory_space<vmem>>, vector<1x16xf32>,
          %swap3A_450 = vector.shape_cast %swap3A_449 : vector<1x16xf32> to vector<16xf32>
          %swap3A_451 = vector.shape_cast %add3A_446 : vector<16xf32> to vector<1x16xf32>
          tpu.vector_store %arg18[%swap3A_447, %swap3A_448], %swap3A_451 {strides = array<i32>} : memref<32x256xf32, #tpu.memory_space<vmem>>, vector<1x16xf32>,
          %mul3A_452 = arith.constant 4 : i32
          %mul3A_453 = arith.muli %mul3A_452, %scan3A_253 : i32
          %get3A_454 = arith.index_cast %mul3A_453 : i32 to index
          %get3A_455 = arith.constant 64 : index
          %get3A_456 = tpu.vector_load %arg14[%get3A_454, %get3A_455] {strides = array<i32>} : memref<128x256xf32, #tpu.memory_space<vmem>>, vector<1x16xf32>,
          %get3A_457 = vector.shape_cast %get3A_456 : vector<1x16xf32> to vector<16xf32>
          %mul3A_458 = arith.constant 4 : i32
          %mul3A_459 = arith.muli %mul3A_458, %scan3A_253 : i32
          %add3A_460 = arith.constant 1 : i32
          %add3A_461 = arith.addi %mul3A_459, %add3A_460 : i32
          %get3A_462 = arith.index_cast %add3A_461 : i32 to index
          %get3A_463 = arith.constant 64 : index
          %get3A_464 = tpu.vector_load %arg14[%get3A_462, %get3A_463] {strides = array<i32>} : memref<128x256xf32, #tpu.memory_space<vmem>>, vector<1x16xf32>,
          %get3A_465 = vector.shape_cast %get3A_464 : vector<1x16xf32> to vector<16xf32>
          %add3A_466 = arith.addf %get3A_457, %get3A_465 : vector<16xf32>
          %mul3A_467 = arith.constant 4 : i32
          %mul3A_468 = arith.muli %mul3A_467, %scan3A_253 : i32
          %add3A_469 = arith.constant 2 : i32
          %add3A_470 = arith.addi %mul3A_468, %add3A_469 : i32
          %get3A_471 = arith.index_cast %add3A_470 : i32 to index
          %get3A_472 = arith.constant 64 : index
          %get3A_473 = tpu.vector_load %arg14[%get3A_471, %get3A_472] {strides = array<i32>} : memref<128x256xf32, #tpu.memory_space<vmem>>, vector<1x16xf32>,
          %get3A_474 = vector.shape_cast %get3A_473 : vector<1x16xf32> to vector<16xf32>
          %add3A_475 = arith.addf %add3A_466, %get3A_474 : vector<16xf32>
          %mul3A_476 = arith.constant 4 : i32
          %mul3A_477 = arith.muli %mul3A_476, %scan3A_253 : i32
          %add3A_478 = arith.constant 3 : i32
          %add3A_479 = arith.addi %mul3A_477, %add3A_478 : i32
          %get3A_480 = arith.index_cast %add3A_479 : i32 to index
          %get3A_481 = arith.constant 64 : index
          %get3A_482 = tpu.vector_load %arg14[%get3A_480, %get3A_481] {strides = array<i32>} : memref<128x256xf32, #tpu.memory_space<vmem>>, vector<1x16xf32>,
          %get3A_483 = vector.shape_cast %get3A_482 : vector<1x16xf32> to vector<16xf32>
          %add3A_484 = arith.addf %add3A_475, %get3A_483 : vector<16xf32>
          %get3A_485 = arith.index_cast %scan3A_253 : i32 to index
          %get3A_486 = arith.constant 64 : index
          %get3A_487 = tpu.vector_load %arg16[%get3A_485, %get3A_486] {strides = array<i32>} : memref<64x256xf32, #tpu.memory_space<vmem>>, vector<1x16xf32>,
          %get3A_488 = vector.shape_cast %get3A_487 : vector<1x16xf32> to vector<16xf32>
          %add3A_489 = arith.addf %add3A_484, %get3A_488 : vector<16xf32>
          %add3A_490 = arith.constant 32 : i32
          %add3A_491 = arith.addi %add3A_490, %scan3A_253 : i32
          %get3A_492 = arith.index_cast %add3A_491 : i32 to index
          %get3A_493 = arith.constant 64 : index
          %get3A_494 = tpu.vector_load %arg16[%get3A_492, %get3A_493] {strides = array<i32>} : memref<64x256xf32, #tpu.memory_space<vmem>>, vector<1x16xf32>,
          %get3A_495 = vector.shape_cast %get3A_494 : vector<1x16xf32> to vector<16xf32>
          %add3A_496 = arith.addf %add3A_489, %get3A_495 : vector<16xf32>
          %swap3A_497 = arith.index_cast %scan3A_253 : i32 to index
          %swap3A_498 = arith.constant 64 : index
          %swap3A_499 = tpu.vector_load %arg18[%swap3A_497, %swap3A_498] {strides = array<i32>} : memref<32x256xf32, #tpu.memory_space<vmem>>, vector<1x16xf32>,
          %swap3A_500 = vector.shape_cast %swap3A_499 : vector<1x16xf32> to vector<16xf32>
          %swap3A_501 = vector.shape_cast %add3A_496 : vector<16xf32> to vector<1x16xf32>
          tpu.vector_store %arg18[%swap3A_497, %swap3A_498], %swap3A_501 {strides = array<i32>} : memref<32x256xf32, #tpu.memory_space<vmem>>, vector<1x16xf32>,
          %mul3A_502 = arith.constant 4 : i32
          %mul3A_503 = arith.muli %mul3A_502, %scan3A_253 : i32
          %get3A_504 = arith.index_cast %mul3A_503 : i32 to index
          %get3A_505 = arith.constant 80 : index
          %get3A_506 = tpu.vector_load %arg14[%get3A_504, %get3A_505] {strides = array<i32>} : memref<128x256xf32, #tpu.memory_space<vmem>>, vector<1x16xf32>,
          %get3A_507 = vector.shape_cast %get3A_506 : vector<1x16xf32> to vector<16xf32>
          %mul3A_508 = arith.constant 4 : i32
          %mul3A_509 = arith.muli %mul3A_508, %scan3A_253 : i32
          %add3A_510 = arith.constant 1 : i32
          %add3A_511 = arith.addi %mul3A_509, %add3A_510 : i32
          %get3A_512 = arith.index_cast %add3A_511 : i32 to index
          %get3A_513 = arith.constant 80 : index
          %get3A_514 = tpu.vector_load %arg14[%get3A_512, %get3A_513] {strides = array<i32>} : memref<128x256xf32, #tpu.memory_space<vmem>>, vector<1x16xf32>,
          %get3A_515 = vector.shape_cast %get3A_514 : vector<1x16xf32> to vector<16xf32>
          %add3A_516 = arith.addf %get3A_507, %get3A_515 : vector<16xf32>
          %mul3A_517 = arith.constant 4 : i32
          %mul3A_518 = arith.muli %mul3A_517, %scan3A_253 : i32
          %add3A_519 = arith.constant 2 : i32
          %add3A_520 = arith.addi %mul3A_518, %add3A_519 : i32
          %get3A_521 = arith.index_cast %add3A_520 : i32 to index
          %get3A_522 = arith.constant 80 : index
          %get3A_523 = tpu.vector_load %arg14[%get3A_521, %get3A_522] {strides = array<i32>} : memref<128x256xf32, #tpu.memory_space<vmem>>, vector<1x16xf32>,
          %get3A_524 = vector.shape_cast %get3A_523 : vector<1x16xf32> to vector<16xf32>
          %add3A_525 = arith.addf %add3A_516, %get3A_524 : vector<16xf32>
          %mul3A_526 = arith.constant 4 : i32
          %mul3A_527 = arith.muli %mul3A_526, %scan3A_253 : i32
          %add3A_528 = arith.constant 3 : i32
          %add3A_529 = arith.addi %mul3A_527, %add3A_528 : i32
          %get3A_530 = arith.index_cast %add3A_529 : i32 to index
          %get3A_531 = arith.constant 80 : index
          %get3A_532 = tpu.vector_load %arg14[%get3A_530, %get3A_531] {strides = array<i32>} : memref<128x256xf32, #tpu.memory_space<vmem>>, vector<1x16xf32>,
          %get3A_533 = vector.shape_cast %get3A_532 : vector<1x16xf32> to vector<16xf32>
          %add3A_534 = arith.addf %add3A_525, %get3A_533 : vector<16xf32>
          %get3A_535 = arith.index_cast %scan3A_253 : i32 to index
          %get3A_536 = arith.constant 80 : index
          %get3A_537 = tpu.vector_load %arg16[%get3A_535, %get3A_536] {strides = array<i32>} : memref<64x256xf32, #tpu.memory_space<vmem>>, vector<1x16xf32>,
          %get3A_538 = vector.shape_cast %get3A_537 : vector<1x16xf32> to vector<16xf32>
          %add3A_539 = arith.addf %add3A_534, %get3A_538 : vector<16xf32>
          %add3A_540 = arith.constant 32 : i32
          %add3A_541 = arith.addi %add3A_540, %scan3A_253 : i32
          %get3A_542 = arith.index_cast %add3A_541 : i32 to index
          %get3A_543 = arith.constant 80 : index
          %get3A_544 = tpu.vector_load %arg16[%get3A_542, %get3A_543] {strides = array<i32>} : memref<64x256xf32, #tpu.memory_space<vmem>>, vector<1x16xf32>,
          %get3A_545 = vector.shape_cast %get3A_544 : vector<1x16xf32> to vector<16xf32>
          %add3A_546 = arith.addf %add3A_539, %get3A_545 : vector<16xf32>
          %swap3A_547 = arith.index_cast %scan3A_253 : i32 to index
          %swap3A_548 = arith.constant 80 : index
          %swap3A_549 = tpu.vector_load %arg18[%swap3A_547, %swap3A_548] {strides = array<i32>} : memref<32x256xf32, #tpu.memory_space<vmem>>, vector<1x16xf32>,
          %swap3A_550 = vector.shape_cast %swap3A_549 : vector<1x16xf32> to vector<16xf32>
          %swap3A_551 = vector.shape_cast %add3A_546 : vector<16xf32> to vector<1x16xf32>
          tpu.vector_store %arg18[%swap3A_547, %swap3A_548], %swap3A_551 {strides = array<i32>} : memref<32x256xf32, #tpu.memory_space<vmem>>, vector<1x16xf32>,
          %mul3A_552 = arith.constant 4 : i32
          %mul3A_553 = arith.muli %mul3A_552, %scan3A_253 : i32
          %get3A_554 = arith.index_cast %mul3A_553 : i32 to index
          %get3A_555 = arith.constant 96 : index
          %get3A_556 = tpu.vector_load %arg14[%get3A_554, %get3A_555] {strides = array<i32>} : memref<128x256xf32, #tpu.memory_space<vmem>>, vector<1x16xf32>,
          %get3A_557 = vector.shape_cast %get3A_556 : vector<1x16xf32> to vector<16xf32>
          %mul3A_558 = arith.constant 4 : i32
          %mul3A_559 = arith.muli %mul3A_558, %scan3A_253 : i32
          %add3A_560 = arith.constant 1 : i32
          %add3A_561 = arith.addi %mul3A_559, %add3A_560 : i32
          %get3A_562 = arith.index_cast %add3A_561 : i32 to index
          %get3A_563 = arith.constant 96 : index
          %get3A_564 = tpu.vector_load %arg14[%get3A_562, %get3A_563] {strides = array<i32>} : memref<128x256xf32, #tpu.memory_space<vmem>>, vector<1x16xf32>,
          %get3A_565 = vector.shape_cast %get3A_564 : vector<1x16xf32> to vector<16xf32>
          %add3A_566 = arith.addf %get3A_557, %get3A_565 : vector<16xf32>
          %mul3A_567 = arith.constant 4 : i32
          %mul3A_568 = arith.muli %mul3A_567, %scan3A_253 : i32
          %add3A_569 = arith.constant 2 : i32
          %add3A_570 = arith.addi %mul3A_568, %add3A_569 : i32
          %get3A_571 = arith.index_cast %add3A_570 : i32 to index
          %get3A_572 = arith.constant 96 : index
          %get3A_573 = tpu.vector_load %arg14[%get3A_571, %get3A_572] {strides = array<i32>} : memref<128x256xf32, #tpu.memory_space<vmem>>, vector<1x16xf32>,
          %get3A_574 = vector.shape_cast %get3A_573 : vector<1x16xf32> to vector<16xf32>
          %add3A_575 = arith.addf %add3A_566, %get3A_574 : vector<16xf32>
          %mul3A_576 = arith.constant 4 : i32
          %mul3A_577 = arith.muli %mul3A_576, %scan3A_253 : i32
          %add3A_578 = arith.constant 3 : i32
          %add3A_579 = arith.addi %mul3A_577, %add3A_578 : i32
          %get3A_580 = arith.index_cast %add3A_579 : i32 to index
          %get3A_581 = arith.constant 96 : index
          %get3A_582 = tpu.vector_load %arg14[%get3A_580, %get3A_581] {strides = array<i32>} : memref<128x256xf32, #tpu.memory_space<vmem>>, vector<1x16xf32>,
          %get3A_583 = vector.shape_cast %get3A_582 : vector<1x16xf32> to vector<16xf32>
          %add3A_584 = arith.addf %add3A_575, %get3A_583 : vector<16xf32>
          %get3A_585 = arith.index_cast %scan3A_253 : i32 to index
          %get3A_586 = arith.constant 96 : index
          %get3A_587 = tpu.vector_load %arg16[%get3A_585, %get3A_586] {strides = array<i32>} : memref<64x256xf32, #tpu.memory_space<vmem>>, vector<1x16xf32>,
          %get3A_588 = vector.shape_cast %get3A_587 : vector<1x16xf32> to vector<16xf32>
          %add3A_589 = arith.addf %add3A_584, %get3A_588 : vector<16xf32>
          %add3A_590 = arith.constant 32 : i32
          %add3A_591 = arith.addi %add3A_590, %scan3A_253 : i32
          %get3A_592 = arith.index_cast %add3A_591 : i32 to index
          %get3A_593 = arith.constant 96 : index
          %get3A_594 = tpu.vector_load %arg16[%get3A_592, %get3A_593] {strides = array<i32>} : memref<64x256xf32, #tpu.memory_space<vmem>>, vector<1x16xf32>,
          %get3A_595 = vector.shape_cast %get3A_594 : vector<1x16xf32> to vector<16xf32>
          %add3A_596 = arith.addf %add3A_589, %get3A_595 : vector<16xf32>
          %swap3A_597 = arith.index_cast %scan3A_253 : i32 to index
          %swap3A_598 = arith.constant 96 : index
          %swap3A_599 = tpu.vector_load %arg18[%swap3A_597, %swap3A_598] {strides = array<i32>} : memref<32x256xf32, #tpu.memory_space<vmem>>, vector<1x16xf32>,
          %swap3A_600 = vector.shape_cast %swap3A_599 : vector<1x16xf32> to vector<16xf32>
          %swap3A_601 = vector.shape_cast %add3A_596 : vector<16xf32> to vector<1x16xf32>
          tpu.vector_store %arg18[%swap3A_597, %swap3A_598], %swap3A_601 {strides = array<i32>} : memref<32x256xf32, #tpu.memory_space<vmem>>, vector<1x16xf32>,
          %mul3A_602 = arith.constant 4 : i32
          %mul3A_603 = arith.muli %mul3A_602, %scan3A_253 : i32
          %get3A_604 = arith.index_cast %mul3A_603 : i32 to index
          %get3A_605 = arith.constant 112 : index
          %get3A_606 = tpu.vector_load %arg14[%get3A_604, %get3A_605] {strides = array<i32>} : memref<128x256xf32, #tpu.memory_space<vmem>>, vector<1x16xf32>,
          %get3A_607 = vector.shape_cast %get3A_606 : vector<1x16xf32> to vector<16xf32>
          %mul3A_608 = arith.constant 4 : i32
          %mul3A_609 = arith.muli %mul3A_608, %scan3A_253 : i32
          %add3A_610 = arith.constant 1 : i32
          %add3A_611 = arith.addi %mul3A_609, %add3A_610 : i32
          %get3A_612 = arith.index_cast %add3A_611 : i32 to index
          %get3A_613 = arith.constant 112 : index
          %get3A_614 = tpu.vector_load %arg14[%get3A_612, %get3A_613] {strides = array<i32>} : memref<128x256xf32, #tpu.memory_space<vmem>>, vector<1x16xf32>,
          %get3A_615 = vector.shape_cast %get3A_614 : vector<1x16xf32> to vector<16xf32>
          %add3A_616 = arith.addf %get3A_607, %get3A_615 : vector<16xf32>
          %mul3A_617 = arith.constant 4 : i32
          %mul3A_618 = arith.muli %mul3A_617, %scan3A_253 : i32
          %add3A_619 = arith.constant 2 : i32
          %add3A_620 = arith.addi %mul3A_618, %add3A_619 : i32
          %get3A_621 = arith.index_cast %add3A_620 : i32 to index
          %get3A_622 = arith.constant 112 : index
          %get3A_623 = tpu.vector_load %arg14[%get3A_621, %get3A_622] {strides = array<i32>} : memref<128x256xf32, #tpu.memory_space<vmem>>, vector<1x16xf32>,
          %get3A_624 = vector.shape_cast %get3A_623 : vector<1x16xf32> to vector<16xf32>
          %add3A_625 = arith.addf %add3A_616, %get3A_624 : vector<16xf32>
          %mul3A_626 = arith.constant 4 : i32
          %mul3A_627 = arith.muli %mul3A_626, %scan3A_253 : i32
          %add3A_628 = arith.constant 3 : i32
          %add3A_629 = arith.addi %mul3A_627, %add3A_628 : i32
          %get3A_630 = arith.index_cast %add3A_629 : i32 to index
          %get3A_631 = arith.constant 112 : index
          %get3A_632 = tpu.vector_load %arg14[%get3A_630, %get3A_631] {strides = array<i32>} : memref<128x256xf32, #tpu.memory_space<vmem>>, vector<1x16xf32>,
          %get3A_633 = vector.shape_cast %get3A_632 : vector<1x16xf32> to vector<16xf32>
          %add3A_634 = arith.addf %add3A_625, %get3A_633 : vector<16xf32>
          %get3A_635 = arith.index_cast %scan3A_253 : i32 to index
          %get3A_636 = arith.constant 112 : index
          %get3A_637 = tpu.vector_load %arg16[%get3A_635, %get3A_636] {strides = array<i32>} : memref<64x256xf32, #tpu.memory_space<vmem>>, vector<1x16xf32>,
          %get3A_638 = vector.shape_cast %get3A_637 : vector<1x16xf32> to vector<16xf32>
          %add3A_639 = arith.addf %add3A_634, %get3A_638 : vector<16xf32>
          %add3A_640 = arith.constant 32 : i32
          %add3A_641 = arith.addi %add3A_640, %scan3A_253 : i32
          %get3A_642 = arith.index_cast %add3A_641 : i32 to index
          %get3A_643 = arith.constant 112 : index
          %get3A_644 = tpu.vector_load %arg16[%get3A_642, %get3A_643] {strides = array<i32>} : memref<64x256xf32, #tpu.memory_space<vmem>>, vector<1x16xf32>,
          %get3A_645 = vector.shape_cast %get3A_644 : vector<1x16xf32> to vector<16xf32>
          %add3A_646 = arith.addf %add3A_639, %get3A_645 : vector<16xf32>
          %swap3A_647 = arith.index_cast %scan3A_253 : i32 to index
          %swap3A_648 = arith.constant 112 : index
          %swap3A_649 = tpu.vector_load %arg18[%swap3A_647, %swap3A_648] {strides = array<i32>} : memref<32x256xf32, #tpu.memory_space<vmem>>, vector<1x16xf32>,
          %swap3A_650 = vector.shape_cast %swap3A_649 : vector<1x16xf32> to vector<16xf32>
          %swap3A_651 = vector.shape_cast %add3A_646 : vector<16xf32> to vector<1x16xf32>
          tpu.vector_store %arg18[%swap3A_647, %swap3A_648], %swap3A_651 {strides = array<i32>} : memref<32x256xf32, #tpu.memory_space<vmem>>, vector<1x16xf32>,
          %mul3A_652 = arith.constant 4 : i32
          %mul3A_653 = arith.muli %mul3A_652, %scan3A_253 : i32
          %get3A_654 = arith.index_cast %mul3A_653 : i32 to index
          %get3A_655 = arith.constant 128 : index
          %get3A_656 = tpu.vector_load %arg14[%get3A_654, %get3A_655] {strides = array<i32>} : memref<128x256xf32, #tpu.memory_space<vmem>>, vector<1x16xf32>,
          %get3A_657 = vector.shape_cast %get3A_656 : vector<1x16xf32> to vector<16xf32>
          %mul3A_658 = arith.constant 4 : i32
          %mul3A_659 = arith.muli %mul3A_658, %scan3A_253 : i32
          %add3A_660 = arith.constant 1 : i32
          %add3A_661 = arith.addi %mul3A_659, %add3A_660 : i32
          %get3A_662 = arith.index_cast %add3A_661 : i32 to index
          %get3A_663 = arith.constant 128 : index
          %get3A_664 = tpu.vector_load %arg14[%get3A_662, %get3A_663] {strides = array<i32>} : memref<128x256xf32, #tpu.memory_space<vmem>>, vector<1x16xf32>,
          %get3A_665 = vector.shape_cast %get3A_664 : vector<1x16xf32> to vector<16xf32>
          %add3A_666 = arith.addf %get3A_657, %get3A_665 : vector<16xf32>
          %mul3A_667 = arith.constant 4 : i32
          %mul3A_668 = arith.muli %mul3A_667, %scan3A_253 : i32
          %add3A_669 = arith.constant 2 : i32
          %add3A_670 = arith.addi %mul3A_668, %add3A_669 : i32
          %get3A_671 = arith.index_cast %add3A_670 : i32 to index
          %get3A_672 = arith.constant 128 : index
          %get3A_673 = tpu.vector_load %arg14[%get3A_671, %get3A_672] {strides = array<i32>} : memref<128x256xf32, #tpu.memory_space<vmem>>, vector<1x16xf32>,
          %get3A_674 = vector.shape_cast %get3A_673 : vector<1x16xf32> to vector<16xf32>
          %add3A_675 = arith.addf %add3A_666, %get3A_674 : vector<16xf32>
          %mul3A_676 = arith.constant 4 : i32
          %mul3A_677 = arith.muli %mul3A_676, %scan3A_253 : i32
          %add3A_678 = arith.constant 3 : i32
          %add3A_679 = arith.addi %mul3A_677, %add3A_678 : i32
          %get3A_680 = arith.index_cast %add3A_679 : i32 to index
          %get3A_681 = arith.constant 128 : index
          %get3A_682 = tpu.vector_load %arg14[%get3A_680, %get3A_681] {strides = array<i32>} : memref<128x256xf32, #tpu.memory_space<vmem>>, vector<1x16xf32>,
          %get3A_683 = vector.shape_cast %get3A_682 : vector<1x16xf32> to vector<16xf32>
          %add3A_684 = arith.addf %add3A_675, %get3A_683 : vector<16xf32>
          %get3A_685 = arith.index_cast %scan3A_253 : i32 to index
          %get3A_686 = arith.constant 128 : index
          %get3A_687 = tpu.vector_load %arg16[%get3A_685, %get3A_686] {strides = array<i32>} : memref<64x256xf32, #tpu.memory_space<vmem>>, vector<1x16xf32>,
          %get3A_688 = vector.shape_cast %get3A_687 : vector<1x16xf32> to vector<16xf32>
          %add3A_689 = arith.addf %add3A_684, %get3A_688 : vector<16xf32>
          %add3A_690 = arith.constant 32 : i32
          %add3A_691 = arith.addi %add3A_690, %scan3A_253 : i32
          %get3A_692 = arith.index_cast %add3A_691 : i32 to index
          %get3A_693 = arith.constant 128 : index
          %get3A_694 = tpu.vector_load %arg16[%get3A_692, %get3A_693] {strides = array<i32>} : memref<64x256xf32, #tpu.memory_space<vmem>>, vector<1x16xf32>,
          %get3A_695 = vector.shape_cast %get3A_694 : vector<1x16xf32> to vector<16xf32>
          %add3A_696 = arith.addf %add3A_689, %get3A_695 : vector<16xf32>
          %swap3A_697 = arith.index_cast %scan3A_253 : i32 to index
          %swap3A_698 = arith.constant 128 : index
          %swap3A_699 = tpu.vector_load %arg18[%swap3A_697, %swap3A_698] {strides = array<i32>} : memref<32x256xf32, #tpu.memory_space<vmem>>, vector<1x16xf32>,
          %swap3A_700 = vector.shape_cast %swap3A_699 : vector<1x16xf32> to vector<16xf32>
          %swap3A_701 = vector.shape_cast %add3A_696 : vector<16xf32> to vector<1x16xf32>
          tpu.vector_store %arg18[%swap3A_697, %swap3A_698], %swap3A_701 {strides = array<i32>} : memref<32x256xf32, #tpu.memory_space<vmem>>, vector<1x16xf32>,
          %mul3A_702 = arith.constant 4 : i32
          %mul3A_703 = arith.muli %mul3A_702, %scan3A_253 : i32
          %get3A_704 = arith.index_cast %mul3A_703 : i32 to index
          %get3A_705 = arith.constant 144 : index
          %get3A_706 = tpu.vector_load %arg14[%get3A_704, %get3A_705] {strides = array<i32>} : memref<128x256xf32, #tpu.memory_space<vmem>>, vector<1x16xf32>,
          %get3A_707 = vector.shape_cast %get3A_706 : vector<1x16xf32> to vector<16xf32>
          %mul3A_708 = arith.constant 4 : i32
          %mul3A_709 = arith.muli %mul3A_708, %scan3A_253 : i32
          %add3A_710 = arith.constant 1 : i32
          %add3A_711 = arith.addi %mul3A_709, %add3A_710 : i32
          %get3A_712 = arith.index_cast %add3A_711 : i32 to index
          %get3A_713 = arith.constant 144 : index
          %get3A_714 = tpu.vector_load %arg14[%get3A_712, %get3A_713] {strides = array<i32>} : memref<128x256xf32, #tpu.memory_space<vmem>>, vector<1x16xf32>,
          %get3A_715 = vector.shape_cast %get3A_714 : vector<1x16xf32> to vector<16xf32>
          %add3A_716 = arith.addf %get3A_707, %get3A_715 : vector<16xf32>
          %mul3A_717 = arith.constant 4 : i32
          %mul3A_718 = arith.muli %mul3A_717, %scan3A_253 : i32
          %add3A_719 = arith.constant 2 : i32
          %add3A_720 = arith.addi %mul3A_718, %add3A_719 : i32
          %get3A_721 = arith.index_cast %add3A_720 : i32 to index
          %get3A_722 = arith.constant 144 : index
          %get3A_723 = tpu.vector_load %arg14[%get3A_721, %get3A_722] {strides = array<i32>} : memref<128x256xf32, #tpu.memory_space<vmem>>, vector<1x16xf32>,
          %get3A_724 = vector.shape_cast %get3A_723 : vector<1x16xf32> to vector<16xf32>
          %add3A_725 = arith.addf %add3A_716, %get3A_724 : vector<16xf32>
          %mul3A_726 = arith.constant 4 : i32
          %mul3A_727 = arith.muli %mul3A_726, %scan3A_253 : i32
          %add3A_728 = arith.constant 3 : i32
          %add3A_729 = arith.addi %mul3A_727, %add3A_728 : i32
          %get3A_730 = arith.index_cast %add3A_729 : i32 to index
          %get3A_731 = arith.constant 144 : index
          %get3A_732 = tpu.vector_load %arg14[%get3A_730, %get3A_731] {strides = array<i32>} : memref<128x256xf32, #tpu.memory_space<vmem>>, vector<1x16xf32>,
          %get3A_733 = vector.shape_cast %get3A_732 : vector<1x16xf32> to vector<16xf32>
          %add3A_734 = arith.addf %add3A_725, %get3A_733 : vector<16xf32>
          %get3A_735 = arith.index_cast %scan3A_253 : i32 to index
          %get3A_736 = arith.constant 144 : index
          %get3A_737 = tpu.vector_load %arg16[%get3A_735, %get3A_736] {strides = array<i32>} : memref<64x256xf32, #tpu.memory_space<vmem>>, vector<1x16xf32>,
          %get3A_738 = vector.shape_cast %get3A_737 : vector<1x16xf32> to vector<16xf32>
          %add3A_739 = arith.addf %add3A_734, %get3A_738 : vector<16xf32>
          %add3A_740 = arith.constant 32 : i32
          %add3A_741 = arith.addi %add3A_740, %scan3A_253 : i32
          %get3A_742 = arith.index_cast %add3A_741 : i32 to index
          %get3A_743 = arith.constant 144 : index
          %get3A_744 = tpu.vector_load %arg16[%get3A_742, %get3A_743] {strides = array<i32>} : memref<64x256xf32, #tpu.memory_space<vmem>>, vector<1x16xf32>,
          %get3A_745 = vector.shape_cast %get3A_744 : vector<1x16xf32> to vector<16xf32>
          %add3A_746 = arith.addf %add3A_739, %get3A_745 : vector<16xf32>
          %swap3A_747 = arith.index_cast %scan3A_253 : i32 to index
          %swap3A_748 = arith.constant 144 : index
          %swap3A_749 = tpu.vector_load %arg18[%swap3A_747, %swap3A_748] {strides = array<i32>} : memref<32x256xf32, #tpu.memory_space<vmem>>, vector<1x16xf32>,
          %swap3A_750 = vector.shape_cast %swap3A_749 : vector<1x16xf32> to vector<16xf32>
          %swap3A_751 = vector.shape_cast %add3A_746 : vector<16xf32> to vector<1x16xf32>
          tpu.vector_store %arg18[%swap3A_747, %swap3A_748], %swap3A_751 {strides = array<i32>} : memref<32x256xf32, #tpu.memory_space<vmem>>, vector<1x16xf32>,
          %mul3A_752 = arith.constant 4 : i32
          %mul3A_753 = arith.muli %mul3A_752, %scan3A_253 : i32
          %get3A_754 = arith.index_cast %mul3A_753 : i32 to index
          %get3A_755 = arith.constant 160 : index
          %get3A_756 = tpu.vector_load %arg14[%get3A_754, %get3A_755] {strides = array<i32>} : memref<128x256xf32, #tpu.memory_space<vmem>>, vector<1x16xf32>,
          %get3A_757 = vector.shape_cast %get3A_756 : vector<1x16xf32> to vector<16xf32>
          %mul3A_758 = arith.constant 4 : i32
          %mul3A_759 = arith.muli %mul3A_758, %scan3A_253 : i32
          %add3A_760 = arith.constant 1 : i32
          %add3A_761 = arith.addi %mul3A_759, %add3A_760 : i32
          %get3A_762 = arith.index_cast %add3A_761 : i32 to index
          %get3A_763 = arith.constant 160 : index
          %get3A_764 = tpu.vector_load %arg14[%get3A_762, %get3A_763] {strides = array<i32>} : memref<128x256xf32, #tpu.memory_space<vmem>>, vector<1x16xf32>,
          %get3A_765 = vector.shape_cast %get3A_764 : vector<1x16xf32> to vector<16xf32>
          %add3A_766 = arith.addf %get3A_757, %get3A_765 : vector<16xf32>
          %mul3A_767 = arith.constant 4 : i32
          %mul3A_768 = arith.muli %mul3A_767, %scan3A_253 : i32
          %add3A_769 = arith.constant 2 : i32
          %add3A_770 = arith.addi %mul3A_768, %add3A_769 : i32
          %get3A_771 = arith.index_cast %add3A_770 : i32 to index
          %get3A_772 = arith.constant 160 : index
          %get3A_773 = tpu.vector_load %arg14[%get3A_771, %get3A_772] {strides = array<i32>} : memref<128x256xf32, #tpu.memory_space<vmem>>, vector<1x16xf32>,
          %get3A_774 = vector.shape_cast %get3A_773 : vector<1x16xf32> to vector<16xf32>
          %add3A_775 = arith.addf %add3A_766, %get3A_774 : vector<16xf32>
          %mul3A_776 = arith.constant 4 : i32
          %mul3A_777 = arith.muli %mul3A_776, %scan3A_253 : i32
          %add3A_778 = arith.constant 3 : i32
          %add3A_779 = arith.addi %mul3A_777, %add3A_778 : i32
          %get3A_780 = arith.index_cast %add3A_779 : i32 to index
          %get3A_781 = arith.constant 160 : index
          %get3A_782 = tpu.vector_load %arg14[%get3A_780, %get3A_781] {strides = array<i32>} : memref<128x256xf32, #tpu.memory_space<vmem>>, vector<1x16xf32>,
          %get3A_783 = vector.shape_cast %get3A_782 : vector<1x16xf32> to vector<16xf32>
          %add3A_784 = arith.addf %add3A_775, %get3A_783 : vector<16xf32>
          %get3A_785 = arith.index_cast %scan3A_253 : i32 to index
          %get3A_786 = arith.constant 160 : index
          %get3A_787 = tpu.vector_load %arg16[%get3A_785, %get3A_786] {strides = array<i32>} : memref<64x256xf32, #tpu.memory_space<vmem>>, vector<1x16xf32>,
          %get3A_788 = vector.shape_cast %get3A_787 : vector<1x16xf32> to vector<16xf32>
          %add3A_789 = arith.addf %add3A_784, %get3A_788 : vector<16xf32>
          %add3A_790 = arith.constant 32 : i32
          %add3A_791 = arith.addi %add3A_790, %scan3A_253 : i32
          %get3A_792 = arith.index_cast %add3A_791 : i32 to index
          %get3A_793 = arith.constant 160 : index
          %get3A_794 = tpu.vector_load %arg16[%get3A_792, %get3A_793] {strides = array<i32>} : memref<64x256xf32, #tpu.memory_space<vmem>>, vector<1x16xf32>,
          %get3A_795 = vector.shape_cast %get3A_794 : vector<1x16xf32> to vector<16xf32>
          %add3A_796 = arith.addf %add3A_789, %get3A_795 : vector<16xf32>
          %swap3A_797 = arith.index_cast %scan3A_253 : i32 to index
          %swap3A_798 = arith.constant 160 : index
          %swap3A_799 = tpu.vector_load %arg18[%swap3A_797, %swap3A_798] {strides = array<i32>} : memref<32x256xf32, #tpu.memory_space<vmem>>, vector<1x16xf32>,
          %swap3A_800 = vector.shape_cast %swap3A_799 : vector<1x16xf32> to vector<16xf32>
          %swap3A_801 = vector.shape_cast %add3A_796 : vector<16xf32> to vector<1x16xf32>
          tpu.vector_store %arg18[%swap3A_797, %swap3A_798], %swap3A_801 {strides = array<i32>} : memref<32x256xf32, #tpu.memory_space<vmem>>, vector<1x16xf32>,
          %mul3A_802 = arith.constant 4 : i32
          %mul3A_803 = arith.muli %mul3A_802, %scan3A_253 : i32
          %get3A_804 = arith.index_cast %mul3A_803 : i32 to index
          %get3A_805 = arith.constant 176 : index
          %get3A_806 = tpu.vector_load %arg14[%get3A_804, %get3A_805] {strides = array<i32>} : memref<128x256xf32, #tpu.memory_space<vmem>>, vector<1x16xf32>,
          %get3A_807 = vector.shape_cast %get3A_806 : vector<1x16xf32> to vector<16xf32>
          %mul3A_808 = arith.constant 4 : i32
          %mul3A_809 = arith.muli %mul3A_808, %scan3A_253 : i32
          %add3A_810 = arith.constant 1 : i32
          %add3A_811 = arith.addi %mul3A_809, %add3A_810 : i32
          %get3A_812 = arith.index_cast %add3A_811 : i32 to index
          %get3A_813 = arith.constant 176 : index
          %get3A_814 = tpu.vector_load %arg14[%get3A_812, %get3A_813] {strides = array<i32>} : memref<128x256xf32, #tpu.memory_space<vmem>>, vector<1x16xf32>,
          %get3A_815 = vector.shape_cast %get3A_814 : vector<1x16xf32> to vector<16xf32>
          %add3A_816 = arith.addf %get3A_807, %get3A_815 : vector<16xf32>
          %mul3A_817 = arith.constant 4 : i32
          %mul3A_818 = arith.muli %mul3A_817, %scan3A_253 : i32
          %add3A_819 = arith.constant 2 : i32
          %add3A_820 = arith.addi %mul3A_818, %add3A_819 : i32
          %get3A_821 = arith.index_cast %add3A_820 : i32 to index
          %get3A_822 = arith.constant 176 : index
          %get3A_823 = tpu.vector_load %arg14[%get3A_821, %get3A_822] {strides = array<i32>} : memref<128x256xf32, #tpu.memory_space<vmem>>, vector<1x16xf32>,
          %get3A_824 = vector.shape_cast %get3A_823 : vector<1x16xf32> to vector<16xf32>
          %add3A_825 = arith.addf %add3A_816, %get3A_824 : vector<16xf32>
          %mul3A_826 = arith.constant 4 : i32
          %mul3A_827 = arith.muli %mul3A_826, %scan3A_253 : i32
          %add3A_828 = arith.constant 3 : i32
          %add3A_829 = arith.addi %mul3A_827, %add3A_828 : i32
          %get3A_830 = arith.index_cast %add3A_829 : i32 to index
          %get3A_831 = arith.constant 176 : index
          %get3A_832 = tpu.vector_load %arg14[%get3A_830, %get3A_831] {strides = array<i32>} : memref<128x256xf32, #tpu.memory_space<vmem>>, vector<1x16xf32>,
          %get3A_833 = vector.shape_cast %get3A_832 : vector<1x16xf32> to vector<16xf32>
          %add3A_834 = arith.addf %add3A_825, %get3A_833 : vector<16xf32>
          %get3A_835 = arith.index_cast %scan3A_253 : i32 to index
          %get3A_836 = arith.constant 176 : index
          %get3A_837 = tpu.vector_load %arg16[%get3A_835, %get3A_836] {strides = array<i32>} : memref<64x256xf32, #tpu.memory_space<vmem>>, vector<1x16xf32>,
          %get3A_838 = vector.shape_cast %get3A_837 : vector<1x16xf32> to vector<16xf32>
          %add3A_839 = arith.addf %add3A_834, %get3A_838 : vector<16xf32>
          %add3A_840 = arith.constant 32 : i32
          %add3A_841 = arith.addi %add3A_840, %scan3A_253 : i32
          %get3A_842 = arith.index_cast %add3A_841 : i32 to index
          %get3A_843 = arith.constant 176 : index
          %get3A_844 = tpu.vector_load %arg16[%get3A_842, %get3A_843] {strides = array<i32>} : memref<64x256xf32, #tpu.memory_space<vmem>>, vector<1x16xf32>,
          %get3A_845 = vector.shape_cast %get3A_844 : vector<1x16xf32> to vector<16xf32>
          %add3A_846 = arith.addf %add3A_839, %get3A_845 : vector<16xf32>
          %swap3A_847 = arith.index_cast %scan3A_253 : i32 to index
          %swap3A_848 = arith.constant 176 : index
          %swap3A_849 = tpu.vector_load %arg18[%swap3A_847, %swap3A_848] {strides = array<i32>} : memref<32x256xf32, #tpu.memory_space<vmem>>, vector<1x16xf32>,
          %swap3A_850 = vector.shape_cast %swap3A_849 : vector<1x16xf32> to vector<16xf32>
          %swap3A_851 = vector.shape_cast %add3A_846 : vector<16xf32> to vector<1x16xf32>
          tpu.vector_store %arg18[%swap3A_847, %swap3A_848], %swap3A_851 {strides = array<i32>} : memref<32x256xf32, #tpu.memory_space<vmem>>, vector<1x16xf32>,
          %mul3A_852 = arith.constant 4 : i32
          %mul3A_853 = arith.muli %mul3A_852, %scan3A_253 : i32
          %get3A_854 = arith.index_cast %mul3A_853 : i32 to index
          %get3A_855 = arith.constant 192 : index
          %get3A_856 = tpu.vector_load %arg14[%get3A_854, %get3A_855] {strides = array<i32>} : memref<128x256xf32, #tpu.memory_space<vmem>>, vector<1x16xf32>,
          %get3A_857 = vector.shape_cast %get3A_856 : vector<1x16xf32> to vector<16xf32>
          %mul3A_858 = arith.constant 4 : i32
          %mul3A_859 = arith.muli %mul3A_858, %scan3A_253 : i32
          %add3A_860 = arith.constant 1 : i32
          %add3A_861 = arith.addi %mul3A_859, %add3A_860 : i32
          %get3A_862 = arith.index_cast %add3A_861 : i32 to index
          %get3A_863 = arith.constant 192 : index
          %get3A_864 = tpu.vector_load %arg14[%get3A_862, %get3A_863] {strides = array<i32>} : memref<128x256xf32, #tpu.memory_space<vmem>>, vector<1x16xf32>,
          %get3A_865 = vector.shape_cast %get3A_864 : vector<1x16xf32> to vector<16xf32>
          %add3A_866 = arith.addf %get3A_857, %get3A_865 : vector<16xf32>
          %mul3A_867 = arith.constant 4 : i32
          %mul3A_868 = arith.muli %mul3A_867, %scan3A_253 : i32
          %add3A_869 = arith.constant 2 : i32
          %add3A_870 = arith.addi %mul3A_868, %add3A_869 : i32
          %get3A_871 = arith.index_cast %add3A_870 : i32 to index
          %get3A_872 = arith.constant 192 : index
          %get3A_873 = tpu.vector_load %arg14[%get3A_871, %get3A_872] {strides = array<i32>} : memref<128x256xf32, #tpu.memory_space<vmem>>, vector<1x16xf32>,
          %get3A_874 = vector.shape_cast %get3A_873 : vector<1x16xf32> to vector<16xf32>
          %add3A_875 = arith.addf %add3A_866, %get3A_874 : vector<16xf32>
          %mul3A_876 = arith.constant 4 : i32
          %mul3A_877 = arith.muli %mul3A_876, %scan3A_253 : i32
          %add3A_878 = arith.constant 3 : i32
          %add3A_879 = arith.addi %mul3A_877, %add3A_878 : i32
          %get3A_880 = arith.index_cast %add3A_879 : i32 to index
          %get3A_881 = arith.constant 192 : index
          %get3A_882 = tpu.vector_load %arg14[%get3A_880, %get3A_881] {strides = array<i32>} : memref<128x256xf32, #tpu.memory_space<vmem>>, vector<1x16xf32>,
          %get3A_883 = vector.shape_cast %get3A_882 : vector<1x16xf32> to vector<16xf32>
          %add3A_884 = arith.addf %add3A_875, %get3A_883 : vector<16xf32>
          %get3A_885 = arith.index_cast %scan3A_253 : i32 to index
          %get3A_886 = arith.constant 192 : index
          %get3A_887 = tpu.vector_load %arg16[%get3A_885, %get3A_886] {strides = array<i32>} : memref<64x256xf32, #tpu.memory_space<vmem>>, vector<1x16xf32>,
          %get3A_888 = vector.shape_cast %get3A_887 : vector<1x16xf32> to vector<16xf32>
          %add3A_889 = arith.addf %add3A_884, %get3A_888 : vector<16xf32>
          %add3A_890 = arith.constant 32 : i32
          %add3A_891 = arith.addi %add3A_890, %scan3A_253 : i32
          %get3A_892 = arith.index_cast %add3A_891 : i32 to index
          %get3A_893 = arith.constant 192 : index
          %get3A_894 = tpu.vector_load %arg16[%get3A_892, %get3A_893] {strides = array<i32>} : memref<64x256xf32, #tpu.memory_space<vmem>>, vector<1x16xf32>,
          %get3A_895 = vector.shape_cast %get3A_894 : vector<1x16xf32> to vector<16xf32>
          %add3A_896 = arith.addf %add3A_889, %get3A_895 : vector<16xf32>
          %swap3A_897 = arith.index_cast %scan3A_253 : i32 to index
          %swap3A_898 = arith.constant 192 : index
          %swap3A_899 = tpu.vector_load %arg18[%swap3A_897, %swap3A_898] {strides = array<i32>} : memref<32x256xf32, #tpu.memory_space<vmem>>, vector<1x16xf32>,
          %swap3A_900 = vector.shape_cast %swap3A_899 : vector<1x16xf32> to vector<16xf32>
          %swap3A_901 = vector.shape_cast %add3A_896 : vector<16xf32> to vector<1x16xf32>
          tpu.vector_store %arg18[%swap3A_897, %swap3A_898], %swap3A_901 {strides = array<i32>} : memref<32x256xf32, #tpu.memory_space<vmem>>, vector<1x16xf32>,
          %mul3A_902 = arith.constant 4 : i32
          %mul3A_903 = arith.muli %mul3A_902, %scan3A_253 : i32
          %get3A_904 = arith.index_cast %mul3A_903 : i32 to index
          %get3A_905 = arith.constant 208 : index
          %get3A_906 = tpu.vector_load %arg14[%get3A_904, %get3A_905] {strides = array<i32>} : memref<128x256xf32, #tpu.memory_space<vmem>>, vector<1x16xf32>,
          %get3A_907 = vector.shape_cast %get3A_906 : vector<1x16xf32> to vector<16xf32>
          %mul3A_908 = arith.constant 4 : i32
          %mul3A_909 = arith.muli %mul3A_908, %scan3A_253 : i32
          %add3A_910 = arith.constant 1 : i32
          %add3A_911 = arith.addi %mul3A_909, %add3A_910 : i32
          %get3A_912 = arith.index_cast %add3A_911 : i32 to index
          %get3A_913 = arith.constant 208 : index
          %get3A_914 = tpu.vector_load %arg14[%get3A_912, %get3A_913] {strides = array<i32>} : memref<128x256xf32, #tpu.memory_space<vmem>>, vector<1x16xf32>,
          %get3A_915 = vector.shape_cast %get3A_914 : vector<1x16xf32> to vector<16xf32>
          %add3A_916 = arith.addf %get3A_907, %get3A_915 : vector<16xf32>
          %mul3A_917 = arith.constant 4 : i32
          %mul3A_918 = arith.muli %mul3A_917, %scan3A_253 : i32
          %add3A_919 = arith.constant 2 : i32
          %add3A_920 = arith.addi %mul3A_918, %add3A_919 : i32
          %get3A_921 = arith.index_cast %add3A_920 : i32 to index
          %get3A_922 = arith.constant 208 : index
          %get3A_923 = tpu.vector_load %arg14[%get3A_921, %get3A_922] {strides = array<i32>} : memref<128x256xf32, #tpu.memory_space<vmem>>, vector<1x16xf32>,
          %get3A_924 = vector.shape_cast %get3A_923 : vector<1x16xf32> to vector<16xf32>
          %add3A_925 = arith.addf %add3A_916, %get3A_924 : vector<16xf32>
          %mul3A_926 = arith.constant 4 : i32
          %mul3A_927 = arith.muli %mul3A_926, %scan3A_253 : i32
          %add3A_928 = arith.constant 3 : i32
          %add3A_929 = arith.addi %mul3A_927, %add3A_928 : i32
          %get3A_930 = arith.index_cast %add3A_929 : i32 to index
          %get3A_931 = arith.constant 208 : index
          %get3A_932 = tpu.vector_load %arg14[%get3A_930, %get3A_931] {strides = array<i32>} : memref<128x256xf32, #tpu.memory_space<vmem>>, vector<1x16xf32>,
          %get3A_933 = vector.shape_cast %get3A_932 : vector<1x16xf32> to vector<16xf32>
          %add3A_934 = arith.addf %add3A_925, %get3A_933 : vector<16xf32>
          %get3A_935 = arith.index_cast %scan3A_253 : i32 to index
          %get3A_936 = arith.constant 208 : index
          %get3A_937 = tpu.vector_load %arg16[%get3A_935, %get3A_936] {strides = array<i32>} : memref<64x256xf32, #tpu.memory_space<vmem>>, vector<1x16xf32>,
          %get3A_938 = vector.shape_cast %get3A_937 : vector<1x16xf32> to vector<16xf32>
          %add3A_939 = arith.addf %add3A_934, %get3A_938 : vector<16xf32>
          %add3A_940 = arith.constant 32 : i32
          %add3A_941 = arith.addi %add3A_940, %scan3A_253 : i32
          %get3A_942 = arith.index_cast %add3A_941 : i32 to index
          %get3A_943 = arith.constant 208 : index
          %get3A_944 = tpu.vector_load %arg16[%get3A_942, %get3A_943] {strides = array<i32>} : memref<64x256xf32, #tpu.memory_space<vmem>>, vector<1x16xf32>,
          %get3A_945 = vector.shape_cast %get3A_944 : vector<1x16xf32> to vector<16xf32>
          %add3A_946 = arith.addf %add3A_939, %get3A_945 : vector<16xf32>
          %swap3A_947 = arith.index_cast %scan3A_253 : i32 to index
          %swap3A_948 = arith.constant 208 : index
          %swap3A_949 = tpu.vector_load %arg18[%swap3A_947, %swap3A_948] {strides = array<i32>} : memref<32x256xf32, #tpu.memory_space<vmem>>, vector<1x16xf32>,
          %swap3A_950 = vector.shape_cast %swap3A_949 : vector<1x16xf32> to vector<16xf32>
          %swap3A_951 = vector.shape_cast %add3A_946 : vector<16xf32> to vector<1x16xf32>
          tpu.vector_store %arg18[%swap3A_947, %swap3A_948], %swap3A_951 {strides = array<i32>} : memref<32x256xf32, #tpu.memory_space<vmem>>, vector<1x16xf32>,
          %mul3A_952 = arith.constant 4 : i32
          %mul3A_953 = arith.muli %mul3A_952, %scan3A_253 : i32
          %get3A_954 = arith.index_cast %mul3A_953 : i32 to index
          %get3A_955 = arith.constant 224 : index
          %get3A_956 = tpu.vector_load %arg14[%get3A_954, %get3A_955] {strides = array<i32>} : memref<128x256xf32, #tpu.memory_space<vmem>>, vector<1x16xf32>,
          %get3A_957 = vector.shape_cast %get3A_956 : vector<1x16xf32> to vector<16xf32>
          %mul3A_958 = arith.constant 4 : i32
          %mul3A_959 = arith.muli %mul3A_958, %scan3A_253 : i32
          %add3A_960 = arith.constant 1 : i32
          %add3A_961 = arith.addi %mul3A_959, %add3A_960 : i32
          %get3A_962 = arith.index_cast %add3A_961 : i32 to index
          %get3A_963 = arith.constant 224 : index
          %get3A_964 = tpu.vector_load %arg14[%get3A_962, %get3A_963] {strides = array<i32>} : memref<128x256xf32, #tpu.memory_space<vmem>>, vector<1x16xf32>,
          %get3A_965 = vector.shape_cast %get3A_964 : vector<1x16xf32> to vector<16xf32>
          %add3A_966 = arith.addf %get3A_957, %get3A_965 : vector<16xf32>
          %mul3A_967 = arith.constant 4 : i32
          %mul3A_968 = arith.muli %mul3A_967, %scan3A_253 : i32
          %add3A_969 = arith.constant 2 : i32
          %add3A_970 = arith.addi %mul3A_968, %add3A_969 : i32
          %get3A_971 = arith.index_cast %add3A_970 : i32 to index
          %get3A_972 = arith.constant 224 : index
          %get3A_973 = tpu.vector_load %arg14[%get3A_971, %get3A_972] {strides = array<i32>} : memref<128x256xf32, #tpu.memory_space<vmem>>, vector<1x16xf32>,
          %get3A_974 = vector.shape_cast %get3A_973 : vector<1x16xf32> to vector<16xf32>
          %add3A_975 = arith.addf %add3A_966, %get3A_974 : vector<16xf32>
          %mul3A_976 = arith.constant 4 : i32
          %mul3A_977 = arith.muli %mul3A_976, %scan3A_253 : i32
          %add3A_978 = arith.constant 3 : i32
          %add3A_979 = arith.addi %mul3A_977, %add3A_978 : i32
          %get3A_980 = arith.index_cast %add3A_979 : i32 to index
          %get3A_981 = arith.constant 224 : index
          %get3A_982 = tpu.vector_load %arg14[%get3A_980, %get3A_981] {strides = array<i32>} : memref<128x256xf32, #tpu.memory_space<vmem>>, vector<1x16xf32>,
          %get3A_983 = vector.shape_cast %get3A_982 : vector<1x16xf32> to vector<16xf32>
          %add3A_984 = arith.addf %add3A_975, %get3A_983 : vector<16xf32>
          %get3A_985 = arith.index_cast %scan3A_253 : i32 to index
          %get3A_986 = arith.constant 224 : index
          %get3A_987 = tpu.vector_load %arg16[%get3A_985, %get3A_986] {strides = array<i32>} : memref<64x256xf32, #tpu.memory_space<vmem>>, vector<1x16xf32>,
          %get3A_988 = vector.shape_cast %get3A_987 : vector<1x16xf32> to vector<16xf32>
          %add3A_989 = arith.addf %add3A_984, %get3A_988 : vector<16xf32>
          %add3A_990 = arith.constant 32 : i32
          %add3A_991 = arith.addi %add3A_990, %scan3A_253 : i32
          %get3A_992 = arith.index_cast %add3A_991 : i32 to index
          %get3A_993 = arith.constant 224 : index
          %get3A_994 = tpu.vector_load %arg16[%get3A_992, %get3A_993] {strides = array<i32>} : memref<64x256xf32, #tpu.memory_space<vmem>>, vector<1x16xf32>,
          %get3A_995 = vector.shape_cast %get3A_994 : vector<1x16xf32> to vector<16xf32>
          %add3A_996 = arith.addf %add3A_989, %get3A_995 : vector<16xf32>
          %swap3A_997 = arith.index_cast %scan3A_253 : i32 to index
          %swap3A_998 = arith.constant 224 : index
          %swap3A_999 = tpu.vector_load %arg18[%swap3A_997, %swap3A_998] {strides = array<i32>} : memref<32x256xf32, #tpu.memory_space<vmem>>, vector<1x16xf32>,
          %swap3A_1000 = vector.shape_cast %swap3A_999 : vector<1x16xf32> to vector<16xf32>
          %swap3A_1001 = vector.shape_cast %add3A_996 : vector<16xf32> to vector<1x16xf32>
          tpu.vector_store %arg18[%swap3A_997, %swap3A_998], %swap3A_1001 {strides = array<i32>} : memref<32x256xf32, #tpu.memory_space<vmem>>, vector<1x16xf32>,
          %mul3A_1002 = arith.constant 4 : i32
          %mul3A_1003 = arith.muli %mul3A_1002, %scan3A_253 : i32
          %get3A_1004 = arith.index_cast %mul3A_1003 : i32 to index
          %get3A_1005 = arith.constant 240 : index
          %get3A_1006 = tpu.vector_load %arg14[%get3A_1004, %get3A_1005] {strides = array<i32>} : memref<128x256xf32, #tpu.memory_space<vmem>>, vector<1x16xf32>,
          %get3A_1007 = vector.shape_cast %get3A_1006 : vector<1x16xf32> to vector<16xf32>
          %mul3A_1008 = arith.constant 4 : i32
          %mul3A_1009 = arith.muli %mul3A_1008, %scan3A_253 : i32
          %add3A_1010 = arith.constant 1 : i32
          %add3A_1011 = arith.addi %mul3A_1009, %add3A_1010 : i32
          %get3A_1012 = arith.index_cast %add3A_1011 : i32 to index
          %get3A_1013 = arith.constant 240 : index
          %get3A_1014 = tpu.vector_load %arg14[%get3A_1012, %get3A_1013] {strides = array<i32>} : memref<128x256xf32, #tpu.memory_space<vmem>>, vector<1x16xf32>,
          %get3A_1015 = vector.shape_cast %get3A_1014 : vector<1x16xf32> to vector<16xf32>
          %add3A_1016 = arith.addf %get3A_1007, %get3A_1015 : vector<16xf32>
          %mul3A_1017 = arith.constant 4 : i32
          %mul3A_1018 = arith.muli %mul3A_1017, %scan3A_253 : i32
          %add3A_1019 = arith.constant 2 : i32
          %add3A_1020 = arith.addi %mul3A_1018, %add3A_1019 : i32
          %get3A_1021 = arith.index_cast %add3A_1020 : i32 to index
          %get3A_1022 = arith.constant 240 : index
          %get3A_1023 = tpu.vector_load %arg14[%get3A_1021, %get3A_1022] {strides = array<i32>} : memref<128x256xf32, #tpu.memory_space<vmem>>, vector<1x16xf32>,
          %get3A_1024 = vector.shape_cast %get3A_1023 : vector<1x16xf32> to vector<16xf32>
          %add3A_1025 = arith.addf %add3A_1016, %get3A_1024 : vector<16xf32>
          %mul3A_1026 = arith.constant 4 : i32
          %mul3A_1027 = arith.muli %mul3A_1026, %scan3A_253 : i32
          %add3A_1028 = arith.constant 3 : i32
          %add3A_1029 = arith.addi %mul3A_1027, %add3A_1028 : i32
          %get3A_1030 = arith.index_cast %add3A_1029 : i32 to index
          %get3A_1031 = arith.constant 240 : index
          %get3A_1032 = tpu.vector_load %arg14[%get3A_1030, %get3A_1031] {strides = array<i32>} : memref<128x256xf32, #tpu.memory_space<vmem>>, vector<1x16xf32>,
          %get3A_1033 = vector.shape_cast %get3A_1032 : vector<1x16xf32> to vector<16xf32>
          %add3A_1034 = arith.addf %add3A_1025, %get3A_1033 : vector<16xf32>
          %get3A_1035 = arith.index_cast %scan3A_253 : i32 to index
          %get3A_1036 = arith.constant 240 : index
          %get3A_1037 = tpu.vector_load %arg16[%get3A_1035, %get3A_1036] {strides = array<i32>} : memref<64x256xf32, #tpu.memory_space<vmem>>, vector<1x16xf32>,
          %get3A_1038 = vector.shape_cast %get3A_1037 : vector<1x16xf32> to vector<16xf32>
          %add3A_1039 = arith.addf %add3A_1034, %get3A_1038 : vector<16xf32>
          %add3A_1040 = arith.constant 32 : i32
          %add3A_1041 = arith.addi %add3A_1040, %scan3A_253 : i32
          %get3A_1042 = arith.index_cast %add3A_1041 : i32 to index
          %get3A_1043 = arith.constant 240 : index
          %get3A_1044 = tpu.vector_load %arg16[%get3A_1042, %get3A_1043] {strides = array<i32>} : memref<64x256xf32, #tpu.memory_space<vmem>>, vector<1x16xf32>,
          %get3A_1045 = vector.shape_cast %get3A_1044 : vector<1x16xf32> to vector<16xf32>
          %add3A_1046 = arith.addf %add3A_1039, %get3A_1045 : vector<16xf32>
          %swap3A_1047 = arith.index_cast %scan3A_253 : i32 to index
          %swap3A_1048 = arith.constant 240 : index
          %swap3A_1049 = tpu.vector_load %arg18[%swap3A_1047, %swap3A_1048] {strides = array<i32>} : memref<32x256xf32, #tpu.memory_space<vmem>>, vector<1x16xf32>,
          %swap3A_1050 = vector.shape_cast %swap3A_1049 : vector<1x16xf32> to vector<16xf32>
          %swap3A_1051 = vector.shape_cast %add3A_1046 : vector<16xf32> to vector<1x16xf32>
          tpu.vector_store %arg18[%swap3A_1047, %swap3A_1048], %swap3A_1051 {strides = array<i32>} : memref<32x256xf32, #tpu.memory_space<vmem>>, vector<1x16xf32>,
        }
        %scan3A_252 = arith.constant 32 : i32
      } else {
      }
      %lt3A_233 = arith.constant 8 : i32
      %lt3A_234 = arith.cmpi slt, %add3A_207, %lt3A_233 : i32
      %mul3A_235 = arith.constant 32 : i32
      %mul3A_236 = arith.muli %add3A_207, %mul3A_235 : i32
      %add3A_237 = arith.addi %add3A_45, %mul3A_236 : i32
      %sub3A_238 = arith.constant 8 : i32
      %sub3A_239 = arith.subi %add3A_207, %sub3A_238 : i32
      %mul3A_240 = arith.constant 32 : i32
      %mul3A_241 = arith.muli %sub3A_239, %mul3A_240 : i32
      %add3A_242 = arith.addi %add3A_52, %mul3A_241 : i32
      %select_n3A_243 = arith.select %lt3A_234, %add3A_237, %add3A_242 : i32
      %dma_start3A_244 = arith.constant 0 : i32
      %dma_start3A_245 = tpu.memref_slice %arg8[%select_n3A_243, %dma_start3A_244] : memref<32768x256xf32, #tpu.memory_space<hbm>> -> memref<32x256xf32, #tpu.memory_space<hbm>>
      %dma_start3A_246 = arith.constant 0 : i32
      %dma_start3A_247 = tpu.memref_slice %arg8[%select_n3A_243, %dma_start3A_246] : memref<32768x256xf32, #tpu.memory_space<hbm>> -> memref<32x256xf32, #tpu.memory_space<hbm>>
      tpu.enqueue_dma source(%arg18 : memref<32x256xf32, #tpu.memory_space<vmem>>) target(%dma_start3A_247 : memref<32x256xf32, #tpu.memory_space<hbm>>) target_semaphore(%arg27 : memref<!tpu.dma_semaphore, #tpu.memory_space<semaphore_mem>>)
    }
    %scan3A_125 = arith.constant 16 : i32
    %add3A_126 = arith.constant 960 : i32
    %add3A_127 = arith.addi %add3A_45, %add3A_126 : i32
    %add3A_128 = arith.constant 704 : i32
    %add3A_129 = arith.addi %add3A_52, %add3A_128 : i32
    %jit3A_130 = arith.constant false
    %select_n3A_131 = arith.select %jit3A_130, %add3A_127, %add3A_129 : i32
    %dma_wait3A_132 = arith.constant 0 : i32
    %dma_wait3A_133 = tpu.memref_slice %arg8[%select_n3A_131, %dma_wait3A_132] : memref<32768x256xf32, #tpu.memory_space<hbm>> -> memref<32x256xf32, #tpu.memory_space<hbm>>
    %dma_wait3A_134 = arith.constant 0 : i32
    %dma_wait3A_135 = tpu.memref_slice %arg8[%select_n3A_131, %dma_wait3A_134] : memref<32768x256xf32, #tpu.memory_space<hbm>> -> memref<32x256xf32, #tpu.memory_space<hbm>>
    tpu.wait_dma2 semaphore(%arg26 : memref<!tpu.dma_semaphore, #tpu.memory_space<semaphore_mem>>) src(%arg17 : memref<32x256xf32, #tpu.memory_space<vmem>>) dst(%dma_wait3A_135 : memref<32x256xf32, #tpu.memory_space<hbm>>)
    %add3A_136 = arith.constant 992 : i32
    %add3A_137 = arith.addi %add3A_45, %add3A_136 : i32
    %add3A_138 = arith.constant 736 : i32
    %add3A_139 = arith.addi %add3A_52, %add3A_138 : i32
    %jit3A_140 = arith.constant false
    %select_n3A_141 = arith.select %jit3A_140, %add3A_137, %add3A_139 : i32
    %dma_wait3A_142 = arith.constant 0 : i32
    %dma_wait3A_143 = tpu.memref_slice %arg8[%select_n3A_141, %dma_wait3A_142] : memref<32768x256xf32, #tpu.memory_space<hbm>> -> memref<32x256xf32, #tpu.memory_space<hbm>>
    %dma_wait3A_144 = arith.constant 0 : i32
    %dma_wait3A_145 = tpu.memref_slice %arg8[%select_n3A_141, %dma_wait3A_144] : memref<32768x256xf32, #tpu.memory_space<hbm>> -> memref<32x256xf32, #tpu.memory_space<hbm>>
    tpu.wait_dma2 semaphore(%arg27 : memref<!tpu.dma_semaphore, #tpu.memory_space<semaphore_mem>>) src(%arg18 : memref<32x256xf32, #tpu.memory_space<vmem>>) dst(%dma_wait3A_145 : memref<32x256xf32, #tpu.memory_space<hbm>>)
    return
  }
}

module attributes {stable_mosaic.version = 14 : i64} {
  func.func @_tbl_body(%arg0: i32, %arg1: memref<1024x16xf32, #tpu.memory_space<vmem>>, %arg2: memref<32x256xf32, #tpu.memory_space<vmem>>, %arg3: memref<2x256xf32, #tpu.memory_space<vmem>>, %arg4: memref<4x1024x256xf32, #tpu.memory_space<vmem>>) attributes {dimension_semantics = [#tpu.dimension_semantics<arbitrary>], iteration_bounds = array<i64: 8>, scalar_prefetch = 0 : i64, scratch_operands = 0 : i64, tpu.core_type = #tpu.core_type<tc>, window_params = [{transform_indices = @transform_0, window_bounds = array<i64: 1024, 16>}, {pipeline_mode = #tpu.pipeline_mode<synchronous>, transform_indices = @transform_1, window_bounds = array<i64: 32, 256>}, {pipeline_mode = #tpu.pipeline_mode<synchronous>, transform_indices = @transform_2, window_bounds = array<i64: 2, 256>}, {transform_indices = @transform_3, window_bounds = array<i64: 4, 1024, 256>}]} {
    %get3A = arith.constant 0 : index
    %get3A_0 = arith.constant 0 : index
    %get3A_1 = vector.load %arg1[%get3A, %get3A_0] : memref<1024x16xf32, #tpu.memory_space<vmem>>, vector<1024x16xf32>
    %get3A_2 = arith.constant 0 : index
    %get3A_3 = arith.constant 0 : index
    %get3A_4 = vector.load %arg2[%get3A_2, %get3A_3] : memref<32x256xf32, #tpu.memory_space<vmem>>, vector<16x256xf32>
    %get3A_5 = arith.constant 16 : index
    %get3A_6 = arith.constant 0 : index
    %get3A_7 = vector.load %arg2[%get3A_5, %get3A_6] : memref<32x256xf32, #tpu.memory_space<vmem>>, vector<16x256xf32>
    %dot_general3A = arith.constant dense<0.000000e+00> : vector<1024x256xf32>
    %dot_general3A_8 = tpu.matmul %get3A_1, %get3A_4, %dot_general3A {dimension_numbers = #tpu.dot_dimension_numbers<[1], [0], [0], [1], [0, 0, 1, 1], [], []>, transpose_lhs_hint = false} : vector<1024x16xf32>, vector<16x256xf32>, vector<1024x256xf32> -> vector<1024x256xf32>
    %dot_general3A_9 = arith.constant dense<0.000000e+00> : vector<1024x256xf32>
    %dot_general3A_10 = tpu.matmul %get3A_1, %get3A_7, %dot_general3A_9 {dimension_numbers = #tpu.dot_dimension_numbers<[1], [0], [0], [1], [0, 0, 1, 1], [], []>, transpose_lhs_hint = false} : vector<1024x16xf32>, vector<16x256xf32>, vector<1024x256xf32> -> vector<1024x256xf32>
    %get3A_11 = arith.constant 0 : index
    %get3A_12 = arith.constant 0 : index
    %get3A_13 = vector.load %arg3[%get3A_11, %get3A_12] : memref<2x256xf32, #tpu.memory_space<vmem>>, vector<1x256xf32>
    %get3A_14 = arith.constant 1 : index
    %get3A_15 = arith.constant 0 : index
    %get3A_16 = vector.load %arg3[%get3A_14, %get3A_15] : memref<2x256xf32, #tpu.memory_space<vmem>>, vector<1x256xf32>
    %swap3A = arith.constant 0 : index
    %swap3A_17 = arith.constant 0 : index
    %swap3A_18 = arith.constant 0 : index
    %swap3A_19 = vector.load %arg4[%swap3A, %swap3A_17, %swap3A_18] : memref<4x1024x256xf32, #tpu.memory_space<vmem>>, vector<1x1024x256xf32>
    %swap3A_20 = vector.shape_cast %swap3A_19 : vector<1x1024x256xf32> to vector<1024x256xf32>
    %swap3A_21 = vector.shape_cast %dot_general3A_8 : vector<1024x256xf32> to vector<1x1024x256xf32>
    tpu.vector_store %arg4[%swap3A, %swap3A_17, %swap3A_18], %swap3A_21 {strides = array<i32>} : memref<4x1024x256xf32, #tpu.memory_space<vmem>>, vector<1x1024x256xf32>,
    %add3A = vector.broadcast %get3A_13 : vector<1x256xf32> to vector<1024x256xf32>
    %add3A_22 = arith.addf %dot_general3A_10, %add3A : vector<1024x256xf32>
    %swap3A_23 = arith.constant 1 : index
    %swap3A_24 = arith.constant 0 : index
    %swap3A_25 = arith.constant 0 : index
    %swap3A_26 = vector.load %arg4[%swap3A_23, %swap3A_24, %swap3A_25] : memref<4x1024x256xf32, #tpu.memory_space<vmem>>, vector<1x1024x256xf32>
    %swap3A_27 = vector.shape_cast %swap3A_26 : vector<1x1024x256xf32> to vector<1024x256xf32>
    %swap3A_28 = vector.shape_cast %add3A_22 : vector<1024x256xf32> to vector<1x1024x256xf32>
    tpu.vector_store %arg4[%swap3A_23, %swap3A_24, %swap3A_25], %swap3A_28 {strides = array<i32>} : memref<4x1024x256xf32, #tpu.memory_space<vmem>>, vector<1x1024x256xf32>,
    %add3A_29 = arith.addf %dot_general3A_8, %dot_general3A_10 : vector<1024x256xf32>
    %add3A_30 = vector.broadcast %get3A_16 : vector<1x256xf32> to vector<1024x256xf32>
    %add3A_31 = arith.addf %add3A_29, %add3A_30 : vector<1024x256xf32>
    %swap3A_32 = arith.constant 2 : index
    %swap3A_33 = arith.constant 0 : index
    %swap3A_34 = arith.constant 0 : index
    %swap3A_35 = vector.load %arg4[%swap3A_32, %swap3A_33, %swap3A_34] : memref<4x1024x256xf32, #tpu.memory_space<vmem>>, vector<1x1024x256xf32>
    %swap3A_36 = vector.shape_cast %swap3A_35 : vector<1x1024x256xf32> to vector<1024x256xf32>
    %swap3A_37 = vector.shape_cast %add3A_31 : vector<1024x256xf32> to vector<1x1024x256xf32>
    tpu.vector_store %arg4[%swap3A_32, %swap3A_33, %swap3A_34], %swap3A_37 {strides = array<i32>} : memref<4x1024x256xf32, #tpu.memory_space<vmem>>, vector<1x1024x256xf32>,
    %add3A_38 = vector.broadcast %get3A_16 : vector<1x256xf32> to vector<1024x256xf32>
    %add3A_39 = arith.addf %dot_general3A_10, %add3A_38 : vector<1024x256xf32>
    %swap3A_40 = arith.constant 3 : index
    %swap3A_41 = arith.constant 0 : index
    %swap3A_42 = arith.constant 0 : index
    %swap3A_43 = vector.load %arg4[%swap3A_40, %swap3A_41, %swap3A_42] : memref<4x1024x256xf32, #tpu.memory_space<vmem>>, vector<1x1024x256xf32>
    %swap3A_44 = vector.shape_cast %swap3A_43 : vector<1x1024x256xf32> to vector<1024x256xf32>
    %swap3A_45 = vector.shape_cast %add3A_39 : vector<1024x256xf32> to vector<1x1024x256xf32>
    tpu.vector_store %arg4[%swap3A_40, %swap3A_41, %swap3A_42], %swap3A_45 {strides = array<i32>} : memref<4x1024x256xf32, #tpu.memory_space<vmem>>, vector<1x1024x256xf32>,
    return
  }
  func.func @transform_0(%arg0: i32) -> (i32, i32) {
    %c0_i32 = arith.constant 0 : i32
    %c0_i32_0 = arith.constant 0 : i32
    return %arg0, %c0_i32 : i32, i32
  }
  func.func @transform_1(%arg0: i32) -> (i32, i32) {
    %c0_i32 = arith.constant 0 : i32
    %c0_i32_0 = arith.constant 0 : i32
    %c0_i32_1 = arith.constant 0 : i32
    return %c0_i32, %c0_i32_0 : i32, i32
  }
  func.func @transform_2(%arg0: i32) -> (i32, i32) {
    %c0_i32 = arith.constant 0 : i32
    %c0_i32_0 = arith.constant 0 : i32
    %c0_i32_1 = arith.constant 0 : i32
    return %c0_i32, %c0_i32_0 : i32, i32
  }
  func.func @transform_3(%arg0: i32) -> (i32, i32, i32) {
    %c0_i32 = arith.constant 0 : i32
    %c0_i32_0 = arith.constant 0 : i32
    %c0_i32_1 = arith.constant 0 : i32
    return %c0_i32, %arg0, %c0_i32_0 : i32, i32, i32
  }
}

</mosaic_0001>

<sc_bundles>
// kernel: kernel.4.cloned.1.call-start
scs
__scs_entry_jumppad:
0x0: {  	(pc) =	sbr.rel $0x88, $3  }
0x1: {  	(tag) =	ssettag $0x0;
	lr =	simm.s32 $0x1  }
0x2: {  	[smem:$0x3F9A] =	sst lr;
	_ =	strace $0xD0000000  }
0x3: {  	_ = 	snop  }
0x4: {  	_ = 	snop  }
0x5: {  	_ = 	snop  }
0x6: {  	_ = 	snop  }
0x7: {  	_ = 	snop  }
__scs_overlays_trampoline_lowered:
0x8: {  	[smem:$0x3FA9] =	sst s0  }
0x9: {  	[smem:$0x3FAA] =	sst s1  }
0xa: {  	[smem:$0x3FAB] =	sst s2  }
0xb: {  	[smem:$0x3FAC] =	sst s3  }
0xc: {  	[smem:$0x3FAD] =	sst s4  }
0xd: {  	[smem:$0x3FAE] =	sst s5  }
0xe: {  	[smem:$0x3FAF] =	sst s6  }
0xf: {  	[smem:$0x3FB0] =	sst s7  }
0x10: {  	[smem:$0x3FB1] =	sst s8  }
0x11: {  	[smem:$0x3FB2] =	sst s9;
	s0 =	simm.s32 @!p0 $0x0  }
0x12: {  	s1 =	sld [smem:$0x3F98];
	s0 =	simm.s32 @p0 $0x1  }
0x13: {  	[smem:$0x3FB3] =	sst s0;
	s0 =	simm.s32 @!p1 $0x0  }
0x14: {  	s2 =	sld [smem:$0x3F97];
	s0 =	simm.s32 @p1 $0x1  }
0x15: {  	[smem:$0x3FB4] =	sst s0;
	s0 =	simm.s32 @!p2 $0x0  }
0x16: {  	s3 =	sld [smem:$0x3FDB];
	s0 =	simm.s32 @p2 $0x1  }
0x17: {  	s4 =	simm.s32 $0x1BF5;
	[smem:$0x3FB6] =	sst s0  }
0x18: {  	s0 =	sld [smem:$0x3F99];
	_ =	swait.ge [sflag:s4], $0x0  }
0x19: {  	s7 =	sld [smem:$0x3F9A]  }
0x1a: {  	s8 =	sadd.s32 $0xFFFFE003, lr  }
0x1b: {  	s9 =	sadd.s32 $0xFFFFFEF7, lr;
	s5 =	simm.s32 $0xFFFFFFFF;
	p2 =	slt.u32 s8, $0xFFFFF086  }
0x1c: {  	p1 =	slt.u32 s9, $0xF7A;
	s5 =	simm.s32 @!p2 $0x0  }
0x1d: {  	s5 =	simm.s32 @p1 $0x1;
	p0 =	seq.s32 s7, s2  }
0x1e: {  	s7 =	smul.u32 @!p0 $0xF7A, s2;
	p2 =	seq.s32 @!p0 s5, $0x0  }
0x1f: {  	s9 =	smul.u32 $0xF7A, s1;
	s8 =	simm.s32 @!p0 $0x1BF5;
	p2 =	por !p2, p0  }
0x20: {  	[sflag:s8] =	ssyncset.s32 @!p0 $0xFFFFF086;
	s6 =	sadd.s32 @!p0 s3, s7;
	s7 =	simm.s32 @!p0 $0x108  }
0x21: {  	s3 =	sadd.s32 s3, s9;
	s6 =	sadd.s32 @!p0 $0x88, s6;
	s7 =	simm.s32 @p2 $0x1082  }
0x22: {  	[simem:s7], [sflag:s8] =	dma.local @!p0 [hbm:s6], $0xF7A  }
0x23: {  	s9 =	sor.u32 $0xD0000000, s2;
	s6 =	simm.s32 $0x108;
	_ =	swait.ge @!p0 [sflag:s8], $0x0  }
0x24: {  	s3 =	sadd.s32 $0x88, s3;
	s6 =	simm.s32 @!p1 $0x1082;
	[sflag:s4] =	ssyncset.s32 $0xFFFFF086  }
0x25: {  	[simem:s6], [sflag:s4] =	dma.local [hbm:s3], $0xF7A  }
0x26: {  	[smem:$0x3F9A] =	sst s1;
	(tag) =	ssettag s2;
	_ =	strace s9  }
0x27: {  	s1 =	sld [smem:$0x3FAA]  }
0x28: {  	s2 =	sld [smem:$0x3FAB]  }
0x29: {  	s4 =	sld [smem:$0x3FAD]  }
0x2a: {  	p0 =	seq.s32 s5, $0x0;
	s5 =	sld [smem:$0x3FAE]  }
0x2b: {  	s6 =	sld [smem:$0x3FAF]  }
0x2c: {  	s7 =	sld [smem:$0x3FB0]  }
0x2d: {  	s3 =	simm.s32 $0x108;
	s8 =	sld [smem:$0x3FB1]  }
0x2e: {  	s3 =	simm.s32 @!p0 $0x1082;
	s9 =	sld [smem:$0x3FB2]  }
0x2f: {  	lr =	sadd.s32 s0, s3;
	s0 =	sld [smem:$0x3FA9]  }
0x30: {  	s3 =	sld [smem:$0x3FAC]  }
0x31: {  	[smem:$0x3FB5] =	sst s10  }
0x32: {  	s10 =	sld [smem:$0x3FB3];
	_ =	sdelay $0x3  }
0x33: {  	p0 =	seq.s32 s10, $0x1;
	s10 =	sld [smem:$0x3FB5];
	_ =	sdelay $0x3  }
0x34: {  	[smem:$0x3FB5] =	sst s10  }
0x35: {  	s10 =	sld [smem:$0x3FB4];
	_ =	sdelay $0x3  }
0x36: {  	p1 =	seq.s32 s10, $0x1;
	s10 =	sld [smem:$0x3FB5];
	_ =	sdelay $0x3  }
0x37: {  	[smem:$0x3FB5] =	sst s10  }
0x38: {  	s10 =	sld [smem:$0x3FB6]  }
0x39: {  	_ = 	snop;
	(pc) =	sbr.ind lr, $3  }
0x3a: {  	_ = 	snop  }
0x3b: {  	_ = 	snop  }
0x3c: {  	p2 =	seq.s32 s10, $0x1;
	s10 =	sld [smem:$0x3FB5]  }
0x3d: {  	_ =	shalt  }
0x3e: {  	_ =	shalt  }
0x3f: {  	_ =	shalt  }
0x40: {  	_ =	shalt  }
0x41: {  	_ =	shalt  }
0x42: {  	_ =	shalt  }
0x43: {  	_ =	shalt  }
0x44: {  	_ =	shalt  }
0x45: {  	_ =	shalt  }
0x46: {  	_ =	shalt  }
0x47: {  	_ =	shalt  }
0x48: {  	_ =	shalt  }
0x49: {  	_ =	shalt  }
0x4a: {  	_ =	shalt  }
0x4b: {  	_ =	shalt  }
0x4c: {  	_ =	shalt  }
0x4d: {  	_ =	shalt  }
0x4e: {  	_ =	shalt  }
0x4f: {  	_ =	shalt  }
0x50: {  	_ =	shalt  }
0x51: {  	_ =	shalt  }
0x52: {  	_ =	shalt  }
0x53: {  	_ =	shalt  }
0x54: {  	_ =	shalt  }
0x55: {  	_ =	shalt  }
0x56: {  	_ =	shalt  }
0x57: {  	_ =	shalt  }
0x58: {  	_ =	shalt  }
0x59: {  	_ =	shalt  }
0x5a: {  	_ =	shalt  }
0x5b: {  	_ =	shalt  }
0x5c: {  	_ =	shalt  }
0x5d: {  	_ =	shalt  }
0x5e: {  	_ =	shalt  }
0x5f: {  	_ =	shalt  }
0x60: {  	_ =	shalt  }
0x61: {  	_ =	shalt  }
0x62: {  	_ =	shalt  }
0x63: {  	_ =	shalt  }
0x64: {  	_ =	shalt  }
0x65: {  	_ =	shalt  }
0x66: {  	_ =	shalt  }
0x67: {  	_ =	shalt  }
0x68: {  	_ =	shalt  }
0x69: {  	_ =	shalt  }
0x6a: {  	_ =	shalt  }
0x6b: {  	_ =	shalt  }
0x6c: {  	_ =	shalt  }
0x6d: {  	_ =	shalt  }
0x6e: {  	_ =	shalt  }
0x6f: {  	_ =	shalt  }
0x70: {  	_ =	shalt  }
0x71: {  	_ =	shalt  }
0x72: {  	_ =	shalt  }
0x73: {  	_ =	shalt  }
0x74: {  	_ =	shalt  }
0x75: {  	_ =	shalt  }
0x76: {  	_ =	shalt  }
0x77: {  	_ =	shalt  }
0x78: {  	_ =	shalt  }
0x79: {  	_ =	shalt  }
0x7a: {  	_ =	shalt  }
0x7b: {  	_ =	shalt  }
0x7c: {  	_ =	shalt  }
0x7d: {  	_ =	shalt  }
0x7e: {  	_ =	shalt  }
0x7f: {  	_ =	shalt  }
0x80: {  	_ =	shalt  }
0x81: {  	_ =	shalt  }
0x82: {  	_ =	shalt  }
0x83: {  	_ =	shalt  }
0x84: {  	_ =	shalt  }
0x85: {  	_ =	shalt  }
0x86: {  	_ =	shalt  }
0x87: {  	_ =	shalt  }
.Lfunc_end0:
.L_simem_size_0:
called_computation_lowered:
.L_overlay_start_0:
0x88: {  	s2 =	sld [smem:$0x3FD9]  }
0x89: {  	s3 =	sld [smem:$0x3FFE];
	_ =	sdelay $0x1  }
0x8a: {  	s1 =	srdreg.scid  }
0x8b: {  	s0 =	sand.u32 $0x1, s1  }
0x8c: {  	s14 =	sshll.u32 s0, $0xA;
	s2 =	sadd.s32 s3, s2  }
0x8d: {  	s2 =	sadd.s32 s2, s14  }
0x8e: {  	[smem:$0x3FC1] =	sst s2  }
0x8f: {  	_ = 	snop  }
0x90: {  	s2 =	sld [smem:$0x3FD0];
	_ =	sdelay $0x2  }
0x91: {  	s4 =	simm.s32 $0xA;
	s5 =	simm.s32 $0x10;
	s15 =	sld [smem:$0x3FC5]  }
0x92: {  	[smem:s5], [sflag:s4] =	dma.local [hbm:s2], $0x1  }
0x93: {  	_ =	swait.eq [sflag:s4], $0x1  }
0x94: {  	[sflag:s4] =	ssyncset.done $0x0  }
0x95: {  	[sflag:s4] =	ssyncadd.s32 $0xFFFFFFFF  }
0x96: {  	s16 =	sld [smem:$0x10];
	(tm) =	ssettm $0x1  }
0x97: {  	s17 =	sld [smem:$0x3FFB];
	_ =	sdelay $0x3  }
0x98: {  	_ =	strace s17  }
0x99: {  	s4 =	sld [smem:$0x3FFC];
	_ =	sdelay $0x3  }
0x9a: {  	_ =	strace s4  }
0x9b: {  	s4 =	sld [smem:$0x3FFD];
	_ =	sdelay $0x3  }
0x9c: {  	_ =	strace s4  }
0x9d: {  	_ =	strace $0x8FFFFFFF  }
0x9e: {  	s18 =	sld [smem:$0x3FDB];
	_ =	sdelay $0x1  }
0x9f: {  	s19 =	simm.s32 $_scs_section_size  }
0xa0: {  	s6 =	simm.s32 $_size__tile_overlayer_lowered;
	s7 =	simm.s32 $_tile_overlayer_lowered  }
0xa1: {  	s22 =	simm.s32 $0x1BFF;
	s21 =	sshll.u32 s7, $0x1;
	s4 =	sadd.s32 s19, s18  }
0xa2: {  	s8 =	simm.s32 $0x0;
	s20 =	sshll.u32 s6, $0x1;
	s6 =	sadd.s32 s21, s4  }
0xa3: {  	[timem:s8], [sflag:s22] =	dma.local [hbm:s6], s20  }
0xa4: {  	_ =	swait.ge [sflag:s22], s20  }
0xa5: {  	s5 =	ssub.s32 $0x0, s20;
	[sflag:s22] =	ssyncset.done $0x0  }
0xa6: {  	[sflag:s22] =	ssyncadd.s32 s5;
	_ =	sdelay $0x1  }
0xa7: {  	s23 =	simm.s32 $0x1B8B  }
0xa8: {  	_ =	swait.ge [sflag:s23], $0x1  }
0xa9: {  	[sflag:s23] =	ssyncset.done $0x0  }
0xaa: {  	s25 =	simm.s32 $0x1B8E;
	s24 =	sld [smem:$0x3FFE];
	[sflag:s23] =	ssyncadd.s32 $0xFFFFFFFF  }
0xab: {  	s26 =	simm.s32 $execute0_lowered;
	[smem:$0x3FD2] =	sst s25  }
0xac: {  	s6 =	sshll.u32 s26, $0x1;
	_ =	strace $0x80000046;
	[dreg:$0x1] =	wrdreg $0xFFFFFFFF  }
0xad: {  	s28 =	simm.s32 $_size_execute0_lowered;
	s4 =	sadd.s32 s4, s6;
	[dreg:$0x0] =	wrdreg $0x0  }
0xae: {  	s6 =	sshll.u32 s28, $0x1;
	[dreg:$0x2] =	wrdreg s4  }
0xaf: {  	[dreg:$0x3] =	wrdreg s6  }
0xb0: {  	[dreg:$0x4] =	wrdreg $0xC0  }
0xb1: {  	_ =	task [dreg:s8], $0x5FFFF  }
0xb2: {  	[dreg:$0x1] =	wrdreg $0xFFFFFFFF  }
0xb3: {  	[dreg:$0x0] =	wrdreg $0x60  }
0xb4: {  	[dreg:$0x2] =	wrdreg s24  }
0xb5: {  	[dreg:$0x3] =	wrdreg s15  }
0xb6: {  	[dreg:$0x4] =	wrdreg s16  }
0xb7: {  	[dreg:$0x5] =	wrdreg $0x9  }
0xb8: {  	_ =	task.clear_ibuf [dreg:s8], $0x6FFFF;
	_ =	strace $0x90000046  }
0xb9: {  	s29 =	simm.s32 $0x9;
	_ =	strace $0x80000048  }
0xba: {  	_ =	swait.ge [sflag:s29], $0x1  }
0xbb: {  	[sflag:s29] =	ssyncadd.s32 $0xFFFFFFFF  }
0xbc: {  	_ =	strace $0x90000048  }
0xbd: {  	_ =	sfence  }
0xbe: {  	s30 =	sld [smem:$0x0];
	_ =	sdelay $0x2  }
0xbf: {  	s31 =	sshll.u32 s1, $0xD;
	s1 =	sshrl.u32 s1, $0x2  }
0xc0: {  	s3 =	sand.u32 $0x4000, s31;
	s1 =	sadd.s32 s1, s30  }
0xc1: {  	s0 =	sor.u32 s3, s0;
	s1 =	sshll.u32 s1, $0x11  }
0xc2: {  	s0 =	sor.u32 s1, s0  }
0xc3: {  	s0 =	sadd.s32 $0x8F2B, s0  }
0xc4: {  	[sflag:s0] =	ssyncadd.remote.s32 $0x1  }
0xc5: {  	_ =	sfence.sel $0xFFFF  }
0xc6: {  	[dreg:$0x0] =	wrdreg $0xFFFFFFFF;
	(pc) =	sbr.abs _section_cstart, $3  }
0xc7: {  	[dreg:$0x1] =	wrdreg $0xFFFFFFFF  }
0xc8: {  	_ =	task.clear_ibuf [dreg:s8], $0x2FFFF;
	_ =	strace $0x9FFFFFFF  }
0xc9: {  	(tm) =	ssettm $0x7FFFFFFF  }
tec
execute0_lowered:
.L_overlay_start_1:
0x0: {  	(tag) =	ssettag $0x1  }
0x1: {  	s0 =	rddreg [dreg:$0x0]  }
0x2: {  	s5 =	stileid.u32;
	s2 =	rddreg [dreg:$0x1]  }
0x3: {  	s1 =	srdreg.scid;
	s3 =	rddreg [dreg:$0x2]  }
0x4: {  	s30 =	simm.s32 $0x2;
	s31 =	simm.s32 $0x4;
	s15 =	simm.s32 $0x19C00  }
0x5: {  	s16 =	simm.s32 $0x3;
	s17 =	simm.s32 $0x0;
	s4 =	sshll.u32 s5, $0x1  }
0x6: {  	s1 =	sand.u32 $0x1, s1;
	s6 =	sshrl.u32 s5, $0x1;
	s4 =	sand.u32 $0x2, s4  }
0x7: {  	s10 =	sshll.u32 s6, $0xA;
	s8 =	smul.u32 $0xC00, s6;
	s22 =	sshll.u32 s6, $0xC  }
0x8: {  	s18 =	sor.u32 s1, s4;
	s4 =	simm.s32 $0x0;
	s1 =	ssub.s32 $0x2, s1  }
0x9: {  	s29 =	sor.u32 $0x2000, s10;
	s7 =	sshll.u32 s18, $0x8;
	s11 =	smul.u32 $0x300, s18  }
0xa: {  	[smem:$0x7FF] =	sst s4;
	s14 =	sshrl.u32 s1, $0x1;
	s9 =	sor.u32 s10, s7  }
0xb: {  	_ =	strace $0x80000047;
	s21 =	ssub.s32 s1, s14;
	s6 =	sor.u32 s22, s7  }
0xc: {  	s19 =	sshrl.u32 s9, $0x1;
	s20 =	sadd.s32 s8, s11;
	s1 =	sor.u32 s22, s11  }
0xd: {  	s26 =	sshll.u32 s9, $0x5;
	s9 =	simm.s32 $0x1BC00;
	s8 =	sshrl.u32 s20, $0x1  }
0xe: {  	s12 =	sadd.s32 s19, s0;
	s5 =	sshrl.u32 s20, $0x3;
	s8 =	sadd.s32 s8, s0  }
0xf: {  	s13 =	sadd.s32 s5, s0;
	s5 =	sadd.s32 $0x6600, s0;
	s23 =	sadd.s32 $0x5600, s12  }
0x10: {  	s12 =	sadd.s32 $0x300, s1;
	s0 =	smax.u32 s21, $0x1;
	[dreg:$0x4] =	wrdreg s23  }
.Ltmp0:
0x11: {  	s24 =	sadd.s32 $0x2600, s8;
	s25 =	sadd.s32 $0x1A00, s13;
	(pc) =	sbr.rel .LBB2_1-.Ltmp0, $4  }
0x12: {  	s28 =	sadd.s32 $0xE00, s13;
	s7 =	sadd.s32 s26, s5;
	[dreg:$0x8] =	wrdreg s0  }
0x13: {  	v5 =	vlaneseq.u32;
	v2 =	vimm.s32 $0x0;
	vm0 =	vmmov $0xffff;
	s13 =	sadd.s32 $0x320, s1;
	s1 =	simm.s32 $0x6;
	[dreg:$0x5] =	wrdreg s24  }
0x14: {  	v3 =	vand.u32 $0x7, v5;
	v4 =	vshrl.u32 v5, $0x3;
	v5 =	vor.u32 $0x8, v5;
	s0 =	simm.s32 $0x8;
	s8 =	simm.s32 $0x7;
	[dreg:$0x6] =	wrdreg s25  }
0x15: {  	v4 =	vmul.u32 $0x8, v4;
	v0 =	vmov s10;
	v1 =	vmov s29;
	[dreg:$0x7] =	wrdreg s28;
	s11 =	sadd.s32 $0x80000, s7;
	s7 =	simm.s32 $0x5  }
.LBB2_26:
0x16: {  	_ =	swait.ge [sflag:s0], $0x2000  }
0x17: {  	[sflag:s0] =	ssyncset.done $0x0  }
0x18: {  	s14 =	simm.s32 $0x9;
	[sflag:s0] =	ssyncadd.s32 $0xFFFFE000  }
0x19: {  	_ =	swait.ge [sflag:s14], $0x2000  }
0x1a: {  	s17 =	rddreg [dreg:$0x9]  }
0x1b: {  	s10 =	rddreg [dreg:$0x8];
	s17 =	sadd.s32 $0x1, s17  }
0x1c: {  	p0 =	sne.s32 s17, s10  }
.Ltmp1:
0x1d: {  	_ = 	snop;
	(pc) =	sbr.rel @!p0 .LBB2_27-.Ltmp1, $3  }
0x1e: {  	_ =	sdelay $0x1  }
0x1f: {  	[sflag:s14] =	ssyncset.done $0x0  }
0x20: {  	[sflag:s14] =	ssyncadd.s32 $0xFFFFE000  }
.LBB2_1:
0x21: {  	[dreg:$0x9] =	wrdreg s17  }
0x22: {  	s10 =	rddreg [dreg:$0x4]  }
0x23: {  	[tilespmem:s4], [sflag:$0x1] =	stream.linear.gather [hbm4b:s10+s4], $0x400, $0x38;
	[tilespmem:$0x1DC00] =	vst v63  }
0x24: {  	s24 =	rddreg [dreg:$0x5];
	s14 =	simm.s32 $0x400  }
0x25: {  	[tilespmem:s14], [sflag:$0x1] =	stream.linear.gather [hbm4b:s24+s4], $0xC00, $0x38;
	[tilespmem:$0x1DC00] =	vst v63  }
0x26: {  	s25 =	rddreg [dreg:$0x6];
	s10 =	simm.s32 $0x1600  }
0x27: {  	[tilespmem:s10], [sflag:$0x1] =	stream.linear.gather [hbm4b:s25+s4], $0x300, $0x38;
	[tilespmem:$0x1DC00] =	vst v63  }
0x28: {  	s26 =	rddreg [dreg:$0x7];
	s28 =	simm.s32 $0x1900;
	s29 =	simm.s32 $0x1  }
0x29: {  	[tilespmem:s28], [sflag:$0x1] =	stream.linear.gather [hbm4b:s26+s4], $0x300, $0x38;
	[tilespmem:$0x1DC00] =	vst v63  }
0x2a: {  	_ =	swait.ge [sflag:s29], $0x400  }
0x2b: {  	[sflag:s29] =	ssyncset.done $0x0  }
0x2c: {  	[sflag:s29] =	ssyncadd.s32 $0xFFFFFC00  }
0x2d: {  	_ =	swait.ge [sflag:s29], $0xC00  }
0x2e: {  	[sflag:s29] =	ssyncset.done $0x0  }
0x2f: {  	[sflag:s29] =	ssyncadd.s32 $0xFFFFF400  }
0x30: {  	_ =	swait.ge [sflag:s29], $0x300  }
0x31: {  	[sflag:s29] =	ssyncset.done $0x0  }
0x32: {  	[sflag:s29] =	ssyncadd.s32 $0xFFFFFD00  }
0x33: {  	_ =	swait.ge [sflag:s29], $0x300  }
0x34: {  	[sflag:s29] =	ssyncset.done $0x0  }
0x35: {  	s19 =	sand.u32 $0x3F0, s4;
	[sflag:s29] =	ssyncadd.s32 $0xFFFFFD00  }
0x36: {  	s17 =	simm.s32 $0x20;
	s18 =	simm.s32 $0x0;
	s14 =	simm.s32 $0x0;
	v6 =	vld [tilespmem:s10+$0x0]  }
.LBB2_2:
0x37: {  	p0 =	sne.s32 s17, $0x5E0;
	v7 =	vld [tilespmem:s19+$0x1900];
	_ =	sdelay $0x2  }
0x38: {  	s19 =	sand.u32 $0x7C0, s18;
	s20 =	sand.u32 $0x10, s14;
	s18 =	smov.u32 s17  }
0x39: {  	s19 =	sor.u32 s20, s19;
	v8 =	vadd.s32 v0, v6  }
.Ltmp2:
0x3a: {  	[tilespmem:s19+$0x1000] =	vst v8;
	vm1 =	veq.s32 v6, v7;
	(pc) =	sbr.rel @p0 .LBB2_2-.Ltmp2, $4  }
0x3b: {  	v6 =	vadd.s32 v1, v7;
	v7 =	vsel vm1, $0x4000, v2  }
0x3c: {  	v6 =	vadd.s32 v7, v6  }
0x3d: {  	s14 =	sadd.s32 $0x10, s14;
	s10 =	sadd.s32 $0x10, s10;
	[tilespmem:s19+$0x1020] =	vst v6  }
0x3e: {  	s17 =	sadd.s32 $0x20, s17;
	s19 =	sand.u32 $0x3F0, s14;
	v6 =	vld [tilespmem:s10+$0x0]  }
0x3f: {  	v7 =	vld [tilespmem:s19+$0x1900];
	_ =	sdelay $0x4  }
0x40: {  	s10 =	sand.u32 $0x7C0, s18;
	s14 =	sand.u32 $0x10, s14;
	vm1 =	veq.s32 v6, v7  }
0x41: {  	s10 =	sor.u32 s14, s10;
	v6 =	vadd.s32 v0, v6;
	v7 =	vadd.s32 v1, v7;
	v8 =	vsel vm1, $0x4000, v2  }
0x42: {  	[tilespmem:s10+$0x1000] =	vst v6;
	v6 =	vadd.s32 v8, v7  }
0x43: {  	[tilespmem:s10+$0x1020] =	vst v6  }
0x44: {  	v6 =	vld [tilespmem:$0x0];
	_ =	sdelay $0x4  }
0x45: {  	v7 =	vshll.u32 v6, $0x1  }
0x46: {  	v6 =	vand.u32 $0x7, v6;
	v7 =	vand.u32 $0xFFFFFFF0, v7  }
0x47: {  	v6 =	vor.u32 v6, v7  }
0x48: {  	v7 =	vperm.xlane v6, v3;
	_ =	sdelay $0x1  }
0x49: {  	v6 =	vperm.xlane v6, v5;
	v7 =	vadd.s32 v4, v7;
	_ =	sdelay $0x1  }
0x4a: {  	v6 =	vadd.s32 v4, v6;
	_ =	sdelay $0x1  }
0x4b: {  	s24 =	simm.s32 $0x1C00;
	s10 =	simm.s32 $0x0  }
0x4c: {  	[tilespmem:s24], [sflag:$0x2] =	stream.indirect_vreg.gather [hbm4b:s2+s10], $0x80, v7, vm0, $0xb8;
	[tilespmem:$0x1DC00] =	vst v63  }
0x4d: {  	s25 =	simm.s32 $0x2400  }
0x4e: {  	[tilespmem:s25], [sflag:$0x2] =	stream.indirect_vreg.gather [hbm4b:s2+s10], $0x80, v6, vm0, $0xb8;
	[tilespmem:$0x1DC00] =	vst v63  }
0x4f: {  	v6 =	vld [tilespmem:$0x10];
	_ =	sdelay $0x4  }
0x50: {  	v7 =	vshll.u32 v6, $0x1  }
0x51: {  	v6 =	vand.u32 $0x7, v6;
	v7 =	vand.u32 $0xFFFFFFF0, v7  }
0x52: {  	v6 =	vor.u32 v6, v7  }
0x53: {  	v7 =	vperm.xlane v6, v3;
	_ =	sdelay $0x1  }
0x54: {  	v6 =	vperm.xlane v6, v5;
	v7 =	vadd.s32 v4, v7;
	_ =	sdelay $0x1  }
0x55: {  	v6 =	vadd.s32 v4, v6;
	_ =	sdelay $0x1  }
0x56: {  	s26 =	simm.s32 $0x2C00  }
0x57: {  	[tilespmem:s26], [sflag:$0x2] =	stream.indirect_vreg.gather [hbm4b:s2+s10], $0x80, v7, vm0, $0xb8;
	[tilespmem:$0x1DC00] =	vst v63  }
0x58: {  	s28 =	simm.s32 $0x3400  }
0x59: {  	[tilespmem:s28], [sflag:$0x2] =	stream.indirect_vreg.gather [hbm4b:s2+s10], $0x80, v6, vm0, $0xb8;
	[tilespmem:$0x1DC00] =	vst v63  }
0x5a: {  	v6 =	vld [tilespmem:$0x20];
	_ =	sdelay $0x4  }
0x5b: {  	v7 =	vshll.u32 v6, $0x1  }
0x5c: {  	v6 =	vand.u32 $0x7, v6;
	v7 =	vand.u32 $0xFFFFFFF0, v7  }
0x5d: {  	v6 =	vor.u32 v6, v7  }
0x5e: {  	v7 =	vperm.xlane v6, v3;
	_ =	sdelay $0x1  }
0x5f: {  	v6 =	vperm.xlane v6, v5;
	v7 =	vadd.s32 v4, v7;
	_ =	sdelay $0x1  }
0x60: {  	v6 =	vadd.s32 v4, v6;
	_ =	sdelay $0x1  }
0x61: {  	s29 =	simm.s32 $0x3C00  }
0x62: {  	[tilespmem:s29], [sflag:$0x2] =	stream.indirect_vreg.gather [hbm4b:s2+s10], $0x80, v7, vm0, $0xb8;
	[tilespmem:$0x1DC00] =	vst v63  }
0x63: {  	s17 =	simm.s32 $0x4400  }
0x64: {  	[tilespmem:s17], [sflag:$0x2] =	stream.indirect_vreg.gather [hbm4b:s2+s10], $0x80, v6, vm0, $0xb8;
	[tilespmem:$0x1DC00] =	vst v63  }
0x65: {  	v6 =	vld [tilespmem:$0x30];
	_ =	sdelay $0x4  }
0x66: {  	v7 =	vshll.u32 v6, $0x1  }
0x67: {  	v6 =	vand.u32 $0x7, v6;
	v7 =	vand.u32 $0xFFFFFFF0, v7  }
0x68: {  	v6 =	vor.u32 v6, v7  }
0x69: {  	v7 =	vperm.xlane v6, v3;
	_ =	sdelay $0x1  }
0x6a: {  	v6 =	vperm.xlane v6, v5;
	v7 =	vadd.s32 v4, v7;
	_ =	sdelay $0x1  }
0x6b: {  	v6 =	vadd.s32 v4, v6;
	_ =	sdelay $0x1  }
0x6c: {  	s18 =	simm.s32 $0x4C00  }
0x6d: {  	[tilespmem:s18], [sflag:$0x2] =	stream.indirect_vreg.gather [hbm4b:s2+s10], $0x80, v7, vm0, $0xb8;
	[tilespmem:$0x1DC00] =	vst v63  }
0x6e: {  	s19 =	simm.s32 $0x5400  }
0x6f: {  	[tilespmem:s19], [sflag:$0x2] =	stream.indirect_vreg.gather [hbm4b:s2+s10], $0x80, v6, vm0, $0xb8;
	[tilespmem:$0x1DC00] =	vst v63  }
0x70: {  	v6 =	vld [tilespmem:$0x40];
	_ =	sdelay $0x4  }
0x71: {  	v7 =	vshll.u32 v6, $0x1  }
0x72: {  	v6 =	vand.u32 $0x7, v6;
	v7 =	vand.u32 $0xFFFFFFF0, v7  }
0x73: {  	v6 =	vor.u32 v6, v7  }
0x74: {  	v7 =	vperm.xlane v6, v3;
	_ =	sdelay $0x1  }
0x75: {  	v6 =	vperm.xlane v6, v5;
	v7 =	vadd.s32 v4, v7;
	_ =	sdelay $0x1  }
0x76: {  	v6 =	vadd.s32 v4, v6;
	_ =	sdelay $0x1  }
0x77: {  	s20 =	simm.s32 $0x5C00  }
0x78: {  	[tilespmem:s20], [sflag:$0x4] =	stream.indirect_vreg.gather [hbm4b:s2+s10], $0x80, v7, vm0, $0xb8;
	[tilespmem:$0x1DC00] =	vst v63  }
0x79: {  	s21 =	simm.s32 $0x6400  }
0x7a: {  	[tilespmem:s21], [sflag:$0x4] =	stream.indirect_vreg.gather [hbm4b:s2+s10], $0x80, v6, vm0, $0xb8;
	[tilespmem:$0x1DC00] =	vst v63  }
0x7b: {  	v6 =	vld [tilespmem:$0x50];
	_ =	sdelay $0x4  }
0x7c: {  	v7 =	vshll.u32 v6, $0x1  }
0x7d: {  	v6 =	vand.u32 $0x7, v6;
	v7 =	vand.u32 $0xFFFFFFF0, v7  }
0x7e: {  	v6 =	vor.u32 v6, v7  }
0x7f: {  	v7 =	vperm.xlane v6, v3;
	_ =	sdelay $0x1  }
0x80: {  	v6 =	vperm.xlane v6, v5;
	v7 =	vadd.s32 v4, v7;
	_ =	sdelay $0x1  }
0x81: {  	v6 =	vadd.s32 v4, v6;
	_ =	sdelay $0x1  }
0x82: {  	s22 =	simm.s32 $0x6C00  }
0x83: {  	[tilespmem:s22], [sflag:$0x4] =	stream.indirect_vreg.gather [hbm4b:s2+s10], $0x80, v7, vm0, $0xb8;
	[tilespmem:$0x1DC00] =	vst v63  }
0x84: {  	s23 =	simm.s32 $0x7400  }
0x85: {  	[tilespmem:s23], [sflag:$0x4] =	stream.indirect_vreg.gather [hbm4b:s2+s10], $0x80, v6, vm0, $0xb8;
	[tilespmem:$0x1DC00] =	vst v63  }
0x86: {  	v6 =	vld [tilespmem:$0x60];
	_ =	sdelay $0x4  }
0x87: {  	v7 =	vshll.u32 v6, $0x1  }
0x88: {  	v6 =	vand.u32 $0x7, v6;
	v7 =	vand.u32 $0xFFFFFFF0, v7  }
0x89: {  	v6 =	vor.u32 v6, v7  }
0x8a: {  	v7 =	vperm.xlane v6, v3;
	_ =	sdelay $0x1  }
0x8b: {  	v6 =	vperm.xlane v6, v5;
	v7 =	vadd.s32 v4, v7;
	_ =	sdelay $0x1  }
0x8c: {  	v6 =	vadd.s32 v4, v6;
	_ =	sdelay $0x1  }
0x8d: {  	s24 =	simm.s32 $0x7C00  }
0x8e: {  	[tilespmem:s24], [sflag:$0x4] =	stream.indirect_vreg.gather [hbm4b:s2+s10], $0x80, v7, vm0, $0xb8;
	[tilespmem:$0x1DC00] =	vst v63  }
0x8f: {  	s25 =	simm.s32 $0x8400  }
0x90: {  	[tilespmem:s25], [sflag:$0x4] =	stream.indirect_vreg.gather [hbm4b:s2+s10], $0x80, v6, vm0, $0xb8;
	[tilespmem:$0x1DC00] =	vst v63  }
0x91: {  	v6 =	vld [tilespmem:$0x70];
	_ =	sdelay $0x4  }
0x92: {  	v7 =	vshll.u32 v6, $0x1  }
0x93: {  	v6 =	vand.u32 $0x7, v6;
	v7 =	vand.u32 $0xFFFFFFF0, v7  }
0x94: {  	v6 =	vor.u32 v6, v7  }
0x95: {  	v7 =	vperm.xlane v6, v3;
	_ =	sdelay $0x1  }
0x96: {  	v7 =	vadd.s32 v4, v7  }
0x97: {  	v6 =	vperm.xlane v6, v5;
	_ =	sdelay $0x1  }
0x98: {  	v6 =	vadd.s32 v4, v6  }
0x99: {  	s26 =	simm.s32 $0x8C00  }
0x9a: {  	[tilespmem:s26], [sflag:$0x4] =	stream.indirect_vreg.gather [hbm4b:s2+s10], $0x80, v7, vm0, $0xb8;
	[tilespmem:$0x1DC00] =	vst v63  }
.Ltmp3:
0x9b: {  	_ = 	snop;
	(pc) =	sbr.rel .LBB2_4-.Ltmp3, $4  }
0x9c: {  	s28 =	simm.s32 $0x9400  }
0x9d: {  	[tilespmem:s28], [sflag:$0x4] =	stream.indirect_vreg.gather [hbm4b:s2+s10], $0x80, v6, vm0, $0xb8;
	[tilespmem:$0x1DC00] =	vst v63  }
0x9e: {  	s29 =	simm.s32 $0x11C00  }
0x9f: {  	[tilespmem:s29], [sflag:$0x6] =	stream.linear.gather [hbm4b:s11+s10], $0x2000, $0x38;
	[tilespmem:$0x1DC00] =	vst v63  }
.LBB2_21:
0xa0: {  	v6 =	vadd.f32 v6, v7;
	_ =	sdelay $0x1  }
0xa1: {  	s18 =	sor.u32 $0x470, s23;
	[tilespmem:s19+$0x1C060] =	vst v6  }
0xa2: {  	s25 =	sor.u32 $0x470, s25;
	v6 =	vld [tilespmem:s18+$0x9C00]  }
0xa3: {  	v7 =	vld [tilespmem:s25+$0x9C00]  }
0xa4: {  	s28 =	sor.u32 $0x470, s24  }
0xa5: {  	v8 =	vld [tilespmem:s28+$0x9C00]  }
0xa6: {  	s29 =	sor.u32 $0x470, s26  }
0xa7: {  	v9 =	vld [tilespmem:s29+$0x9C00]  }
0xa8: {  	v6 =	vadd.f32 v7, v6  }
0xa9: {  	v7 =	vld [tilespmem:s19+$0x16070]  }
0xaa: {  	v6 =	vadd.f32 v8, v6;
	_ =	sdelay $0x1  }
0xab: {  	v6 =	vadd.f32 v9, v6;
	_ =	sdelay $0x1  }
0xac: {  	v6 =	vadd.f32 v7, v6;
	_ =	sdelay $0x1  }
0xad: {  	[tilespmem:s19+$0x1C070] =	vst v6  }
.LBB2_25:
0xae: {  	s14 =	sshll.u32 s14, $0x5  }
0xaf: {  	s17 =	sadd.s32 s17, s13;
	s10 =	sadd.s32 $0x1, s10;
	s14 =	sadd.s32 s6, s14  }
0xb0: {  	s14 =	smov.u32 @p0 s17;
	p0 =	sne.s32 s10, $0x10  }
.Ltmp4:
0xb1: {  	_ = 	snop;
	(pc) =	sbr.rel @!p0 .LBB2_26-.Ltmp4, $4  }
0xb2: {  	_ = 	snop  }
0xb3: {  	s14 =	sshll.u32 s14, $0x5  }
0xb4: {  	s14 =	sadd.s32 s3, s14  }
0xb5: {  	[hbm4b:s14+s4] =	stream.linear.scatter [tilespmem:s9], [sflag:$0x9], $0x2000, $0x38;
	[tilespmem:$0x1DC00] =	vst v63  }
.LBB2_4:
0xb6: {  	p0 =	sgt.u32 s10, $0x3  }
.Ltmp5:
0xb7: {  	_ = 	snop;
	(pc) =	sbr.rel @!p0 .LBB2_5-.Ltmp5, $2  }
0xb8: {  	_ =	sdelay $0x2  }
0xb9: {  	s18 =	sshll.u32 s10, $0x1;
	s14 =	sshllo.u32 s10, $0x1  }
0xba: {  	s19 =	sadd.s32 $0xFFFFFFF9, s18  }
0xbb: {  	s17 =	sshll.u32 s19, $0x9  }
0xbc: {  	s20 =	sshra.s32 s17, $0x2  }
0xbd: {  	v6 =	vld [tilespmem:s20+$0x400];
	_ =	sdelay $0x4  }
0xbe: {  	v7 =	vshll.u32 v6, $0x1  }
0xbf: {  	v6 =	vand.u32 $0x7, v6;
	v7 =	vand.u32 $0xFFFFFFF0, v7  }
0xc0: {  	v6 =	vor.u32 v6, v7  }
0xc1: {  	v7 =	vperm.xlane v6, v3;
	_ =	sdelay $0x1  }
0xc2: {  	v6 =	vperm.xlane v6, v5;
	v7 =	vadd.s32 v4, v7;
	_ =	sdelay $0x1  }
0xc3: {  	v6 =	vadd.s32 v4, v6;
	_ =	sdelay $0x1  }
0xc4: {  	s21 =	simm.s32 $0x9C00;
	s17 =	simm.s32 $0x0  }
0xc5: {  	[tilespmem:s21], [sflag:$0x3] =	stream.indirect_vreg.gather [hbm4b:s2+s17], $0x80, v7, vm0, $0xb8;
	[tilespmem:$0x1DC00] =	vst v63  }
0xc6: {  	s23 =	simm.s32 $0xA400  }
0xc7: {  	[tilespmem:s23], [sflag:$0x3] =	stream.indirect_vreg.gather [hbm4b:s2+s17], $0x80, v6, vm0, $0xb8;
	[tilespmem:$0x1DC00] =	vst v63  }
0xc8: {  	v6 =	vld [tilespmem:s20+$0x410];
	_ =	sdelay $0x4  }
0xc9: {  	v7 =	vshll.u32 v6, $0x1  }
0xca: {  	v6 =	vand.u32 $0x7, v6;
	v7 =	vand.u32 $0xFFFFFFF0, v7  }
0xcb: {  	v6 =	vor.u32 v6, v7  }
0xcc: {  	v7 =	vperm.xlane v6, v3;
	_ =	sdelay $0x1  }
0xcd: {  	v6 =	vperm.xlane v6, v5;
	v7 =	vadd.s32 v4, v7;
	_ =	sdelay $0x1  }
0xce: {  	v6 =	vadd.s32 v4, v6;
	_ =	sdelay $0x1  }
0xcf: {  	s24 =	simm.s32 $0xAC00  }
0xd0: {  	[tilespmem:s24], [sflag:$0x3] =	stream.indirect_vreg.gather [hbm4b:s2+s17], $0x80, v7, vm0, $0xb8;
	[tilespmem:$0x1DC00] =	vst v63  }
0xd1: {  	s25 =	simm.s32 $0xB400  }
0xd2: {  	[tilespmem:s25], [sflag:$0x3] =	stream.indirect_vreg.gather [hbm4b:s2+s17], $0x80, v6, vm0, $0xb8;
	[tilespmem:$0x1DC00] =	vst v63  }
0xd3: {  	v6 =	vld [tilespmem:s20+$0x420];
	_ =	sdelay $0x4  }
0xd4: {  	v7 =	vshll.u32 v6, $0x1  }
0xd5: {  	v6 =	vand.u32 $0x7, v6;
	v7 =	vand.u32 $0xFFFFFFF0, v7  }
0xd6: {  	v6 =	vor.u32 v6, v7  }
0xd7: {  	v7 =	vperm.xlane v6, v3;
	_ =	sdelay $0x1  }
0xd8: {  	v6 =	vperm.xlane v6, v5;
	v7 =	vadd.s32 v4, v7;
	_ =	sdelay $0x1  }
0xd9: {  	v6 =	vadd.s32 v4, v6;
	_ =	sdelay $0x1  }
0xda: {  	s26 =	simm.s32 $0xBC00  }
0xdb: {  	[tilespmem:s26], [sflag:$0x3] =	stream.indirect_vreg.gather [hbm4b:s2+s17], $0x80, v7, vm0, $0xb8;
	[tilespmem:$0x1DC00] =	vst v63  }
0xdc: {  	s28 =	simm.s32 $0xC400  }
0xdd: {  	[tilespmem:s28], [sflag:$0x3] =	stream.indirect_vreg.gather [hbm4b:s2+s17], $0x80, v6, vm0, $0xb8;
	[tilespmem:$0x1DC00] =	vst v63  }
0xde: {  	v6 =	vld [tilespmem:s20+$0x430];
	_ =	sdelay $0x4  }
0xdf: {  	v7 =	vshll.u32 v6, $0x1  }
0xe0: {  	v6 =	vand.u32 $0x7, v6;
	v7 =	vand.u32 $0xFFFFFFF0, v7  }
0xe1: {  	v6 =	vor.u32 v6, v7  }
0xe2: {  	v7 =	vperm.xlane v6, v3;
	_ =	sdelay $0x1  }
0xe3: {  	v6 =	vperm.xlane v6, v5;
	v7 =	vadd.s32 v4, v7;
	_ =	sdelay $0x1  }
0xe4: {  	v6 =	vadd.s32 v4, v6;
	_ =	sdelay $0x1  }
0xe5: {  	s29 =	simm.s32 $0xCC00  }
0xe6: {  	[tilespmem:s29], [sflag:$0x3] =	stream.indirect_vreg.gather [hbm4b:s2+s17], $0x80, v7, vm0, $0xb8;
	[tilespmem:$0x1DC00] =	vst v63  }
0xe7: {  	s22 =	simm.s32 $0xD400  }
0xe8: {  	[tilespmem:s22], [sflag:$0x3] =	stream.indirect_vreg.gather [hbm4b:s2+s17], $0x80, v6, vm0, $0xb8;
	[tilespmem:$0x1DC00] =	vst v63  }
0xe9: {  	v6 =	vld [tilespmem:s20+$0x440];
	_ =	sdelay $0x4  }
0xea: {  	v7 =	vshll.u32 v6, $0x1  }
0xeb: {  	v6 =	vand.u32 $0x7, v6;
	v7 =	vand.u32 $0xFFFFFFF0, v7  }
0xec: {  	v6 =	vor.u32 v6, v7  }
0xed: {  	v7 =	vperm.xlane v6, v3;
	_ =	sdelay $0x1  }
0xee: {  	v6 =	vperm.xlane v6, v5;
	v7 =	vadd.s32 v4, v7;
	_ =	sdelay $0x1  }
0xef: {  	v6 =	vadd.s32 v4, v6;
	_ =	sdelay $0x1  }
0xf0: {  	s23 =	simm.s32 $0xDC00  }
0xf1: {  	[tilespmem:s23], [sflag:$0x5] =	stream.indirect_vreg.gather [hbm4b:s2+s17], $0x80, v7, vm0, $0xb8;
	[tilespmem:$0x1DC00] =	vst v63  }
0xf2: {  	s24 =	simm.s32 $0xE400  }
0xf3: {  	[tilespmem:s24], [sflag:$0x5] =	stream.indirect_vreg.gather [hbm4b:s2+s17], $0x80, v6, vm0, $0xb8;
	[tilespmem:$0x1DC00] =	vst v63  }
0xf4: {  	v6 =	vld [tilespmem:s20+$0x450];
	_ =	sdelay $0x4  }
0xf5: {  	v7 =	vshll.u32 v6, $0x1  }
0xf6: {  	v6 =	vand.u32 $0x7, v6;
	v7 =	vand.u32 $0xFFFFFFF0, v7  }
0xf7: {  	v6 =	vor.u32 v6, v7  }
0xf8: {  	v7 =	vperm.xlane v6, v3;
	_ =	sdelay $0x1  }
0xf9: {  	v6 =	vperm.xlane v6, v5;
	v7 =	vadd.s32 v4, v7;
	_ =	sdelay $0x1  }
0xfa: {  	v6 =	vadd.s32 v4, v6;
	_ =	sdelay $0x1  }
0xfb: {  	s25 =	simm.s32 $0xEC00  }
0xfc: {  	[tilespmem:s25], [sflag:$0x5] =	stream.indirect_vreg.gather [hbm4b:s2+s17], $0x80, v7, vm0, $0xb8;
	[tilespmem:$0x1DC00] =	vst v63  }
0xfd: {  	s26 =	simm.s32 $0xF400  }
0xfe: {  	[tilespmem:s26], [sflag:$0x5] =	stream.indirect_vreg.gather [hbm4b:s2+s17], $0x80, v6, vm0, $0xb8;
	[tilespmem:$0x1DC00] =	vst v63  }
0xff: {  	v6 =	vld [tilespmem:s20+$0x460];
	_ =	sdelay $0x4  }
0x100: {  	v7 =	vshll.u32 v6, $0x1  }
0x101: {  	v6 =	vand.u32 $0x7, v6;
	v7 =	vand.u32 $0xFFFFFFF0, v7  }
0x102: {  	v6 =	vor.u32 v6, v7  }
0x103: {  	v7 =	vperm.xlane v6, v3;
	_ =	sdelay $0x1  }
0x104: {  	v6 =	vperm.xlane v6, v5;
	v7 =	vadd.s32 v4, v7;
	_ =	sdelay $0x1  }
0x105: {  	v6 =	vadd.s32 v4, v6;
	_ =	sdelay $0x1  }
0x106: {  	s28 =	simm.s32 $0xFC00  }
0x107: {  	[tilespmem:s28], [sflag:$0x5] =	stream.indirect_vreg.gather [hbm4b:s2+s17], $0x80, v7, vm0, $0xb8;
	[tilespmem:$0x1DC00] =	vst v63  }
0x108: {  	s29 =	simm.s32 $0x10400  }
0x109: {  	[tilespmem:s29], [sflag:$0x5] =	stream.indirect_vreg.gather [hbm4b:s2+s17], $0x80, v6, vm0, $0xb8;
	[tilespmem:$0x1DC00] =	vst v63  }
0x10a: {  	v6 =	vld [tilespmem:s20+$0x470];
	_ =	sdelay $0x4  }
0x10b: {  	v7 =	vshll.u32 v6, $0x1  }
0x10c: {  	v6 =	vand.u32 $0x7, v6;
	v7 =	vand.u32 $0xFFFFFFF0, v7  }
0x10d: {  	v6 =	vor.u32 v6, v7  }
0x10e: {  	v7 =	vperm.xlane v6, v3;
	_ =	sdelay $0x1  }
0x10f: {  	v6 =	vperm.xlane v6, v5;
	v7 =	vadd.s32 v4, v7;
	_ =	sdelay $0x1  }
0x110: {  	v6 =	vadd.s32 v4, v6;
	_ =	sdelay $0x1  }
0x111: {  	s19 =	sshll.u32 s19, $0x8;
	s21 =	simm.s32 $0x10C00  }
0x112: {  	[tilespmem:s21], [sflag:$0x5] =	stream.indirect_vreg.gather [hbm4b:s2+s17], $0x80, v7, vm0, $0xb8;
	[tilespmem:$0x1DC00] =	vst v63  }
0x113: {  	s19 =	sshra.s32 s19, $0x2;
	s22 =	simm.s32 $0x11400  }
0x114: {  	[tilespmem:s22], [sflag:$0x5] =	stream.indirect_vreg.gather [hbm4b:s2+s17], $0x80, v6, vm0, $0xb8;
	[tilespmem:$0x1DC00] =	vst v63  }
0x115: {  	v6 =	vld [tilespmem:s19+$0x1000];
	_ =	sdelay $0x4  }
0x116: {  	v7 =	vshll.u32 v6, $0x1  }
0x117: {  	v6 =	vand.u32 $0x7, v6;
	v7 =	vand.u32 $0xFFFFFFF0, v7  }
0x118: {  	v6 =	vor.u32 v6, v7  }
0x119: {  	v7 =	vperm.xlane v6, v3;
	_ =	sdelay $0x1  }
0x11a: {  	v6 =	vperm.xlane v6, v5;
	v7 =	vadd.s32 v4, v7;
	_ =	sdelay $0x1  }
0x11b: {  	v6 =	vadd.s32 v4, v6;
	_ =	sdelay $0x1  }
0x11c: {  	s23 =	simm.s32 $0x15C00  }
0x11d: {  	[tilespmem:s23], [sflag:$0x7] =	stream.indirect_vreg.gather [hbm4b:s5+s17], $0x80, v7, vm0, $0xb8;
	[tilespmem:$0x1DC00] =	vst v63  }
0x11e: {  	s24 =	simm.s32 $0x16400  }
0x11f: {  	[tilespmem:s24], [sflag:$0x7] =	stream.indirect_vreg.gather [hbm4b:s5+s17], $0x80, v6, vm0, $0xb8;
	[tilespmem:$0x1DC00] =	vst v63  }
0x120: {  	v6 =	vld [tilespmem:s19+$0x1010];
	_ =	sdelay $0x4  }
0x121: {  	v7 =	vshll.u32 v6, $0x1  }
0x122: {  	v6 =	vand.u32 $0x7, v6;
	v7 =	vand.u32 $0xFFFFFFF0, v7  }
0x123: {  	v6 =	vor.u32 v6, v7  }
0x124: {  	v7 =	vperm.xlane v6, v3;
	_ =	sdelay $0x1  }
0x125: {  	v6 =	vperm.xlane v6, v5;
	v7 =	vadd.s32 v4, v7;
	_ =	sdelay $0x1  }
0x126: {  	v6 =	vadd.s32 v4, v6;
	_ =	sdelay $0x1  }
0x127: {  	s25 =	simm.s32 $0x16C00  }
0x128: {  	[tilespmem:s25], [sflag:$0x7] =	stream.indirect_vreg.gather [hbm4b:s5+s17], $0x80, v7, vm0, $0xb8;
	[tilespmem:$0x1DC00] =	vst v63  }
0x129: {  	s26 =	simm.s32 $0x17400  }
0x12a: {  	[tilespmem:s26], [sflag:$0x7] =	stream.indirect_vreg.gather [hbm4b:s5+s17], $0x80, v6, vm0, $0xb8;
	[tilespmem:$0x1DC00] =	vst v63  }
0x12b: {  	v6 =	vld [tilespmem:s19+$0x1020];
	_ =	sdelay $0x4  }
0x12c: {  	v7 =	vshll.u32 v6, $0x1  }
0x12d: {  	v6 =	vand.u32 $0x7, v6;
	v7 =	vand.u32 $0xFFFFFFF0, v7  }
0x12e: {  	v6 =	vor.u32 v6, v7  }
0x12f: {  	v7 =	vperm.xlane v6, v3;
	_ =	sdelay $0x1  }
0x130: {  	v6 =	vperm.xlane v6, v5;
	v7 =	vadd.s32 v4, v7;
	_ =	sdelay $0x1  }
0x131: {  	v6 =	vadd.s32 v4, v6;
	_ =	sdelay $0x1  }
0x132: {  	s28 =	simm.s32 $0x17C00  }
0x133: {  	[tilespmem:s28], [sflag:$0x7] =	stream.indirect_vreg.gather [hbm4b:s5+s17], $0x80, v7, vm0, $0xb8;
	[tilespmem:$0x1DC00] =	vst v63  }
0x134: {  	s29 =	simm.s32 $0x18400  }
0x135: {  	[tilespmem:s29], [sflag:$0x7] =	stream.indirect_vreg.gather [hbm4b:s5+s17], $0x80, v6, vm0, $0xb8;
	[tilespmem:$0x1DC00] =	vst v63  }
0x136: {  	v6 =	vld [tilespmem:s19+$0x1030];
	_ =	sdelay $0x4  }
0x137: {  	v7 =	vshll.u32 v6, $0x1  }
0x138: {  	v6 =	vand.u32 $0x7, v6;
	v7 =	vand.u32 $0xFFFFFFF0, v7  }
0x139: {  	v6 =	vor.u32 v6, v7  }
0x13a: {  	v7 =	vperm.xlane v6, v3;
	_ =	sdelay $0x1  }
0x13b: {  	v6 =	vperm.xlane v6, v5;
	v7 =	vadd.s32 v4, v7;
	_ =	sdelay $0x1  }
0x13c: {  	v6 =	vadd.s32 v4, v6;
	_ =	sdelay $0x1  }
0x13d: {  	s20 =	simm.s32 $0x18C00  }
0x13e: {  	[tilespmem:s20], [sflag:$0x7] =	stream.indirect_vreg.gather [hbm4b:s5+s17], $0x80, v7, vm0, $0xb8;
	[tilespmem:$0x1DC00] =	vst v63  }
0x13f: {  	s21 =	simm.s32 $0x19400  }
0x140: {  	[tilespmem:s21], [sflag:$0x7] =	stream.indirect_vreg.gather [hbm4b:s5+s17], $0x80, v6, vm0, $0xb8;
	[tilespmem:$0x1DC00] =	vst v63  }
0x141: {  	_ =	swait.ge [sflag:s30], $0x4000  }
0x142: {  	[sflag:s30] =	ssyncset.done $0x0  }
0x143: {  	[sflag:s30] =	ssyncadd.s32 $0xFFFFC000  }
0x144: {  	_ =	swait.ge [sflag:s31], $0x4000  }
0x145: {  	[sflag:s31] =	ssyncset.done $0x0  }
0x146: {  	[sflag:s31] =	ssyncadd.s32 $0xFFFFC000  }
0x147: {  	_ =	swait.ge [sflag:s1], $0x4000  }
0x148: {  	[sflag:s1] =	ssyncset.done $0x0  }
0x149: {  	[sflag:s1] =	ssyncadd.s32 $0xFFFFC000  }
0x14a: {  	_ =	swait.ge [sflag:s0], $0x2000  }
0x14b: {  	s22 =	sand.u32 $0x7800, s17;
	s23 =	sand.u32 $0x200, s17;
	[sflag:s0] =	ssyncset.done $0x0  }
0x14c: {  	s20 =	sor.u32 s23, s22;
	[sflag:s0] =	ssyncadd.s32 $0xFFFFE000  }
0x14d: {  	v6 =	vld [tilespmem:s20+$0x1C00]  }
0x14e: {  	v7 =	vld [tilespmem:s20+$0x1C80];
	_ =	sdelay $0x1  }
0x14f: {  	v8 =	vld [tilespmem:s20+$0x1D00];
	_ =	sdelay $0x1  }
0x150: {  	s24 =	sand.u32 $0x1800, s17;
	s25 =	sand.u32 $0x380, s17;
	v9 =	vld [tilespmem:s20+$0x1D80]  }
0x151: {  	s19 =	sor.u32 s25, s24;
	v6 =	vadd.f32 v7, v6  }
0x152: {  	v7 =	vld [tilespmem:s19+$0x11C00]  }
0x153: {  	v6 =	vadd.f32 v8, v6  }
0x154: {  	v8 =	vld [tilespmem:s19+$0x13C00]  }
0x155: {  	v6 =	vadd.f32 v9, v6;
	_ =	sdelay $0x1  }
0x156: {  	v6 =	vadd.f32 v7, v6;
	_ =	sdelay $0x1  }
0x157: {  	v6 =	vadd.f32 v8, v6;
	_ =	sdelay $0x1  }
0x158: {  	[tilespmem:s19+$0x19C00] =	vst v6  }
0x159: {  	v6 =	vld [tilespmem:s20+$0x1C10]  }
0x15a: {  	v7 =	vld [tilespmem:s20+$0x1C90];
	_ =	sdelay $0x1  }
0x15b: {  	v8 =	vld [tilespmem:s20+$0x1D10];
	_ =	sdelay $0x1  }
0x15c: {  	v50 =	vld [tilespmem:s20+$0x1D90]  }
0x15d: {  	v6 =	vadd.f32 v7, v6  }
0x15e: {  	v7 =	vld [tilespmem:s19+$0x11C10]  }
0x15f: {  	v6 =	vadd.f32 v8, v6  }
0x160: {  	v8 =	vld [tilespmem:s19+$0x13C10]  }
0x161: {  	v6 =	vadd.f32 v50, v6;
	_ =	sdelay $0x1  }
0x162: {  	v6 =	vadd.f32 v7, v6;
	_ =	sdelay $0x1  }
0x163: {  	v6 =	vadd.f32 v8, v6;
	_ =	sdelay $0x1  }
0x164: {  	[tilespmem:s19+$0x19C10] =	vst v6  }
0x165: {  	v6 =	vld [tilespmem:s20+$0x1C20]  }
0x166: {  	v7 =	vld [tilespmem:s20+$0x1CA0];
	_ =	sdelay $0x1  }
0x167: {  	v8 =	vld [tilespmem:s20+$0x1D20];
	_ =	sdelay $0x1  }
0x168: {  	v51 =	vld [tilespmem:s20+$0x1DA0]  }
0x169: {  	v6 =	vadd.f32 v7, v6  }
0x16a: {  	v7 =	vld [tilespmem:s19+$0x11C20]  }
0x16b: {  	v6 =	vadd.f32 v8, v6  }
0x16c: {  	v8 =	vld [tilespmem:s19+$0x13C20]  }
0x16d: {  	v6 =	vadd.f32 v51, v6;
	_ =	sdelay $0x1  }
0x16e: {  	v6 =	vadd.f32 v7, v6;
	_ =	sdelay $0x1  }
0x16f: {  	v6 =	vadd.f32 v8, v6;
	_ =	sdelay $0x1  }
0x170: {  	[tilespmem:s19+$0x19C20] =	vst v6  }
0x171: {  	v6 =	vld [tilespmem:s20+$0x1C30]  }
0x172: {  	v7 =	vld [tilespmem:s20+$0x1CB0];
	_ =	sdelay $0x1  }
0x173: {  	v8 =	vld [tilespmem:s20+$0x1D30];
	_ =	sdelay $0x1  }
0x174: {  	v52 =	vld [tilespmem:s20+$0x1DB0]  }
0x175: {  	v6 =	vadd.f32 v7, v6  }
0x176: {  	v7 =	vld [tilespmem:s19+$0x11C30]  }
0x177: {  	v6 =	vadd.f32 v8, v6  }
0x178: {  	v8 =	vld [tilespmem:s19+$0x13C30]  }
0x179: {  	v6 =	vadd.f32 v52, v6;
	_ =	sdelay $0x1  }
0x17a: {  	v6 =	vadd.f32 v7, v6;
	_ =	sdelay $0x1  }
0x17b: {  	v6 =	vadd.f32 v8, v6;
	_ =	sdelay $0x1  }
0x17c: {  	[tilespmem:s19+$0x19C30] =	vst v6  }
0x17d: {  	v6 =	vld [tilespmem:s20+$0x1C40]  }
0x17e: {  	v7 =	vld [tilespmem:s20+$0x1CC0];
	_ =	sdelay $0x1  }
0x17f: {  	v8 =	vld [tilespmem:s20+$0x1D40];
	_ =	sdelay $0x1  }
0x180: {  	v53 =	vld [tilespmem:s20+$0x1DC0]  }
0x181: {  	v6 =	vadd.f32 v7, v6  }
0x182: {  	v7 =	vld [tilespmem:s19+$0x11C40]  }
0x183: {  	v6 =	vadd.f32 v8, v6  }
0x184: {  	v8 =	vld [tilespmem:s19+$0x13C40]  }
0x185: {  	v6 =	vadd.f32 v53, v6;
	_ =	sdelay $0x1  }
0x186: {  	v6 =	vadd.f32 v7, v6;
	_ =	sdelay $0x1  }
0x187: {  	v6 =	vadd.f32 v8, v6;
	_ =	sdelay $0x1  }
0x188: {  	[tilespmem:s19+$0x19C40] =	vst v6  }
0x189: {  	v6 =	vld [tilespmem:s20+$0x1C50]  }
0x18a: {  	v7 =	vld [tilespmem:s20+$0x1CD0];
	_ =	sdelay $0x1  }
0x18b: {  	v8 =	vld [tilespmem:s20+$0x1D50];
	_ =	sdelay $0x1  }
0x18c: {  	v54 =	vld [tilespmem:s20+$0x1DD0]  }
0x18d: {  	v6 =	vadd.f32 v7, v6  }
0x18e: {  	v7 =	vld [tilespmem:s19+$0x11C50]  }
0x18f: {  	v6 =	vadd.f32 v8, v6  }
0x190: {  	v8 =	vld [tilespmem:s19+$0x13C50]  }
0x191: {  	v6 =	vadd.f32 v54, v6;
	_ =	sdelay $0x1  }
0x192: {  	v6 =	vadd.f32 v7, v6;
	_ =	sdelay $0x1  }
0x193: {  	v6 =	vadd.f32 v8, v6;
	_ =	sdelay $0x1  }
0x194: {  	[tilespmem:s19+$0x19C50] =	vst v6  }
0x195: {  	v6 =	vld [tilespmem:s20+$0x1C60]  }
0x196: {  	v7 =	vld [tilespmem:s20+$0x1CE0];
	_ =	sdelay $0x1  }
0x197: {  	v8 =	vld [tilespmem:s20+$0x1D60];
	_ =	sdelay $0x1  }
0x198: {  	v55 =	vld [tilespmem:s20+$0x1DE0]  }
0x199: {  	v6 =	vadd.f32 v7, v6  }
0x19a: {  	v7 =	vld [tilespmem:s19+$0x11C60]  }
0x19b: {  	v6 =	vadd.f32 v8, v6  }
0x19c: {  	v8 =	vld [tilespmem:s19+$0x13C60]  }
0x19d: {  	v6 =	vadd.f32 v55, v6;
	_ =	sdelay $0x1  }
0x19e: {  	v6 =	vadd.f32 v7, v6;
	_ =	sdelay $0x1  }
0x19f: {  	v6 =	vadd.f32 v8, v6;
	_ =	sdelay $0x1  }
0x1a0: {  	[tilespmem:s19+$0x19C60] =	vst v6  }
0x1a1: {  	v6 =	vld [tilespmem:s20+$0x1C70]  }
0x1a2: {  	v7 =	vld [tilespmem:s20+$0x1CF0];
	_ =	sdelay $0x1  }
0x1a3: {  	v8 =	vld [tilespmem:s20+$0x1D70];
	_ =	sdelay $0x1  }
0x1a4: {  	v56 =	vld [tilespmem:s20+$0x1DF0]  }
0x1a5: {  	v6 =	vadd.f32 v7, v6  }
0x1a6: {  	v7 =	vld [tilespmem:s19+$0x11C70]  }
0x1a7: {  	v6 =	vadd.f32 v8, v6  }
0x1a8: {  	v8 =	vld [tilespmem:s19+$0x13C70]  }
0x1a9: {  	v6 =	vadd.f32 v56, v6;
	_ =	sdelay $0x1  }
0x1aa: {  	p1 =	por $0x0, $0x0;
	s20 =	simm.s32 $0x1;
	v6 =	vadd.f32 v7, v6  }
0x1ab: {  	s20 =	simm.s32 @!p1 $0x0  }
0x1ac: {  	s20 =	sshll.u32 s20, $0x9;
	v6 =	vadd.f32 v8, v6  }
0x1ad: {  	s23 =	sadd.s32 $0x0, s20  }
0x1ae: {  	s20 =	sor.u32 $0x400, s23;
	s25 =	sadd.s32 $0x80, s23;
	[tilespmem:s19+$0x19C70] =	vst v6  }
0x1af: {  	s26 =	sor.u32 $0x400, s25;
	v6 =	vld [tilespmem:s20+$0x1C00]  }
0x1b0: {  	s24 =	sadd.s32 $0x100, s23;
	v7 =	vld [tilespmem:s26+$0x1C00]  }
0x1b1: {  	s28 =	sor.u32 $0x400, s24  }
0x1b2: {  	s26 =	sadd.s32 $0x180, s23;
	v8 =	vld [tilespmem:s28+$0x1C00]  }
0x1b3: {  	s29 =	sor.u32 $0x400, s26  }
0x1b4: {  	v57 =	vld [tilespmem:s29+$0x1C00]  }
0x1b5: {  	v6 =	vadd.f32 v7, v6  }
0x1b6: {  	v7 =	vld [tilespmem:s19+$0x12000]  }
0x1b7: {  	v6 =	vadd.f32 v8, v6  }
0x1b8: {  	v8 =	vld [tilespmem:s19+$0x14000]  }
0x1b9: {  	v6 =	vadd.f32 v57, v6;
	_ =	sdelay $0x1  }
0x1ba: {  	v6 =	vadd.f32 v7, v6;
	_ =	sdelay $0x1  }
0x1bb: {  	v6 =	vadd.f32 v8, v6;
	_ =	sdelay $0x1  }
0x1bc: {  	s21 =	sor.u32 $0x410, s23;
	[tilespmem:s19+$0x1A000] =	vst v6  }
0x1bd: {  	s22 =	sor.u32 $0x410, s25;
	v6 =	vld [tilespmem:s21+$0x1C00]  }
0x1be: {  	v7 =	vld [tilespmem:s22+$0x1C00]  }
0x1bf: {  	s28 =	sor.u32 $0x410, s24  }
0x1c0: {  	v8 =	vld [tilespmem:s28+$0x1C00]  }
0x1c1: {  	s29 =	sor.u32 $0x410, s26  }
0x1c2: {  	v58 =	vld [tilespmem:s29+$0x1C00]  }
0x1c3: {  	v6 =	vadd.f32 v7, v6  }
0x1c4: {  	v7 =	vld [tilespmem:s19+$0x12010]  }
0x1c5: {  	v6 =	vadd.f32 v8, v6  }
0x1c6: {  	v8 =	vld [tilespmem:s19+$0x14010]  }
0x1c7: {  	v6 =	vadd.f32 v58, v6;
	_ =	sdelay $0x1  }
0x1c8: {  	v6 =	vadd.f32 v7, v6;
	_ =	sdelay $0x1  }
0x1c9: {  	v6 =	vadd.f32 v8, v6;
	_ =	sdelay $0x1  }
0x1ca: {  	s21 =	sor.u32 $0x420, s23;
	[tilespmem:s19+$0x1A010] =	vst v6  }
0x1cb: {  	s22 =	sor.u32 $0x420, s25;
	v6 =	vld [tilespmem:s21+$0x1C00]  }
0x1cc: {  	v7 =	vld [tilespmem:s22+$0x1C00]  }
0x1cd: {  	s28 =	sor.u32 $0x420, s24  }
0x1ce: {  	v8 =	vld [tilespmem:s28+$0x1C00]  }
0x1cf: {  	s29 =	sor.u32 $0x420, s26  }
0x1d0: {  	v59 =	vld [tilespmem:s29+$0x1C00]  }
0x1d1: {  	v6 =	vadd.f32 v7, v6  }
0x1d2: {  	v7 =	vld [tilespmem:s19+$0x12020]  }
0x1d3: {  	v6 =	vadd.f32 v8, v6  }
0x1d4: {  	v8 =	vld [tilespmem:s19+$0x14020]  }
0x1d5: {  	v6 =	vadd.f32 v59, v6;
	_ =	sdelay $0x1  }
0x1d6: {  	v6 =	vadd.f32 v7, v6;
	_ =	sdelay $0x1  }
0x1d7: {  	v6 =	vadd.f32 v8, v6;
	_ =	sdelay $0x1  }
0x1d8: {  	s21 =	sor.u32 $0x430, s23;
	[tilespmem:s19+$0x1A020] =	vst v6  }
0x1d9: {  	s22 =	sor.u32 $0x430, s25;
	v6 =	vld [tilespmem:s21+$0x1C00]  }
0x1da: {  	v7 =	vld [tilespmem:s22+$0x1C00]  }
0x1db: {  	s28 =	sor.u32 $0x430, s24  }
0x1dc: {  	v8 =	vld [tilespmem:s28+$0x1C00]  }
0x1dd: {  	s29 =	sor.u32 $0x430, s26  }
0x1de: {  	v60 =	vld [tilespmem:s29+$0x1C00]  }
0x1df: {  	v6 =	vadd.f32 v7, v6  }
0x1e0: {  	v7 =	vld [tilespmem:s19+$0x12030]  }
0x1e1: {  	v6 =	vadd.f32 v8, v6  }
0x1e2: {  	v8 =	vld [tilespmem:s19+$0x14030]  }
0x1e3: {  	v6 =	vadd.f32 v60, v6;
	_ =	sdelay $0x1  }
0x1e4: {  	v6 =	vadd.f32 v7, v6;
	_ =	sdelay $0x1  }
0x1e5: {  	v6 =	vadd.f32 v8, v6;
	_ =	sdelay $0x1  }
0x1e6: {  	s21 =	sor.u32 $0x440, s23;
	[tilespmem:s19+$0x1A030] =	vst v6  }
0x1e7: {  	s22 =	sor.u32 $0x440, s25;
	v6 =	vld [tilespmem:s21+$0x1C00]  }
0x1e8: {  	v7 =	vld [tilespmem:s22+$0x1C00]  }
0x1e9: {  	s28 =	sor.u32 $0x440, s24  }
0x1ea: {  	v8 =	vld [tilespmem:s28+$0x1C00]  }
0x1eb: {  	s29 =	sor.u32 $0x440, s26  }
0x1ec: {  	v61 =	vld [tilespmem:s29+$0x1C00]  }
0x1ed: {  	v6 =	vadd.f32 v7, v6  }
0x1ee: {  	v7 =	vld [tilespmem:s19+$0x12040]  }
0x1ef: {  	v6 =	vadd.f32 v8, v6  }
0x1f0: {  	v8 =	vld [tilespmem:s19+$0x14040]  }
0x1f1: {  	v6 =	vadd.f32 v61, v6;
	_ =	sdelay $0x1  }
0x1f2: {  	v6 =	vadd.f32 v7, v6;
	_ =	sdelay $0x1  }
0x1f3: {  	v6 =	vadd.f32 v8, v6;
	_ =	sdelay $0x1  }
0x1f4: {  	s21 =	sor.u32 $0x450, s23;
	[tilespmem:s19+$0x1A040] =	vst v6  }
0x1f5: {  	s22 =	sor.u32 $0x450, s25;
	v6 =	vld [tilespmem:s21+$0x1C00]  }
0x1f6: {  	v7 =	vld [tilespmem:s22+$0x1C00]  }
0x1f7: {  	s28 =	sor.u32 $0x450, s24  }
0x1f8: {  	v8 =	vld [tilespmem:s28+$0x1C00]  }
0x1f9: {  	s29 =	sor.u32 $0x450, s26  }
0x1fa: {  	v62 =	vld [tilespmem:s29+$0x1C00]  }
0x1fb: {  	v6 =	vadd.f32 v7, v6  }
0x1fc: {  	v7 =	vld [tilespmem:s19+$0x12050]  }
0x1fd: {  	v6 =	vadd.f32 v8, v6  }
0x1fe: {  	v8 =	vld [tilespmem:s19+$0x14050]  }
0x1ff: {  	v6 =	vadd.f32 v62, v6;
	_ =	sdelay $0x1  }
0x200: {  	v6 =	vadd.f32 v7, v6;
	_ =	sdelay $0x1  }
0x201: {  	v6 =	vadd.f32 v8, v6;
	_ =	sdelay $0x1  }
0x202: {  	s21 =	sor.u32 $0x460, s23;
	[tilespmem:s19+$0x1A050] =	vst v6  }
0x203: {  	s22 =	sor.u32 $0x460, s25;
	v6 =	vld [tilespmem:s21+$0x1C00]  }
0x204: {  	v7 =	vld [tilespmem:s22+$0x1C00]  }
0x205: {  	s28 =	sor.u32 $0x460, s24  }
0x206: {  	v8 =	vld [tilespmem:s28+$0x1C00]  }
0x207: {  	s29 =	sor.u32 $0x460, s26  }
0x208: {  	v63 =	vld [tilespmem:s29+$0x1C00]  }
0x209: {  	v6 =	vadd.f32 v7, v6  }
0x20a: {  	v7 =	vld [tilespmem:s19+$0x12060]  }
0x20b: {  	v6 =	vadd.f32 v8, v6  }
0x20c: {  	v8 =	vld [tilespmem:s19+$0x14060]  }
0x20d: {  	v6 =	vadd.f32 v63, v6;
	_ =	sdelay $0x1  }
0x20e: {  	v6 =	vadd.f32 v7, v6  }
0x20f: {  	p2 =	por $0x0, $0x0  }
0x210: {  	s20 =	simm.s32 $0x400;
	s21 =	simm.s32 $0x200;
	s22 =	simm.s32 $0x0;
	v6 =	vadd.f32 v8, v6  }
.LBB2_9:
0x211: {  	s17 =	sadd.s32 $0x80, s17  }
0x212: {  	s22 =	sadd.s32 $0x100, s22;
	p2 =	por !p2, !p2;
	s28 =	smov.u32 s20  }
0x213: {  	p3 =	sne.s32 s20, $0x7C00;
	s20 =	sadd.s32 $0x400, s20;
	s23 =	sor.u32 $0x470, s23;
	[tilespmem:s19+$0x1A060] =	vst v6  }
0x214: {  	v6 =	vld [tilespmem:s23+$0x1C00];
	s23 =	sor.u32 $0x470, s25  }
0x215: {  	v7 =	vld [tilespmem:s23+$0x1C00];
	s23 =	sor.u32 $0x470, s24  }
0x216: {  	v8 =	vld [tilespmem:s23+$0x1C00];
	s23 =	sor.u32 $0x470, s26  }
0x217: {  	v9 =	vld [tilespmem:s23+$0x1C00];
	_ =	sdelay $0x1  }
0x218: {  	v10 =	vld [tilespmem:s19+$0x12070]  }
0x219: {  	v6 =	vadd.f32 v7, v6  }
0x21a: {  	v7 =	vld [tilespmem:s19+$0x14070]  }
0x21b: {  	v6 =	vadd.f32 v8, v6;
	_ =	sdelay $0x1  }
0x21c: {  	v6 =	vadd.f32 v9, v6;
	_ =	sdelay $0x1  }
0x21d: {  	v6 =	vadd.f32 v10, v6  }
0x21e: {  	s24 =	sand.u32 $0x200, s21;
	s23 =	sand.u32 $0x7800, s28  }
0x21f: {  	s23 =	sor.u32 s24, s23;
	v6 =	vadd.f32 v7, v6;
	_ =	sdelay $0x1  }
0x220: {  	[tilespmem:s19+$0x1A070] =	vst v6  }
0x221: {  	v6 =	vld [tilespmem:s23+$0x1C00]  }
0x222: {  	v7 =	vld [tilespmem:s23+$0x1C80]  }
0x223: {  	v8 =	vld [tilespmem:s23+$0x1D00]  }
0x224: {  	v9 =	vld [tilespmem:s23+$0x1D80];
	_ =	sdelay $0x1  }
0x225: {  	s24 =	sand.u32 $0x380, s17;
	s19 =	sand.u32 $0x1800, s22  }
0x226: {  	s19 =	sor.u32 s24, s19;
	v6 =	vadd.f32 v7, v6  }
0x227: {  	v7 =	vld [tilespmem:s19+$0x11C00]  }
0x228: {  	v6 =	vadd.f32 v8, v6  }
0x229: {  	v8 =	vld [tilespmem:s19+$0x13C00]  }
0x22a: {  	v6 =	vadd.f32 v9, v6;
	_ =	sdelay $0x1  }
0x22b: {  	v6 =	vadd.f32 v7, v6;
	_ =	sdelay $0x1  }
0x22c: {  	v6 =	vadd.f32 v8, v6;
	_ =	sdelay $0x1  }
0x22d: {  	[tilespmem:s19+$0x19C00] =	vst v6  }
0x22e: {  	v6 =	vld [tilespmem:s23+$0x1C10]  }
0x22f: {  	v7 =	vld [tilespmem:s23+$0x1C90];
	_ =	sdelay $0x1  }
0x230: {  	v8 =	vld [tilespmem:s23+$0x1D10];
	_ =	sdelay $0x1  }
0x231: {  	v9 =	vld [tilespmem:s23+$0x1D90]  }
0x232: {  	v6 =	vadd.f32 v7, v6  }
0x233: {  	v7 =	vld [tilespmem:s19+$0x11C10]  }
0x234: {  	v6 =	vadd.f32 v8, v6  }
0x235: {  	v8 =	vld [tilespmem:s19+$0x13C10]  }
0x236: {  	v6 =	vadd.f32 v9, v6;
	_ =	sdelay $0x1  }
0x237: {  	v6 =	vadd.f32 v7, v6;
	_ =	sdelay $0x1  }
0x238: {  	v6 =	vadd.f32 v8, v6;
	_ =	sdelay $0x1  }
0x239: {  	[tilespmem:s19+$0x19C10] =	vst v6  }
0x23a: {  	v6 =	vld [tilespmem:s23+$0x1C20]  }
0x23b: {  	v7 =	vld [tilespmem:s23+$0x1CA0];
	_ =	sdelay $0x1  }
0x23c: {  	v8 =	vld [tilespmem:s23+$0x1D20];
	_ =	sdelay $0x1  }
0x23d: {  	v9 =	vld [tilespmem:s23+$0x1DA0]  }
0x23e: {  	v6 =	vadd.f32 v7, v6  }
0x23f: {  	v7 =	vld [tilespmem:s19+$0x11C20]  }
0x240: {  	v6 =	vadd.f32 v8, v6  }
0x241: {  	v8 =	vld [tilespmem:s19+$0x13C20]  }
0x242: {  	v6 =	vadd.f32 v9, v6;
	_ =	sdelay $0x1  }
0x243: {  	v6 =	vadd.f32 v7, v6;
	_ =	sdelay $0x1  }
0x244: {  	v6 =	vadd.f32 v8, v6;
	_ =	sdelay $0x1  }
0x245: {  	[tilespmem:s19+$0x19C20] =	vst v6  }
0x246: {  	v6 =	vld [tilespmem:s23+$0x1C30]  }
0x247: {  	v7 =	vld [tilespmem:s23+$0x1CB0];
	_ =	sdelay $0x1  }
0x248: {  	v8 =	vld [tilespmem:s23+$0x1D30];
	_ =	sdelay $0x1  }
0x249: {  	v9 =	vld [tilespmem:s23+$0x1DB0]  }
0x24a: {  	v6 =	vadd.f32 v7, v6  }
0x24b: {  	v7 =	vld [tilespmem:s19+$0x11C30]  }
0x24c: {  	v6 =	vadd.f32 v8, v6  }
0x24d: {  	v8 =	vld [tilespmem:s19+$0x13C30]  }
0x24e: {  	v6 =	vadd.f32 v9, v6;
	_ =	sdelay $0x1  }
0x24f: {  	v6 =	vadd.f32 v7, v6;
	_ =	sdelay $0x1  }
0x250: {  	v6 =	vadd.f32 v8, v6;
	_ =	sdelay $0x1  }
0x251: {  	[tilespmem:s19+$0x19C30] =	vst v6  }
0x252: {  	v6 =	vld [tilespmem:s23+$0x1C40]  }
0x253: {  	v7 =	vld [tilespmem:s23+$0x1CC0];
	_ =	sdelay $0x1  }
0x254: {  	v8 =	vld [tilespmem:s23+$0x1D40];
	_ =	sdelay $0x1  }
0x255: {  	v9 =	vld [tilespmem:s23+$0x1DC0]  }
0x256: {  	v6 =	vadd.f32 v7, v6  }
0x257: {  	v7 =	vld [tilespmem:s19+$0x11C40]  }
0x258: {  	v6 =	vadd.f32 v8, v6  }
0x259: {  	v8 =	vld [tilespmem:s19+$0x13C40]  }
0x25a: {  	v6 =	vadd.f32 v9, v6;
	_ =	sdelay $0x1  }
0x25b: {  	v6 =	vadd.f32 v7, v6;
	_ =	sdelay $0x1  }
0x25c: {  	v6 =	vadd.f32 v8, v6;
	_ =	sdelay $0x1  }
0x25d: {  	[tilespmem:s19+$0x19C40] =	vst v6  }
0x25e: {  	v6 =	vld [tilespmem:s23+$0x1C50]  }
0x25f: {  	v7 =	vld [tilespmem:s23+$0x1CD0];
	_ =	sdelay $0x1  }
0x260: {  	v8 =	vld [tilespmem:s23+$0x1D50];
	_ =	sdelay $0x1  }
0x261: {  	v9 =	vld [tilespmem:s23+$0x1DD0]  }
0x262: {  	v6 =	vadd.f32 v7, v6  }
0x263: {  	v7 =	vld [tilespmem:s19+$0x11C50]  }
0x264: {  	v6 =	vadd.f32 v8, v6  }
0x265: {  	v8 =	vld [tilespmem:s19+$0x13C50]  }
0x266: {  	v6 =	vadd.f32 v9, v6;
	_ =	sdelay $0x1  }
0x267: {  	v6 =	vadd.f32 v7, v6;
	_ =	sdelay $0x1  }
0x268: {  	v6 =	vadd.f32 v8, v6;
	_ =	sdelay $0x1  }
0x269: {  	[tilespmem:s19+$0x19C50] =	vst v6  }
0x26a: {  	v6 =	vld [tilespmem:s23+$0x1C60]  }
0x26b: {  	v7 =	vld [tilespmem:s23+$0x1CE0]  }
0x26c: {  	v8 =	vld [tilespmem:s23+$0x1D60];
	_ =	sdelay $0x2  }
0x26d: {  	v9 =	vld [tilespmem:s23+$0x1DE0]  }
0x26e: {  	v6 =	vadd.f32 v7, v6  }
0x26f: {  	v7 =	vld [tilespmem:s19+$0x11C60]  }
0x270: {  	v6 =	vadd.f32 v8, v6  }
0x271: {  	v8 =	vld [tilespmem:s19+$0x13C60]  }
0x272: {  	v6 =	vadd.f32 v9, v6;
	_ =	sdelay $0x1  }
0x273: {  	v6 =	vadd.f32 v7, v6;
	_ =	sdelay $0x1  }
0x274: {  	v6 =	vadd.f32 v8, v6;
	_ =	sdelay $0x1  }
0x275: {  	[tilespmem:s19+$0x19C60] =	vst v6  }
0x276: {  	v6 =	vld [tilespmem:s23+$0x1C70]  }
0x277: {  	v7 =	vld [tilespmem:s23+$0x1CF0]  }
0x278: {  	v8 =	vld [tilespmem:s23+$0x1D70];
	_ =	sdelay $0x2  }
0x279: {  	v9 =	vld [tilespmem:s23+$0x1DF0]  }
0x27a: {  	v6 =	vadd.f32 v7, v6  }
0x27b: {  	v7 =	vld [tilespmem:s19+$0x11C70]  }
0x27c: {  	v6 =	vadd.f32 v8, v6  }
0x27d: {  	v8 =	vld [tilespmem:s19+$0x13C70]  }
0x27e: {  	v6 =	vadd.f32 v9, v6;
	_ =	sdelay $0x1  }
0x27f: {  	s23 =	simm.s32 $0x1;
	v6 =	vadd.f32 v7, v6  }
0x280: {  	s23 =	simm.s32 @!p2 $0x0  }
0x281: {  	s23 =	sshll.u32 s23, $0x9;
	v6 =	vadd.f32 v8, v6  }
0x282: {  	s23 =	sadd.s32 s23, s28  }
0x283: {  	s26 =	sor.u32 $0x400, s23;
	s25 =	sadd.s32 $0x80, s23;
	s24 =	sadd.s32 $0x100, s23;
	[tilespmem:s19+$0x19C70] =	vst v6  }
0x284: {  	s28 =	sor.u32 $0x400, s25;
	v6 =	vld [tilespmem:s26+$0x1C00];
	s26 =	sadd.s32 $0x180, s23  }
0x285: {  	v7 =	vld [tilespmem:s28+$0x1C00];
	s28 =	sor.u32 $0x400, s24  }
0x286: {  	v8 =	vld [tilespmem:s28+$0x1C00];
	_ =	sdelay $0x1  }
0x287: {  	s28 =	sor.u32 $0x400, s26  }
0x288: {  	v9 =	vld [tilespmem:s28+$0x1C00]  }
0x289: {  	v6 =	vadd.f32 v7, v6  }
0x28a: {  	v7 =	vld [tilespmem:s19+$0x12000]  }
0x28b: {  	v6 =	vadd.f32 v8, v6  }
0x28c: {  	v8 =	vld [tilespmem:s19+$0x14000]  }
0x28d: {  	v6 =	vadd.f32 v9, v6;
	_ =	sdelay $0x1  }
0x28e: {  	v6 =	vadd.f32 v7, v6;
	_ =	sdelay $0x1  }
0x28f: {  	v6 =	vadd.f32 v8, v6;
	_ =	sdelay $0x1  }
0x290: {  	s28 =	sor.u32 $0x410, s23;
	[tilespmem:s19+$0x1A000] =	vst v6  }
0x291: {  	v6 =	vld [tilespmem:s28+$0x1C00];
	s28 =	sor.u32 $0x410, s25  }
0x292: {  	v7 =	vld [tilespmem:s28+$0x1C00];
	s28 =	sor.u32 $0x410, s26  }
0x293: {  	s29 =	sor.u32 $0x410, s24;
	v8 =	vld [tilespmem:s28+$0x1C00]  }
0x294: {  	v9 =	vld [tilespmem:s29+$0x1C00];
	_ =	sdelay $0x2  }
0x295: {  	v6 =	vadd.f32 v7, v6  }
0x296: {  	v7 =	vld [tilespmem:s19+$0x12010]  }
0x297: {  	v6 =	vadd.f32 v9, v6  }
0x298: {  	v9 =	vld [tilespmem:s19+$0x14010]  }
0x299: {  	v6 =	vadd.f32 v8, v6;
	_ =	sdelay $0x1  }
0x29a: {  	v6 =	vadd.f32 v7, v6;
	_ =	sdelay $0x1  }
0x29b: {  	v6 =	vadd.f32 v9, v6;
	_ =	sdelay $0x1  }
0x29c: {  	s28 =	sor.u32 $0x420, s23;
	[tilespmem:s19+$0x1A010] =	vst v6  }
0x29d: {  	v6 =	vld [tilespmem:s28+$0x1C00];
	s28 =	sor.u32 $0x420, s25  }
0x29e: {  	v7 =	vld [tilespmem:s28+$0x1C00];
	s28 =	sor.u32 $0x420, s26  }
0x29f: {  	s29 =	sor.u32 $0x420, s24;
	v8 =	vld [tilespmem:s28+$0x1C00]  }
0x2a0: {  	v9 =	vld [tilespmem:s29+$0x1C00];
	_ =	sdelay $0x2  }
0x2a1: {  	v6 =	vadd.f32 v7, v6  }
0x2a2: {  	v7 =	vld [tilespmem:s19+$0x12020]  }
0x2a3: {  	v6 =	vadd.f32 v9, v6  }
0x2a4: {  	v9 =	vld [tilespmem:s19+$0x14020]  }
0x2a5: {  	v6 =	vadd.f32 v8, v6;
	_ =	sdelay $0x1  }
0x2a6: {  	v6 =	vadd.f32 v7, v6;
	_ =	sdelay $0x1  }
0x2a7: {  	v6 =	vadd.f32 v9, v6;
	_ =	sdelay $0x1  }
0x2a8: {  	s28 =	sor.u32 $0x430, s23;
	[tilespmem:s19+$0x1A020] =	vst v6  }
0x2a9: {  	v6 =	vld [tilespmem:s28+$0x1C00];
	s28 =	sor.u32 $0x430, s25  }
0x2aa: {  	v7 =	vld [tilespmem:s28+$0x1C00];
	s28 =	sor.u32 $0x430, s24  }
0x2ab: {  	v8 =	vld [tilespmem:s28+$0x1C00];
	s28 =	sor.u32 $0x430, s26  }
0x2ac: {  	v9 =	vld [tilespmem:s28+$0x1C00];
	_ =	sdelay $0x2  }
0x2ad: {  	v6 =	vadd.f32 v7, v6  }
0x2ae: {  	v7 =	vld [tilespmem:s19+$0x12030]  }
0x2af: {  	v6 =	vadd.f32 v8, v6  }
0x2b0: {  	v8 =	vld [tilespmem:s19+$0x14030]  }
0x2b1: {  	v6 =	vadd.f32 v9, v6;
	_ =	sdelay $0x1  }
0x2b2: {  	v6 =	vadd.f32 v7, v6;
	_ =	sdelay $0x1  }
0x2b3: {  	v6 =	vadd.f32 v8, v6;
	_ =	sdelay $0x1  }
0x2b4: {  	s28 =	sor.u32 $0x440, s23;
	[tilespmem:s19+$0x1A030] =	vst v6  }
0x2b5: {  	v6 =	vld [tilespmem:s28+$0x1C00];
	s28 =	sor.u32 $0x440, s25  }
0x2b6: {  	v7 =	vld [tilespmem:s28+$0x1C00];
	s28 =	sor.u32 $0x440, s24  }
0x2b7: {  	v8 =	vld [tilespmem:s28+$0x1C00];
	s28 =	sor.u32 $0x440, s26  }
0x2b8: {  	v9 =	vld [tilespmem:s28+$0x1C00];
	_ =	sdelay $0x2  }
0x2b9: {  	v6 =	vadd.f32 v7, v6  }
0x2ba: {  	v7 =	vld [tilespmem:s19+$0x12040]  }
0x2bb: {  	v6 =	vadd.f32 v8, v6  }
0x2bc: {  	v8 =	vld [tilespmem:s19+$0x14040]  }
0x2bd: {  	v6 =	vadd.f32 v9, v6;
	_ =	sdelay $0x1  }
0x2be: {  	v6 =	vadd.f32 v7, v6;
	_ =	sdelay $0x1  }
0x2bf: {  	v6 =	vadd.f32 v8, v6;
	_ =	sdelay $0x1  }
0x2c0: {  	s28 =	sor.u32 $0x450, s23;
	[tilespmem:s19+$0x1A040] =	vst v6  }
0x2c1: {  	v6 =	vld [tilespmem:s28+$0x1C00];
	s28 =	sor.u32 $0x450, s25  }
0x2c2: {  	v7 =	vld [tilespmem:s28+$0x1C00];
	s28 =	sor.u32 $0x450, s24  }
0x2c3: {  	v8 =	vld [tilespmem:s28+$0x1C00];
	s28 =	sor.u32 $0x450, s26  }
0x2c4: {  	v9 =	vld [tilespmem:s28+$0x1C00];
	_ =	sdelay $0x2  }
0x2c5: {  	v6 =	vadd.f32 v7, v6  }
0x2c6: {  	v7 =	vld [tilespmem:s19+$0x12050]  }
0x2c7: {  	v6 =	vadd.f32 v8, v6  }
0x2c8: {  	v8 =	vld [tilespmem:s19+$0x14050]  }
0x2c9: {  	v6 =	vadd.f32 v9, v6;
	_ =	sdelay $0x1  }
0x2ca: {  	v6 =	vadd.f32 v7, v6;
	_ =	sdelay $0x1  }
0x2cb: {  	v6 =	vadd.f32 v8, v6;
	_ =	sdelay $0x1  }
0x2cc: {  	s28 =	sor.u32 $0x460, s23;
	[tilespmem:s19+$0x1A050] =	vst v6  }
0x2cd: {  	v6 =	vld [tilespmem:s28+$0x1C00];
	s28 =	sor.u32 $0x460, s25  }
0x2ce: {  	v7 =	vld [tilespmem:s28+$0x1C00];
	s28 =	sor.u32 $0x460, s24  }
0x2cf: {  	v8 =	vld [tilespmem:s28+$0x1C00];
	s28 =	sor.u32 $0x460, s26  }
0x2d0: {  	v9 =	vld [tilespmem:s28+$0x1C00];
	_ =	sdelay $0x2  }
0x2d1: {  	v6 =	vadd.f32 v7, v6  }
0x2d2: {  	v7 =	vld [tilespmem:s19+$0x12060]  }
0x2d3: {  	v6 =	vadd.f32 v8, v6  }
0x2d4: {  	v8 =	vld [tilespmem:s19+$0x14060]  }
.Ltmp6:
0x2d5: {  	v6 =	vadd.f32 v9, v6;
	(pc) =	sbr.rel @p3 .LBB2_9-.Ltmp6, $3  }
0x2d6: {  	_ = 	snop  }
0x2d7: {  	v6 =	vadd.f32 v7, v6;
	_ =	sdelay $0x1  }
0x2d8: {  	s21 =	sadd.s32 $0x200, s21;
	v6 =	vadd.f32 v8, v6  }
0x2d9: {  	_ = 	snop  }
0x2da: {  	s17 =	sor.u32 $0x470, s23;
	[tilespmem:s19+$0x1A060] =	vst v6  }
0x2db: {  	s25 =	sor.u32 $0x470, s25;
	v6 =	vld [tilespmem:s17+$0x1C00]  }
0x2dc: {  	v7 =	vld [tilespmem:s25+$0x1C00]  }
0x2dd: {  	s28 =	sor.u32 $0x470, s24  }
0x2de: {  	v8 =	vld [tilespmem:s28+$0x1C00]  }
0x2df: {  	s29 =	sor.u32 $0x470, s26  }
0x2e0: {  	v9 =	vld [tilespmem:s29+$0x1C00]  }
0x2e1: {  	v6 =	vadd.f32 v7, v6  }
0x2e2: {  	v7 =	vld [tilespmem:s19+$0x12070]  }
0x2e3: {  	v6 =	vadd.f32 v8, v6  }
0x2e4: {  	v63 =	vld [tilespmem:s19+$0x14070]  }
0x2e5: {  	v6 =	vadd.f32 v9, v6;
	_ =	sdelay $0x1  }
.Ltmp7:
0x2e6: {  	v6 =	vadd.f32 v7, v6;
	(pc) =	sbr.rel .LBB2_11-.Ltmp7, $3  }
0x2e7: {  	_ = 	snop  }
0x2e8: {  	v6 =	vadd.f32 v63, v6;
	_ =	sdelay $0x1  }
0x2e9: {  	[tilespmem:s19+$0x1A070] =	vst v6;
	s19 =	smov.u32 s12  }
.LBB2_5:
0x2ea: {  	s17 =	sshll.u32 s14, $0x7  }
0x2eb: {  	s17 =	sand.u32 $0x3FFFFF80, s17  }
0x2ec: {  	v6 =	vld [tilespmem:s17+$0x0];
	_ =	sdelay $0x4  }
0x2ed: {  	v7 =	vshll.u32 v6, $0x1  }
0x2ee: {  	v6 =	vand.u32 $0x7, v6;
	v7 =	vand.u32 $0xFFFFFFF0, v7  }
0x2ef: {  	v6 =	vor.u32 v6, v7  }
0x2f0: {  	v7 =	vperm.xlane v6, v3;
	_ =	sdelay $0x1  }
0x2f1: {  	v6 =	vperm.xlane v6, v5;
	v7 =	vadd.s32 v4, v7;
	_ =	sdelay $0x1  }
0x2f2: {  	v6 =	vadd.s32 v4, v6;
	_ =	sdelay $0x1  }
0x2f3: {  	s19 =	simm.s32 $0x9C00  }
0x2f4: {  	[tilespmem:s19], [sflag:$0x3] =	stream.indirect_vreg.gather [hbm4b:s2+s4], $0x80, v7, vm0, $0xb8;
	[tilespmem:$0x1DC00] =	vst v63  }
0x2f5: {  	s25 =	simm.s32 $0xA400  }
0x2f6: {  	[tilespmem:s25], [sflag:$0x3] =	stream.indirect_vreg.gather [hbm4b:s2+s4], $0x80, v6, vm0, $0xb8;
	[tilespmem:$0x1DC00] =	vst v63  }
0x2f7: {  	v6 =	vld [tilespmem:s17+$0x10];
	_ =	sdelay $0x4  }
0x2f8: {  	v7 =	vshll.u32 v6, $0x1  }
0x2f9: {  	v6 =	vand.u32 $0x7, v6;
	v7 =	vand.u32 $0xFFFFFFF0, v7  }
0x2fa: {  	v6 =	vor.u32 v6, v7  }
0x2fb: {  	v7 =	vperm.xlane v6, v3;
	_ =	sdelay $0x1  }
0x2fc: {  	v6 =	vperm.xlane v6, v5;
	v7 =	vadd.s32 v4, v7;
	_ =	sdelay $0x1  }
0x2fd: {  	v6 =	vadd.s32 v4, v6;
	_ =	sdelay $0x1  }
0x2fe: {  	s26 =	simm.s32 $0xAC00  }
0x2ff: {  	[tilespmem:s26], [sflag:$0x3] =	stream.indirect_vreg.gather [hbm4b:s2+s4], $0x80, v7, vm0, $0xb8;
	[tilespmem:$0x1DC00] =	vst v63  }
0x300: {  	s28 =	simm.s32 $0xB400  }
0x301: {  	[tilespmem:s28], [sflag:$0x3] =	stream.indirect_vreg.gather [hbm4b:s2+s4], $0x80, v6, vm0, $0xb8;
	[tilespmem:$0x1DC00] =	vst v63  }
0x302: {  	v6 =	vld [tilespmem:s17+$0x20];
	_ =	sdelay $0x4  }
0x303: {  	v7 =	vshll.u32 v6, $0x1  }
0x304: {  	v6 =	vand.u32 $0x7, v6;
	v7 =	vand.u32 $0xFFFFFFF0, v7  }
0x305: {  	v6 =	vor.u32 v6, v7  }
0x306: {  	v7 =	vperm.xlane v6, v3;
	_ =	sdelay $0x1  }
0x307: {  	v6 =	vperm.xlane v6, v5;
	v7 =	vadd.s32 v4, v7;
	_ =	sdelay $0x1  }
0x308: {  	v6 =	vadd.s32 v4, v6;
	_ =	sdelay $0x1  }
0x309: {  	s29 =	simm.s32 $0xBC00  }
0x30a: {  	[tilespmem:s29], [sflag:$0x3] =	stream.indirect_vreg.gather [hbm4b:s2+s4], $0x80, v7, vm0, $0xb8;
	[tilespmem:$0x1DC00] =	vst v63  }
0x30b: {  	s20 =	simm.s32 $0xC400  }
0x30c: {  	[tilespmem:s20], [sflag:$0x3] =	stream.indirect_vreg.gather [hbm4b:s2+s4], $0x80, v6, vm0, $0xb8;
	[tilespmem:$0x1DC00] =	vst v63  }
0x30d: {  	v6 =	vld [tilespmem:s17+$0x30];
	_ =	sdelay $0x4  }
0x30e: {  	v7 =	vshll.u32 v6, $0x1  }
0x30f: {  	v6 =	vand.u32 $0x7, v6;
	v7 =	vand.u32 $0xFFFFFFF0, v7  }
0x310: {  	v6 =	vor.u32 v6, v7  }
0x311: {  	v7 =	vperm.xlane v6, v3;
	_ =	sdelay $0x1  }
0x312: {  	v6 =	vperm.xlane v6, v5;
	v7 =	vadd.s32 v4, v7;
	_ =	sdelay $0x1  }
0x313: {  	v6 =	vadd.s32 v4, v6;
	_ =	sdelay $0x1  }
0x314: {  	s21 =	simm.s32 $0xCC00  }
0x315: {  	[tilespmem:s21], [sflag:$0x3] =	stream.indirect_vreg.gather [hbm4b:s2+s4], $0x80, v7, vm0, $0xb8;
	[tilespmem:$0x1DC00] =	vst v63  }
0x316: {  	s22 =	simm.s32 $0xD400  }
0x317: {  	[tilespmem:s22], [sflag:$0x3] =	stream.indirect_vreg.gather [hbm4b:s2+s4], $0x80, v6, vm0, $0xb8;
	[tilespmem:$0x1DC00] =	vst v63  }
0x318: {  	v6 =	vld [tilespmem:s17+$0x40];
	_ =	sdelay $0x4  }
0x319: {  	v7 =	vshll.u32 v6, $0x1  }
0x31a: {  	v6 =	vand.u32 $0x7, v6;
	v7 =	vand.u32 $0xFFFFFFF0, v7  }
0x31b: {  	v6 =	vor.u32 v6, v7  }
0x31c: {  	v7 =	vperm.xlane v6, v3;
	_ =	sdelay $0x1  }
0x31d: {  	v6 =	vperm.xlane v6, v5;
	v7 =	vadd.s32 v4, v7;
	_ =	sdelay $0x1  }
0x31e: {  	v6 =	vadd.s32 v4, v6;
	_ =	sdelay $0x1  }
0x31f: {  	s23 =	simm.s32 $0xDC00  }
0x320: {  	[tilespmem:s23], [sflag:$0x5] =	stream.indirect_vreg.gather [hbm4b:s2+s4], $0x80, v7, vm0, $0xb8;
	[tilespmem:$0x1DC00] =	vst v63  }
0x321: {  	s24 =	simm.s32 $0xE400  }
0x322: {  	[tilespmem:s24], [sflag:$0x5] =	stream.indirect_vreg.gather [hbm4b:s2+s4], $0x80, v6, vm0, $0xb8;
	[tilespmem:$0x1DC00] =	vst v63  }
0x323: {  	v6 =	vld [tilespmem:s17+$0x50];
	_ =	sdelay $0x4  }
0x324: {  	v7 =	vshll.u32 v6, $0x1  }
0x325: {  	v6 =	vand.u32 $0x7, v6;
	v7 =	vand.u32 $0xFFFFFFF0, v7  }
0x326: {  	v6 =	vor.u32 v6, v7  }
0x327: {  	v7 =	vperm.xlane v6, v3;
	_ =	sdelay $0x1  }
0x328: {  	v6 =	vperm.xlane v6, v5;
	v7 =	vadd.s32 v4, v7;
	_ =	sdelay $0x1  }
0x329: {  	v6 =	vadd.s32 v4, v6;
	_ =	sdelay $0x1  }
0x32a: {  	s25 =	simm.s32 $0xEC00  }
0x32b: {  	[tilespmem:s25], [sflag:$0x5] =	stream.indirect_vreg.gather [hbm4b:s2+s4], $0x80, v7, vm0, $0xb8;
	[tilespmem:$0x1DC00] =	vst v63  }
0x32c: {  	s26 =	simm.s32 $0xF400  }
0x32d: {  	[tilespmem:s26], [sflag:$0x5] =	stream.indirect_vreg.gather [hbm4b:s2+s4], $0x80, v6, vm0, $0xb8;
	[tilespmem:$0x1DC00] =	vst v63  }
0x32e: {  	v6 =	vld [tilespmem:s17+$0x60];
	_ =	sdelay $0x4  }
0x32f: {  	v7 =	vshll.u32 v6, $0x1  }
0x330: {  	v6 =	vand.u32 $0x7, v6;
	v7 =	vand.u32 $0xFFFFFFF0, v7  }
0x331: {  	v6 =	vor.u32 v6, v7  }
0x332: {  	v7 =	vperm.xlane v6, v3;
	_ =	sdelay $0x1  }
0x333: {  	v6 =	vperm.xlane v6, v5;
	v7 =	vadd.s32 v4, v7;
	_ =	sdelay $0x1  }
0x334: {  	v6 =	vadd.s32 v4, v6;
	_ =	sdelay $0x1  }
0x335: {  	s28 =	simm.s32 $0xFC00  }
0x336: {  	[tilespmem:s28], [sflag:$0x5] =	stream.indirect_vreg.gather [hbm4b:s2+s4], $0x80, v7, vm0, $0xb8;
	[tilespmem:$0x1DC00] =	vst v63  }
0x337: {  	s29 =	simm.s32 $0x10400  }
0x338: {  	[tilespmem:s29], [sflag:$0x5] =	stream.indirect_vreg.gather [hbm4b:s2+s4], $0x80, v6, vm0, $0xb8;
	[tilespmem:$0x1DC00] =	vst v63  }
0x339: {  	v6 =	vld [tilespmem:s17+$0x70];
	_ =	sdelay $0x4  }
0x33a: {  	v7 =	vshll.u32 v6, $0x1  }
0x33b: {  	v6 =	vand.u32 $0x7, v6;
	v7 =	vand.u32 $0xFFFFFFF0, v7  }
0x33c: {  	v6 =	vor.u32 v6, v7  }
0x33d: {  	v7 =	vperm.xlane v6, v3;
	_ =	sdelay $0x1  }
0x33e: {  	v6 =	vperm.xlane v6, v5;
	v7 =	vadd.s32 v4, v7;
	_ =	sdelay $0x1  }
0x33f: {  	v6 =	vadd.s32 v4, v6;
	_ =	sdelay $0x1  }
0x340: {  	s20 =	simm.s32 $0x10C00  }
0x341: {  	[tilespmem:s20], [sflag:$0x5] =	stream.indirect_vreg.gather [hbm4b:s2+s4], $0x80, v7, vm0, $0xb8;
	[tilespmem:$0x1DC00] =	vst v63  }
0x342: {  	s21 =	simm.s32 $0x11400;
	s22 =	sshll.u32 s14, $0xA  }
0x343: {  	[tilespmem:s21], [sflag:$0x5] =	stream.indirect_vreg.gather [hbm4b:s2+s4], $0x80, v6, vm0, $0xb8;
	[tilespmem:$0x1DC00] =	vst v63  }
0x344: {  	s23 =	simm.s32 $0x15C00;
	s17 =	sadd.s32 s22, s11  }
0x345: {  	[tilespmem:s23], [sflag:$0x7] =	stream.linear.gather [hbm4b:s17+s4], $0x2000, $0x38;
	[tilespmem:$0x1DC00] =	vst v63  }
0x346: {  	_ =	swait.ge [sflag:s30], $0x4000  }
0x347: {  	[sflag:s30] =	ssyncset.done $0x0  }
0x348: {  	[sflag:s30] =	ssyncadd.s32 $0xFFFFC000  }
0x349: {  	_ =	swait.ge [sflag:s31], $0x4000  }
0x34a: {  	[sflag:s31] =	ssyncset.done $0x0  }
0x34b: {  	[sflag:s31] =	ssyncadd.s32 $0xFFFFC000  }
0x34c: {  	_ =	swait.ge [sflag:s1], $0x2000  }
0x34d: {  	p1 =	seq.s32 s10, $0x0;
	[sflag:s1] =	ssyncset.done $0x0  }
0x34e: {  	s19 =	simm.s32 @!p1 $0x8;
	[sflag:s1] =	ssyncadd.s32 $0xFFFFE000  }
0x34f: {  	s17 =	simm.s32 $0x0;
	_ =	swait.ge @!p1 [sflag:s19], $0x2000  }
0x350: {  	s20 =	sand.u32 $0x7800, s17;
	s21 =	sand.u32 $0x200, s17;
	[sflag:s19] =	ssyncset.done @!p1 $0x0  }
0x351: {  	s20 =	sor.u32 s21, s20;
	[sflag:s19] =	ssyncadd.s32 @!p1 $0xFFFFE000  }
0x352: {  	v6 =	vld [tilespmem:s20+$0x1C00]  }
0x353: {  	v7 =	vld [tilespmem:s20+$0x1C80];
	_ =	sdelay $0x1  }
0x354: {  	v8 =	vld [tilespmem:s20+$0x1D00];
	_ =	sdelay $0x1  }
0x355: {  	s24 =	sand.u32 $0x1800, s17;
	s25 =	sand.u32 $0x380, s17;
	v9 =	vld [tilespmem:s20+$0x1D80]  }
0x356: {  	s19 =	sor.u32 s25, s24;
	v6 =	vadd.f32 v7, v6  }
0x357: {  	v7 =	vld [tilespmem:s19+$0x11C00]  }
0x358: {  	v6 =	vadd.f32 v8, v6;
	_ =	sdelay $0x1  }
0x359: {  	v6 =	vadd.f32 v9, v6;
	_ =	sdelay $0x1  }
0x35a: {  	v6 =	vadd.f32 v7, v6;
	_ =	sdelay $0x1  }
0x35b: {  	[tilespmem:s19+$0x19C00] =	vst v6  }
0x35c: {  	v6 =	vld [tilespmem:s20+$0x1C10]  }
0x35d: {  	v7 =	vld [tilespmem:s20+$0x1C90];
	_ =	sdelay $0x1  }
0x35e: {  	v8 =	vld [tilespmem:s20+$0x1D10];
	_ =	sdelay $0x1  }
0x35f: {  	v50 =	vld [tilespmem:s20+$0x1D90]  }
0x360: {  	v6 =	vadd.f32 v7, v6  }
0x361: {  	v7 =	vld [tilespmem:s19+$0x11C10]  }
0x362: {  	v6 =	vadd.f32 v8, v6;
	_ =	sdelay $0x1  }
0x363: {  	v6 =	vadd.f32 v50, v6;
	_ =	sdelay $0x1  }
0x364: {  	v6 =	vadd.f32 v7, v6;
	_ =	sdelay $0x1  }
0x365: {  	[tilespmem:s19+$0x19C10] =	vst v6  }
0x366: {  	v6 =	vld [tilespmem:s20+$0x1C20]  }
0x367: {  	v7 =	vld [tilespmem:s20+$0x1CA0];
	_ =	sdelay $0x1  }
0x368: {  	v8 =	vld [tilespmem:s20+$0x1D20];
	_ =	sdelay $0x1  }
0x369: {  	v51 =	vld [tilespmem:s20+$0x1DA0]  }
0x36a: {  	v6 =	vadd.f32 v7, v6  }
0x36b: {  	v7 =	vld [tilespmem:s19+$0x11C20]  }
0x36c: {  	v6 =	vadd.f32 v8, v6;
	_ =	sdelay $0x1  }
0x36d: {  	v6 =	vadd.f32 v51, v6;
	_ =	sdelay $0x1  }
0x36e: {  	v6 =	vadd.f32 v7, v6;
	_ =	sdelay $0x1  }
0x36f: {  	[tilespmem:s19+$0x19C20] =	vst v6  }
0x370: {  	v6 =	vld [tilespmem:s20+$0x1C30]  }
0x371: {  	v7 =	vld [tilespmem:s20+$0x1CB0];
	_ =	sdelay $0x1  }
0x372: {  	v8 =	vld [tilespmem:s20+$0x1D30];
	_ =	sdelay $0x1  }
0x373: {  	v52 =	vld [tilespmem:s20+$0x1DB0]  }
0x374: {  	v6 =	vadd.f32 v7, v6  }
0x375: {  	v7 =	vld [tilespmem:s19+$0x11C30]  }
0x376: {  	v6 =	vadd.f32 v8, v6;
	_ =	sdelay $0x1  }
0x377: {  	v6 =	vadd.f32 v52, v6;
	_ =	sdelay $0x1  }
0x378: {  	v6 =	vadd.f32 v7, v6;
	_ =	sdelay $0x1  }
0x379: {  	[tilespmem:s19+$0x19C30] =	vst v6  }
0x37a: {  	v6 =	vld [tilespmem:s20+$0x1C40]  }
0x37b: {  	v7 =	vld [tilespmem:s20+$0x1CC0];
	_ =	sdelay $0x1  }
0x37c: {  	v8 =	vld [tilespmem:s20+$0x1D40];
	_ =	sdelay $0x1  }
0x37d: {  	v53 =	vld [tilespmem:s20+$0x1DC0]  }
0x37e: {  	v6 =	vadd.f32 v7, v6  }
0x37f: {  	v7 =	vld [tilespmem:s19+$0x11C40]  }
0x380: {  	v6 =	vadd.f32 v8, v6;
	_ =	sdelay $0x1  }
0x381: {  	v6 =	vadd.f32 v53, v6;
	_ =	sdelay $0x1  }
0x382: {  	v6 =	vadd.f32 v7, v6;
	_ =	sdelay $0x1  }
0x383: {  	[tilespmem:s19+$0x19C40] =	vst v6  }
0x384: {  	v6 =	vld [tilespmem:s20+$0x1C50]  }
0x385: {  	v7 =	vld [tilespmem:s20+$0x1CD0];
	_ =	sdelay $0x1  }
0x386: {  	v8 =	vld [tilespmem:s20+$0x1D50];
	_ =	sdelay $0x1  }
0x387: {  	v54 =	vld [tilespmem:s20+$0x1DD0]  }
0x388: {  	v6 =	vadd.f32 v7, v6  }
0x389: {  	v7 =	vld [tilespmem:s19+$0x11C50]  }
0x38a: {  	v6 =	vadd.f32 v8, v6;
	_ =	sdelay $0x1  }
0x38b: {  	v6 =	vadd.f32 v54, v6;
	_ =	sdelay $0x1  }
0x38c: {  	v6 =	vadd.f32 v7, v6;
	_ =	sdelay $0x1  }
0x38d: {  	[tilespmem:s19+$0x19C50] =	vst v6  }
0x38e: {  	v6 =	vld [tilespmem:s20+$0x1C60]  }
0x38f: {  	v7 =	vld [tilespmem:s20+$0x1CE0];
	_ =	sdelay $0x1  }
0x390: {  	v8 =	vld [tilespmem:s20+$0x1D60];
	_ =	sdelay $0x1  }
0x391: {  	v55 =	vld [tilespmem:s20+$0x1DE0]  }
0x392: {  	v6 =	vadd.f32 v7, v6  }
0x393: {  	v7 =	vld [tilespmem:s19+$0x11C60]  }
0x394: {  	v6 =	vadd.f32 v8, v6;
	_ =	sdelay $0x1  }
0x395: {  	v6 =	vadd.f32 v55, v6;
	_ =	sdelay $0x1  }
0x396: {  	v6 =	vadd.f32 v7, v6;
	_ =	sdelay $0x1  }
0x397: {  	[tilespmem:s19+$0x19C60] =	vst v6  }
0x398: {  	v6 =	vld [tilespmem:s20+$0x1C70]  }
0x399: {  	v7 =	vld [tilespmem:s20+$0x1CF0];
	_ =	sdelay $0x1  }
0x39a: {  	v8 =	vld [tilespmem:s20+$0x1D70];
	_ =	sdelay $0x1  }
0x39b: {  	v56 =	vld [tilespmem:s20+$0x1DF0]  }
0x39c: {  	v6 =	vadd.f32 v7, v6  }
0x39d: {  	v7 =	vld [tilespmem:s19+$0x11C70]  }
0x39e: {  	v6 =	vadd.f32 v8, v6;
	_ =	sdelay $0x1  }
0x39f: {  	p2 =	por $0x0, $0x0;
	s20 =	simm.s32 $0x1;
	v6 =	vadd.f32 v56, v6  }
0x3a0: {  	s20 =	simm.s32 @!p2 $0x0  }
0x3a1: {  	s20 =	sshll.u32 s20, $0x9;
	v6 =	vadd.f32 v7, v6  }
0x3a2: {  	s23 =	sadd.s32 $0x0, s20  }
0x3a3: {  	s20 =	sor.u32 $0x400, s23;
	s25 =	sadd.s32 $0x80, s23;
	[tilespmem:s19+$0x19C70] =	vst v6  }
0x3a4: {  	s26 =	sor.u32 $0x400, s25;
	v6 =	vld [tilespmem:s20+$0x1C00]  }
0x3a5: {  	s24 =	sadd.s32 $0x100, s23;
	v7 =	vld [tilespmem:s26+$0x1C00]  }
0x3a6: {  	s28 =	sor.u32 $0x400, s24  }
0x3a7: {  	s26 =	sadd.s32 $0x180, s23;
	v8 =	vld [tilespmem:s28+$0x1C00]  }
0x3a8: {  	s29 =	sor.u32 $0x400, s26  }
0x3a9: {  	v57 =	vld [tilespmem:s29+$0x1C00]  }
0x3aa: {  	v6 =	vadd.f32 v7, v6  }
0x3ab: {  	v7 =	vld [tilespmem:s19+$0x12000]  }
0x3ac: {  	v6 =	vadd.f32 v8, v6;
	_ =	sdelay $0x1  }
0x3ad: {  	v6 =	vadd.f32 v57, v6;
	_ =	sdelay $0x1  }
0x3ae: {  	v6 =	vadd.f32 v7, v6;
	_ =	sdelay $0x1  }
0x3af: {  	s21 =	sor.u32 $0x410, s23;
	[tilespmem:s19+$0x1A000] =	vst v6  }
0x3b0: {  	s22 =	sor.u32 $0x410, s25;
	v6 =	vld [tilespmem:s21+$0x1C00]  }
0x3b1: {  	v7 =	vld [tilespmem:s22+$0x1C00]  }
0x3b2: {  	s28 =	sor.u32 $0x410, s24  }
0x3b3: {  	v8 =	vld [tilespmem:s28+$0x1C00]  }
0x3b4: {  	s29 =	sor.u32 $0x410, s26  }
0x3b5: {  	v58 =	vld [tilespmem:s29+$0x1C00]  }
0x3b6: {  	v6 =	vadd.f32 v7, v6  }
0x3b7: {  	v7 =	vld [tilespmem:s19+$0x12010]  }
0x3b8: {  	v6 =	vadd.f32 v8, v6;
	_ =	sdelay $0x1  }
0x3b9: {  	v6 =	vadd.f32 v58, v6;
	_ =	sdelay $0x1  }
0x3ba: {  	v6 =	vadd.f32 v7, v6;
	_ =	sdelay $0x1  }
0x3bb: {  	s21 =	sor.u32 $0x420, s23;
	[tilespmem:s19+$0x1A010] =	vst v6  }
0x3bc: {  	s22 =	sor.u32 $0x420, s25;
	v6 =	vld [tilespmem:s21+$0x1C00]  }
0x3bd: {  	v7 =	vld [tilespmem:s22+$0x1C00]  }
0x3be: {  	s28 =	sor.u32 $0x420, s24  }
0x3bf: {  	v8 =	vld [tilespmem:s28+$0x1C00]  }
0x3c0: {  	s29 =	sor.u32 $0x420, s26  }
0x3c1: {  	v59 =	vld [tilespmem:s29+$0x1C00]  }
0x3c2: {  	v6 =	vadd.f32 v7, v6  }
0x3c3: {  	v7 =	vld [tilespmem:s19+$0x12020]  }
0x3c4: {  	v6 =	vadd.f32 v8, v6;
	_ =	sdelay $0x1  }
0x3c5: {  	v6 =	vadd.f32 v59, v6;
	_ =	sdelay $0x1  }
0x3c6: {  	v6 =	vadd.f32 v7, v6;
	_ =	sdelay $0x1  }
0x3c7: {  	s21 =	sor.u32 $0x430, s23;
	[tilespmem:s19+$0x1A020] =	vst v6  }
0x3c8: {  	s22 =	sor.u32 $0x430, s25;
	v6 =	vld [tilespmem:s21+$0x1C00]  }
0x3c9: {  	v7 =	vld [tilespmem:s22+$0x1C00]  }
0x3ca: {  	s28 =	sor.u32 $0x430, s24  }
0x3cb: {  	v8 =	vld [tilespmem:s28+$0x1C00]  }
0x3cc: {  	s29 =	sor.u32 $0x430, s26  }
0x3cd: {  	v60 =	vld [tilespmem:s29+$0x1C00]  }
0x3ce: {  	v6 =	vadd.f32 v7, v6  }
0x3cf: {  	v7 =	vld [tilespmem:s19+$0x12030]  }
0x3d0: {  	v6 =	vadd.f32 v8, v6;
	_ =	sdelay $0x1  }
0x3d1: {  	v6 =	vadd.f32 v60, v6;
	_ =	sdelay $0x1  }
0x3d2: {  	v6 =	vadd.f32 v7, v6;
	_ =	sdelay $0x1  }
0x3d3: {  	s21 =	sor.u32 $0x440, s23;
	[tilespmem:s19+$0x1A030] =	vst v6  }
0x3d4: {  	s22 =	sor.u32 $0x440, s25;
	v6 =	vld [tilespmem:s21+$0x1C00]  }
0x3d5: {  	v7 =	vld [tilespmem:s22+$0x1C00]  }
0x3d6: {  	s28 =	sor.u32 $0x440, s24  }
0x3d7: {  	v8 =	vld [tilespmem:s28+$0x1C00]  }
0x3d8: {  	s29 =	sor.u32 $0x440, s26  }
0x3d9: {  	v61 =	vld [tilespmem:s29+$0x1C00]  }
0x3da: {  	v6 =	vadd.f32 v7, v6  }
0x3db: {  	v7 =	vld [tilespmem:s19+$0x12040]  }
0x3dc: {  	v6 =	vadd.f32 v8, v6;
	_ =	sdelay $0x1  }
0x3dd: {  	v6 =	vadd.f32 v61, v6;
	_ =	sdelay $0x1  }
0x3de: {  	v6 =	vadd.f32 v7, v6;
	_ =	sdelay $0x1  }
0x3df: {  	s21 =	sor.u32 $0x450, s23;
	[tilespmem:s19+$0x1A040] =	vst v6  }
0x3e0: {  	s22 =	sor.u32 $0x450, s25;
	v6 =	vld [tilespmem:s21+$0x1C00]  }
0x3e1: {  	v7 =	vld [tilespmem:s22+$0x1C00]  }
0x3e2: {  	s28 =	sor.u32 $0x450, s24  }
0x3e3: {  	v8 =	vld [tilespmem:s28+$0x1C00]  }
0x3e4: {  	s29 =	sor.u32 $0x450, s26  }
0x3e5: {  	v62 =	vld [tilespmem:s29+$0x1C00]  }
0x3e6: {  	v6 =	vadd.f32 v7, v6  }
0x3e7: {  	v7 =	vld [tilespmem:s19+$0x12050]  }
0x3e8: {  	v6 =	vadd.f32 v8, v6;
	_ =	sdelay $0x1  }
0x3e9: {  	v6 =	vadd.f32 v62, v6;
	_ =	sdelay $0x1  }
0x3ea: {  	v6 =	vadd.f32 v7, v6;
	_ =	sdelay $0x1  }
0x3eb: {  	s21 =	sor.u32 $0x460, s23;
	[tilespmem:s19+$0x1A050] =	vst v6  }
0x3ec: {  	s22 =	sor.u32 $0x460, s25;
	v6 =	vld [tilespmem:s21+$0x1C00]  }
0x3ed: {  	v7 =	vld [tilespmem:s22+$0x1C00]  }
0x3ee: {  	s28 =	sor.u32 $0x460, s24  }
0x3ef: {  	v8 =	vld [tilespmem:s28+$0x1C00];
	_ =	sdelay $0x1  }
0x3f0: {  	s29 =	sor.u32 $0x460, s26  }
0x3f1: {  	v63 =	vld [tilespmem:s29+$0x1C00];
	v6 =	vadd.f32 v7, v6;
	_ =	sdelay $0x1  }
0x3f2: {  	v7 =	vadd.f32 v8, v6;
	v6 =	vld [tilespmem:s19+$0x12060];
	_ =	sdelay $0x2  }
0x3f3: {  	s20 =	simm.s32 $0x400;
	s21 =	simm.s32 $0x200;
	s22 =	simm.s32 $0x0;
	v7 =	vadd.f32 v63, v7  }
.LBB2_6:
0x3f4: {  	s17 =	sadd.s32 $0x80, s17;
	s22 =	sadd.s32 $0x100, s22;
	p2 =	por !p2, !p2  }
0x3f5: {  	p3 =	seq.s32 s20, $0x7C00;
	s28 =	smov.u32 s20;
	s20 =	sadd.s32 $0x400, s20;
	v6 =	vadd.f32 v6, v7  }
0x3f6: {  	_ = 	snop  }
0x3f7: {  	s23 =	sor.u32 $0x470, s23;
	[tilespmem:s19+$0x1A060] =	vst v6  }
0x3f8: {  	v6 =	vld [tilespmem:s23+$0x1C00];
	s23 =	sor.u32 $0x470, s25  }
0x3f9: {  	v7 =	vld [tilespmem:s23+$0x1C00];
	s23 =	sor.u32 $0x470, s24  }
0x3fa: {  	v8 =	vld [tilespmem:s23+$0x1C00];
	s23 =	sor.u32 $0x470, s26  }
0x3fb: {  	v9 =	vld [tilespmem:s23+$0x1C00];
	_ =	sdelay $0x1  }
0x3fc: {  	v10 =	vld [tilespmem:s19+$0x12070]  }
0x3fd: {  	v6 =	vadd.f32 v7, v6;
	_ =	sdelay $0x1  }
0x3fe: {  	v6 =	vadd.f32 v8, v6;
	_ =	sdelay $0x1  }
0x3ff: {  	v6 =	vadd.f32 v9, v6  }
0x400: {  	s24 =	sand.u32 $0x200, s21;
	s23 =	sand.u32 $0x7800, s28  }
0x401: {  	s23 =	sor.u32 s24, s23;
	v6 =	vadd.f32 v10, v6;
	_ =	sdelay $0x1  }
0x402: {  	[tilespmem:s19+$0x1A070] =	vst v6  }
0x403: {  	v6 =	vld [tilespmem:s23+$0x1C00]  }
0x404: {  	v7 =	vld [tilespmem:s23+$0x1C80]  }
0x405: {  	v8 =	vld [tilespmem:s23+$0x1D00]  }
0x406: {  	v9 =	vld [tilespmem:s23+$0x1D80];
	_ =	sdelay $0x1  }
0x407: {  	s24 =	sand.u32 $0x380, s17;
	s19 =	sand.u32 $0x1800, s22  }
0x408: {  	s19 =	sor.u32 s24, s19;
	v6 =	vadd.f32 v7, v6  }
0x409: {  	v7 =	vld [tilespmem:s19+$0x11C00]  }
0x40a: {  	v6 =	vadd.f32 v8, v6;
	_ =	sdelay $0x1  }
0x40b: {  	v6 =	vadd.f32 v9, v6;
	_ =	sdelay $0x1  }
0x40c: {  	v6 =	vadd.f32 v7, v6;
	_ =	sdelay $0x1  }
0x40d: {  	[tilespmem:s19+$0x19C00] =	vst v6  }
0x40e: {  	v6 =	vld [tilespmem:s23+$0x1C10]  }
0x40f: {  	v7 =	vld [tilespmem:s23+$0x1C90];
	_ =	sdelay $0x1  }
0x410: {  	v8 =	vld [tilespmem:s23+$0x1D10];
	_ =	sdelay $0x1  }
0x411: {  	v9 =	vld [tilespmem:s23+$0x1D90]  }
0x412: {  	v6 =	vadd.f32 v7, v6  }
0x413: {  	v7 =	vld [tilespmem:s19+$0x11C10]  }
0x414: {  	v6 =	vadd.f32 v8, v6;
	_ =	sdelay $0x1  }
0x415: {  	v6 =	vadd.f32 v9, v6;
	_ =	sdelay $0x1  }
0x416: {  	v6 =	vadd.f32 v7, v6;
	_ =	sdelay $0x1  }
0x417: {  	[tilespmem:s19+$0x19C10] =	vst v6  }
0x418: {  	v6 =	vld [tilespmem:s23+$0x1C20]  }
0x419: {  	v7 =	vld [tilespmem:s23+$0x1CA0];
	_ =	sdelay $0x1  }
0x41a: {  	v8 =	vld [tilespmem:s23+$0x1D20];
	_ =	sdelay $0x1  }
0x41b: {  	v9 =	vld [tilespmem:s23+$0x1DA0]  }
0x41c: {  	v6 =	vadd.f32 v7, v6  }
0x41d: {  	v7 =	vld [tilespmem:s19+$0x11C20]  }
0x41e: {  	v6 =	vadd.f32 v8, v6;
	_ =	sdelay $0x1  }
0x41f: {  	v6 =	vadd.f32 v9, v6;
	_ =	sdelay $0x1  }
0x420: {  	v6 =	vadd.f32 v7, v6;
	_ =	sdelay $0x1  }
0x421: {  	[tilespmem:s19+$0x19C20] =	vst v6  }
0x422: {  	v6 =	vld [tilespmem:s23+$0x1C30]  }
0x423: {  	v7 =	vld [tilespmem:s23+$0x1CB0];
	_ =	sdelay $0x1  }
0x424: {  	v8 =	vld [tilespmem:s23+$0x1D30];
	_ =	sdelay $0x1  }
0x425: {  	v9 =	vld [tilespmem:s23+$0x1DB0]  }
0x426: {  	v6 =	vadd.f32 v7, v6  }
0x427: {  	v7 =	vld [tilespmem:s19+$0x11C30]  }
0x428: {  	v6 =	vadd.f32 v8, v6;
	_ =	sdelay $0x1  }
0x429: {  	v6 =	vadd.f32 v9, v6;
	_ =	sdelay $0x1  }
0x42a: {  	v6 =	vadd.f32 v7, v6;
	_ =	sdelay $0x1  }
0x42b: {  	[tilespmem:s19+$0x19C30] =	vst v6  }
0x42c: {  	v6 =	vld [tilespmem:s23+$0x1C40]  }
0x42d: {  	v7 =	vld [tilespmem:s23+$0x1CC0];
	_ =	sdelay $0x1  }
0x42e: {  	v8 =	vld [tilespmem:s23+$0x1D40];
	_ =	sdelay $0x1  }
0x42f: {  	v9 =	vld [tilespmem:s23+$0x1DC0]  }
0x430: {  	v6 =	vadd.f32 v7, v6  }
0x431: {  	v7 =	vld [tilespmem:s19+$0x11C40]  }
0x432: {  	v6 =	vadd.f32 v8, v6;
	_ =	sdelay $0x1  }
0x433: {  	v6 =	vadd.f32 v9, v6;
	_ =	sdelay $0x1  }
0x434: {  	v6 =	vadd.f32 v7, v6;
	_ =	sdelay $0x1  }
0x435: {  	[tilespmem:s19+$0x19C40] =	vst v6  }
0x436: {  	v6 =	vld [tilespmem:s23+$0x1C50]  }
0x437: {  	v7 =	vld [tilespmem:s23+$0x1CD0];
	_ =	sdelay $0x1  }
0x438: {  	v8 =	vld [tilespmem:s23+$0x1D50];
	_ =	sdelay $0x1  }
0x439: {  	v9 =	vld [tilespmem:s23+$0x1DD0]  }
0x43a: {  	v6 =	vadd.f32 v7, v6  }
0x43b: {  	v7 =	vld [tilespmem:s19+$0x11C50]  }
0x43c: {  	v6 =	vadd.f32 v8, v6;
	_ =	sdelay $0x1  }
0x43d: {  	v6 =	vadd.f32 v9, v6;
	_ =	sdelay $0x1  }
0x43e: {  	v6 =	vadd.f32 v7, v6;
	_ =	sdelay $0x1  }
0x43f: {  	[tilespmem:s19+$0x19C50] =	vst v6  }
0x440: {  	v6 =	vld [tilespmem:s23+$0x1C60]  }
0x441: {  	v7 =	vld [tilespmem:s23+$0x1CE0]  }
0x442: {  	v8 =	vld [tilespmem:s23+$0x1DE0]  }
0x443: {  	v9 =	vld [tilespmem:s23+$0x1D60];
	_ =	sdelay $0x2  }
0x444: {  	v6 =	vadd.f32 v7, v6  }
0x445: {  	v7 =	vld [tilespmem:s19+$0x11C60]  }
0x446: {  	v6 =	vadd.f32 v9, v6;
	_ =	sdelay $0x1  }
0x447: {  	v6 =	vadd.f32 v8, v6;
	_ =	sdelay $0x1  }
0x448: {  	v6 =	vadd.f32 v7, v6;
	_ =	sdelay $0x1  }
0x449: {  	[tilespmem:s19+$0x19C60] =	vst v6  }
0x44a: {  	v6 =	vld [tilespmem:s23+$0x1C70]  }
0x44b: {  	v7 =	vld [tilespmem:s23+$0x1CF0]  }
0x44c: {  	v8 =	vld [tilespmem:s23+$0x1D70];
	_ =	sdelay $0x2  }
0x44d: {  	v9 =	vld [tilespmem:s23+$0x1DF0]  }
0x44e: {  	v6 =	vadd.f32 v7, v6  }
0x44f: {  	v7 =	vld [tilespmem:s19+$0x11C70]  }
0x450: {  	v6 =	vadd.f32 v8, v6;
	_ =	sdelay $0x1  }
0x451: {  	s23 =	simm.s32 $0x1;
	v6 =	vadd.f32 v9, v6  }
0x452: {  	s23 =	simm.s32 @!p2 $0x0  }
0x453: {  	s23 =	sshll.u32 s23, $0x9;
	v6 =	vadd.f32 v7, v6  }
0x454: {  	s23 =	sadd.s32 s23, s28  }
0x455: {  	s26 =	sor.u32 $0x400, s23;
	s25 =	sadd.s32 $0x80, s23;
	s24 =	sadd.s32 $0x100, s23;
	[tilespmem:s19+$0x19C70] =	vst v6  }
0x456: {  	s28 =	sor.u32 $0x400, s25;
	v6 =	vld [tilespmem:s26+$0x1C00];
	s26 =	sadd.s32 $0x180, s23  }
0x457: {  	v7 =	vld [tilespmem:s28+$0x1C00];
	s28 =	sor.u32 $0x400, s24  }
0x458: {  	v8 =	vld [tilespmem:s28+$0x1C00];
	_ =	sdelay $0x1  }
0x459: {  	s28 =	sor.u32 $0x400, s26  }
0x45a: {  	v9 =	vld [tilespmem:s28+$0x1C00]  }
0x45b: {  	v6 =	vadd.f32 v7, v6  }
0x45c: {  	v7 =	vld [tilespmem:s19+$0x12000]  }
0x45d: {  	v6 =	vadd.f32 v8, v6;
	_ =	sdelay $0x1  }
0x45e: {  	v6 =	vadd.f32 v9, v6;
	_ =	sdelay $0x1  }
0x45f: {  	v6 =	vadd.f32 v7, v6;
	_ =	sdelay $0x1  }
0x460: {  	s28 =	sor.u32 $0x410, s23;
	[tilespmem:s19+$0x1A000] =	vst v6  }
0x461: {  	v6 =	vld [tilespmem:s28+$0x1C00];
	s28 =	sor.u32 $0x410, s25  }
0x462: {  	v7 =	vld [tilespmem:s28+$0x1C00];
	s28 =	sor.u32 $0x410, s24  }
0x463: {  	v8 =	vld [tilespmem:s28+$0x1C00];
	s28 =	sor.u32 $0x410, s26  }
0x464: {  	v9 =	vld [tilespmem:s28+$0x1C00];
	_ =	sdelay $0x2  }
0x465: {  	v6 =	vadd.f32 v7, v6  }
0x466: {  	v7 =	vld [tilespmem:s19+$0x12010]  }
0x467: {  	v6 =	vadd.f32 v8, v6;
	_ =	sdelay $0x1  }
0x468: {  	v6 =	vadd.f32 v9, v6;
	_ =	sdelay $0x1  }
0x469: {  	v6 =	vadd.f32 v7, v6;
	_ =	sdelay $0x1  }
0x46a: {  	s28 =	sor.u32 $0x420, s23;
	[tilespmem:s19+$0x1A010] =	vst v6  }
0x46b: {  	v6 =	vld [tilespmem:s28+$0x1C00];
	s28 =	sor.u32 $0x420, s25  }
0x46c: {  	v7 =	vld [tilespmem:s28+$0x1C00];
	s28 =	sor.u32 $0x420, s24  }
0x46d: {  	v8 =	vld [tilespmem:s28+$0x1C00];
	s28 =	sor.u32 $0x420, s26  }
0x46e: {  	v9 =	vld [tilespmem:s28+$0x1C00];
	_ =	sdelay $0x2  }
0x46f: {  	v6 =	vadd.f32 v7, v6  }
0x470: {  	v7 =	vld [tilespmem:s19+$0x12020]  }
0x471: {  	v6 =	vadd.f32 v8, v6;
	_ =	sdelay $0x1  }
0x472: {  	v6 =	vadd.f32 v9, v6;
	_ =	sdelay $0x1  }
0x473: {  	v6 =	vadd.f32 v7, v6;
	_ =	sdelay $0x1  }
0x474: {  	s28 =	sor.u32 $0x430, s23;
	[tilespmem:s19+$0x1A020] =	vst v6  }
0x475: {  	v6 =	vld [tilespmem:s28+$0x1C00];
	s28 =	sor.u32 $0x430, s25  }
0x476: {  	v7 =	vld [tilespmem:s28+$0x1C00];
	s28 =	sor.u32 $0x430, s24  }
0x477: {  	v8 =	vld [tilespmem:s28+$0x1C00];
	s28 =	sor.u32 $0x430, s26  }
0x478: {  	v9 =	vld [tilespmem:s28+$0x1C00];
	_ =	sdelay $0x2  }
0x479: {  	v6 =	vadd.f32 v7, v6  }
0x47a: {  	v7 =	vld [tilespmem:s19+$0x12030]  }
0x47b: {  	v6 =	vadd.f32 v8, v6;
	_ =	sdelay $0x1  }
0x47c: {  	v6 =	vadd.f32 v9, v6;
	_ =	sdelay $0x1  }
0x47d: {  	v6 =	vadd.f32 v7, v6;
	_ =	sdelay $0x1  }
0x47e: {  	s28 =	sor.u32 $0x440, s23;
	[tilespmem:s19+$0x1A030] =	vst v6  }
0x47f: {  	v6 =	vld [tilespmem:s28+$0x1C00];
	s28 =	sor.u32 $0x440, s25  }
0x480: {  	v7 =	vld [tilespmem:s28+$0x1C00];
	s28 =	sor.u32 $0x440, s24  }
0x481: {  	v8 =	vld [tilespmem:s28+$0x1C00];
	s28 =	sor.u32 $0x440, s26  }
0x482: {  	v9 =	vld [tilespmem:s28+$0x1C00];
	_ =	sdelay $0x2  }
0x483: {  	v6 =	vadd.f32 v7, v6  }
0x484: {  	v7 =	vld [tilespmem:s19+$0x12040]  }
0x485: {  	v6 =	vadd.f32 v8, v6;
	_ =	sdelay $0x1  }
0x486: {  	v6 =	vadd.f32 v9, v6;
	_ =	sdelay $0x1  }
0x487: {  	v6 =	vadd.f32 v7, v6;
	_ =	sdelay $0x1  }
0x488: {  	s28 =	sor.u32 $0x450, s23;
	[tilespmem:s19+$0x1A040] =	vst v6  }
0x489: {  	v6 =	vld [tilespmem:s28+$0x1C00];
	s28 =	sor.u32 $0x450, s25  }
0x48a: {  	v7 =	vld [tilespmem:s28+$0x1C00];
	s28 =	sor.u32 $0x450, s24  }
0x48b: {  	v8 =	vld [tilespmem:s28+$0x1C00];
	s28 =	sor.u32 $0x450, s26  }
0x48c: {  	v9 =	vld [tilespmem:s28+$0x1C00];
	_ =	sdelay $0x2  }
0x48d: {  	v6 =	vadd.f32 v7, v6  }
0x48e: {  	v7 =	vld [tilespmem:s19+$0x12050]  }
0x48f: {  	v6 =	vadd.f32 v8, v6;
	_ =	sdelay $0x1  }
0x490: {  	v6 =	vadd.f32 v9, v6;
	_ =	sdelay $0x1  }
0x491: {  	v6 =	vadd.f32 v7, v6;
	_ =	sdelay $0x1  }
0x492: {  	s28 =	sor.u32 $0x460, s23;
	[tilespmem:s19+$0x1A050] =	vst v6  }
0x493: {  	v6 =	vld [tilespmem:s28+$0x1C00];
	s28 =	sor.u32 $0x460, s25  }
0x494: {  	v7 =	vld [tilespmem:s28+$0x1C00];
	s28 =	sor.u32 $0x460, s24  }
0x495: {  	v8 =	vld [tilespmem:s28+$0x1C00];
	s28 =	sor.u32 $0x460, s26  }
0x496: {  	v9 =	vld [tilespmem:s28+$0x1C00];
	_ =	sdelay $0x2  }
.Ltmp8:
0x497: {  	v7 =	vadd.f32 v7, v6;
	(pc) =	sbr.rel @!p3 .LBB2_6-.Ltmp8, $3  }
0x498: {  	v6 =	vld [tilespmem:s19+$0x12060]  }
0x499: {  	v7 =	vadd.f32 v8, v7;
	_ =	sdelay $0x1  }
0x49a: {  	s21 =	sadd.s32 $0x200, s21;
	v7 =	vadd.f32 v9, v7  }
0x49b: {  	_ = 	snop  }
0x49c: {  	v6 =	vadd.f32 v6, v7;
	_ =	sdelay $0x1  }
0x49d: {  	s17 =	sor.u32 $0x470, s23;
	[tilespmem:s19+$0x1A060] =	vst v6  }
0x49e: {  	s25 =	sor.u32 $0x470, s25;
	v6 =	vld [tilespmem:s17+$0x1C00]  }
0x49f: {  	v7 =	vld [tilespmem:s25+$0x1C00]  }
0x4a0: {  	s28 =	sor.u32 $0x470, s24  }
0x4a1: {  	v8 =	vld [tilespmem:s28+$0x1C00]  }
0x4a2: {  	s29 =	sor.u32 $0x470, s26  }
0x4a3: {  	v9 =	vld [tilespmem:s29+$0x1C00]  }
0x4a4: {  	v6 =	vadd.f32 v7, v6  }
0x4a5: {  	v7 =	vld [tilespmem:s19+$0x12070]  }
0x4a6: {  	v6 =	vadd.f32 v8, v6;
	_ =	sdelay $0x1  }
0x4a7: {  	v6 =	vadd.f32 v9, v6;
	_ =	sdelay $0x1  }
0x4a8: {  	v6 =	vadd.f32 v7, v6;
	_ =	sdelay $0x1  }
0x4a9: {  	[tilespmem:s19+$0x1A070] =	vst v6;
	s19 =	smov.u32 s6  }
.LBB2_11:
0x4aa: {  	p2 =	seq.s32 s10, $0xF  }
.Ltmp9:
0x4ab: {  	s17 =	sshll.u32 s10, $0x6;
	(pc) =	sbr.rel @p2 .LBB2_16-.Ltmp9, $4  }
0x4ac: {  	s19 =	sadd.s32 s17, s19  }
0x4ad: {  	s19 =	sshll.u32 s19, $0x5  }
0x4ae: {  	s19 =	sadd.s32 s3, s19  }
0x4af: {  	[hbm4b:s19+s4] =	stream.linear.scatter [tilespmem:s15], [sflag:$0x8], $0x2000, $0x38;
	[tilespmem:$0x1DC00] =	vst v63  }
0x4b0: {  	p2 =	sgt.u32 s10, $0x2  }
.Ltmp10:
0x4b1: {  	_ = 	snop;
	(pc) =	sbr.rel @p2 .LBB2_14-.Ltmp10, $1  }
0x4b2: {  	_ =	sdelay $0x3  }
0x4b3: {  	s18 =	sadd.s32 $0x2, s18  }
0x4b4: {  	s19 =	sshll.u32 s18, $0x7  }
0x4b5: {  	s19 =	sand.u32 $0x3FFFFF80, s19  }
0x4b6: {  	v6 =	vld [tilespmem:s19+$0x0];
	_ =	sdelay $0x4  }
0x4b7: {  	v7 =	vshll.u32 v6, $0x1  }
0x4b8: {  	v6 =	vand.u32 $0x7, v6;
	v7 =	vand.u32 $0xFFFFFFF0, v7  }
0x4b9: {  	v6 =	vor.u32 v6, v7  }
0x4ba: {  	v7 =	vperm.xlane v6, v3;
	_ =	sdelay $0x1  }
0x4bb: {  	v6 =	vperm.xlane v6, v5;
	v7 =	vadd.s32 v4, v7;
	_ =	sdelay $0x1  }
0x4bc: {  	v6 =	vadd.s32 v4, v6;
	_ =	sdelay $0x1  }
0x4bd: {  	s20 =	simm.s32 $0x1C00  }
0x4be: {  	[tilespmem:s20], [sflag:$0x2] =	stream.indirect_vreg.gather [hbm4b:s2+s4], $0x80, v7, vm0, $0xb8;
	[tilespmem:$0x1DC00] =	vst v63  }
0x4bf: {  	s21 =	simm.s32 $0x2400  }
0x4c0: {  	[tilespmem:s21], [sflag:$0x2] =	stream.indirect_vreg.gather [hbm4b:s2+s4], $0x80, v6, vm0, $0xb8;
	[tilespmem:$0x1DC00] =	vst v63  }
0x4c1: {  	v6 =	vld [tilespmem:s19+$0x10];
	_ =	sdelay $0x4  }
0x4c2: {  	v7 =	vshll.u32 v6, $0x1  }
0x4c3: {  	v6 =	vand.u32 $0x7, v6;
	v7 =	vand.u32 $0xFFFFFFF0, v7  }
0x4c4: {  	v6 =	vor.u32 v6, v7  }
0x4c5: {  	v7 =	vperm.xlane v6, v3;
	_ =	sdelay $0x1  }
0x4c6: {  	v6 =	vperm.xlane v6, v5;
	v7 =	vadd.s32 v4, v7;
	_ =	sdelay $0x1  }
0x4c7: {  	v6 =	vadd.s32 v4, v6;
	_ =	sdelay $0x1  }
0x4c8: {  	s22 =	simm.s32 $0x2C00  }
0x4c9: {  	[tilespmem:s22], [sflag:$0x2] =	stream.indirect_vreg.gather [hbm4b:s2+s4], $0x80, v7, vm0, $0xb8;
	[tilespmem:$0x1DC00] =	vst v63  }
0x4ca: {  	s23 =	simm.s32 $0x3400  }
0x4cb: {  	[tilespmem:s23], [sflag:$0x2] =	stream.indirect_vreg.gather [hbm4b:s2+s4], $0x80, v6, vm0, $0xb8;
	[tilespmem:$0x1DC00] =	vst v63  }
0x4cc: {  	v6 =	vld [tilespmem:s19+$0x20];
	_ =	sdelay $0x4  }
0x4cd: {  	v7 =	vshll.u32 v6, $0x1  }
0x4ce: {  	v6 =	vand.u32 $0x7, v6;
	v7 =	vand.u32 $0xFFFFFFF0, v7  }
0x4cf: {  	v6 =	vor.u32 v6, v7  }
0x4d0: {  	v7 =	vperm.xlane v6, v3;
	_ =	sdelay $0x1  }
0x4d1: {  	v6 =	vperm.xlane v6, v5;
	v7 =	vadd.s32 v4, v7;
	_ =	sdelay $0x1  }
0x4d2: {  	v6 =	vadd.s32 v4, v6;
	_ =	sdelay $0x1  }
0x4d3: {  	s24 =	simm.s32 $0x3C00  }
0x4d4: {  	[tilespmem:s24], [sflag:$0x2] =	stream.indirect_vreg.gather [hbm4b:s2+s4], $0x80, v7, vm0, $0xb8;
	[tilespmem:$0x1DC00] =	vst v63  }
0x4d5: {  	s25 =	simm.s32 $0x4400  }
0x4d6: {  	[tilespmem:s25], [sflag:$0x2] =	stream.indirect_vreg.gather [hbm4b:s2+s4], $0x80, v6, vm0, $0xb8;
	[tilespmem:$0x1DC00] =	vst v63  }
0x4d7: {  	v6 =	vld [tilespmem:s19+$0x30];
	_ =	sdelay $0x4  }
0x4d8: {  	v7 =	vshll.u32 v6, $0x1  }
0x4d9: {  	v6 =	vand.u32 $0x7, v6;
	v7 =	vand.u32 $0xFFFFFFF0, v7  }
0x4da: {  	v6 =	vor.u32 v6, v7  }
0x4db: {  	v7 =	vperm.xlane v6, v3;
	_ =	sdelay $0x1  }
0x4dc: {  	v6 =	vperm.xlane v6, v5;
	v7 =	vadd.s32 v4, v7;
	_ =	sdelay $0x1  }
0x4dd: {  	v6 =	vadd.s32 v4, v6;
	_ =	sdelay $0x1  }
0x4de: {  	s26 =	simm.s32 $0x4C00  }
0x4df: {  	[tilespmem:s26], [sflag:$0x2] =	stream.indirect_vreg.gather [hbm4b:s2+s4], $0x80, v7, vm0, $0xb8;
	[tilespmem:$0x1DC00] =	vst v63  }
0x4e0: {  	s28 =	simm.s32 $0x5400  }
0x4e1: {  	[tilespmem:s28], [sflag:$0x2] =	stream.indirect_vreg.gather [hbm4b:s2+s4], $0x80, v6, vm0, $0xb8;
	[tilespmem:$0x1DC00] =	vst v63  }
0x4e2: {  	v6 =	vld [tilespmem:s19+$0x40];
	_ =	sdelay $0x4  }
0x4e3: {  	v7 =	vshll.u32 v6, $0x1  }
0x4e4: {  	v6 =	vand.u32 $0x7, v6;
	v7 =	vand.u32 $0xFFFFFFF0, v7  }
0x4e5: {  	v6 =	vor.u32 v6, v7  }
0x4e6: {  	v7 =	vperm.xlane v6, v3;
	_ =	sdelay $0x1  }
0x4e7: {  	v6 =	vperm.xlane v6, v5;
	v7 =	vadd.s32 v4, v7;
	_ =	sdelay $0x1  }
0x4e8: {  	v6 =	vadd.s32 v4, v6;
	_ =	sdelay $0x1  }
0x4e9: {  	s29 =	simm.s32 $0x5C00  }
0x4ea: {  	[tilespmem:s29], [sflag:$0x4] =	stream.indirect_vreg.gather [hbm4b:s2+s4], $0x80, v7, vm0, $0xb8;
	[tilespmem:$0x1DC00] =	vst v63  }
0x4eb: {  	s21 =	simm.s32 $0x6400  }
0x4ec: {  	[tilespmem:s21], [sflag:$0x4] =	stream.indirect_vreg.gather [hbm4b:s2+s4], $0x80, v6, vm0, $0xb8;
	[tilespmem:$0x1DC00] =	vst v63  }
0x4ed: {  	v6 =	vld [tilespmem:s19+$0x50];
	_ =	sdelay $0x4  }
0x4ee: {  	v7 =	vshll.u32 v6, $0x1  }
0x4ef: {  	v6 =	vand.u32 $0x7, v6;
	v7 =	vand.u32 $0xFFFFFFF0, v7  }
0x4f0: {  	v6 =	vor.u32 v6, v7  }
0x4f1: {  	v7 =	vperm.xlane v6, v3;
	_ =	sdelay $0x1  }
0x4f2: {  	v6 =	vperm.xlane v6, v5;
	v7 =	vadd.s32 v4, v7;
	_ =	sdelay $0x1  }
0x4f3: {  	v6 =	vadd.s32 v4, v6;
	_ =	sdelay $0x1  }
0x4f4: {  	s22 =	simm.s32 $0x6C00  }
0x4f5: {  	[tilespmem:s22], [sflag:$0x4] =	stream.indirect_vreg.gather [hbm4b:s2+s4], $0x80, v7, vm0, $0xb8;
	[tilespmem:$0x1DC00] =	vst v63  }
0x4f6: {  	s23 =	simm.s32 $0x7400  }
0x4f7: {  	[tilespmem:s23], [sflag:$0x4] =	stream.indirect_vreg.gather [hbm4b:s2+s4], $0x80, v6, vm0, $0xb8;
	[tilespmem:$0x1DC00] =	vst v63  }
0x4f8: {  	v6 =	vld [tilespmem:s19+$0x60];
	_ =	sdelay $0x4  }
0x4f9: {  	v7 =	vshll.u32 v6, $0x1  }
0x4fa: {  	v6 =	vand.u32 $0x7, v6;
	v7 =	vand.u32 $0xFFFFFFF0, v7  }
0x4fb: {  	v6 =	vor.u32 v6, v7  }
0x4fc: {  	v7 =	vperm.xlane v6, v3;
	_ =	sdelay $0x1  }
0x4fd: {  	v6 =	vperm.xlane v6, v5;
	v7 =	vadd.s32 v4, v7;
	_ =	sdelay $0x1  }
0x4fe: {  	v6 =	vadd.s32 v4, v6;
	_ =	sdelay $0x1  }
0x4ff: {  	s24 =	simm.s32 $0x7C00  }
0x500: {  	[tilespmem:s24], [sflag:$0x4] =	stream.indirect_vreg.gather [hbm4b:s2+s4], $0x80, v7, vm0, $0xb8;
	[tilespmem:$0x1DC00] =	vst v63  }
0x501: {  	s25 =	simm.s32 $0x8400  }
0x502: {  	[tilespmem:s25], [sflag:$0x4] =	stream.indirect_vreg.gather [hbm4b:s2+s4], $0x80, v6, vm0, $0xb8;
	[tilespmem:$0x1DC00] =	vst v63  }
0x503: {  	v6 =	vld [tilespmem:s19+$0x70];
	_ =	sdelay $0x4  }
0x504: {  	v7 =	vshll.u32 v6, $0x1  }
0x505: {  	v6 =	vand.u32 $0x7, v6;
	v7 =	vand.u32 $0xFFFFFFF0, v7  }
0x506: {  	v6 =	vor.u32 v6, v7  }
0x507: {  	v7 =	vperm.xlane v6, v3;
	_ =	sdelay $0x1  }
0x508: {  	v7 =	vadd.s32 v4, v7  }
0x509: {  	v6 =	vperm.xlane v6, v5;
	_ =	sdelay $0x1  }
0x50a: {  	v6 =	vadd.s32 v4, v6  }
0x50b: {  	s26 =	simm.s32 $0x8C00  }
0x50c: {  	[tilespmem:s26], [sflag:$0x4] =	stream.indirect_vreg.gather [hbm4b:s2+s4], $0x80, v7, vm0, $0xb8;
	[tilespmem:$0x1DC00] =	vst v63  }
.Ltmp11:
0x50d: {  	_ = 	snop;
	(pc) =	sbr.rel .LBB2_15-.Ltmp11, $4  }
0x50e: {  	s18 =	sshll.u32 s18, $0xA;
	s28 =	simm.s32 $0x9400  }
0x50f: {  	[tilespmem:s28], [sflag:$0x4] =	stream.indirect_vreg.gather [hbm4b:s2+s4], $0x80, v6, vm0, $0xb8;
	[tilespmem:$0x1DC00] =	vst v63  }
0x510: {  	s18 =	sadd.s32 s18, s11;
	s29 =	simm.s32 $0x11C00  }
0x511: {  	[tilespmem:s29], [sflag:$0x6] =	stream.linear.gather [hbm4b:s18+s4], $0x2000, $0x38;
	[tilespmem:$0x1DC00] =	vst v63  }
.LBB2_14:
0x512: {  	s18 =	sadd.s32 $0xFFFFFFFA, s18  }
0x513: {  	s19 =	sshll.u32 s18, $0x9  }
0x514: {  	s19 =	sshra.s32 s19, $0x2  }
0x515: {  	v6 =	vld [tilespmem:s19+$0x400];
	_ =	sdelay $0x4  }
0x516: {  	v7 =	vshll.u32 v6, $0x1  }
0x517: {  	v6 =	vand.u32 $0x7, v6;
	v7 =	vand.u32 $0xFFFFFFF0, v7  }
0x518: {  	v6 =	vor.u32 v6, v7  }
0x519: {  	v7 =	vperm.xlane v6, v3;
	_ =	sdelay $0x1  }
0x51a: {  	v6 =	vperm.xlane v6, v5;
	v7 =	vadd.s32 v4, v7;
	_ =	sdelay $0x1  }
0x51b: {  	v6 =	vadd.s32 v4, v6;
	_ =	sdelay $0x1  }
0x51c: {  	s20 =	simm.s32 $0x1C00  }
0x51d: {  	[tilespmem:s20], [sflag:$0x2] =	stream.indirect_vreg.gather [hbm4b:s2+s4], $0x80, v7, vm0, $0xb8;
	[tilespmem:$0x1DC00] =	vst v63  }
0x51e: {  	s23 =	simm.s32 $0x2400  }
0x51f: {  	[tilespmem:s23], [sflag:$0x2] =	stream.indirect_vreg.gather [hbm4b:s2+s4], $0x80, v6, vm0, $0xb8;
	[tilespmem:$0x1DC00] =	vst v63  }
0x520: {  	v6 =	vld [tilespmem:s19+$0x410];
	_ =	sdelay $0x4  }
0x521: {  	v7 =	vshll.u32 v6, $0x1  }
0x522: {  	v6 =	vand.u32 $0x7, v6;
	v7 =	vand.u32 $0xFFFFFFF0, v7  }
0x523: {  	v6 =	vor.u32 v6, v7  }
0x524: {  	v7 =	vperm.xlane v6, v3;
	_ =	sdelay $0x1  }
0x525: {  	v6 =	vperm.xlane v6, v5;
	v7 =	vadd.s32 v4, v7;
	_ =	sdelay $0x1  }
0x526: {  	v6 =	vadd.s32 v4, v6;
	_ =	sdelay $0x1  }
0x527: {  	s24 =	simm.s32 $0x2C00  }
0x528: {  	[tilespmem:s24], [sflag:$0x2] =	stream.indirect_vreg.gather [hbm4b:s2+s4], $0x80, v7, vm0, $0xb8;
	[tilespmem:$0x1DC00] =	vst v63  }
0x529: {  	s25 =	simm.s32 $0x3400  }
0x52a: {  	[tilespmem:s25], [sflag:$0x2] =	stream.indirect_vreg.gather [hbm4b:s2+s4], $0x80, v6, vm0, $0xb8;
	[tilespmem:$0x1DC00] =	vst v63  }
0x52b: {  	v6 =	vld [tilespmem:s19+$0x420];
	_ =	sdelay $0x4  }
0x52c: {  	v7 =	vshll.u32 v6, $0x1  }
0x52d: {  	v6 =	vand.u32 $0x7, v6;
	v7 =	vand.u32 $0xFFFFFFF0, v7  }
0x52e: {  	v6 =	vor.u32 v6, v7  }
0x52f: {  	v7 =	vperm.xlane v6, v3;
	_ =	sdelay $0x1  }
0x530: {  	v6 =	vperm.xlane v6, v5;
	v7 =	vadd.s32 v4, v7;
	_ =	sdelay $0x1  }
0x531: {  	v6 =	vadd.s32 v4, v6;
	_ =	sdelay $0x1  }
0x532: {  	s26 =	simm.s32 $0x3C00  }
0x533: {  	[tilespmem:s26], [sflag:$0x2] =	stream.indirect_vreg.gather [hbm4b:s2+s4], $0x80, v7, vm0, $0xb8;
	[tilespmem:$0x1DC00] =	vst v63  }
0x534: {  	s28 =	simm.s32 $0x4400  }
0x535: {  	[tilespmem:s28], [sflag:$0x2] =	stream.indirect_vreg.gather [hbm4b:s2+s4], $0x80, v6, vm0, $0xb8;
	[tilespmem:$0x1DC00] =	vst v63  }
0x536: {  	v6 =	vld [tilespmem:s19+$0x430];
	_ =	sdelay $0x4  }
0x537: {  	v7 =	vshll.u32 v6, $0x1  }
0x538: {  	v6 =	vand.u32 $0x7, v6;
	v7 =	vand.u32 $0xFFFFFFF0, v7  }
0x539: {  	v6 =	vor.u32 v6, v7  }
0x53a: {  	v7 =	vperm.xlane v6, v3;
	_ =	sdelay $0x1  }
0x53b: {  	v6 =	vperm.xlane v6, v5;
	v7 =	vadd.s32 v4, v7;
	_ =	sdelay $0x1  }
0x53c: {  	v6 =	vadd.s32 v4, v6;
	_ =	sdelay $0x1  }
0x53d: {  	s29 =	simm.s32 $0x4C00  }
0x53e: {  	[tilespmem:s29], [sflag:$0x2] =	stream.indirect_vreg.gather [hbm4b:s2+s4], $0x80, v7, vm0, $0xb8;
	[tilespmem:$0x1DC00] =	vst v63  }
0x53f: {  	s21 =	simm.s32 $0x5400  }
0x540: {  	[tilespmem:s21], [sflag:$0x2] =	stream.indirect_vreg.gather [hbm4b:s2+s4], $0x80, v6, vm0, $0xb8;
	[tilespmem:$0x1DC00] =	vst v63  }
0x541: {  	v6 =	vld [tilespmem:s19+$0x440];
	_ =	sdelay $0x4  }
0x542: {  	v7 =	vshll.u32 v6, $0x1  }
0x543: {  	v6 =	vand.u32 $0x7, v6;
	v7 =	vand.u32 $0xFFFFFFF0, v7  }
0x544: {  	v6 =	vor.u32 v6, v7  }
0x545: {  	v7 =	vperm.xlane v6, v3;
	_ =	sdelay $0x1  }
0x546: {  	v6 =	vperm.xlane v6, v5;
	v7 =	vadd.s32 v4, v7;
	_ =	sdelay $0x1  }
0x547: {  	v6 =	vadd.s32 v4, v6;
	_ =	sdelay $0x1  }
0x548: {  	s22 =	simm.s32 $0x5C00  }
0x549: {  	[tilespmem:s22], [sflag:$0x4] =	stream.indirect_vreg.gather [hbm4b:s2+s4], $0x80, v7, vm0, $0xb8;
	[tilespmem:$0x1DC00] =	vst v63  }
0x54a: {  	s23 =	simm.s32 $0x6400  }
0x54b: {  	[tilespmem:s23], [sflag:$0x4] =	stream.indirect_vreg.gather [hbm4b:s2+s4], $0x80, v6, vm0, $0xb8;
	[tilespmem:$0x1DC00] =	vst v63  }
0x54c: {  	v6 =	vld [tilespmem:s19+$0x450];
	_ =	sdelay $0x4  }
0x54d: {  	v7 =	vshll.u32 v6, $0x1  }
0x54e: {  	v6 =	vand.u32 $0x7, v6;
	v7 =	vand.u32 $0xFFFFFFF0, v7  }
0x54f: {  	v6 =	vor.u32 v6, v7  }
0x550: {  	v7 =	vperm.xlane v6, v3;
	_ =	sdelay $0x1  }
0x551: {  	v6 =	vperm.xlane v6, v5;
	v7 =	vadd.s32 v4, v7;
	_ =	sdelay $0x1  }
0x552: {  	v6 =	vadd.s32 v4, v6;
	_ =	sdelay $0x1  }
0x553: {  	s24 =	simm.s32 $0x6C00  }
0x554: {  	[tilespmem:s24], [sflag:$0x4] =	stream.indirect_vreg.gather [hbm4b:s2+s4], $0x80, v7, vm0, $0xb8;
	[tilespmem:$0x1DC00] =	vst v63  }
0x555: {  	s25 =	simm.s32 $0x7400  }
0x556: {  	[tilespmem:s25], [sflag:$0x4] =	stream.indirect_vreg.gather [hbm4b:s2+s4], $0x80, v6, vm0, $0xb8;
	[tilespmem:$0x1DC00] =	vst v63  }
0x557: {  	v6 =	vld [tilespmem:s19+$0x460];
	_ =	sdelay $0x4  }
0x558: {  	v7 =	vshll.u32 v6, $0x1  }
0x559: {  	v6 =	vand.u32 $0x7, v6;
	v7 =	vand.u32 $0xFFFFFFF0, v7  }
0x55a: {  	v6 =	vor.u32 v6, v7  }
0x55b: {  	v7 =	vperm.xlane v6, v3;
	_ =	sdelay $0x1  }
0x55c: {  	v6 =	vperm.xlane v6, v5;
	v7 =	vadd.s32 v4, v7;
	_ =	sdelay $0x1  }
0x55d: {  	v6 =	vadd.s32 v4, v6;
	_ =	sdelay $0x1  }
0x55e: {  	s26 =	simm.s32 $0x7C00  }
0x55f: {  	[tilespmem:s26], [sflag:$0x4] =	stream.indirect_vreg.gather [hbm4b:s2+s4], $0x80, v7, vm0, $0xb8;
	[tilespmem:$0x1DC00] =	vst v63  }
0x560: {  	s28 =	simm.s32 $0x8400  }
0x561: {  	[tilespmem:s28], [sflag:$0x4] =	stream.indirect_vreg.gather [hbm4b:s2+s4], $0x80, v6, vm0, $0xb8;
	[tilespmem:$0x1DC00] =	vst v63  }
0x562: {  	v6 =	vld [tilespmem:s19+$0x470];
	_ =	sdelay $0x4  }
0x563: {  	v7 =	vshll.u32 v6, $0x1  }
0x564: {  	v6 =	vand.u32 $0x7, v6;
	v7 =	vand.u32 $0xFFFFFFF0, v7  }
0x565: {  	v6 =	vor.u32 v6, v7  }
0x566: {  	v7 =	vperm.xlane v6, v3;
	_ =	sdelay $0x1  }
0x567: {  	v6 =	vperm.xlane v6, v5;
	v7 =	vadd.s32 v4, v7;
	_ =	sdelay $0x1  }
0x568: {  	v6 =	vadd.s32 v4, v6;
	_ =	sdelay $0x1  }
0x569: {  	s18 =	sshll.u32 s18, $0x8;
	s29 =	simm.s32 $0x8C00  }
0x56a: {  	[tilespmem:s29], [sflag:$0x4] =	stream.indirect_vreg.gather [hbm4b:s2+s4], $0x80, v7, vm0, $0xb8;
	[tilespmem:$0x1DC00] =	vst v63  }
0x56b: {  	s18 =	sshra.s32 s18, $0x2;
	s20 =	simm.s32 $0x9400  }
0x56c: {  	[tilespmem:s20], [sflag:$0x4] =	stream.indirect_vreg.gather [hbm4b:s2+s4], $0x80, v6, vm0, $0xb8;
	[tilespmem:$0x1DC00] =	vst v63  }
0x56d: {  	v6 =	vld [tilespmem:s18+$0x1000];
	_ =	sdelay $0x4  }
0x56e: {  	v7 =	vshll.u32 v6, $0x1  }
0x56f: {  	v6 =	vand.u32 $0x7, v6;
	v7 =	vand.u32 $0xFFFFFFF0, v7  }
0x570: {  	v6 =	vor.u32 v6, v7  }
0x571: {  	v7 =	vperm.xlane v6, v3;
	_ =	sdelay $0x1  }
0x572: {  	v6 =	vperm.xlane v6, v5;
	v7 =	vadd.s32 v4, v7;
	_ =	sdelay $0x1  }
0x573: {  	v6 =	vadd.s32 v4, v6;
	_ =	sdelay $0x1  }
0x574: {  	s21 =	simm.s32 $0x11C00  }
0x575: {  	[tilespmem:s21], [sflag:$0x6] =	stream.indirect_vreg.gather [hbm4b:s5+s4], $0x80, v7, vm0, $0xb8;
	[tilespmem:$0x1DC00] =	vst v63  }
0x576: {  	s22 =	simm.s32 $0x12400  }
0x577: {  	[tilespmem:s22], [sflag:$0x6] =	stream.indirect_vreg.gather [hbm4b:s5+s4], $0x80, v6, vm0, $0xb8;
	[tilespmem:$0x1DC00] =	vst v63  }
0x578: {  	v6 =	vld [tilespmem:s18+$0x1010];
	_ =	sdelay $0x4  }
0x579: {  	v7 =	vshll.u32 v6, $0x1  }
0x57a: {  	v6 =	vand.u32 $0x7, v6;
	v7 =	vand.u32 $0xFFFFFFF0, v7  }
0x57b: {  	v6 =	vor.u32 v6, v7  }
0x57c: {  	v7 =	vperm.xlane v6, v3;
	_ =	sdelay $0x1  }
0x57d: {  	v6 =	vperm.xlane v6, v5;
	v7 =	vadd.s32 v4, v7;
	_ =	sdelay $0x1  }
0x57e: {  	v6 =	vadd.s32 v4, v6;
	_ =	sdelay $0x1  }
0x57f: {  	s23 =	simm.s32 $0x12C00  }
0x580: {  	[tilespmem:s23], [sflag:$0x6] =	stream.indirect_vreg.gather [hbm4b:s5+s4], $0x80, v7, vm0, $0xb8;
	[tilespmem:$0x1DC00] =	vst v63  }
0x581: {  	s24 =	simm.s32 $0x13400  }
0x582: {  	[tilespmem:s24], [sflag:$0x6] =	stream.indirect_vreg.gather [hbm4b:s5+s4], $0x80, v6, vm0, $0xb8;
	[tilespmem:$0x1DC00] =	vst v63  }
0x583: {  	v6 =	vld [tilespmem:s18+$0x1020];
	_ =	sdelay $0x4  }
0x584: {  	v7 =	vshll.u32 v6, $0x1  }
0x585: {  	v6 =	vand.u32 $0x7, v6;
	v7 =	vand.u32 $0xFFFFFFF0, v7  }
0x586: {  	v6 =	vor.u32 v6, v7  }
0x587: {  	v7 =	vperm.xlane v6, v3;
	_ =	sdelay $0x1  }
0x588: {  	v6 =	vperm.xlane v6, v5;
	v7 =	vadd.s32 v4, v7;
	_ =	sdelay $0x1  }
0x589: {  	v6 =	vadd.s32 v4, v6;
	_ =	sdelay $0x1  }
0x58a: {  	s25 =	simm.s32 $0x13C00  }
0x58b: {  	[tilespmem:s25], [sflag:$0x6] =	stream.indirect_vreg.gather [hbm4b:s5+s4], $0x80, v7, vm0, $0xb8;
	[tilespmem:$0x1DC00] =	vst v63  }
0x58c: {  	s26 =	simm.s32 $0x14400  }
0x58d: {  	[tilespmem:s26], [sflag:$0x6] =	stream.indirect_vreg.gather [hbm4b:s5+s4], $0x80, v6, vm0, $0xb8;
	[tilespmem:$0x1DC00] =	vst v63  }
0x58e: {  	v6 =	vld [tilespmem:s18+$0x1030];
	_ =	sdelay $0x4  }
0x58f: {  	v7 =	vshll.u32 v6, $0x1  }
0x590: {  	v6 =	vand.u32 $0x7, v6;
	v7 =	vand.u32 $0xFFFFFFF0, v7  }
0x591: {  	v6 =	vor.u32 v6, v7  }
0x592: {  	v7 =	vperm.xlane v6, v3;
	_ =	sdelay $0x1  }
0x593: {  	v6 =	vperm.xlane v6, v5;
	v7 =	vadd.s32 v4, v7;
	_ =	sdelay $0x1  }
0x594: {  	v6 =	vadd.s32 v4, v6  }
.Ltmp12:
0x595: {  	_ = 	snop;
	(pc) =	sbr.rel @p0 .LBB2_17-.Ltmp12, $4  }
0x596: {  	s28 =	simm.s32 $0x14C00  }
0x597: {  	[tilespmem:s28], [sflag:$0x6] =	stream.indirect_vreg.gather [hbm4b:s5+s4], $0x80, v7, vm0, $0xb8;
	[tilespmem:$0x1DC00] =	vst v63  }
0x598: {  	s29 =	simm.s32 $0x15400  }
0x599: {  	[tilespmem:s29], [sflag:$0x6] =	stream.indirect_vreg.gather [hbm4b:s5+s4], $0x80, v6, vm0, $0xb8;
	[tilespmem:$0x1DC00] =	vst v63  }
.LBB2_15:
0x59a: {  	_ =	swait.ge [sflag:s16], $0x4000  }
0x59b: {  	[sflag:s16] =	ssyncset.done $0x0  }
0x59c: {  	[sflag:s16] =	ssyncadd.s32 $0xFFFFC000  }
0x59d: {  	_ =	swait.ge [sflag:s7], $0x4000  }
0x59e: {  	[sflag:s7] =	ssyncset.done $0x0  }
0x59f: {  	[sflag:s7] =	ssyncadd.s32 $0xFFFFC000  }
0x5a0: {  	_ =	swait.ge [sflag:s8], $0x2000  }
0x5a1: {  	[sflag:s8] =	ssyncset.done $0x0  }
0x5a2: {  	[sflag:s8] =	ssyncadd.s32 $0xFFFFE000  }
.LBB2_16:
0x5a3: {  	p2 =	slt.u32 s10, $0x4  }
.Ltmp13:
0x5a4: {  	_ = 	snop;
	(pc) =	sbr.rel @p2 .LBB2_18-.Ltmp13, $1  }
0x5a5: {  	_ =	sdelay $0x3  }
.LBB2_17:
0x5a6: {  	_ =	swait.ge [sflag:s16], $0x4000  }
0x5a7: {  	[sflag:s16] =	ssyncset.done $0x0  }
0x5a8: {  	[sflag:s16] =	ssyncadd.s32 $0xFFFFC000  }
0x5a9: {  	_ =	swait.ge [sflag:s7], $0x4000  }
0x5aa: {  	[sflag:s7] =	ssyncset.done $0x0  }
0x5ab: {  	[sflag:s7] =	ssyncadd.s32 $0xFFFFC000  }
0x5ac: {  	_ =	swait.ge [sflag:s8], $0x4000  }
0x5ad: {  	[sflag:s8] =	ssyncset.done $0x0  }
0x5ae: {  	[sflag:s8] =	ssyncadd.s32 $0xFFFFC000  }
.LBB2_18:
0x5af: {  	s18 =	simm.s32 @!p1 $0x9  }
.Ltmp14:
0x5b0: {  	_ =	swait.ge @!p1 [sflag:s18], $0x2000;
	(pc) =	sbr.rel @!p0 .LBB2_19-.Ltmp14, $4  }
0x5b1: {  	[sflag:s18] =	ssyncset.done @!p1 $0x0  }
0x5b2: {  	[sflag:s18] =	ssyncadd.s32 @!p1 $0xFFFFE000;
	s18 =	simm.s32 $0x0  }
0x5b3: {  	s19 =	sand.u32 $0x7800, s18;
	s20 =	sand.u32 $0x200, s18  }
0x5b4: {  	p1 =	por $0x0, $0x0;
	s20 =	sor.u32 s20, s19  }
0x5b5: {  	v6 =	vld [tilespmem:s20+$0x9C00]  }
0x5b6: {  	v7 =	vld [tilespmem:s20+$0x9C80];
	_ =	sdelay $0x1  }
0x5b7: {  	v8 =	vld [tilespmem:s20+$0x9D00];
	_ =	sdelay $0x1  }
0x5b8: {  	v9 =	vld [tilespmem:s20+$0x9D80];
	s19 =	sand.u32 $0x1800, s18;
	s21 =	sand.u32 $0x380, s18  }
0x5b9: {  	s19 =	sor.u32 s21, s19;
	v6 =	vadd.f32 v7, v6  }
0x5ba: {  	v7 =	vld [tilespmem:s19+$0x15C00]  }
0x5bb: {  	v6 =	vadd.f32 v8, v6  }
0x5bc: {  	v8 =	vld [tilespmem:s19+$0x17C00]  }
0x5bd: {  	v6 =	vadd.f32 v9, v6;
	_ =	sdelay $0x1  }
0x5be: {  	v6 =	vadd.f32 v7, v6;
	_ =	sdelay $0x1  }
0x5bf: {  	v6 =	vadd.f32 v8, v6;
	_ =	sdelay $0x1  }
0x5c0: {  	[tilespmem:s19+$0x1BC00] =	vst v6  }
0x5c1: {  	v6 =	vld [tilespmem:s20+$0x9C10]  }
0x5c2: {  	v7 =	vld [tilespmem:s20+$0x9C90];
	_ =	sdelay $0x1  }
0x5c3: {  	v8 =	vld [tilespmem:s20+$0x9D10];
	_ =	sdelay $0x1  }
0x5c4: {  	v50 =	vld [tilespmem:s20+$0x9D90]  }
0x5c5: {  	v6 =	vadd.f32 v7, v6  }
0x5c6: {  	v7 =	vld [tilespmem:s19+$0x15C10]  }
0x5c7: {  	v6 =	vadd.f32 v8, v6  }
0x5c8: {  	v8 =	vld [tilespmem:s19+$0x17C10]  }
0x5c9: {  	v6 =	vadd.f32 v50, v6;
	_ =	sdelay $0x1  }
0x5ca: {  	v6 =	vadd.f32 v7, v6;
	_ =	sdelay $0x1  }
0x5cb: {  	v6 =	vadd.f32 v8, v6;
	_ =	sdelay $0x1  }
0x5cc: {  	[tilespmem:s19+$0x1BC10] =	vst v6  }
0x5cd: {  	v6 =	vld [tilespmem:s20+$0x9C20]  }
0x5ce: {  	v7 =	vld [tilespmem:s20+$0x9CA0];
	_ =	sdelay $0x1  }
0x5cf: {  	v8 =	vld [tilespmem:s20+$0x9D20];
	_ =	sdelay $0x1  }
0x5d0: {  	v51 =	vld [tilespmem:s20+$0x9DA0]  }
0x5d1: {  	v6 =	vadd.f32 v7, v6  }
0x5d2: {  	v7 =	vld [tilespmem:s19+$0x15C20]  }
0x5d3: {  	v6 =	vadd.f32 v8, v6  }
0x5d4: {  	v8 =	vld [tilespmem:s19+$0x17C20]  }
0x5d5: {  	v6 =	vadd.f32 v51, v6;
	_ =	sdelay $0x1  }
0x5d6: {  	v6 =	vadd.f32 v7, v6;
	_ =	sdelay $0x1  }
0x5d7: {  	v6 =	vadd.f32 v8, v6;
	_ =	sdelay $0x1  }
0x5d8: {  	[tilespmem:s19+$0x1BC20] =	vst v6  }
0x5d9: {  	v6 =	vld [tilespmem:s20+$0x9C30]  }
0x5da: {  	v7 =	vld [tilespmem:s20+$0x9CB0];
	_ =	sdelay $0x1  }
0x5db: {  	v8 =	vld [tilespmem:s20+$0x9D30];
	_ =	sdelay $0x1  }
0x5dc: {  	v52 =	vld [tilespmem:s20+$0x9DB0]  }
0x5dd: {  	v6 =	vadd.f32 v7, v6  }
0x5de: {  	v7 =	vld [tilespmem:s19+$0x15C30]  }
0x5df: {  	v6 =	vadd.f32 v8, v6  }
0x5e0: {  	v8 =	vld [tilespmem:s19+$0x17C30]  }
0x5e1: {  	v6 =	vadd.f32 v52, v6;
	_ =	sdelay $0x1  }
0x5e2: {  	v6 =	vadd.f32 v7, v6;
	_ =	sdelay $0x1  }
0x5e3: {  	v6 =	vadd.f32 v8, v6;
	_ =	sdelay $0x1  }
0x5e4: {  	[tilespmem:s19+$0x1BC30] =	vst v6  }
0x5e5: {  	v6 =	vld [tilespmem:s20+$0x9C40]  }
0x5e6: {  	v7 =	vld [tilespmem:s20+$0x9CC0];
	_ =	sdelay $0x1  }
0x5e7: {  	v8 =	vld [tilespmem:s20+$0x9D40];
	_ =	sdelay $0x1  }
0x5e8: {  	v53 =	vld [tilespmem:s20+$0x9DC0]  }
0x5e9: {  	v6 =	vadd.f32 v7, v6  }
0x5ea: {  	v7 =	vld [tilespmem:s19+$0x15C40]  }
0x5eb: {  	v6 =	vadd.f32 v8, v6  }
0x5ec: {  	v8 =	vld [tilespmem:s19+$0x17C40]  }
0x5ed: {  	v6 =	vadd.f32 v53, v6;
	_ =	sdelay $0x1  }
0x5ee: {  	v6 =	vadd.f32 v7, v6;
	_ =	sdelay $0x1  }
0x5ef: {  	v6 =	vadd.f32 v8, v6;
	_ =	sdelay $0x1  }
0x5f0: {  	[tilespmem:s19+$0x1BC40] =	vst v6  }
0x5f1: {  	v6 =	vld [tilespmem:s20+$0x9C50]  }
0x5f2: {  	v7 =	vld [tilespmem:s20+$0x9CD0];
	_ =	sdelay $0x1  }
0x5f3: {  	v8 =	vld [tilespmem:s20+$0x9D50];
	_ =	sdelay $0x1  }
0x5f4: {  	v54 =	vld [tilespmem:s20+$0x9DD0]  }
0x5f5: {  	v6 =	vadd.f32 v7, v6  }
0x5f6: {  	v7 =	vld [tilespmem:s19+$0x15C50]  }
0x5f7: {  	v6 =	vadd.f32 v8, v6  }
0x5f8: {  	v8 =	vld [tilespmem:s19+$0x17C50]  }
0x5f9: {  	v6 =	vadd.f32 v54, v6;
	_ =	sdelay $0x1  }
0x5fa: {  	v6 =	vadd.f32 v7, v6;
	_ =	sdelay $0x1  }
0x5fb: {  	v6 =	vadd.f32 v8, v6;
	_ =	sdelay $0x1  }
0x5fc: {  	[tilespmem:s19+$0x1BC50] =	vst v6  }
0x5fd: {  	v6 =	vld [tilespmem:s20+$0x9C60]  }
0x5fe: {  	v7 =	vld [tilespmem:s20+$0x9CE0];
	_ =	sdelay $0x1  }
0x5ff: {  	v8 =	vld [tilespmem:s20+$0x9D60];
	_ =	sdelay $0x1  }
0x600: {  	v55 =	vld [tilespmem:s20+$0x9DE0]  }
0x601: {  	v6 =	vadd.f32 v7, v6  }
0x602: {  	v7 =	vld [tilespmem:s19+$0x15C60]  }
0x603: {  	v6 =	vadd.f32 v8, v6  }
0x604: {  	v8 =	vld [tilespmem:s19+$0x17C60]  }
0x605: {  	v6 =	vadd.f32 v55, v6;
	_ =	sdelay $0x1  }
0x606: {  	v6 =	vadd.f32 v7, v6;
	_ =	sdelay $0x1  }
0x607: {  	v6 =	vadd.f32 v8, v6;
	_ =	sdelay $0x1  }
0x608: {  	[tilespmem:s19+$0x1BC60] =	vst v6  }
0x609: {  	v6 =	vld [tilespmem:s20+$0x9C70]  }
0x60a: {  	v7 =	vld [tilespmem:s20+$0x9CF0];
	_ =	sdelay $0x1  }
0x60b: {  	v8 =	vld [tilespmem:s20+$0x9D70];
	_ =	sdelay $0x1  }
0x60c: {  	v56 =	vld [tilespmem:s20+$0x9DF0]  }
0x60d: {  	v6 =	vadd.f32 v7, v6  }
0x60e: {  	v7 =	vld [tilespmem:s19+$0x15C70]  }
0x60f: {  	v6 =	vadd.f32 v8, v6  }
0x610: {  	v8 =	vld [tilespmem:s19+$0x17C70]  }
0x611: {  	v6 =	vadd.f32 v56, v6;
	_ =	sdelay $0x1  }
0x612: {  	s20 =	simm.s32 $0x1;
	v6 =	vadd.f32 v7, v6  }
0x613: {  	s20 =	simm.s32 @!p1 $0x0  }
0x614: {  	s20 =	sshll.u32 s20, $0x9;
	v6 =	vadd.f32 v8, v6  }
0x615: {  	s23 =	sadd.s32 $0x0, s20  }
0x616: {  	s20 =	sor.u32 $0x400, s23;
	s25 =	sadd.s32 $0x80, s23;
	[tilespmem:s19+$0x1BC70] =	vst v6  }
0x617: {  	s26 =	sor.u32 $0x400, s25;
	v6 =	vld [tilespmem:s20+$0x9C00]  }
0x618: {  	s24 =	sadd.s32 $0x100, s23;
	v7 =	vld [tilespmem:s26+$0x9C00]  }
0x619: {  	s28 =	sor.u32 $0x400, s24  }
0x61a: {  	s26 =	sadd.s32 $0x180, s23;
	v8 =	vld [tilespmem:s28+$0x9C00]  }
0x61b: {  	s29 =	sor.u32 $0x400, s26  }
0x61c: {  	v57 =	vld [tilespmem:s29+$0x9C00]  }
0x61d: {  	v6 =	vadd.f32 v7, v6  }
0x61e: {  	v7 =	vld [tilespmem:s19+$0x16000]  }
0x61f: {  	v6 =	vadd.f32 v8, v6  }
0x620: {  	v8 =	vld [tilespmem:s19+$0x18000]  }
0x621: {  	v6 =	vadd.f32 v57, v6;
	_ =	sdelay $0x1  }
0x622: {  	v6 =	vadd.f32 v7, v6;
	_ =	sdelay $0x1  }
0x623: {  	v6 =	vadd.f32 v8, v6;
	_ =	sdelay $0x1  }
0x624: {  	s21 =	sor.u32 $0x410, s23;
	[tilespmem:s19+$0x1C000] =	vst v6  }
0x625: {  	s22 =	sor.u32 $0x410, s25;
	v6 =	vld [tilespmem:s21+$0x9C00]  }
0x626: {  	v7 =	vld [tilespmem:s22+$0x9C00]  }
0x627: {  	s28 =	sor.u32 $0x410, s24  }
0x628: {  	v8 =	vld [tilespmem:s28+$0x9C00]  }
0x629: {  	s29 =	sor.u32 $0x410, s26  }
0x62a: {  	v58 =	vld [tilespmem:s29+$0x9C00]  }
0x62b: {  	v6 =	vadd.f32 v7, v6  }
0x62c: {  	v7 =	vld [tilespmem:s19+$0x16010]  }
0x62d: {  	v6 =	vadd.f32 v8, v6  }
0x62e: {  	v8 =	vld [tilespmem:s19+$0x18010]  }
0x62f: {  	v6 =	vadd.f32 v58, v6;
	_ =	sdelay $0x1  }
0x630: {  	v6 =	vadd.f32 v7, v6;
	_ =	sdelay $0x1  }
0x631: {  	v6 =	vadd.f32 v8, v6;
	_ =	sdelay $0x1  }
0x632: {  	s21 =	sor.u32 $0x420, s23;
	[tilespmem:s19+$0x1C010] =	vst v6  }
0x633: {  	s22 =	sor.u32 $0x420, s25;
	v6 =	vld [tilespmem:s21+$0x9C00]  }
0x634: {  	v7 =	vld [tilespmem:s22+$0x9C00]  }
0x635: {  	s28 =	sor.u32 $0x420, s24  }
0x636: {  	v8 =	vld [tilespmem:s28+$0x9C00]  }
0x637: {  	s29 =	sor.u32 $0x420, s26  }
0x638: {  	v59 =	vld [tilespmem:s29+$0x9C00]  }
0x639: {  	v6 =	vadd.f32 v7, v6  }
0x63a: {  	v7 =	vld [tilespmem:s19+$0x16020]  }
0x63b: {  	v6 =	vadd.f32 v8, v6  }
0x63c: {  	v8 =	vld [tilespmem:s19+$0x18020]  }
0x63d: {  	v6 =	vadd.f32 v59, v6;
	_ =	sdelay $0x1  }
0x63e: {  	v6 =	vadd.f32 v7, v6;
	_ =	sdelay $0x1  }
0x63f: {  	v6 =	vadd.f32 v8, v6;
	_ =	sdelay $0x1  }
0x640: {  	s21 =	sor.u32 $0x430, s23;
	[tilespmem:s19+$0x1C020] =	vst v6  }
0x641: {  	s22 =	sor.u32 $0x430, s25;
	v6 =	vld [tilespmem:s21+$0x9C00]  }
0x642: {  	v7 =	vld [tilespmem:s22+$0x9C00]  }
0x643: {  	s28 =	sor.u32 $0x430, s24  }
0x644: {  	v8 =	vld [tilespmem:s28+$0x9C00]  }
0x645: {  	s29 =	sor.u32 $0x430, s26  }
0x646: {  	v60 =	vld [tilespmem:s29+$0x9C00]  }
0x647: {  	v6 =	vadd.f32 v7, v6  }
0x648: {  	v7 =	vld [tilespmem:s19+$0x16030]  }
0x649: {  	v6 =	vadd.f32 v8, v6  }
0x64a: {  	v8 =	vld [tilespmem:s19+$0x18030]  }
0x64b: {  	v6 =	vadd.f32 v60, v6;
	_ =	sdelay $0x1  }
0x64c: {  	v6 =	vadd.f32 v7, v6;
	_ =	sdelay $0x1  }
0x64d: {  	v6 =	vadd.f32 v8, v6;
	_ =	sdelay $0x1  }
0x64e: {  	s21 =	sor.u32 $0x440, s23;
	[tilespmem:s19+$0x1C030] =	vst v6  }
0x64f: {  	s22 =	sor.u32 $0x440, s25;
	v6 =	vld [tilespmem:s21+$0x9C00]  }
0x650: {  	v7 =	vld [tilespmem:s22+$0x9C00]  }
0x651: {  	s28 =	sor.u32 $0x440, s24  }
0x652: {  	v8 =	vld [tilespmem:s28+$0x9C00]  }
0x653: {  	s29 =	sor.u32 $0x440, s26  }
0x654: {  	v61 =	vld [tilespmem:s29+$0x9C00]  }
0x655: {  	v6 =	vadd.f32 v7, v6  }
0x656: {  	v7 =	vld [tilespmem:s19+$0x16040]  }
0x657: {  	v6 =	vadd.f32 v8, v6  }
0x658: {  	v8 =	vld [tilespmem:s19+$0x18040]  }
0x659: {  	v6 =	vadd.f32 v61, v6;
	_ =	sdelay $0x1  }
0x65a: {  	v6 =	vadd.f32 v7, v6;
	_ =	sdelay $0x1  }
0x65b: {  	v6 =	vadd.f32 v8, v6;
	_ =	sdelay $0x1  }
0x65c: {  	s21 =	sor.u32 $0x450, s23;
	[tilespmem:s19+$0x1C040] =	vst v6  }
0x65d: {  	s22 =	sor.u32 $0x450, s25;
	v6 =	vld [tilespmem:s21+$0x9C00]  }
0x65e: {  	v7 =	vld [tilespmem:s22+$0x9C00]  }
0x65f: {  	s28 =	sor.u32 $0x450, s24  }
0x660: {  	v8 =	vld [tilespmem:s28+$0x9C00]  }
0x661: {  	s29 =	sor.u32 $0x450, s26  }
0x662: {  	v62 =	vld [tilespmem:s29+$0x9C00]  }
0x663: {  	v6 =	vadd.f32 v7, v6  }
0x664: {  	v7 =	vld [tilespmem:s19+$0x16050]  }
0x665: {  	v6 =	vadd.f32 v8, v6  }
0x666: {  	v8 =	vld [tilespmem:s19+$0x18050]  }
0x667: {  	v6 =	vadd.f32 v62, v6;
	_ =	sdelay $0x1  }
0x668: {  	v6 =	vadd.f32 v7, v6;
	_ =	sdelay $0x1  }
0x669: {  	v6 =	vadd.f32 v8, v6;
	_ =	sdelay $0x1  }
0x66a: {  	s21 =	sor.u32 $0x460, s23;
	[tilespmem:s19+$0x1C050] =	vst v6  }
0x66b: {  	s22 =	sor.u32 $0x460, s25;
	v6 =	vld [tilespmem:s21+$0x9C00]  }
0x66c: {  	v7 =	vld [tilespmem:s22+$0x9C00]  }
0x66d: {  	s28 =	sor.u32 $0x460, s24  }
0x66e: {  	v8 =	vld [tilespmem:s28+$0x9C00]  }
0x66f: {  	s29 =	sor.u32 $0x460, s26  }
0x670: {  	v63 =	vld [tilespmem:s29+$0x9C00]  }
0x671: {  	v6 =	vadd.f32 v7, v6  }
0x672: {  	v7 =	vld [tilespmem:s19+$0x16060]  }
0x673: {  	v6 =	vadd.f32 v8, v6  }
0x674: {  	v8 =	vld [tilespmem:s19+$0x18060]  }
0x675: {  	v6 =	vadd.f32 v63, v6;
	_ =	sdelay $0x1  }
0x676: {  	v6 =	vadd.f32 v7, v6;
	_ =	sdelay $0x1  }
0x677: {  	s20 =	simm.s32 $0x400;
	s21 =	simm.s32 $0x200;
	s22 =	simm.s32 $0x0;
	v6 =	vadd.f32 v8, v6  }
.LBB2_23:
0x678: {  	s18 =	sadd.s32 $0x80, s18  }
0x679: {  	s22 =	sadd.s32 $0x100, s22;
	p1 =	por !p1, !p1;
	s28 =	smov.u32 s20  }
0x67a: {  	p2 =	sne.s32 s20, $0x7C00;
	s20 =	sadd.s32 $0x400, s20;
	s23 =	sor.u32 $0x470, s23;
	[tilespmem:s19+$0x1C060] =	vst v6  }
0x67b: {  	v6 =	vld [tilespmem:s23+$0x9C00];
	s23 =	sor.u32 $0x470, s25  }
0x67c: {  	v7 =	vld [tilespmem:s23+$0x9C00];
	s23 =	sor.u32 $0x470, s24  }
0x67d: {  	v8 =	vld [tilespmem:s23+$0x9C00];
	s23 =	sor.u32 $0x470, s26  }
0x67e: {  	v9 =	vld [tilespmem:s23+$0x9C00];
	_ =	sdelay $0x1  }
0x67f: {  	v10 =	vld [tilespmem:s19+$0x16070]  }
0x680: {  	v6 =	vadd.f32 v7, v6  }
0x681: {  	v7 =	vld [tilespmem:s19+$0x18070]  }
0x682: {  	v6 =	vadd.f32 v8, v6;
	_ =	sdelay $0x1  }
0x683: {  	v6 =	vadd.f32 v9, v6;
	_ =	sdelay $0x1  }
0x684: {  	v6 =	vadd.f32 v10, v6  }
0x685: {  	s24 =	sand.u32 $0x200, s21;
	s23 =	sand.u32 $0x7800, s28  }
0x686: {  	s23 =	sor.u32 s24, s23;
	v6 =	vadd.f32 v7, v6;
	_ =	sdelay $0x1  }
0x687: {  	[tilespmem:s19+$0x1C070] =	vst v6  }
0x688: {  	v6 =	vld [tilespmem:s23+$0x9C00]  }
0x689: {  	v7 =	vld [tilespmem:s23+$0x9C80]  }
0x68a: {  	v8 =	vld [tilespmem:s23+$0x9D00]  }
0x68b: {  	v9 =	vld [tilespmem:s23+$0x9D80];
	_ =	sdelay $0x1  }
0x68c: {  	s24 =	sand.u32 $0x380, s18;
	s19 =	sand.u32 $0x1800, s22  }
0x68d: {  	s19 =	sor.u32 s24, s19;
	v6 =	vadd.f32 v7, v6  }
0x68e: {  	v7 =	vld [tilespmem:s19+$0x15C00]  }
0x68f: {  	v6 =	vadd.f32 v8, v6  }
0x690: {  	v8 =	vld [tilespmem:s19+$0x17C00]  }
0x691: {  	v6 =	vadd.f32 v9, v6;
	_ =	sdelay $0x1  }
0x692: {  	v6 =	vadd.f32 v7, v6;
	_ =	sdelay $0x1  }
0x693: {  	v6 =	vadd.f32 v8, v6;
	_ =	sdelay $0x1  }
0x694: {  	[tilespmem:s19+$0x1BC00] =	vst v6  }
0x695: {  	v6 =	vld [tilespmem:s23+$0x9C10]  }
0x696: {  	v7 =	vld [tilespmem:s23+$0x9C90];
	_ =	sdelay $0x1  }
0x697: {  	v8 =	vld [tilespmem:s23+$0x9D10];
	_ =	sdelay $0x1  }
0x698: {  	v9 =	vld [tilespmem:s23+$0x9D90]  }
0x699: {  	v6 =	vadd.f32 v7, v6  }
0x69a: {  	v7 =	vld [tilespmem:s19+$0x15C10]  }
0x69b: {  	v6 =	vadd.f32 v8, v6  }
0x69c: {  	v8 =	vld [tilespmem:s19+$0x17C10]  }
0x69d: {  	v6 =	vadd.f32 v9, v6;
	_ =	sdelay $0x1  }
0x69e: {  	v6 =	vadd.f32 v7, v6;
	_ =	sdelay $0x1  }
0x69f: {  	v6 =	vadd.f32 v8, v6;
	_ =	sdelay $0x1  }
0x6a0: {  	[tilespmem:s19+$0x1BC10] =	vst v6  }
0x6a1: {  	v6 =	vld [tilespmem:s23+$0x9C20]  }
0x6a2: {  	v7 =	vld [tilespmem:s23+$0x9CA0];
	_ =	sdelay $0x1  }
0x6a3: {  	v8 =	vld [tilespmem:s23+$0x9D20];
	_ =	sdelay $0x1  }
0x6a4: {  	v9 =	vld [tilespmem:s23+$0x9DA0]  }
0x6a5: {  	v6 =	vadd.f32 v7, v6  }
0x6a6: {  	v7 =	vld [tilespmem:s19+$0x15C20]  }
0x6a7: {  	v6 =	vadd.f32 v8, v6  }
0x6a8: {  	v8 =	vld [tilespmem:s19+$0x17C20]  }
0x6a9: {  	v6 =	vadd.f32 v9, v6;
	_ =	sdelay $0x1  }
0x6aa: {  	v6 =	vadd.f32 v7, v6;
	_ =	sdelay $0x1  }
0x6ab: {  	v6 =	vadd.f32 v8, v6;
	_ =	sdelay $0x1  }
0x6ac: {  	[tilespmem:s19+$0x1BC20] =	vst v6  }
0x6ad: {  	v6 =	vld [tilespmem:s23+$0x9C30]  }
0x6ae: {  	v7 =	vld [tilespmem:s23+$0x9CB0];
	_ =	sdelay $0x1  }
0x6af: {  	v8 =	vld [tilespmem:s23+$0x9D30];
	_ =	sdelay $0x1  }
0x6b0: {  	v9 =	vld [tilespmem:s23+$0x9DB0]  }
0x6b1: {  	v6 =	vadd.f32 v7, v6  }
0x6b2: {  	v7 =	vld [tilespmem:s19+$0x15C30]  }
0x6b3: {  	v6 =	vadd.f32 v8, v6  }
0x6b4: {  	v8 =	vld [tilespmem:s19+$0x17C30]  }
0x6b5: {  	v6 =	vadd.f32 v9, v6;
	_ =	sdelay $0x1  }
0x6b6: {  	v6 =	vadd.f32 v7, v6;
	_ =	sdelay $0x1  }
0x6b7: {  	v6 =	vadd.f32 v8, v6;
	_ =	sdelay $0x1  }
0x6b8: {  	[tilespmem:s19+$0x1BC30] =	vst v6  }
0x6b9: {  	v6 =	vld [tilespmem:s23+$0x9C40]  }
0x6ba: {  	v7 =	vld [tilespmem:s23+$0x9CC0];
	_ =	sdelay $0x1  }
0x6bb: {  	v8 =	vld [tilespmem:s23+$0x9D40];
	_ =	sdelay $0x1  }
0x6bc: {  	v9 =	vld [tilespmem:s23+$0x9DC0]  }
0x6bd: {  	v6 =	vadd.f32 v7, v6  }
0x6be: {  	v7 =	vld [tilespmem:s19+$0x15C40]  }
0x6bf: {  	v6 =	vadd.f32 v8, v6  }
0x6c0: {  	v8 =	vld [tilespmem:s19+$0x17C40]  }
0x6c1: {  	v6 =	vadd.f32 v9, v6;
	_ =	sdelay $0x1  }
0x6c2: {  	v6 =	vadd.f32 v7, v6;
	_ =	sdelay $0x1  }
0x6c3: {  	v6 =	vadd.f32 v8, v6;
	_ =	sdelay $0x1  }
0x6c4: {  	[tilespmem:s19+$0x1BC40] =	vst v6  }
0x6c5: {  	v6 =	vld [tilespmem:s23+$0x9C50]  }
0x6c6: {  	v7 =	vld [tilespmem:s23+$0x9CD0];
	_ =	sdelay $0x1  }
0x6c7: {  	v8 =	vld [tilespmem:s23+$0x9D50];
	_ =	sdelay $0x1  }
0x6c8: {  	v9 =	vld [tilespmem:s23+$0x9DD0]  }
0x6c9: {  	v6 =	vadd.f32 v7, v6  }
0x6ca: {  	v7 =	vld [tilespmem:s19+$0x15C50]  }
0x6cb: {  	v6 =	vadd.f32 v8, v6  }
0x6cc: {  	v8 =	vld [tilespmem:s19+$0x17C50]  }
0x6cd: {  	v6 =	vadd.f32 v9, v6;
	_ =	sdelay $0x1  }
0x6ce: {  	v6 =	vadd.f32 v7, v6;
	_ =	sdelay $0x1  }
0x6cf: {  	v6 =	vadd.f32 v8, v6;
	_ =	sdelay $0x1  }
0x6d0: {  	[tilespmem:s19+$0x1BC50] =	vst v6  }
0x6d1: {  	v6 =	vld [tilespmem:s23+$0x9C60]  }
0x6d2: {  	v7 =	vld [tilespmem:s23+$0x9CE0]  }
0x6d3: {  	v8 =	vld [tilespmem:s23+$0x9D60];
	_ =	sdelay $0x2  }
0x6d4: {  	v9 =	vld [tilespmem:s23+$0x9DE0]  }
0x6d5: {  	v6 =	vadd.f32 v7, v6  }
0x6d6: {  	v7 =	vld [tilespmem:s19+$0x15C60]  }
0x6d7: {  	v6 =	vadd.f32 v8, v6  }
0x6d8: {  	v8 =	vld [tilespmem:s19+$0x17C60]  }
0x6d9: {  	v6 =	vadd.f32 v9, v6;
	_ =	sdelay $0x1  }
0x6da: {  	v6 =	vadd.f32 v7, v6;
	_ =	sdelay $0x1  }
0x6db: {  	v6 =	vadd.f32 v8, v6;
	_ =	sdelay $0x1  }
0x6dc: {  	[tilespmem:s19+$0x1BC60] =	vst v6  }
0x6dd: {  	v6 =	vld [tilespmem:s23+$0x9C70]  }
0x6de: {  	v7 =	vld [tilespmem:s23+$0x9CF0]  }
0x6df: {  	v8 =	vld [tilespmem:s23+$0x9D70];
	_ =	sdelay $0x2  }
0x6e0: {  	v9 =	vld [tilespmem:s23+$0x9DF0]  }
0x6e1: {  	v6 =	vadd.f32 v7, v6  }
0x6e2: {  	v7 =	vld [tilespmem:s19+$0x15C70]  }
0x6e3: {  	v6 =	vadd.f32 v8, v6  }
0x6e4: {  	v8 =	vld [tilespmem:s19+$0x17C70]  }
0x6e5: {  	v6 =	vadd.f32 v9, v6;
	_ =	sdelay $0x1  }
0x6e6: {  	s23 =	simm.s32 $0x1;
	v6 =	vadd.f32 v7, v6  }
0x6e7: {  	s23 =	simm.s32 @!p1 $0x0  }
0x6e8: {  	s23 =	sshll.u32 s23, $0x9;
	v6 =	vadd.f32 v8, v6  }
0x6e9: {  	s23 =	sadd.s32 s23, s28  }
0x6ea: {  	s26 =	sor.u32 $0x400, s23;
	s25 =	sadd.s32 $0x80, s23;
	s24 =	sadd.s32 $0x100, s23;
	[tilespmem:s19+$0x1BC70] =	vst v6  }
0x6eb: {  	s28 =	sor.u32 $0x400, s25;
	v6 =	vld [tilespmem:s26+$0x9C00];
	s26 =	sadd.s32 $0x180, s23  }
0x6ec: {  	v7 =	vld [tilespmem:s28+$0x9C00];
	s28 =	sor.u32 $0x400, s24  }
0x6ed: {  	v8 =	vld [tilespmem:s28+$0x9C00];
	_ =	sdelay $0x1  }
0x6ee: {  	s28 =	sor.u32 $0x400, s26  }
0x6ef: {  	v9 =	vld [tilespmem:s28+$0x9C00]  }
0x6f0: {  	v6 =	vadd.f32 v7, v6  }
0x6f1: {  	v7 =	vld [tilespmem:s19+$0x16000]  }
0x6f2: {  	v6 =	vadd.f32 v8, v6  }
0x6f3: {  	v8 =	vld [tilespmem:s19+$0x18000]  }
0x6f4: {  	v6 =	vadd.f32 v9, v6;
	_ =	sdelay $0x1  }
0x6f5: {  	v6 =	vadd.f32 v7, v6;
	_ =	sdelay $0x1  }
0x6f6: {  	v6 =	vadd.f32 v8, v6;
	_ =	sdelay $0x1  }
0x6f7: {  	s28 =	sor.u32 $0x410, s23;
	[tilespmem:s19+$0x1C000] =	vst v6  }
0x6f8: {  	v6 =	vld [tilespmem:s28+$0x9C00];
	s28 =	sor.u32 $0x410, s25  }
0x6f9: {  	v7 =	vld [tilespmem:s28+$0x9C00];
	s28 =	sor.u32 $0x410, s26  }
0x6fa: {  	s29 =	sor.u32 $0x410, s24;
	v8 =	vld [tilespmem:s28+$0x9C00]  }
0x6fb: {  	v9 =	vld [tilespmem:s29+$0x9C00];
	_ =	sdelay $0x2  }
0x6fc: {  	v6 =	vadd.f32 v7, v6  }
0x6fd: {  	v7 =	vld [tilespmem:s19+$0x16010]  }
0x6fe: {  	v6 =	vadd.f32 v9, v6  }
0x6ff: {  	v9 =	vld [tilespmem:s19+$0x18010]  }
0x700: {  	v6 =	vadd.f32 v8, v6;
	_ =	sdelay $0x1  }
0x701: {  	v6 =	vadd.f32 v7, v6;
	_ =	sdelay $0x1  }
0x702: {  	v6 =	vadd.f32 v9, v6;
	_ =	sdelay $0x1  }
0x703: {  	s28 =	sor.u32 $0x420, s23;
	[tilespmem:s19+$0x1C010] =	vst v6  }
0x704: {  	v6 =	vld [tilespmem:s28+$0x9C00];
	s28 =	sor.u32 $0x420, s25  }
0x705: {  	v7 =	vld [tilespmem:s28+$0x9C00];
	s28 =	sor.u32 $0x420, s26  }
0x706: {  	s29 =	sor.u32 $0x420, s24;
	v8 =	vld [tilespmem:s28+$0x9C00]  }
0x707: {  	v9 =	vld [tilespmem:s29+$0x9C00];
	_ =	sdelay $0x2  }
0x708: {  	v6 =	vadd.f32 v7, v6  }
0x709: {  	v7 =	vld [tilespmem:s19+$0x16020]  }
0x70a: {  	v6 =	vadd.f32 v9, v6  }
0x70b: {  	v9 =	vld [tilespmem:s19+$0x18020]  }
0x70c: {  	v6 =	vadd.f32 v8, v6;
	_ =	sdelay $0x1  }
0x70d: {  	v6 =	vadd.f32 v7, v6;
	_ =	sdelay $0x1  }
0x70e: {  	v6 =	vadd.f32 v9, v6;
	_ =	sdelay $0x1  }
0x70f: {  	s28 =	sor.u32 $0x430, s23;
	[tilespmem:s19+$0x1C020] =	vst v6  }
0x710: {  	v6 =	vld [tilespmem:s28+$0x9C00];
	s28 =	sor.u32 $0x430, s25  }
0x711: {  	v7 =	vld [tilespmem:s28+$0x9C00];
	s28 =	sor.u32 $0x430, s24  }
0x712: {  	v8 =	vld [tilespmem:s28+$0x9C00];
	s28 =	sor.u32 $0x430, s26  }
0x713: {  	v9 =	vld [tilespmem:s28+$0x9C00];
	_ =	sdelay $0x2  }
0x714: {  	v6 =	vadd.f32 v7, v6  }
0x715: {  	v7 =	vld [tilespmem:s19+$0x16030]  }
0x716: {  	v6 =	vadd.f32 v8, v6  }
0x717: {  	v8 =	vld [tilespmem:s19+$0x18030]  }
0x718: {  	v6 =	vadd.f32 v9, v6;
	_ =	sdelay $0x1  }
0x719: {  	v6 =	vadd.f32 v7, v6;
	_ =	sdelay $0x1  }
0x71a: {  	v6 =	vadd.f32 v8, v6;
	_ =	sdelay $0x1  }
0x71b: {  	s28 =	sor.u32 $0x440, s23;
	[tilespmem:s19+$0x1C030] =	vst v6  }
0x71c: {  	v6 =	vld [tilespmem:s28+$0x9C00];
	s28 =	sor.u32 $0x440, s25  }
0x71d: {  	v7 =	vld [tilespmem:s28+$0x9C00];
	s28 =	sor.u32 $0x440, s24  }
0x71e: {  	v8 =	vld [tilespmem:s28+$0x9C00];
	s28 =	sor.u32 $0x440, s26  }
0x71f: {  	v9 =	vld [tilespmem:s28+$0x9C00];
	_ =	sdelay $0x2  }
0x720: {  	v6 =	vadd.f32 v7, v6  }
0x721: {  	v7 =	vld [tilespmem:s19+$0x16040]  }
0x722: {  	v6 =	vadd.f32 v8, v6  }
0x723: {  	v8 =	vld [tilespmem:s19+$0x18040]  }
0x724: {  	v6 =	vadd.f32 v9, v6;
	_ =	sdelay $0x1  }
0x725: {  	v6 =	vadd.f32 v7, v6;
	_ =	sdelay $0x1  }
0x726: {  	v6 =	vadd.f32 v8, v6;
	_ =	sdelay $0x1  }
0x727: {  	s28 =	sor.u32 $0x450, s23;
	[tilespmem:s19+$0x1C040] =	vst v6  }
0x728: {  	v6 =	vld [tilespmem:s28+$0x9C00];
	s28 =	sor.u32 $0x450, s25  }
0x729: {  	v7 =	vld [tilespmem:s28+$0x9C00];
	s28 =	sor.u32 $0x450, s24  }
0x72a: {  	v8 =	vld [tilespmem:s28+$0x9C00];
	s28 =	sor.u32 $0x450, s26  }
0x72b: {  	v9 =	vld [tilespmem:s28+$0x9C00];
	_ =	sdelay $0x2  }
0x72c: {  	v6 =	vadd.f32 v7, v6  }
0x72d: {  	v7 =	vld [tilespmem:s19+$0x16050]  }
0x72e: {  	v6 =	vadd.f32 v8, v6  }
0x72f: {  	v8 =	vld [tilespmem:s19+$0x18050]  }
0x730: {  	v6 =	vadd.f32 v9, v6;
	_ =	sdelay $0x1  }
0x731: {  	v6 =	vadd.f32 v7, v6;
	_ =	sdelay $0x1  }
0x732: {  	v6 =	vadd.f32 v8, v6;
	_ =	sdelay $0x1  }
0x733: {  	s28 =	sor.u32 $0x460, s23;
	[tilespmem:s19+$0x1C050] =	vst v6  }
0x734: {  	v6 =	vld [tilespmem:s28+$0x9C00];
	s28 =	sor.u32 $0x460, s25  }
0x735: {  	v7 =	vld [tilespmem:s28+$0x9C00];
	s28 =	sor.u32 $0x460, s24  }
0x736: {  	v8 =	vld [tilespmem:s28+$0x9C00];
	s28 =	sor.u32 $0x460, s26  }
0x737: {  	v9 =	vld [tilespmem:s28+$0x9C00];
	_ =	sdelay $0x2  }
0x738: {  	v6 =	vadd.f32 v7, v6  }
0x739: {  	v7 =	vld [tilespmem:s19+$0x16060]  }
0x73a: {  	v6 =	vadd.f32 v8, v6  }
0x73b: {  	v8 =	vld [tilespmem:s19+$0x18060]  }
.Ltmp15:
0x73c: {  	v6 =	vadd.f32 v9, v6;
	(pc) =	sbr.rel @p2 .LBB2_23-.Ltmp15, $3  }
0x73d: {  	_ = 	snop  }
0x73e: {  	v6 =	vadd.f32 v7, v6;
	_ =	sdelay $0x1  }
0x73f: {  	s21 =	sadd.s32 $0x200, s21;
	v6 =	vadd.f32 v8, v6  }
0x740: {  	_ = 	snop  }
0x741: {  	s18 =	sor.u32 $0x470, s23;
	[tilespmem:s19+$0x1C060] =	vst v6  }
0x742: {  	s25 =	sor.u32 $0x470, s25;
	v6 =	vld [tilespmem:s18+$0x9C00]  }
0x743: {  	v7 =	vld [tilespmem:s25+$0x9C00]  }
0x744: {  	s28 =	sor.u32 $0x470, s24  }
0x745: {  	v8 =	vld [tilespmem:s28+$0x9C00]  }
0x746: {  	s29 =	sor.u32 $0x470, s26  }
0x747: {  	v9 =	vld [tilespmem:s29+$0x9C00]  }
0x748: {  	v6 =	vadd.f32 v7, v6  }
0x749: {  	v7 =	vld [tilespmem:s19+$0x16070]  }
0x74a: {  	v6 =	vadd.f32 v8, v6  }
0x74b: {  	v63 =	vld [tilespmem:s19+$0x18070]  }
0x74c: {  	v6 =	vadd.f32 v9, v6;
	_ =	sdelay $0x1  }
.Ltmp16:
0x74d: {  	v6 =	vadd.f32 v7, v6;
	(pc) =	sbr.rel .LBB2_25-.Ltmp16, $3  }
0x74e: {  	_ = 	snop  }
0x74f: {  	v6 =	vadd.f32 v63, v6;
	_ =	sdelay $0x1  }
0x750: {  	[tilespmem:s19+$0x1C070] =	vst v6  }
.LBB2_19:
0x751: {  	v6 =	vld [tilespmem:s20+$0x9C00]  }
0x752: {  	v7 =	vld [tilespmem:s20+$0x9C80];
	_ =	sdelay $0x1  }
0x753: {  	v8 =	vld [tilespmem:s20+$0x9D00];
	_ =	sdelay $0x1  }
0x754: {  	v9 =	vld [tilespmem:s20+$0x9D80];
	s19 =	sand.u32 $0x1800, s18;
	s21 =	sand.u32 $0x380, s18  }
0x755: {  	s19 =	sor.u32 s21, s19;
	v6 =	vadd.f32 v7, v6  }
0x756: {  	v7 =	vld [tilespmem:s19+$0x15C00]  }
0x757: {  	v6 =	vadd.f32 v8, v6;
	_ =	sdelay $0x1  }
0x758: {  	v6 =	vadd.f32 v9, v6;
	_ =	sdelay $0x1  }
0x759: {  	v6 =	vadd.f32 v7, v6;
	_ =	sdelay $0x1  }
0x75a: {  	[tilespmem:s19+$0x1BC00] =	vst v6  }
0x75b: {  	v6 =	vld [tilespmem:s20+$0x9C10]  }
0x75c: {  	v7 =	vld [tilespmem:s20+$0x9C90];
	_ =	sdelay $0x1  }
0x75d: {  	v8 =	vld [tilespmem:s20+$0x9D10];
	_ =	sdelay $0x1  }
0x75e: {  	v50 =	vld [tilespmem:s20+$0x9D90]  }
0x75f: {  	v6 =	vadd.f32 v7, v6  }
0x760: {  	v7 =	vld [tilespmem:s19+$0x15C10]  }
0x761: {  	v6 =	vadd.f32 v8, v6;
	_ =	sdelay $0x1  }
0x762: {  	v6 =	vadd.f32 v50, v6;
	_ =	sdelay $0x1  }
0x763: {  	v6 =	vadd.f32 v7, v6;
	_ =	sdelay $0x1  }
0x764: {  	[tilespmem:s19+$0x1BC10] =	vst v6  }
0x765: {  	v6 =	vld [tilespmem:s20+$0x9C20]  }
0x766: {  	v7 =	vld [tilespmem:s20+$0x9CA0];
	_ =	sdelay $0x1  }
0x767: {  	v8 =	vld [tilespmem:s20+$0x9D20];
	_ =	sdelay $0x1  }
0x768: {  	v51 =	vld [tilespmem:s20+$0x9DA0]  }
0x769: {  	v6 =	vadd.f32 v7, v6  }
0x76a: {  	v7 =	vld [tilespmem:s19+$0x15C20]  }
0x76b: {  	v6 =	vadd.f32 v8, v6;
	_ =	sdelay $0x1  }
0x76c: {  	v6 =	vadd.f32 v51, v6;
	_ =	sdelay $0x1  }
0x76d: {  	v6 =	vadd.f32 v7, v6;
	_ =	sdelay $0x1  }
0x76e: {  	[tilespmem:s19+$0x1BC20] =	vst v6  }
0x76f: {  	v6 =	vld [tilespmem:s20+$0x9C30]  }
0x770: {  	v7 =	vld [tilespmem:s20+$0x9CB0];
	_ =	sdelay $0x1  }
0x771: {  	v8 =	vld [tilespmem:s20+$0x9D30];
	_ =	sdelay $0x1  }
0x772: {  	v52 =	vld [tilespmem:s20+$0x9DB0]  }
0x773: {  	v6 =	vadd.f32 v7, v6  }
0x774: {  	v7 =	vld [tilespmem:s19+$0x15C30]  }
0x775: {  	v6 =	vadd.f32 v8, v6;
	_ =	sdelay $0x1  }
0x776: {  	v6 =	vadd.f32 v52, v6;
	_ =	sdelay $0x1  }
0x777: {  	v6 =	vadd.f32 v7, v6;
	_ =	sdelay $0x1  }
0x778: {  	[tilespmem:s19+$0x1BC30] =	vst v6  }
0x779: {  	v6 =	vld [tilespmem:s20+$0x9C40]  }
0x77a: {  	v7 =	vld [tilespmem:s20+$0x9CC0];
	_ =	sdelay $0x1  }
0x77b: {  	v8 =	vld [tilespmem:s20+$0x9D40];
	_ =	sdelay $0x1  }
0x77c: {  	v53 =	vld [tilespmem:s20+$0x9DC0]  }
0x77d: {  	v6 =	vadd.f32 v7, v6  }
0x77e: {  	v7 =	vld [tilespmem:s19+$0x15C40]  }
0x77f: {  	v6 =	vadd.f32 v8, v6;
	_ =	sdelay $0x1  }
0x780: {  	v6 =	vadd.f32 v53, v6;
	_ =	sdelay $0x1  }
0x781: {  	v6 =	vadd.f32 v7, v6;
	_ =	sdelay $0x1  }
0x782: {  	[tilespmem:s19+$0x1BC40] =	vst v6  }
0x783: {  	v6 =	vld [tilespmem:s20+$0x9C50]  }
0x784: {  	v7 =	vld [tilespmem:s20+$0x9CD0];
	_ =	sdelay $0x1  }
0x785: {  	v8 =	vld [tilespmem:s20+$0x9D50];
	_ =	sdelay $0x1  }
0x786: {  	v54 =	vld [tilespmem:s20+$0x9DD0]  }
0x787: {  	v6 =	vadd.f32 v7, v6  }
0x788: {  	v7 =	vld [tilespmem:s19+$0x15C50]  }
0x789: {  	v6 =	vadd.f32 v8, v6;
	_ =	sdelay $0x1  }
0x78a: {  	v6 =	vadd.f32 v54, v6;
	_ =	sdelay $0x1  }
0x78b: {  	v6 =	vadd.f32 v7, v6;
	_ =	sdelay $0x1  }
0x78c: {  	[tilespmem:s19+$0x1BC50] =	vst v6  }
0x78d: {  	v6 =	vld [tilespmem:s20+$0x9C60]  }
0x78e: {  	v7 =	vld [tilespmem:s20+$0x9CE0];
	_ =	sdelay $0x1  }
0x78f: {  	v8 =	vld [tilespmem:s20+$0x9D60];
	_ =	sdelay $0x1  }
0x790: {  	v55 =	vld [tilespmem:s20+$0x9DE0]  }
0x791: {  	v6 =	vadd.f32 v7, v6  }
0x792: {  	v7 =	vld [tilespmem:s19+$0x15C60]  }
0x793: {  	v6 =	vadd.f32 v8, v6;
	_ =	sdelay $0x1  }
0x794: {  	v6 =	vadd.f32 v55, v6;
	_ =	sdelay $0x1  }
0x795: {  	v6 =	vadd.f32 v7, v6;
	_ =	sdelay $0x1  }
0x796: {  	[tilespmem:s19+$0x1BC60] =	vst v6  }
0x797: {  	v6 =	vld [tilespmem:s20+$0x9C70]  }
0x798: {  	v7 =	vld [tilespmem:s20+$0x9CF0];
	_ =	sdelay $0x1  }
0x799: {  	v8 =	vld [tilespmem:s20+$0x9D70];
	_ =	sdelay $0x1  }
0x79a: {  	v56 =	vld [tilespmem:s20+$0x9DF0]  }
0x79b: {  	v6 =	vadd.f32 v7, v6  }
0x79c: {  	v7 =	vld [tilespmem:s19+$0x15C70]  }
0x79d: {  	v6 =	vadd.f32 v8, v6;
	_ =	sdelay $0x1  }
0x79e: {  	s20 =	simm.s32 $0x1;
	v6 =	vadd.f32 v56, v6  }
0x79f: {  	s20 =	simm.s32 @!p1 $0x0  }
0x7a0: {  	s20 =	sshll.u32 s20, $0x9;
	v6 =	vadd.f32 v7, v6  }
0x7a1: {  	s23 =	sadd.s32 $0x0, s20  }
0x7a2: {  	s20 =	sor.u32 $0x400, s23;
	s25 =	sadd.s32 $0x80, s23;
	[tilespmem:s19+$0x1BC70] =	vst v6  }
0x7a3: {  	s26 =	sor.u32 $0x400, s25;
	v6 =	vld [tilespmem:s20+$0x9C00]  }
0x7a4: {  	s24 =	sadd.s32 $0x100, s23;
	v7 =	vld [tilespmem:s26+$0x9C00]  }
0x7a5: {  	s28 =	sor.u32 $0x400, s24  }
0x7a6: {  	s26 =	sadd.s32 $0x180, s23;
	v8 =	vld [tilespmem:s28+$0x9C00]  }
0x7a7: {  	s29 =	sor.u32 $0x400, s26  }
0x7a8: {  	v57 =	vld [tilespmem:s29+$0x9C00]  }
0x7a9: {  	v6 =	vadd.f32 v7, v6  }
0x7aa: {  	v7 =	vld [tilespmem:s19+$0x16000]  }
0x7ab: {  	v6 =	vadd.f32 v8, v6;
	_ =	sdelay $0x1  }
0x7ac: {  	v6 =	vadd.f32 v57, v6;
	_ =	sdelay $0x1  }
0x7ad: {  	v6 =	vadd.f32 v7, v6;
	_ =	sdelay $0x1  }
0x7ae: {  	s21 =	sor.u32 $0x410, s23;
	[tilespmem:s19+$0x1C000] =	vst v6  }
0x7af: {  	s22 =	sor.u32 $0x410, s25;
	v6 =	vld [tilespmem:s21+$0x9C00]  }
0x7b0: {  	v7 =	vld [tilespmem:s22+$0x9C00]  }
0x7b1: {  	s28 =	sor.u32 $0x410, s24  }
0x7b2: {  	v8 =	vld [tilespmem:s28+$0x9C00]  }
0x7b3: {  	s29 =	sor.u32 $0x410, s26  }
0x7b4: {  	v58 =	vld [tilespmem:s29+$0x9C00]  }
0x7b5: {  	v6 =	vadd.f32 v7, v6  }
0x7b6: {  	v7 =	vld [tilespmem:s19+$0x16010]  }
0x7b7: {  	v6 =	vadd.f32 v8, v6;
	_ =	sdelay $0x1  }
0x7b8: {  	v6 =	vadd.f32 v58, v6;
	_ =	sdelay $0x1  }
0x7b9: {  	v6 =	vadd.f32 v7, v6;
	_ =	sdelay $0x1  }
0x7ba: {  	s21 =	sor.u32 $0x420, s23;
	[tilespmem:s19+$0x1C010] =	vst v6  }
0x7bb: {  	s22 =	sor.u32 $0x420, s25;
	v6 =	vld [tilespmem:s21+$0x9C00]  }
0x7bc: {  	v7 =	vld [tilespmem:s22+$0x9C00]  }
0x7bd: {  	s28 =	sor.u32 $0x420, s24  }
0x7be: {  	v8 =	vld [tilespmem:s28+$0x9C00]  }
0x7bf: {  	s29 =	sor.u32 $0x420, s26  }
0x7c0: {  	v59 =	vld [tilespmem:s29+$0x9C00]  }
0x7c1: {  	v6 =	vadd.f32 v7, v6  }
0x7c2: {  	v7 =	vld [tilespmem:s19+$0x16020]  }
0x7c3: {  	v6 =	vadd.f32 v8, v6;
	_ =	sdelay $0x1  }
0x7c4: {  	v6 =	vadd.f32 v59, v6;
	_ =	sdelay $0x1  }
0x7c5: {  	v6 =	vadd.f32 v7, v6;
	_ =	sdelay $0x1  }
0x7c6: {  	s21 =	sor.u32 $0x430, s23;
	[tilespmem:s19+$0x1C020] =	vst v6  }
0x7c7: {  	s22 =	sor.u32 $0x430, s25;
	v6 =	vld [tilespmem:s21+$0x9C00]  }
0x7c8: {  	v7 =	vld [tilespmem:s22+$0x9C00]  }
0x7c9: {  	s28 =	sor.u32 $0x430, s24  }
0x7ca: {  	v8 =	vld [tilespmem:s28+$0x9C00]  }
0x7cb: {  	s29 =	sor.u32 $0x430, s26  }
0x7cc: {  	v60 =	vld [tilespmem:s29+$0x9C00]  }
0x7cd: {  	v6 =	vadd.f32 v7, v6  }
0x7ce: {  	v7 =	vld [tilespmem:s19+$0x16030]  }
0x7cf: {  	v6 =	vadd.f32 v8, v6;
	_ =	sdelay $0x1  }
0x7d0: {  	v6 =	vadd.f32 v60, v6;
	_ =	sdelay $0x1  }
0x7d1: {  	v6 =	vadd.f32 v7, v6;
	_ =	sdelay $0x1  }
0x7d2: {  	s21 =	sor.u32 $0x440, s23;
	[tilespmem:s19+$0x1C030] =	vst v6  }
0x7d3: {  	s22 =	sor.u32 $0x440, s25;
	v6 =	vld [tilespmem:s21+$0x9C00]  }
0x7d4: {  	v7 =	vld [tilespmem:s22+$0x9C00]  }
0x7d5: {  	s28 =	sor.u32 $0x440, s24  }
0x7d6: {  	v8 =	vld [tilespmem:s28+$0x9C00]  }
0x7d7: {  	s29 =	sor.u32 $0x440, s26  }
0x7d8: {  	v61 =	vld [tilespmem:s29+$0x9C00]  }
0x7d9: {  	v6 =	vadd.f32 v7, v6  }
0x7da: {  	v7 =	vld [tilespmem:s19+$0x16040]  }
0x7db: {  	v6 =	vadd.f32 v8, v6;
	_ =	sdelay $0x1  }
0x7dc: {  	v6 =	vadd.f32 v61, v6;
	_ =	sdelay $0x1  }
0x7dd: {  	v6 =	vadd.f32 v7, v6;
	_ =	sdelay $0x1  }
0x7de: {  	s21 =	sor.u32 $0x450, s23;
	[tilespmem:s19+$0x1C040] =	vst v6  }
0x7df: {  	s22 =	sor.u32 $0x450, s25;
	v6 =	vld [tilespmem:s21+$0x9C00]  }
0x7e0: {  	v7 =	vld [tilespmem:s22+$0x9C00]  }
0x7e1: {  	s28 =	sor.u32 $0x450, s24  }
0x7e2: {  	v8 =	vld [tilespmem:s28+$0x9C00]  }
0x7e3: {  	s29 =	sor.u32 $0x450, s26  }
0x7e4: {  	v62 =	vld [tilespmem:s29+$0x9C00]  }
0x7e5: {  	v6 =	vadd.f32 v7, v6  }
0x7e6: {  	v7 =	vld [tilespmem:s19+$0x16050]  }
0x7e7: {  	v6 =	vadd.f32 v8, v6;
	_ =	sdelay $0x1  }
0x7e8: {  	v6 =	vadd.f32 v62, v6;
	_ =	sdelay $0x1  }
0x7e9: {  	v6 =	vadd.f32 v7, v6;
	_ =	sdelay $0x1  }
0x7ea: {  	s21 =	sor.u32 $0x460, s23;
	[tilespmem:s19+$0x1C050] =	vst v6  }
0x7eb: {  	s22 =	sor.u32 $0x460, s25;
	v6 =	vld [tilespmem:s21+$0x9C00]  }
0x7ec: {  	v7 =	vld [tilespmem:s22+$0x9C00]  }
0x7ed: {  	s28 =	sor.u32 $0x460, s24  }
0x7ee: {  	v8 =	vld [tilespmem:s28+$0x9C00];
	_ =	sdelay $0x1  }
0x7ef: {  	s29 =	sor.u32 $0x460, s26  }
0x7f0: {  	v63 =	vld [tilespmem:s29+$0x9C00];
	v6 =	vadd.f32 v7, v6;
	_ =	sdelay $0x1  }
0x7f1: {  	v7 =	vadd.f32 v8, v6;
	v6 =	vld [tilespmem:s19+$0x16060];
	_ =	sdelay $0x2  }
0x7f2: {  	s20 =	simm.s32 $0x400;
	s21 =	simm.s32 $0x200;
	s22 =	simm.s32 $0x0;
	v7 =	vadd.f32 v63, v7  }
.LBB2_20:
0x7f3: {  	s18 =	sadd.s32 $0x80, s18;
	s22 =	sadd.s32 $0x100, s22;
	p1 =	por !p1, !p1  }
0x7f4: {  	p2 =	seq.s32 s20, $0x7C00;
	v6 =	vadd.f32 v6, v7;
	s28 =	smov.u32 s20;
	s20 =	sadd.s32 $0x400, s20  }
0x7f5: {  	_ = 	snop  }
0x7f6: {  	s23 =	sor.u32 $0x470, s23;
	[tilespmem:s19+$0x1C060] =	vst v6  }
0x7f7: {  	v6 =	vld [tilespmem:s23+$0x9C00];
	s23 =	sor.u32 $0x470, s25  }
0x7f8: {  	v7 =	vld [tilespmem:s23+$0x9C00];
	s23 =	sor.u32 $0x470, s24  }
0x7f9: {  	v8 =	vld [tilespmem:s23+$0x9C00];
	s23 =	sor.u32 $0x470, s26  }
0x7fa: {  	v9 =	vld [tilespmem:s23+$0x9C00];
	_ =	sdelay $0x1  }
0x7fb: {  	v10 =	vld [tilespmem:s19+$0x16070]  }
0x7fc: {  	v6 =	vadd.f32 v7, v6;
	_ =	sdelay $0x1  }
0x7fd: {  	v6 =	vadd.f32 v8, v6;
	_ =	sdelay $0x1  }
0x7fe: {  	v6 =	vadd.f32 v9, v6  }
0x7ff: {  	s24 =	sand.u32 $0x200, s21;
	s23 =	sand.u32 $0x7800, s28  }
0x800: {  	s23 =	sor.u32 s24, s23;
	v6 =	vadd.f32 v10, v6;
	_ =	sdelay $0x1  }
0x801: {  	[tilespmem:s19+$0x1C070] =	vst v6  }
0x802: {  	v6 =	vld [tilespmem:s23+$0x9C00]  }
0x803: {  	v7 =	vld [tilespmem:s23+$0x9C80]  }
0x804: {  	v8 =	vld [tilespmem:s23+$0x9D00]  }
0x805: {  	v9 =	vld [tilespmem:s23+$0x9D80];
	_ =	sdelay $0x1  }
0x806: {  	s24 =	sand.u32 $0x380, s18;
	s19 =	sand.u32 $0x1800, s22  }
0x807: {  	s19 =	sor.u32 s24, s19;
	v6 =	vadd.f32 v7, v6  }
0x808: {  	v7 =	vld [tilespmem:s19+$0x15C00]  }
0x809: {  	v6 =	vadd.f32 v8, v6;
	_ =	sdelay $0x1  }
0x80a: {  	v6 =	vadd.f32 v9, v6;
	_ =	sdelay $0x1  }
0x80b: {  	v6 =	vadd.f32 v7, v6;
	_ =	sdelay $0x1  }
0x80c: {  	[tilespmem:s19+$0x1BC00] =	vst v6  }
0x80d: {  	v6 =	vld [tilespmem:s23+$0x9C10]  }
0x80e: {  	v7 =	vld [tilespmem:s23+$0x9C90];
	_ =	sdelay $0x1  }
0x80f: {  	v8 =	vld [tilespmem:s23+$0x9D10];
	_ =	sdelay $0x1  }
0x810: {  	v9 =	vld [tilespmem:s23+$0x9D90]  }
0x811: {  	v6 =	vadd.f32 v7, v6  }
0x812: {  	v7 =	vld [tilespmem:s19+$0x15C10]  }
0x813: {  	v6 =	vadd.f32 v8, v6;
	_ =	sdelay $0x1  }
0x814: {  	v6 =	vadd.f32 v9, v6;
	_ =	sdelay $0x1  }
0x815: {  	v6 =	vadd.f32 v7, v6;
	_ =	sdelay $0x1  }
0x816: {  	[tilespmem:s19+$0x1BC10] =	vst v6  }
0x817: {  	v6 =	vld [tilespmem:s23+$0x9C20]  }
0x818: {  	v7 =	vld [tilespmem:s23+$0x9CA0];
	_ =	sdelay $0x1  }
0x819: {  	v8 =	vld [tilespmem:s23+$0x9D20];
	_ =	sdelay $0x1  }
0x81a: {  	v9 =	vld [tilespmem:s23+$0x9DA0]  }
0x81b: {  	v6 =	vadd.f32 v7, v6  }
0x81c: {  	v7 =	vld [tilespmem:s19+$0x15C20]  }
0x81d: {  	v6 =	vadd.f32 v8, v6;
	_ =	sdelay $0x1  }
0x81e: {  	v6 =	vadd.f32 v9, v6;
	_ =	sdelay $0x1  }
0x81f: {  	v6 =	vadd.f32 v7, v6;
	_ =	sdelay $0x1  }
0x820: {  	[tilespmem:s19+$0x1BC20] =	vst v6  }
0x821: {  	v6 =	vld [tilespmem:s23+$0x9C30]  }
0x822: {  	v7 =	vld [tilespmem:s23+$0x9CB0];
	_ =	sdelay $0x1  }
0x823: {  	v8 =	vld [tilespmem:s23+$0x9D30];
	_ =	sdelay $0x1  }
0x824: {  	v9 =	vld [tilespmem:s23+$0x9DB0]  }
0x825: {  	v6 =	vadd.f32 v7, v6  }
0x826: {  	v7 =	vld [tilespmem:s19+$0x15C30]  }
0x827: {  	v6 =	vadd.f32 v8, v6;
	_ =	sdelay $0x1  }
0x828: {  	v6 =	vadd.f32 v9, v6;
	_ =	sdelay $0x1  }
0x829: {  	v6 =	vadd.f32 v7, v6;
	_ =	sdelay $0x1  }
0x82a: {  	[tilespmem:s19+$0x1BC30] =	vst v6  }
0x82b: {  	v6 =	vld [tilespmem:s23+$0x9C40]  }
0x82c: {  	v7 =	vld [tilespmem:s23+$0x9CC0];
	_ =	sdelay $0x1  }
0x82d: {  	v8 =	vld [tilespmem:s23+$0x9D40];
	_ =	sdelay $0x1  }
0x82e: {  	v9 =	vld [tilespmem:s23+$0x9DC0]  }
0x82f: {  	v6 =	vadd.f32 v7, v6  }
0x830: {  	v7 =	vld [tilespmem:s19+$0x15C40]  }
0x831: {  	v6 =	vadd.f32 v8, v6;
	_ =	sdelay $0x1  }
0x832: {  	v6 =	vadd.f32 v9, v6;
	_ =	sdelay $0x1  }
0x833: {  	v6 =	vadd.f32 v7, v6;
	_ =	sdelay $0x1  }
0x834: {  	[tilespmem:s19+$0x1BC40] =	vst v6  }
0x835: {  	v6 =	vld [tilespmem:s23+$0x9C50]  }
0x836: {  	v7 =	vld [tilespmem:s23+$0x9CD0];
	_ =	sdelay $0x1  }
0x837: {  	v8 =	vld [tilespmem:s23+$0x9D50];
	_ =	sdelay $0x1  }
0x838: {  	v9 =	vld [tilespmem:s23+$0x9DD0]  }
0x839: {  	v6 =	vadd.f32 v7, v6  }
0x83a: {  	v7 =	vld [tilespmem:s19+$0x15C50]  }
0x83b: {  	v6 =	vadd.f32 v8, v6;
	_ =	sdelay $0x1  }
0x83c: {  	v6 =	vadd.f32 v9, v6;
	_ =	sdelay $0x1  }
0x83d: {  	v6 =	vadd.f32 v7, v6;
	_ =	sdelay $0x1  }
0x83e: {  	[tilespmem:s19+$0x1BC50] =	vst v6  }
0x83f: {  	v6 =	vld [tilespmem:s23+$0x9C60]  }
0x840: {  	v7 =	vld [tilespmem:s23+$0x9CE0]  }
0x841: {  	v8 =	vld [tilespmem:s23+$0x9DE0]  }
0x842: {  	v9 =	vld [tilespmem:s23+$0x9D60];
	_ =	sdelay $0x2  }
0x843: {  	v6 =	vadd.f32 v7, v6  }
0x844: {  	v7 =	vld [tilespmem:s19+$0x15C60]  }
0x845: {  	v6 =	vadd.f32 v9, v6;
	_ =	sdelay $0x1  }
0x846: {  	v6 =	vadd.f32 v8, v6;
	_ =	sdelay $0x1  }
0x847: {  	v6 =	vadd.f32 v7, v6;
	_ =	sdelay $0x1  }
0x848: {  	[tilespmem:s19+$0x1BC60] =	vst v6  }
0x849: {  	v6 =	vld [tilespmem:s23+$0x9C70]  }
0x84a: {  	v7 =	vld [tilespmem:s23+$0x9CF0]  }
0x84b: {  	v8 =	vld [tilespmem:s23+$0x9D70];
	_ =	sdelay $0x2  }
0x84c: {  	v9 =	vld [tilespmem:s23+$0x9DF0]  }
0x84d: {  	v6 =	vadd.f32 v7, v6  }
0x84e: {  	v7 =	vld [tilespmem:s19+$0x15C70]  }
0x84f: {  	v6 =	vadd.f32 v8, v6;
	_ =	sdelay $0x1  }
0x850: {  	s23 =	simm.s32 $0x1;
	v6 =	vadd.f32 v9, v6  }
0x851: {  	s23 =	simm.s32 @!p1 $0x0  }
0x852: {  	s23 =	sshll.u32 s23, $0x9;
	v6 =	vadd.f32 v7, v6  }
0x853: {  	s23 =	sadd.s32 s23, s28  }
0x854: {  	s26 =	sor.u32 $0x400, s23;
	s25 =	sadd.s32 $0x80, s23;
	s24 =	sadd.s32 $0x100, s23;
	[tilespmem:s19+$0x1BC70] =	vst v6  }
0x855: {  	s28 =	sor.u32 $0x400, s25;
	v6 =	vld [tilespmem:s26+$0x9C00];
	s26 =	sadd.s32 $0x180, s23  }
0x856: {  	v7 =	vld [tilespmem:s28+$0x9C00];
	s28 =	sor.u32 $0x400, s24  }
0x857: {  	v8 =	vld [tilespmem:s28+$0x9C00];
	_ =	sdelay $0x1  }
0x858: {  	s28 =	sor.u32 $0x400, s26  }
0x859: {  	v9 =	vld [tilespmem:s28+$0x9C00]  }
0x85a: {  	v6 =	vadd.f32 v7, v6  }
0x85b: {  	v7 =	vld [tilespmem:s19+$0x16000]  }
0x85c: {  	v6 =	vadd.f32 v8, v6;
	_ =	sdelay $0x1  }
0x85d: {  	v6 =	vadd.f32 v9, v6;
	_ =	sdelay $0x1  }
0x85e: {  	v6 =	vadd.f32 v7, v6;
	_ =	sdelay $0x1  }
0x85f: {  	s28 =	sor.u32 $0x410, s23;
	[tilespmem:s19+$0x1C000] =	vst v6  }
0x860: {  	v6 =	vld [tilespmem:s28+$0x9C00];
	s28 =	sor.u32 $0x410, s25  }
0x861: {  	v7 =	vld [tilespmem:s28+$0x9C00];
	s28 =	sor.u32 $0x410, s24  }
0x862: {  	v8 =	vld [tilespmem:s28+$0x9C00];
	s28 =	sor.u32 $0x410, s26  }
0x863: {  	v9 =	vld [tilespmem:s28+$0x9C00];
	_ =	sdelay $0x2  }
0x864: {  	v6 =	vadd.f32 v7, v6  }
0x865: {  	v7 =	vld [tilespmem:s19+$0x16010]  }
0x866: {  	v6 =	vadd.f32 v8, v6;
	_ =	sdelay $0x1  }
0x867: {  	v6 =	vadd.f32 v9, v6;
	_ =	sdelay $0x1  }
0x868: {  	v6 =	vadd.f32 v7, v6;
	_ =	sdelay $0x1  }
0x869: {  	s28 =	sor.u32 $0x420, s23;
	[tilespmem:s19+$0x1C010] =	vst v6  }
0x86a: {  	v6 =	vld [tilespmem:s28+$0x9C00];
	s28 =	sor.u32 $0x420, s25  }
0x86b: {  	v7 =	vld [tilespmem:s28+$0x9C00];
	s28 =	sor.u32 $0x420, s24  }
0x86c: {  	v8 =	vld [tilespmem:s28+$0x9C00];
	s28 =	sor.u32 $0x420, s26  }
0x86d: {  	v9 =	vld [tilespmem:s28+$0x9C00];
	_ =	sdelay $0x2  }
0x86e: {  	v6 =	vadd.f32 v7, v6  }
0x86f: {  	v7 =	vld [tilespmem:s19+$0x16020]  }
0x870: {  	v6 =	vadd.f32 v8, v6;
	_ =	sdelay $0x1  }
0x871: {  	v6 =	vadd.f32 v9, v6;
	_ =	sdelay $0x1  }
0x872: {  	v6 =	vadd.f32 v7, v6;
	_ =	sdelay $0x1  }
0x873: {  	s28 =	sor.u32 $0x430, s23;
	[tilespmem:s19+$0x1C020] =	vst v6  }
0x874: {  	v6 =	vld [tilespmem:s28+$0x9C00];
	s28 =	sor.u32 $0x430, s25  }
0x875: {  	v7 =	vld [tilespmem:s28+$0x9C00];
	s28 =	sor.u32 $0x430, s24  }
0x876: {  	v8 =	vld [tilespmem:s28+$0x9C00];
	s28 =	sor.u32 $0x430, s26  }
0x877: {  	v9 =	vld [tilespmem:s28+$0x9C00];
	_ =	sdelay $0x2  }
0x878: {  	v6 =	vadd.f32 v7, v6  }
0x879: {  	v7 =	vld [tilespmem:s19+$0x16030]  }
0x87a: {  	v6 =	vadd.f32 v8, v6;
	_ =	sdelay $0x1  }
0x87b: {  	v6 =	vadd.f32 v9, v6;
	_ =	sdelay $0x1  }
0x87c: {  	v6 =	vadd.f32 v7, v6;
	_ =	sdelay $0x1  }
0x87d: {  	s28 =	sor.u32 $0x440, s23;
	[tilespmem:s19+$0x1C030] =	vst v6  }
0x87e: {  	v6 =	vld [tilespmem:s28+$0x9C00];
	s28 =	sor.u32 $0x440, s25  }
0x87f: {  	v7 =	vld [tilespmem:s28+$0x9C00];
	s28 =	sor.u32 $0x440, s24  }
0x880: {  	v8 =	vld [tilespmem:s28+$0x9C00];
	s28 =	sor.u32 $0x440, s26  }
0x881: {  	v9 =	vld [tilespmem:s28+$0x9C00];
	_ =	sdelay $0x2  }
0x882: {  	v6 =	vadd.f32 v7, v6  }
0x883: {  	v7 =	vld [tilespmem:s19+$0x16040]  }
0x884: {  	v6 =	vadd.f32 v8, v6;
	_ =	sdelay $0x1  }
0x885: {  	v6 =	vadd.f32 v9, v6;
	_ =	sdelay $0x1  }
0x886: {  	v6 =	vadd.f32 v7, v6;
	_ =	sdelay $0x1  }
0x887: {  	s28 =	sor.u32 $0x450, s23;
	[tilespmem:s19+$0x1C040] =	vst v6  }
0x888: {  	v6 =	vld [tilespmem:s28+$0x9C00];
	s28 =	sor.u32 $0x450, s25  }
0x889: {  	v7 =	vld [tilespmem:s28+$0x9C00];
	s28 =	sor.u32 $0x450, s24  }
0x88a: {  	v8 =	vld [tilespmem:s28+$0x9C00];
	s28 =	sor.u32 $0x450, s26  }
0x88b: {  	v9 =	vld [tilespmem:s28+$0x9C00];
	_ =	sdelay $0x2  }
0x88c: {  	v6 =	vadd.f32 v7, v6  }
0x88d: {  	v7 =	vld [tilespmem:s19+$0x16050]  }
0x88e: {  	v6 =	vadd.f32 v8, v6;
	_ =	sdelay $0x1  }
0x88f: {  	v6 =	vadd.f32 v9, v6;
	_ =	sdelay $0x1  }
0x890: {  	v6 =	vadd.f32 v7, v6;
	_ =	sdelay $0x1  }
0x891: {  	s28 =	sor.u32 $0x460, s23;
	[tilespmem:s19+$0x1C050] =	vst v6  }
0x892: {  	v6 =	vld [tilespmem:s28+$0x9C00];
	s28 =	sor.u32 $0x460, s25  }
0x893: {  	v7 =	vld [tilespmem:s28+$0x9C00];
	s28 =	sor.u32 $0x460, s24  }
0x894: {  	v8 =	vld [tilespmem:s28+$0x9C00];
	s28 =	sor.u32 $0x460, s26  }
0x895: {  	v9 =	vld [tilespmem:s28+$0x9C00];
	_ =	sdelay $0x2  }
.Ltmp17:
0x896: {  	v7 =	vadd.f32 v7, v6;
	(pc) =	sbr.rel @!p2 .LBB2_20-.Ltmp17, $3  }
0x897: {  	v6 =	vld [tilespmem:s19+$0x16060]  }
0x898: {  	v7 =	vadd.f32 v8, v7;
	_ =	sdelay $0x1  }
0x899: {  	s21 =	sadd.s32 $0x200, s21;
	v7 =	vadd.f32 v9, v7  }
.Ltmp18:
0x89a: {  	_ = 	snop;
	(pc) =	sbr.rel .LBB2_21-.Ltmp18, $1  }
0x89b: {  	_ =	sdelay $0x3  }
.LBB2_27:
0x89c: {  	_ =	sfence.sel $0x180000  }
0x89d: {  	[bflag:$0x0] =	sbarrier.arrive $0xFFFF  }
0x89e: {  	_ =	strace $0x90000047  }
0x89f: {  	s0 =	stileid.u32;
	[bflag:$0x2] =	sbarrier.arrive $0xFFFF  }
0x8a0: {  	p0 =	sne.s32 s0, $0x0;
	s0 =	rddreg [dreg:$0x3]  }
0x8a1: {  	s0 =	sadd.s32 @!p0 $0x100000, s0  }
0x8a2: {  	[sflag:s0] =	ssyncadd.tile.s32 @!p0 $0x1;
	_ =	shalt  }
.Lfunc_end2:
_tile_overlayer_lowered:
.L_overlay_start_2:
0x8a3: {  	(tag) =	ssettag $0x2  }
0x8a4: {  	s0 =	rddreg [dreg:$0x0];
	s2 =	stileid.u32  }
0x8a5: {  	s1 =	rddreg [dreg:$0x1];
	p0 =	sne.s32 s2, $0x0  }
0x8a6: {  	s3 =	rddreg [dreg:$0x2];
	[bflag:$0x3] =	sbarrier.arrive $0xFFFF;
	s2 =	simm.s32 @!p0 $0x1C0A  }
0x8a7: {  	[timem:s3], [sflag:s2] =	dma.local @!p0 [hbm:s0], s1  }
0x8a8: {  	s0 =	simm.s32 @!p0 $0xA  }
0x8a9: {  	_ =	swait.ge @!p0 [sflag:s0], s1  }
0x8aa: {  	s1 =	ssub.s32 @!p0 $0x0, s1;
	[sflag:s0] =	ssyncset.done @!p0 $0x0  }
0x8ab: {  	[sflag:s0] =	ssyncadd.s32 @!p0 s1  }
0x8ac: {  	[bflag:$0x3] =	sbarrier.arrive $0xFFFF  }
0x8ad: {  	_ =	shalt  }

</sc_bundles>
